<compile_context>
chip_gen: v7x
topology: tpu7x:2x2x1
jax: 0.10.2.dev20260603
libtpu: 0.0.44.dev20260713+nightly
codegen_flags: <defaults>
</compile_context>

<pallas_src>
import functools

import jax
import jax.numpy as jnp
from jax import lax
from jax.experimental import pallas as pl
from jax.experimental.pallas import tpu as pltpu
from jax.experimental.pallas import tpu_sc as plsc

N_FRONTIER = 10000
N_SEEDS = 10000
N_EDGES = 320000
D = 128

NC = 2
NS = 16
NW = NC * NS
CHUNK = 80
NGROUPS = 5
GROUP = 25
TPW = NGROUPS * GROUP
ROWS_PER_TILE = 624
TAIL_START = NS * ROWS_PER_TILE
TAIL = N_SEEDS - TAIL_START
ZROWS = 16


def _matmul_body(x_ref, w_ref, o_ref, *, scale):
    o_ref[...] = jnp.dot(x_ref[...], w_ref[...],
                         preferred_element_type=jnp.float32) * scale


def _feat_matmul(feat, weight, scale):
    n = feat.shape[0]
    blk = 1000
    grid = n // blk
    return pl.pallas_call(
        functools.partial(_matmul_body, scale=scale),
        grid=(grid,),
        in_specs=[
            pl.BlockSpec((blk, D), lambda i: (i, 0)),
            pl.BlockSpec((D, D), lambda i: (0, 0)),
        ],
        out_specs=pl.BlockSpec((blk, D), lambda i: (i, 0)),
        out_shape=jax.ShapeDtypeStruct((n, D), jnp.float32),
        compiler_params=pltpu.CompilerParams(
            dimension_semantics=("parallel",)),
    )(feat, weight)


def _sc_scatter_body(feat_hbm, src_hbm, dst_hbm, out_hbm,
                     acc, src_v, dst_v, rows0, rows1, rows2, zbuf,
                     g0, g1, g2, s0, s1, s2):
    c = lax.axis_index("c")
    s = lax.axis_index("s")
    gid = s * NC + c

    def zrow(i, carry):
        for k in range(8):
            zbuf[i, pl.ds(k * 16, 16)] = jnp.zeros((16,), jnp.float32)
        return carry

    lax.fori_loop(0, ZROWS, zrow, 0)

    pltpu.async_copy(src_hbm.at[gid, 0], src_v, g1)
    pltpu.async_copy(dst_hbm.at[gid, 0], dst_v, g2)

    nzb = ROWS_PER_TILE // ZROWS
    zds = []
    for b in range(nzb):
        if b >= 4:
            zds[b - 4].wait()
        zds.append(pltpu.async_copy(
            zbuf, acc.at[pl.ds(s * ROWS_PER_TILE + b * ZROWS, ZROWS)], g0))
    for b in range(nzb - 4, nzb):
        zds[b].wait()

    @pl.when(s == NS - 1)
    def _zero_tail():
        pltpu.sync_copy(zbuf, acc.at[pl.ds(TAIL_START, TAIL)])

    bufs = (rows0, rows1, rows2)
    gsems = (g0, g1, g2)
    ssems = (s0, s1, s2)

    def _gather(j, k):
        h = CHUNK // 2
        pltpu.async_copy(feat_hbm.at[src_v.at[j, pl.ds(0, h)]],
                         bufs[k].at[pl.ds(0, h)], gsems[k])
        pltpu.async_copy(feat_hbm.at[src_v.at[j, pl.ds(h, h)]],
                         bufs[k].at[pl.ds(h, h)], gsems[k])

    def _gwait(k):
        pltpu.make_async_copy(feat_hbm.at[src_v.at[0]], bufs[k],
                              gsems[k]).wait()

    def _scatter(j, k):
        return pltpu.async_copy(bufs[k], acc.at[dst_v.at[j]], ssems[k],
                                add=True)

    pltpu.make_async_copy(src_hbm.at[gid, 0], src_v, g1).wait()
    pltpu.make_async_copy(dst_hbm.at[gid, 0], dst_v, g2).wait()
    for k in range(3):
        _gather(k, k)
    plsc.subcore_barrier()

    for g in range(NGROUPS):
        if g > 0:
            pltpu.sync_copy(src_hbm.at[gid, g], src_v)
            pltpu.sync_copy(dst_hbm.at[gid, g], dst_v)
            for k in range(3):
                _gather(k, k)

        def body(i, carry):
            j0 = i * 3
            ds = []
            for k in range(3):
                _gwait(k)
                ds.append(_scatter(j0 + k, k))
            for k in range(3):
                ds[k].wait()
                _gather(j0 + 3 + k, k)
            return carry

        lax.fori_loop(0, (GROUP - 4) // 3, body, 0)

        tail = []
        for k in range(3):
            _gwait(k)
            tail.append(_scatter(GROUP - 4 + k, k))
        tail[0].wait()
        _gather(GROUP - 1, 0)
        tail[1].wait()
        tail[2].wait()
        _gwait(0)
        _scatter(GROUP - 1, 0).wait()
    plsc.subcore_barrier()

    pltpu.sync_copy(acc.at[pl.ds(s * ROWS_PER_TILE, ROWS_PER_TILE)],
                    out_hbm.at[pl.ds(c * N_SEEDS + s * ROWS_PER_TILE,
                                     ROWS_PER_TILE)])

    @pl.when(s == NS - 1)
    def _write_tail():
        pltpu.sync_copy(acc.at[pl.ds(TAIL_START, TAIL)],
                        out_hbm.at[pl.ds(c * N_SEEDS + TAIL_START, TAIL)])


_sc_scatter = functools.partial(
    pl.kernel,
    out_type=jax.ShapeDtypeStruct((NC * N_SEEDS, D), jnp.float32),
    mesh=plsc.VectorSubcoreMesh(core_axis_name="c", subcore_axis_name="s"),
    scratch_types=[
        pltpu.VMEM_SHARED((N_SEEDS, D), jnp.float32),
        pltpu.VMEM((GROUP, CHUNK), jnp.int32),
        pltpu.VMEM((GROUP, CHUNK), jnp.int32),
        pltpu.VMEM((CHUNK, D), jnp.float32),
        pltpu.VMEM((CHUNK, D), jnp.float32),
        pltpu.VMEM((CHUNK, D), jnp.float32),
        pltpu.VMEM((ZROWS, D), jnp.float32),
        pltpu.SemaphoreType.DMA,
        pltpu.SemaphoreType.DMA,
        pltpu.SemaphoreType.DMA,
        pltpu.SemaphoreType.DMA,
        pltpu.SemaphoreType.DMA,
        pltpu.SemaphoreType.DMA,
    ],
)(_sc_scatter_body)


def _combine_body(p0_ref, p1_ref, b_ref, o_ref):
    o_ref[...] = p0_ref[...] + p1_ref[...] + b_ref[...]


def _combine(partials, bias):
    blk = 1000
    grid = N_SEEDS // blk
    return pl.pallas_call(
        _combine_body,
        grid=(grid,),
        in_specs=[
            pl.BlockSpec((blk, D), lambda i: (i, 0)),
            pl.BlockSpec((blk, D), lambda i: (N_SEEDS // blk + i, 0)),
            pl.BlockSpec((1, D), lambda i: (0, 0)),
        ],
        out_specs=pl.BlockSpec((blk, D), lambda i: (i, 0)),
        out_shape=jax.ShapeDtypeStruct((N_SEEDS, D), jnp.float32),
        compiler_params=pltpu.CompilerParams(
            dimension_semantics=("parallel",)),
    )(partials, partials, bias.reshape(1, D))


def kernel(all_coo_row, all_coo_col, recv_frontier_size, recv_coo_size,
           recv_seed_size, feat, weight, bias):
    fanout = N_EDGES // N_SEEDS
    scale = 1.0 / float(fanout)

    feat_src = _feat_matmul(feat, weight, scale)
    src4d = all_coo_row.astype(jnp.int32).reshape(NW, NGROUPS, GROUP, CHUNK)
    dst4d = all_coo_col.astype(jnp.int32).reshape(NW, NGROUPS, GROUP, CHUNK)
    partials = _sc_scatter(feat_src, src4d, dst4d)
    return _combine(partials, bias)

# --- scband reference (transcript-rebuilt; emitter-appended) ---
"""Pipeline reference for scband-mpgraph-conv-37666863186412 (READ-ONLY COPY).

The authoritative reference and input builder live on the scoring server;
editing this copy changes nothing except your own understanding.
"""

import jax, jax.numpy as jnp
import numpy as np

N_FRONTIER = 10000   # frontier (src feature) rows
N_SEEDS = 10000      # output seed rows
N_EDGES = 320000     # avg_degree = 32
D_IN = 128
D_OUT = 128


def setup_inputs(seed: int = 0) -> dict:
    key = jax.random.key(seed)
    k1, k2, k3, k4 = jax.random.split(key, 4)
    # single-partition graph: local indices == global indices
    all_coo_row = jax.random.randint(k1, (N_EDGES,), 0, N_FRONTIER)   # src (u)
    all_coo_col = jax.random.randint(k2, (N_EDGES,), 0, N_SEEDS)      # dst (seed)
    recv_frontier_size = jnp.array([N_FRONTIER], dtype=jnp.int32)
    recv_coo_size = jnp.array([N_EDGES], dtype=jnp.int32)
    recv_seed_size = jnp.array([N_SEEDS], dtype=jnp.int32)
    feat = jax.random.normal(k3, (N_FRONTIER, D_IN), dtype=jnp.float32)
    # xavier_uniform weight, zero bias (matches reset_parameters)
    limit = float(np.sqrt(6.0 / (D_IN + D_OUT)))
    weight = jax.random.uniform(k4, (D_IN, D_OUT), minval=-limit, maxval=limit, dtype=jnp.float32)
    bias = jnp.zeros((D_OUT,), dtype=jnp.float32)
    return {
        "all_coo_row": all_coo_row,
        "all_coo_col": all_coo_col,
        "recv_frontier_size": recv_frontier_size,
        "recv_coo_size": recv_coo_size,
        "recv_seed_size": recv_seed_size,
        "feat": feat,
        "weight": weight,
        "bias": bias,
    }


def reference(all_coo_row, all_coo_col, recv_frontier_size, recv_coo_size, recv_seed_size, feat, weight, bias):
    E = all_coo_row.shape[0]
    S = N_SEEDS
    fanout = E // S
    zero = jnp.zeros((1,), dtype=recv_frontier_size.dtype)
    frontier_offset = jnp.concatenate([zero, jnp.cumsum(recv_frontier_size)])
    seed_offset = jnp.concatenate([zero, jnp.cumsum(recv_seed_size)])
    norm = float(np.power(fanout, -0.5))  # norm == 'both' (left side)
    feat_src = feat * norm
    feat_src = feat_src @ weight
    # spmm_copy_u_sum: per-partition local indices -> globalize by offsets, then scatter-add src feats to dst
    src = all_coo_row + jnp.repeat(frontier_offset[:-1], recv_coo_size, total_repeat_length=E)
    dst = all_coo_col + jnp.repeat(seed_offset[:-1], recv_coo_size, total_repeat_length=E)
    gathered = jnp.take(feat_src, src, axis=0)
    rst = jax.ops.segment_sum(gathered, dst, num_segments=S)
    rst = rst * norm  # norm == 'both' (right side)
    rst = rst + bias
    return rst

if __name__ == "__main__":
    import jax
    _d = setup_inputs()
    print(jax.jit(kernel)(*tuple(_d.values())))

</pallas_src>

<mosaic_0001>
#map = affine_map<(d0, d1) -> (0, 0)>
#map1 = affine_map<(d0, d1) -> (0, 0, 0, 0)>
module attributes {stable_mosaic.version = 14 : i64} {
  func.func @_sc_scatter_body(%arg0: i32, %arg1: i32, %arg2: memref<10000x128xf32, #tpu.memory_space<hbm>>, %arg3: memref<32x5x25x80xi32, #tpu.memory_space<hbm>>, %arg4: memref<32x5x25x80xi32, #tpu.memory_space<hbm>>, %arg5: memref<20000x128xf32, #tpu.memory_space<hbm>>, %arg6: memref<10000x128xf32, #tpu.memory_space<vmem_shared>>, %arg7: memref<25x80xi32, #tpu.memory_space<vmem>>, %arg8: memref<25x80xi32, #tpu.memory_space<vmem>>, %arg9: memref<80x128xf32, #tpu.memory_space<vmem>>, %arg10: memref<80x128xf32, #tpu.memory_space<vmem>>, %arg11: memref<80x128xf32, #tpu.memory_space<vmem>>, %arg12: memref<16x128xf32, #tpu.memory_space<vmem>>, %arg13: memref<!tpu.dma_semaphore, #tpu.memory_space<semaphore_mem>>, %arg14: memref<!tpu.dma_semaphore, #tpu.memory_space<semaphore_mem>>, %arg15: memref<!tpu.dma_semaphore, #tpu.memory_space<semaphore_mem>>, %arg16: memref<!tpu.dma_semaphore, #tpu.memory_space<semaphore_mem>>, %arg17: memref<!tpu.dma_semaphore, #tpu.memory_space<semaphore_mem>>, %arg18: memref<!tpu.dma_semaphore, #tpu.memory_space<semaphore_mem>>) attributes {dimension_semantics = [#tpu.dimension_semantics<core_parallel>, #tpu.dimension_semantics<subcore_parallel>], iteration_bounds = array<i64: 2, 16>, scalar_prefetch = 0 : i64, scratch_operands = 13 : i64, tpu.core_type = #tpu.core_type<sc_vector_subcore>, window_params = [{transform_indices = #map}, {transform_indices = #map1}, {transform_indices = #map1}, {transform_indices = #map}]} {
    %mul3A = arith.constant 2 : i32
    %mul3A_0 = arith.muli %arg1, %mul3A : i32
    %add3A = arith.addi %mul3A_0, %arg0 : i32
    %scan3A = arith.constant 0 : i32
    %scan3A_1 = arith.constant 0 : i32
    %scan3A_2 = arith.constant 16 : i32
    %scan3A_3 = arith.addi %scan3A_1, %scan3A_2 : i32
    %scan3A_4 = arith.constant 1 : i32
    scf.for %scan3A_1380 = %scan3A_1 to %scan3A_3 step %scan3A_4  : i32 {
      %broadcast_in_dim3A = arith.constant 0.000000e+00 : f32
      %broadcast_in_dim3A_1381 = vector.broadcast %broadcast_in_dim3A : f32 to vector<16xf32>
      %swap3A = arith.index_cast %scan3A_1380 : i32 to index
      %swap3A_1382 = arith.constant 0 : index
      %swap3A_1383 = tpu.vector_load %arg12[%swap3A, %swap3A_1382] {strides = array<i32>} : memref<16x128xf32, #tpu.memory_space<vmem>>, vector<1x16xf32>,
      %swap3A_1384 = vector.shape_cast %swap3A_1383 : vector<1x16xf32> to vector<16xf32>
      %swap3A_1385 = vector.shape_cast %broadcast_in_dim3A_1381 : vector<16xf32> to vector<1x16xf32>
      tpu.vector_store %arg12[%swap3A, %swap3A_1382], %swap3A_1385 {strides = array<i32>} : memref<16x128xf32, #tpu.memory_space<vmem>>, vector<1x16xf32>,
      %broadcast_in_dim3A_1386 = arith.constant 0.000000e+00 : f32
      %broadcast_in_dim3A_1387 = vector.broadcast %broadcast_in_dim3A_1386 : f32 to vector<16xf32>
      %swap3A_1388 = arith.index_cast %scan3A_1380 : i32 to index
      %swap3A_1389 = arith.constant 16 : index
      %swap3A_1390 = tpu.vector_load %arg12[%swap3A_1388, %swap3A_1389] {strides = array<i32>} : memref<16x128xf32, #tpu.memory_space<vmem>>, vector<1x16xf32>,
      %swap3A_1391 = vector.shape_cast %swap3A_1390 : vector<1x16xf32> to vector<16xf32>
      %swap3A_1392 = vector.shape_cast %broadcast_in_dim3A_1387 : vector<16xf32> to vector<1x16xf32>
      tpu.vector_store %arg12[%swap3A_1388, %swap3A_1389], %swap3A_1392 {strides = array<i32>} : memref<16x128xf32, #tpu.memory_space<vmem>>, vector<1x16xf32>,
      %broadcast_in_dim3A_1393 = arith.constant 0.000000e+00 : f32
      %broadcast_in_dim3A_1394 = vector.broadcast %broadcast_in_dim3A_1393 : f32 to vector<16xf32>
      %swap3A_1395 = arith.index_cast %scan3A_1380 : i32 to index
      %swap3A_1396 = arith.constant 32 : index
      %swap3A_1397 = tpu.vector_load %arg12[%swap3A_1395, %swap3A_1396] {strides = array<i32>} : memref<16x128xf32, #tpu.memory_space<vmem>>, vector<1x16xf32>,
      %swap3A_1398 = vector.shape_cast %swap3A_1397 : vector<1x16xf32> to vector<16xf32>
      %swap3A_1399 = vector.shape_cast %broadcast_in_dim3A_1394 : vector<16xf32> to vector<1x16xf32>
      tpu.vector_store %arg12[%swap3A_1395, %swap3A_1396], %swap3A_1399 {strides = array<i32>} : memref<16x128xf32, #tpu.memory_space<vmem>>, vector<1x16xf32>,
      %broadcast_in_dim3A_1400 = arith.constant 0.000000e+00 : f32
      %broadcast_in_dim3A_1401 = vector.broadcast %broadcast_in_dim3A_1400 : f32 to vector<16xf32>
      %swap3A_1402 = arith.index_cast %scan3A_1380 : i32 to index
      %swap3A_1403 = arith.constant 48 : index
      %swap3A_1404 = tpu.vector_load %arg12[%swap3A_1402, %swap3A_1403] {strides = array<i32>} : memref<16x128xf32, #tpu.memory_space<vmem>>, vector<1x16xf32>,
      %swap3A_1405 = vector.shape_cast %swap3A_1404 : vector<1x16xf32> to vector<16xf32>
      %swap3A_1406 = vector.shape_cast %broadcast_in_dim3A_1401 : vector<16xf32> to vector<1x16xf32>
      tpu.vector_store %arg12[%swap3A_1402, %swap3A_1403], %swap3A_1406 {strides = array<i32>} : memref<16x128xf32, #tpu.memory_space<vmem>>, vector<1x16xf32>,
      %broadcast_in_dim3A_1407 = arith.constant 0.000000e+00 : f32
      %broadcast_in_dim3A_1408 = vector.broadcast %broadcast_in_dim3A_1407 : f32 to vector<16xf32>
      %swap3A_1409 = arith.index_cast %scan3A_1380 : i32 to index
      %swap3A_1410 = arith.constant 64 : index
      %swap3A_1411 = tpu.vector_load %arg12[%swap3A_1409, %swap3A_1410] {strides = array<i32>} : memref<16x128xf32, #tpu.memory_space<vmem>>, vector<1x16xf32>,
      %swap3A_1412 = vector.shape_cast %swap3A_1411 : vector<1x16xf32> to vector<16xf32>
      %swap3A_1413 = vector.shape_cast %broadcast_in_dim3A_1408 : vector<16xf32> to vector<1x16xf32>
      tpu.vector_store %arg12[%swap3A_1409, %swap3A_1410], %swap3A_1413 {strides = array<i32>} : memref<16x128xf32, #tpu.memory_space<vmem>>, vector<1x16xf32>,
      %broadcast_in_dim3A_1414 = arith.constant 0.000000e+00 : f32
      %broadcast_in_dim3A_1415 = vector.broadcast %broadcast_in_dim3A_1414 : f32 to vector<16xf32>
      %swap3A_1416 = arith.index_cast %scan3A_1380 : i32 to index
      %swap3A_1417 = arith.constant 80 : index
      %swap3A_1418 = tpu.vector_load %arg12[%swap3A_1416, %swap3A_1417] {strides = array<i32>} : memref<16x128xf32, #tpu.memory_space<vmem>>, vector<1x16xf32>,
      %swap3A_1419 = vector.shape_cast %swap3A_1418 : vector<1x16xf32> to vector<16xf32>
      %swap3A_1420 = vector.shape_cast %broadcast_in_dim3A_1415 : vector<16xf32> to vector<1x16xf32>
      tpu.vector_store %arg12[%swap3A_1416, %swap3A_1417], %swap3A_1420 {strides = array<i32>} : memref<16x128xf32, #tpu.memory_space<vmem>>, vector<1x16xf32>,
      %broadcast_in_dim3A_1421 = arith.constant 0.000000e+00 : f32
      %broadcast_in_dim3A_1422 = vector.broadcast %broadcast_in_dim3A_1421 : f32 to vector<16xf32>
      %swap3A_1423 = arith.index_cast %scan3A_1380 : i32 to index
      %swap3A_1424 = arith.constant 96 : index
      %swap3A_1425 = tpu.vector_load %arg12[%swap3A_1423, %swap3A_1424] {strides = array<i32>} : memref<16x128xf32, #tpu.memory_space<vmem>>, vector<1x16xf32>,
      %swap3A_1426 = vector.shape_cast %swap3A_1425 : vector<1x16xf32> to vector<16xf32>
      %swap3A_1427 = vector.shape_cast %broadcast_in_dim3A_1422 : vector<16xf32> to vector<1x16xf32>
      tpu.vector_store %arg12[%swap3A_1423, %swap3A_1424], %swap3A_1427 {strides = array<i32>} : memref<16x128xf32, #tpu.memory_space<vmem>>, vector<1x16xf32>,
      %broadcast_in_dim3A_1428 = arith.constant 0.000000e+00 : f32
      %broadcast_in_dim3A_1429 = vector.broadcast %broadcast_in_dim3A_1428 : f32 to vector<16xf32>
      %swap3A_1430 = arith.index_cast %scan3A_1380 : i32 to index
      %swap3A_1431 = arith.constant 112 : index
      %swap3A_1432 = tpu.vector_load %arg12[%swap3A_1430, %swap3A_1431] {strides = array<i32>} : memref<16x128xf32, #tpu.memory_space<vmem>>, vector<1x16xf32>,
      %swap3A_1433 = vector.shape_cast %swap3A_1432 : vector<1x16xf32> to vector<16xf32>
      %swap3A_1434 = vector.shape_cast %broadcast_in_dim3A_1429 : vector<16xf32> to vector<1x16xf32>
      tpu.vector_store %arg12[%swap3A_1430, %swap3A_1431], %swap3A_1434 {strides = array<i32>} : memref<16x128xf32, #tpu.memory_space<vmem>>, vector<1x16xf32>,
    }
    %scan3A_5 = arith.constant 16 : i32
    %dma_start3A = arith.constant 0 : i32
    %dma_start3A_6 = arith.constant 0 : i32
    %dma_start3A_7 = arith.constant 0 : i32
    %dma_start3A_8 = tpu.memref_slice %arg3[%add3A, %dma_start3A, %dma_start3A_6, %dma_start3A_7] : memref<32x5x25x80xi32, #tpu.memory_space<hbm>> -> memref<1x1x25x80xi32, #tpu.memory_space<hbm>>
    %dma_start3A_9 = tpu.memref_squeeze %dma_start3A_8 : memref<1x1x25x80xi32, #tpu.memory_space<hbm>> -> memref<25x80xi32, #tpu.memory_space<hbm>>
    %dma_start3A_10 = arith.constant 0 : i32
    %dma_start3A_11 = arith.constant 0 : i32
    %dma_start3A_12 = tpu.memref_slice %arg3[%add3A, %dma_start3A, %dma_start3A_10, %dma_start3A_11] : memref<32x5x25x80xi32, #tpu.memory_space<hbm>> -> memref<1x1x25x80xi32, #tpu.memory_space<hbm>>
    %dma_start3A_13 = tpu.memref_squeeze %dma_start3A_12 : memref<1x1x25x80xi32, #tpu.memory_space<hbm>> -> memref<25x80xi32, #tpu.memory_space<hbm>>
    tpu.enqueue_dma source(%dma_start3A_13 : memref<25x80xi32, #tpu.memory_space<hbm>>) target(%arg7 : memref<25x80xi32, #tpu.memory_space<vmem>>) target_semaphore(%arg14 : memref<!tpu.dma_semaphore, #tpu.memory_space<semaphore_mem>>)
    %dma_start3A_14 = arith.constant 0 : i32
    %dma_start3A_15 = arith.constant 0 : i32
    %dma_start3A_16 = arith.constant 0 : i32
    %dma_start3A_17 = tpu.memref_slice %arg4[%add3A, %dma_start3A_14, %dma_start3A_15, %dma_start3A_16] : memref<32x5x25x80xi32, #tpu.memory_space<hbm>> -> memref<1x1x25x80xi32, #tpu.memory_space<hbm>>
    %dma_start3A_18 = tpu.memref_squeeze %dma_start3A_17 : memref<1x1x25x80xi32, #tpu.memory_space<hbm>> -> memref<25x80xi32, #tpu.memory_space<hbm>>
    %dma_start3A_19 = arith.constant 0 : i32
    %dma_start3A_20 = arith.constant 0 : i32
    %dma_start3A_21 = tpu.memref_slice %arg4[%add3A, %dma_start3A_14, %dma_start3A_19, %dma_start3A_20] : memref<32x5x25x80xi32, #tpu.memory_space<hbm>> -> memref<1x1x25x80xi32, #tpu.memory_space<hbm>>
    %dma_start3A_22 = tpu.memref_squeeze %dma_start3A_21 : memref<1x1x25x80xi32, #tpu.memory_space<hbm>> -> memref<25x80xi32, #tpu.memory_space<hbm>>
    tpu.enqueue_dma source(%dma_start3A_22 : memref<25x80xi32, #tpu.memory_space<hbm>>) target(%arg8 : memref<25x80xi32, #tpu.memory_space<vmem>>) target_semaphore(%arg15 : memref<!tpu.dma_semaphore, #tpu.memory_space<semaphore_mem>>)
    %mul3A_23 = arith.constant 624 : i32
    %mul3A_24 = arith.muli %arg1, %mul3A_23 : i32
    %add3A_25 = arith.constant 0 : i32
    %add3A_26 = arith.addi %mul3A_24, %add3A_25 : i32
    %dma_start3A_27 = arith.constant 0 : i32
    %dma_start3A_28 = tpu.memref_slice %arg6[%add3A_26, %dma_start3A_27] : memref<10000x128xf32, #tpu.memory_space<vmem_shared>> -> memref<16x128xf32, #tpu.memory_space<vmem_shared>>
    %dma_start3A_29 = arith.constant 0 : i32
    %dma_start3A_30 = tpu.memref_slice %arg6[%add3A_26, %dma_start3A_29] : memref<10000x128xf32, #tpu.memory_space<vmem_shared>> -> memref<16x128xf32, #tpu.memory_space<vmem_shared>>
    tpu.enqueue_dma source(%arg12 : memref<16x128xf32, #tpu.memory_space<vmem>>) target(%dma_start3A_30 : memref<16x128xf32, #tpu.memory_space<vmem_shared>>) target_semaphore(%arg13 : memref<!tpu.dma_semaphore, #tpu.memory_space<semaphore_mem>>)
    %mul3A_31 = arith.constant 624 : i32
    %mul3A_32 = arith.muli %arg1, %mul3A_31 : i32
    %add3A_33 = arith.constant 16 : i32
    %add3A_34 = arith.addi %mul3A_32, %add3A_33 : i32
    %dma_start3A_35 = arith.constant 0 : i32
    %dma_start3A_36 = tpu.memref_slice %arg6[%add3A_34, %dma_start3A_35] : memref<10000x128xf32, #tpu.memory_space<vmem_shared>> -> memref<16x128xf32, #tpu.memory_space<vmem_shared>>
    %dma_start3A_37 = arith.constant 0 : i32
    %dma_start3A_38 = tpu.memref_slice %arg6[%add3A_34, %dma_start3A_37] : memref<10000x128xf32, #tpu.memory_space<vmem_shared>> -> memref<16x128xf32, #tpu.memory_space<vmem_shared>>
    tpu.enqueue_dma source(%arg12 : memref<16x128xf32, #tpu.memory_space<vmem>>) target(%dma_start3A_38 : memref<16x128xf32, #tpu.memory_space<vmem_shared>>) target_semaphore(%arg13 : memref<!tpu.dma_semaphore, #tpu.memory_space<semaphore_mem>>)
    %mul3A_39 = arith.constant 624 : i32
    %mul3A_40 = arith.muli %arg1, %mul3A_39 : i32
    %add3A_41 = arith.constant 32 : i32
    %add3A_42 = arith.addi %mul3A_40, %add3A_41 : i32
    %dma_start3A_43 = arith.constant 0 : i32
    %dma_start3A_44 = tpu.memref_slice %arg6[%add3A_42, %dma_start3A_43] : memref<10000x128xf32, #tpu.memory_space<vmem_shared>> -> memref<16x128xf32, #tpu.memory_space<vmem_shared>>
    %dma_start3A_45 = arith.constant 0 : i32
    %dma_start3A_46 = tpu.memref_slice %arg6[%add3A_42, %dma_start3A_45] : memref<10000x128xf32, #tpu.memory_space<vmem_shared>> -> memref<16x128xf32, #tpu.memory_space<vmem_shared>>
    tpu.enqueue_dma source(%arg12 : memref<16x128xf32, #tpu.memory_space<vmem>>) target(%dma_start3A_46 : memref<16x128xf32, #tpu.memory_space<vmem_shared>>) target_semaphore(%arg13 : memref<!tpu.dma_semaphore, #tpu.memory_space<semaphore_mem>>)
    %mul3A_47 = arith.constant 624 : i32
    %mul3A_48 = arith.muli %arg1, %mul3A_47 : i32
    %add3A_49 = arith.constant 48 : i32
    %add3A_50 = arith.addi %mul3A_48, %add3A_49 : i32
    %dma_start3A_51 = arith.constant 0 : i32
    %dma_start3A_52 = tpu.memref_slice %arg6[%add3A_50, %dma_start3A_51] : memref<10000x128xf32, #tpu.memory_space<vmem_shared>> -> memref<16x128xf32, #tpu.memory_space<vmem_shared>>
    %dma_start3A_53 = arith.constant 0 : i32
    %dma_start3A_54 = tpu.memref_slice %arg6[%add3A_50, %dma_start3A_53] : memref<10000x128xf32, #tpu.memory_space<vmem_shared>> -> memref<16x128xf32, #tpu.memory_space<vmem_shared>>
    tpu.enqueue_dma source(%arg12 : memref<16x128xf32, #tpu.memory_space<vmem>>) target(%dma_start3A_54 : memref<16x128xf32, #tpu.memory_space<vmem_shared>>) target_semaphore(%arg13 : memref<!tpu.dma_semaphore, #tpu.memory_space<semaphore_mem>>)
    %dma_wait3A = arith.constant 0 : i32
    %dma_wait3A_55 = tpu.memref_slice %arg6[%add3A_26, %dma_wait3A] : memref<10000x128xf32, #tpu.memory_space<vmem_shared>> -> memref<16x128xf32, #tpu.memory_space<vmem_shared>>
    %dma_wait3A_56 = arith.constant 0 : i32
    %dma_wait3A_57 = tpu.memref_slice %arg6[%add3A_26, %dma_wait3A_56] : memref<10000x128xf32, #tpu.memory_space<vmem_shared>> -> memref<16x128xf32, #tpu.memory_space<vmem_shared>>
    tpu.wait_dma2 semaphore(%arg13 : memref<!tpu.dma_semaphore, #tpu.memory_space<semaphore_mem>>) src(%arg12 : memref<16x128xf32, #tpu.memory_space<vmem>>) dst(%dma_wait3A_57 : memref<16x128xf32, #tpu.memory_space<vmem_shared>>)
    %mul3A_58 = arith.constant 624 : i32
    %mul3A_59 = arith.muli %arg1, %mul3A_58 : i32
    %add3A_60 = arith.constant 64 : i32
    %add3A_61 = arith.addi %mul3A_59, %add3A_60 : i32
    %dma_start3A_62 = arith.constant 0 : i32
    %dma_start3A_63 = tpu.memref_slice %arg6[%add3A_61, %dma_start3A_62] : memref<10000x128xf32, #tpu.memory_space<vmem_shared>> -> memref<16x128xf32, #tpu.memory_space<vmem_shared>>
    %dma_start3A_64 = arith.constant 0 : i32
    %dma_start3A_65 = tpu.memref_slice %arg6[%add3A_61, %dma_start3A_64] : memref<10000x128xf32, #tpu.memory_space<vmem_shared>> -> memref<16x128xf32, #tpu.memory_space<vmem_shared>>
    tpu.enqueue_dma source(%arg12 : memref<16x128xf32, #tpu.memory_space<vmem>>) target(%dma_start3A_65 : memref<16x128xf32, #tpu.memory_space<vmem_shared>>) target_semaphore(%arg13 : memref<!tpu.dma_semaphore, #tpu.memory_space<semaphore_mem>>)
    %dma_wait3A_66 = arith.constant 0 : i32
    %dma_wait3A_67 = tpu.memref_slice %arg6[%add3A_34, %dma_wait3A_66] : memref<10000x128xf32, #tpu.memory_space<vmem_shared>> -> memref<16x128xf32, #tpu.memory_space<vmem_shared>>
    %dma_wait3A_68 = arith.constant 0 : i32
    %dma_wait3A_69 = tpu.memref_slice %arg6[%add3A_34, %dma_wait3A_68] : memref<10000x128xf32, #tpu.memory_space<vmem_shared>> -> memref<16x128xf32, #tpu.memory_space<vmem_shared>>
    tpu.wait_dma2 semaphore(%arg13 : memref<!tpu.dma_semaphore, #tpu.memory_space<semaphore_mem>>) src(%arg12 : memref<16x128xf32, #tpu.memory_space<vmem>>) dst(%dma_wait3A_69 : memref<16x128xf32, #tpu.memory_space<vmem_shared>>)
    %mul3A_70 = arith.constant 624 : i32
    %mul3A_71 = arith.muli %arg1, %mul3A_70 : i32
    %add3A_72 = arith.constant 80 : i32
    %add3A_73 = arith.addi %mul3A_71, %add3A_72 : i32
    %dma_start3A_74 = arith.constant 0 : i32
    %dma_start3A_75 = tpu.memref_slice %arg6[%add3A_73, %dma_start3A_74] : memref<10000x128xf32, #tpu.memory_space<vmem_shared>> -> memref<16x128xf32, #tpu.memory_space<vmem_shared>>
    %dma_start3A_76 = arith.constant 0 : i32
    %dma_start3A_77 = tpu.memref_slice %arg6[%add3A_73, %dma_start3A_76] : memref<10000x128xf32, #tpu.memory_space<vmem_shared>> -> memref<16x128xf32, #tpu.memory_space<vmem_shared>>
    tpu.enqueue_dma source(%arg12 : memref<16x128xf32, #tpu.memory_space<vmem>>) target(%dma_start3A_77 : memref<16x128xf32, #tpu.memory_space<vmem_shared>>) target_semaphore(%arg13 : memref<!tpu.dma_semaphore, #tpu.memory_space<semaphore_mem>>)
    %dma_wait3A_78 = arith.constant 0 : i32
    %dma_wait3A_79 = tpu.memref_slice %arg6[%add3A_42, %dma_wait3A_78] : memref<10000x128xf32, #tpu.memory_space<vmem_shared>> -> memref<16x128xf32, #tpu.memory_space<vmem_shared>>
    %dma_wait3A_80 = arith.constant 0 : i32
    %dma_wait3A_81 = tpu.memref_slice %arg6[%add3A_42, %dma_wait3A_80] : memref<10000x128xf32, #tpu.memory_space<vmem_shared>> -> memref<16x128xf32, #tpu.memory_space<vmem_shared>>
    tpu.wait_dma2 semaphore(%arg13 : memref<!tpu.dma_semaphore, #tpu.memory_space<semaphore_mem>>) src(%arg12 : memref<16x128xf32, #tpu.memory_space<vmem>>) dst(%dma_wait3A_81 : memref<16x128xf32, #tpu.memory_space<vmem_shared>>)
    %mul3A_82 = arith.constant 624 : i32
    %mul3A_83 = arith.muli %arg1, %mul3A_82 : i32
    %add3A_84 = arith.constant 96 : i32
    %add3A_85 = arith.addi %mul3A_83, %add3A_84 : i32
    %dma_start3A_86 = arith.constant 0 : i32
    %dma_start3A_87 = tpu.memref_slice %arg6[%add3A_85, %dma_start3A_86] : memref<10000x128xf32, #tpu.memory_space<vmem_shared>> -> memref<16x128xf32, #tpu.memory_space<vmem_shared>>
    %dma_start3A_88 = arith.constant 0 : i32
    %dma_start3A_89 = tpu.memref_slice %arg6[%add3A_85, %dma_start3A_88] : memref<10000x128xf32, #tpu.memory_space<vmem_shared>> -> memref<16x128xf32, #tpu.memory_space<vmem_shared>>
    tpu.enqueue_dma source(%arg12 : memref<16x128xf32, #tpu.memory_space<vmem>>) target(%dma_start3A_89 : memref<16x128xf32, #tpu.memory_space<vmem_shared>>) target_semaphore(%arg13 : memref<!tpu.dma_semaphore, #tpu.memory_space<semaphore_mem>>)
    %dma_wait3A_90 = arith.constant 0 : i32
    %dma_wait3A_91 = tpu.memref_slice %arg6[%add3A_50, %dma_wait3A_90] : memref<10000x128xf32, #tpu.memory_space<vmem_shared>> -> memref<16x128xf32, #tpu.memory_space<vmem_shared>>
    %dma_wait3A_92 = arith.constant 0 : i32
    %dma_wait3A_93 = tpu.memref_slice %arg6[%add3A_50, %dma_wait3A_92] : memref<10000x128xf32, #tpu.memory_space<vmem_shared>> -> memref<16x128xf32, #tpu.memory_space<vmem_shared>>
    tpu.wait_dma2 semaphore(%arg13 : memref<!tpu.dma_semaphore, #tpu.memory_space<semaphore_mem>>) src(%arg12 : memref<16x128xf32, #tpu.memory_space<vmem>>) dst(%dma_wait3A_93 : memref<16x128xf32, #tpu.memory_space<vmem_shared>>)
    %mul3A_94 = arith.constant 624 : i32
    %mul3A_95 = arith.muli %arg1, %mul3A_94 : i32
    %add3A_96 = arith.constant 112 : i32
    %add3A_97 = arith.addi %mul3A_95, %add3A_96 : i32
    %dma_start3A_98 = arith.constant 0 : i32
    %dma_start3A_99 = tpu.memref_slice %arg6[%add3A_97, %dma_start3A_98] : memref<10000x128xf32, #tpu.memory_space<vmem_shared>> -> memref<16x128xf32, #tpu.memory_space<vmem_shared>>
    %dma_start3A_100 = arith.constant 0 : i32
    %dma_start3A_101 = tpu.memref_slice %arg6[%add3A_97, %dma_start3A_100] : memref<10000x128xf32, #tpu.memory_space<vmem_shared>> -> memref<16x128xf32, #tpu.memory_space<vmem_shared>>
    tpu.enqueue_dma source(%arg12 : memref<16x128xf32, #tpu.memory_space<vmem>>) target(%dma_start3A_101 : memref<16x128xf32, #tpu.memory_space<vmem_shared>>) target_semaphore(%arg13 : memref<!tpu.dma_semaphore, #tpu.memory_space<semaphore_mem>>)
    %dma_wait3A_102 = arith.constant 0 : i32
    %dma_wait3A_103 = tpu.memref_slice %arg6[%add3A_61, %dma_wait3A_102] : memref<10000x128xf32, #tpu.memory_space<vmem_shared>> -> memref<16x128xf32, #tpu.memory_space<vmem_shared>>
    %dma_wait3A_104 = arith.constant 0 : i32
    %dma_wait3A_105 = tpu.memref_slice %arg6[%add3A_61, %dma_wait3A_104] : memref<10000x128xf32, #tpu.memory_space<vmem_shared>> -> memref<16x128xf32, #tpu.memory_space<vmem_shared>>
    tpu.wait_dma2 semaphore(%arg13 : memref<!tpu.dma_semaphore, #tpu.memory_space<semaphore_mem>>) src(%arg12 : memref<16x128xf32, #tpu.memory_space<vmem>>) dst(%dma_wait3A_105 : memref<16x128xf32, #tpu.memory_space<vmem_shared>>)
    %mul3A_106 = arith.constant 624 : i32
    %mul3A_107 = arith.muli %arg1, %mul3A_106 : i32
    %add3A_108 = arith.constant 128 : i32
    %add3A_109 = arith.addi %mul3A_107, %add3A_108 : i32
    %dma_start3A_110 = arith.constant 0 : i32
    %dma_start3A_111 = tpu.memref_slice %arg6[%add3A_109, %dma_start3A_110] : memref<10000x128xf32, #tpu.memory_space<vmem_shared>> -> memref<16x128xf32, #tpu.memory_space<vmem_shared>>
    %dma_start3A_112 = arith.constant 0 : i32
    %dma_start3A_113 = tpu.memref_slice %arg6[%add3A_109, %dma_start3A_112] : memref<10000x128xf32, #tpu.memory_space<vmem_shared>> -> memref<16x128xf32, #tpu.memory_space<vmem_shared>>
    tpu.enqueue_dma source(%arg12 : memref<16x128xf32, #tpu.memory_space<vmem>>) target(%dma_start3A_113 : memref<16x128xf32, #tpu.memory_space<vmem_shared>>) target_semaphore(%arg13 : memref<!tpu.dma_semaphore, #tpu.memory_space<semaphore_mem>>)
    %dma_wait3A_114 = arith.constant 0 : i32
    %dma_wait3A_115 = tpu.memref_slice %arg6[%add3A_73, %dma_wait3A_114] : memref<10000x128xf32, #tpu.memory_space<vmem_shared>> -> memref<16x128xf32, #tpu.memory_space<vmem_shared>>
    %dma_wait3A_116 = arith.constant 0 : i32
    %dma_wait3A_117 = tpu.memref_slice %arg6[%add3A_73, %dma_wait3A_116] : memref<10000x128xf32, #tpu.memory_space<vmem_shared>> -> memref<16x128xf32, #tpu.memory_space<vmem_shared>>
    tpu.wait_dma2 semaphore(%arg13 : memref<!tpu.dma_semaphore, #tpu.memory_space<semaphore_mem>>) src(%arg12 : memref<16x128xf32, #tpu.memory_space<vmem>>) dst(%dma_wait3A_117 : memref<16x128xf32, #tpu.memory_space<vmem_shared>>)
    %mul3A_118 = arith.constant 624 : i32
    %mul3A_119 = arith.muli %arg1, %mul3A_118 : i32
    %add3A_120 = arith.constant 144 : i32
    %add3A_121 = arith.addi %mul3A_119, %add3A_120 : i32
    %dma_start3A_122 = arith.constant 0 : i32
    %dma_start3A_123 = tpu.memref_slice %arg6[%add3A_121, %dma_start3A_122] : memref<10000x128xf32, #tpu.memory_space<vmem_shared>> -> memref<16x128xf32, #tpu.memory_space<vmem_shared>>
    %dma_start3A_124 = arith.constant 0 : i32
    %dma_start3A_125 = tpu.memref_slice %arg6[%add3A_121, %dma_start3A_124] : memref<10000x128xf32, #tpu.memory_space<vmem_shared>> -> memref<16x128xf32, #tpu.memory_space<vmem_shared>>
    tpu.enqueue_dma source(%arg12 : memref<16x128xf32, #tpu.memory_space<vmem>>) target(%dma_start3A_125 : memref<16x128xf32, #tpu.memory_space<vmem_shared>>) target_semaphore(%arg13 : memref<!tpu.dma_semaphore, #tpu.memory_space<semaphore_mem>>)
    %dma_wait3A_126 = arith.constant 0 : i32
    %dma_wait3A_127 = tpu.memref_slice %arg6[%add3A_85, %dma_wait3A_126] : memref<10000x128xf32, #tpu.memory_space<vmem_shared>> -> memref<16x128xf32, #tpu.memory_space<vmem_shared>>
    %dma_wait3A_128 = arith.constant 0 : i32
    %dma_wait3A_129 = tpu.memref_slice %arg6[%add3A_85, %dma_wait3A_128] : memref<10000x128xf32, #tpu.memory_space<vmem_shared>> -> memref<16x128xf32, #tpu.memory_space<vmem_shared>>
    tpu.wait_dma2 semaphore(%arg13 : memref<!tpu.dma_semaphore, #tpu.memory_space<semaphore_mem>>) src(%arg12 : memref<16x128xf32, #tpu.memory_space<vmem>>) dst(%dma_wait3A_129 : memref<16x128xf32, #tpu.memory_space<vmem_shared>>)
    %mul3A_130 = arith.constant 624 : i32
    %mul3A_131 = arith.muli %arg1, %mul3A_130 : i32
    %add3A_132 = arith.constant 160 : i32
    %add3A_133 = arith.addi %mul3A_131, %add3A_132 : i32
    %dma_start3A_134 = arith.constant 0 : i32
    %dma_start3A_135 = tpu.memref_slice %arg6[%add3A_133, %dma_start3A_134] : memref<10000x128xf32, #tpu.memory_space<vmem_shared>> -> memref<16x128xf32, #tpu.memory_space<vmem_shared>>
    %dma_start3A_136 = arith.constant 0 : i32
    %dma_start3A_137 = tpu.memref_slice %arg6[%add3A_133, %dma_start3A_136] : memref<10000x128xf32, #tpu.memory_space<vmem_shared>> -> memref<16x128xf32, #tpu.memory_space<vmem_shared>>
    tpu.enqueue_dma source(%arg12 : memref<16x128xf32, #tpu.memory_space<vmem>>) target(%dma_start3A_137 : memref<16x128xf32, #tpu.memory_space<vmem_shared>>) target_semaphore(%arg13 : memref<!tpu.dma_semaphore, #tpu.memory_space<semaphore_mem>>)
    %dma_wait3A_138 = arith.constant 0 : i32
    %dma_wait3A_139 = tpu.memref_slice %arg6[%add3A_97, %dma_wait3A_138] : memref<10000x128xf32, #tpu.memory_space<vmem_shared>> -> memref<16x128xf32, #tpu.memory_space<vmem_shared>>
    %dma_wait3A_140 = arith.constant 0 : i32
    %dma_wait3A_141 = tpu.memref_slice %arg6[%add3A_97, %dma_wait3A_140] : memref<10000x128xf32, #tpu.memory_space<vmem_shared>> -> memref<16x128xf32, #tpu.memory_space<vmem_shared>>
    tpu.wait_dma2 semaphore(%arg13 : memref<!tpu.dma_semaphore, #tpu.memory_space<semaphore_mem>>) src(%arg12 : memref<16x128xf32, #tpu.memory_space<vmem>>) dst(%dma_wait3A_141 : memref<16x128xf32, #tpu.memory_space<vmem_shared>>)
    %mul3A_142 = arith.constant 624 : i32
    %mul3A_143 = arith.muli %arg1, %mul3A_142 : i32
    %add3A_144 = arith.constant 176 : i32
    %add3A_145 = arith.addi %mul3A_143, %add3A_144 : i32
    %dma_start3A_146 = arith.constant 0 : i32
    %dma_start3A_147 = tpu.memref_slice %arg6[%add3A_145, %dma_start3A_146] : memref<10000x128xf32, #tpu.memory_space<vmem_shared>> -> memref<16x128xf32, #tpu.memory_space<vmem_shared>>
    %dma_start3A_148 = arith.constant 0 : i32
    %dma_start3A_149 = tpu.memref_slice %arg6[%add3A_145, %dma_start3A_148] : memref<10000x128xf32, #tpu.memory_space<vmem_shared>> -> memref<16x128xf32, #tpu.memory_space<vmem_shared>>
    tpu.enqueue_dma source(%arg12 : memref<16x128xf32, #tpu.memory_space<vmem>>) target(%dma_start3A_149 : memref<16x128xf32, #tpu.memory_space<vmem_shared>>) target_semaphore(%arg13 : memref<!tpu.dma_semaphore, #tpu.memory_space<semaphore_mem>>)
    %dma_wait3A_150 = arith.constant 0 : i32
    %dma_wait3A_151 = tpu.memref_slice %arg6[%add3A_109, %dma_wait3A_150] : memref<10000x128xf32, #tpu.memory_space<vmem_shared>> -> memref<16x128xf32, #tpu.memory_space<vmem_shared>>
    %dma_wait3A_152 = arith.constant 0 : i32
    %dma_wait3A_153 = tpu.memref_slice %arg6[%add3A_109, %dma_wait3A_152] : memref<10000x128xf32, #tpu.memory_space<vmem_shared>> -> memref<16x128xf32, #tpu.memory_space<vmem_shared>>
    tpu.wait_dma2 semaphore(%arg13 : memref<!tpu.dma_semaphore, #tpu.memory_space<semaphore_mem>>) src(%arg12 : memref<16x128xf32, #tpu.memory_space<vmem>>) dst(%dma_wait3A_153 : memref<16x128xf32, #tpu.memory_space<vmem_shared>>)
    %mul3A_154 = arith.constant 624 : i32
    %mul3A_155 = arith.muli %arg1, %mul3A_154 : i32
    %add3A_156 = arith.constant 192 : i32
    %add3A_157 = arith.addi %mul3A_155, %add3A_156 : i32
    %dma_start3A_158 = arith.constant 0 : i32
    %dma_start3A_159 = tpu.memref_slice %arg6[%add3A_157, %dma_start3A_158] : memref<10000x128xf32, #tpu.memory_space<vmem_shared>> -> memref<16x128xf32, #tpu.memory_space<vmem_shared>>
    %dma_start3A_160 = arith.constant 0 : i32
    %dma_start3A_161 = tpu.memref_slice %arg6[%add3A_157, %dma_start3A_160] : memref<10000x128xf32, #tpu.memory_space<vmem_shared>> -> memref<16x128xf32, #tpu.memory_space<vmem_shared>>
    tpu.enqueue_dma source(%arg12 : memref<16x128xf32, #tpu.memory_space<vmem>>) target(%dma_start3A_161 : memref<16x128xf32, #tpu.memory_space<vmem_shared>>) target_semaphore(%arg13 : memref<!tpu.dma_semaphore, #tpu.memory_space<semaphore_mem>>)
    %dma_wait3A_162 = arith.constant 0 : i32
    %dma_wait3A_163 = tpu.memref_slice %arg6[%add3A_121, %dma_wait3A_162] : memref<10000x128xf32, #tpu.memory_space<vmem_shared>> -> memref<16x128xf32, #tpu.memory_space<vmem_shared>>
    %dma_wait3A_164 = arith.constant 0 : i32
    %dma_wait3A_165 = tpu.memref_slice %arg6[%add3A_121, %dma_wait3A_164] : memref<10000x128xf32, #tpu.memory_space<vmem_shared>> -> memref<16x128xf32, #tpu.memory_space<vmem_shared>>
    tpu.wait_dma2 semaphore(%arg13 : memref<!tpu.dma_semaphore, #tpu.memory_space<semaphore_mem>>) src(%arg12 : memref<16x128xf32, #tpu.memory_space<vmem>>) dst(%dma_wait3A_165 : memref<16x128xf32, #tpu.memory_space<vmem_shared>>)
    %mul3A_166 = arith.constant 624 : i32
    %mul3A_167 = arith.muli %arg1, %mul3A_166 : i32
    %add3A_168 = arith.constant 208 : i32
    %add3A_169 = arith.addi %mul3A_167, %add3A_168 : i32
    %dma_start3A_170 = arith.constant 0 : i32
    %dma_start3A_171 = tpu.memref_slice %arg6[%add3A_169, %dma_start3A_170] : memref<10000x128xf32, #tpu.memory_space<vmem_shared>> -> memref<16x128xf32, #tpu.memory_space<vmem_shared>>
    %dma_start3A_172 = arith.constant 0 : i32
    %dma_start3A_173 = tpu.memref_slice %arg6[%add3A_169, %dma_start3A_172] : memref<10000x128xf32, #tpu.memory_space<vmem_shared>> -> memref<16x128xf32, #tpu.memory_space<vmem_shared>>
    tpu.enqueue_dma source(%arg12 : memref<16x128xf32, #tpu.memory_space<vmem>>) target(%dma_start3A_173 : memref<16x128xf32, #tpu.memory_space<vmem_shared>>) target_semaphore(%arg13 : memref<!tpu.dma_semaphore, #tpu.memory_space<semaphore_mem>>)
    %dma_wait3A_174 = arith.constant 0 : i32
    %dma_wait3A_175 = tpu.memref_slice %arg6[%add3A_133, %dma_wait3A_174] : memref<10000x128xf32, #tpu.memory_space<vmem_shared>> -> memref<16x128xf32, #tpu.memory_space<vmem_shared>>
    %dma_wait3A_176 = arith.constant 0 : i32
    %dma_wait3A_177 = tpu.memref_slice %arg6[%add3A_133, %dma_wait3A_176] : memref<10000x128xf32, #tpu.memory_space<vmem_shared>> -> memref<16x128xf32, #tpu.memory_space<vmem_shared>>
    tpu.wait_dma2 semaphore(%arg13 : memref<!tpu.dma_semaphore, #tpu.memory_space<semaphore_mem>>) src(%arg12 : memref<16x128xf32, #tpu.memory_space<vmem>>) dst(%dma_wait3A_177 : memref<16x128xf32, #tpu.memory_space<vmem_shared>>)
    %mul3A_178 = arith.constant 624 : i32
    %mul3A_179 = arith.muli %arg1, %mul3A_178 : i32
    %add3A_180 = arith.constant 224 : i32
    %add3A_181 = arith.addi %mul3A_179, %add3A_180 : i32
    %dma_start3A_182 = arith.constant 0 : i32
    %dma_start3A_183 = tpu.memref_slice %arg6[%add3A_181, %dma_start3A_182] : memref<10000x128xf32, #tpu.memory_space<vmem_shared>> -> memref<16x128xf32, #tpu.memory_space<vmem_shared>>
    %dma_start3A_184 = arith.constant 0 : i32
    %dma_start3A_185 = tpu.memref_slice %arg6[%add3A_181, %dma_start3A_184] : memref<10000x128xf32, #tpu.memory_space<vmem_shared>> -> memref<16x128xf32, #tpu.memory_space<vmem_shared>>
    tpu.enqueue_dma source(%arg12 : memref<16x128xf32, #tpu.memory_space<vmem>>) target(%dma_start3A_185 : memref<16x128xf32, #tpu.memory_space<vmem_shared>>) target_semaphore(%arg13 : memref<!tpu.dma_semaphore, #tpu.memory_space<semaphore_mem>>)
    %dma_wait3A_186 = arith.constant 0 : i32
    %dma_wait3A_187 = tpu.memref_slice %arg6[%add3A_145, %dma_wait3A_186] : memref<10000x128xf32, #tpu.memory_space<vmem_shared>> -> memref<16x128xf32, #tpu.memory_space<vmem_shared>>
    %dma_wait3A_188 = arith.constant 0 : i32
    %dma_wait3A_189 = tpu.memref_slice %arg6[%add3A_145, %dma_wait3A_188] : memref<10000x128xf32, #tpu.memory_space<vmem_shared>> -> memref<16x128xf32, #tpu.memory_space<vmem_shared>>
    tpu.wait_dma2 semaphore(%arg13 : memref<!tpu.dma_semaphore, #tpu.memory_space<semaphore_mem>>) src(%arg12 : memref<16x128xf32, #tpu.memory_space<vmem>>) dst(%dma_wait3A_189 : memref<16x128xf32, #tpu.memory_space<vmem_shared>>)
    %mul3A_190 = arith.constant 624 : i32
    %mul3A_191 = arith.muli %arg1, %mul3A_190 : i32
    %add3A_192 = arith.constant 240 : i32
    %add3A_193 = arith.addi %mul3A_191, %add3A_192 : i32
    %dma_start3A_194 = arith.constant 0 : i32
    %dma_start3A_195 = tpu.memref_slice %arg6[%add3A_193, %dma_start3A_194] : memref<10000x128xf32, #tpu.memory_space<vmem_shared>> -> memref<16x128xf32, #tpu.memory_space<vmem_shared>>
    %dma_start3A_196 = arith.constant 0 : i32
    %dma_start3A_197 = tpu.memref_slice %arg6[%add3A_193, %dma_start3A_196] : memref<10000x128xf32, #tpu.memory_space<vmem_shared>> -> memref<16x128xf32, #tpu.memory_space<vmem_shared>>
    tpu.enqueue_dma source(%arg12 : memref<16x128xf32, #tpu.memory_space<vmem>>) target(%dma_start3A_197 : memref<16x128xf32, #tpu.memory_space<vmem_shared>>) target_semaphore(%arg13 : memref<!tpu.dma_semaphore, #tpu.memory_space<semaphore_mem>>)
    %dma_wait3A_198 = arith.constant 0 : i32
    %dma_wait3A_199 = tpu.memref_slice %arg6[%add3A_157, %dma_wait3A_198] : memref<10000x128xf32, #tpu.memory_space<vmem_shared>> -> memref<16x128xf32, #tpu.memory_space<vmem_shared>>
    %dma_wait3A_200 = arith.constant 0 : i32
    %dma_wait3A_201 = tpu.memref_slice %arg6[%add3A_157, %dma_wait3A_200] : memref<10000x128xf32, #tpu.memory_space<vmem_shared>> -> memref<16x128xf32, #tpu.memory_space<vmem_shared>>
    tpu.wait_dma2 semaphore(%arg13 : memref<!tpu.dma_semaphore, #tpu.memory_space<semaphore_mem>>) src(%arg12 : memref<16x128xf32, #tpu.memory_space<vmem>>) dst(%dma_wait3A_201 : memref<16x128xf32, #tpu.memory_space<vmem_shared>>)
    %mul3A_202 = arith.constant 624 : i32
    %mul3A_203 = arith.muli %arg1, %mul3A_202 : i32
    %add3A_204 = arith.constant 256 : i32
    %add3A_205 = arith.addi %mul3A_203, %add3A_204 : i32
    %dma_start3A_206 = arith.constant 0 : i32
    %dma_start3A_207 = tpu.memref_slice %arg6[%add3A_205, %dma_start3A_206] : memref<10000x128xf32, #tpu.memory_space<vmem_shared>> -> memref<16x128xf32, #tpu.memory_space<vmem_shared>>
    %dma_start3A_208 = arith.constant 0 : i32
    %dma_start3A_209 = tpu.memref_slice %arg6[%add3A_205, %dma_start3A_208] : memref<10000x128xf32, #tpu.memory_space<vmem_shared>> -> memref<16x128xf32, #tpu.memory_space<vmem_shared>>
    tpu.enqueue_dma source(%arg12 : memref<16x128xf32, #tpu.memory_space<vmem>>) target(%dma_start3A_209 : memref<16x128xf32, #tpu.memory_space<vmem_shared>>) target_semaphore(%arg13 : memref<!tpu.dma_semaphore, #tpu.memory_space<semaphore_mem>>)
    %dma_wait3A_210 = arith.constant 0 : i32
    %dma_wait3A_211 = tpu.memref_slice %arg6[%add3A_169, %dma_wait3A_210] : memref<10000x128xf32, #tpu.memory_space<vmem_shared>> -> memref<16x128xf32, #tpu.memory_space<vmem_shared>>
    %dma_wait3A_212 = arith.constant 0 : i32
    %dma_wait3A_213 = tpu.memref_slice %arg6[%add3A_169, %dma_wait3A_212] : memref<10000x128xf32, #tpu.memory_space<vmem_shared>> -> memref<16x128xf32, #tpu.memory_space<vmem_shared>>
    tpu.wait_dma2 semaphore(%arg13 : memref<!tpu.dma_semaphore, #tpu.memory_space<semaphore_mem>>) src(%arg12 : memref<16x128xf32, #tpu.memory_space<vmem>>) dst(%dma_wait3A_213 : memref<16x128xf32, #tpu.memory_space<vmem_shared>>)
    %mul3A_214 = arith.constant 624 : i32
    %mul3A_215 = arith.muli %arg1, %mul3A_214 : i32
    %add3A_216 = arith.constant 272 : i32
    %add3A_217 = arith.addi %mul3A_215, %add3A_216 : i32
    %dma_start3A_218 = arith.constant 0 : i32
    %dma_start3A_219 = tpu.memref_slice %arg6[%add3A_217, %dma_start3A_218] : memref<10000x128xf32, #tpu.memory_space<vmem_shared>> -> memref<16x128xf32, #tpu.memory_space<vmem_shared>>
    %dma_start3A_220 = arith.constant 0 : i32
    %dma_start3A_221 = tpu.memref_slice %arg6[%add3A_217, %dma_start3A_220] : memref<10000x128xf32, #tpu.memory_space<vmem_shared>> -> memref<16x128xf32, #tpu.memory_space<vmem_shared>>
    tpu.enqueue_dma source(%arg12 : memref<16x128xf32, #tpu.memory_space<vmem>>) target(%dma_start3A_221 : memref<16x128xf32, #tpu.memory_space<vmem_shared>>) target_semaphore(%arg13 : memref<!tpu.dma_semaphore, #tpu.memory_space<semaphore_mem>>)
    %dma_wait3A_222 = arith.constant 0 : i32
    %dma_wait3A_223 = tpu.memref_slice %arg6[%add3A_181, %dma_wait3A_222] : memref<10000x128xf32, #tpu.memory_space<vmem_shared>> -> memref<16x128xf32, #tpu.memory_space<vmem_shared>>
    %dma_wait3A_224 = arith.constant 0 : i32
    %dma_wait3A_225 = tpu.memref_slice %arg6[%add3A_181, %dma_wait3A_224] : memref<10000x128xf32, #tpu.memory_space<vmem_shared>> -> memref<16x128xf32, #tpu.memory_space<vmem_shared>>
    tpu.wait_dma2 semaphore(%arg13 : memref<!tpu.dma_semaphore, #tpu.memory_space<semaphore_mem>>) src(%arg12 : memref<16x128xf32, #tpu.memory_space<vmem>>) dst(%dma_wait3A_225 : memref<16x128xf32, #tpu.memory_space<vmem_shared>>)
    %mul3A_226 = arith.constant 624 : i32
    %mul3A_227 = arith.muli %arg1, %mul3A_226 : i32
    %add3A_228 = arith.constant 288 : i32
    %add3A_229 = arith.addi %mul3A_227, %add3A_228 : i32
    %dma_start3A_230 = arith.constant 0 : i32
    %dma_start3A_231 = tpu.memref_slice %arg6[%add3A_229, %dma_start3A_230] : memref<10000x128xf32, #tpu.memory_space<vmem_shared>> -> memref<16x128xf32, #tpu.memory_space<vmem_shared>>
    %dma_start3A_232 = arith.constant 0 : i32
    %dma_start3A_233 = tpu.memref_slice %arg6[%add3A_229, %dma_start3A_232] : memref<10000x128xf32, #tpu.memory_space<vmem_shared>> -> memref<16x128xf32, #tpu.memory_space<vmem_shared>>
    tpu.enqueue_dma source(%arg12 : memref<16x128xf32, #tpu.memory_space<vmem>>) target(%dma_start3A_233 : memref<16x128xf32, #tpu.memory_space<vmem_shared>>) target_semaphore(%arg13 : memref<!tpu.dma_semaphore, #tpu.memory_space<semaphore_mem>>)
    %dma_wait3A_234 = arith.constant 0 : i32
    %dma_wait3A_235 = tpu.memref_slice %arg6[%add3A_193, %dma_wait3A_234] : memref<10000x128xf32, #tpu.memory_space<vmem_shared>> -> memref<16x128xf32, #tpu.memory_space<vmem_shared>>
    %dma_wait3A_236 = arith.constant 0 : i32
    %dma_wait3A_237 = tpu.memref_slice %arg6[%add3A_193, %dma_wait3A_236] : memref<10000x128xf32, #tpu.memory_space<vmem_shared>> -> memref<16x128xf32, #tpu.memory_space<vmem_shared>>
    tpu.wait_dma2 semaphore(%arg13 : memref<!tpu.dma_semaphore, #tpu.memory_space<semaphore_mem>>) src(%arg12 : memref<16x128xf32, #tpu.memory_space<vmem>>) dst(%dma_wait3A_237 : memref<16x128xf32, #tpu.memory_space<vmem_shared>>)
    %mul3A_238 = arith.constant 624 : i32
    %mul3A_239 = arith.muli %arg1, %mul3A_238 : i32
    %add3A_240 = arith.constant 304 : i32
    %add3A_241 = arith.addi %mul3A_239, %add3A_240 : i32
    %dma_start3A_242 = arith.constant 0 : i32
    %dma_start3A_243 = tpu.memref_slice %arg6[%add3A_241, %dma_start3A_242] : memref<10000x128xf32, #tpu.memory_space<vmem_shared>> -> memref<16x128xf32, #tpu.memory_space<vmem_shared>>
    %dma_start3A_244 = arith.constant 0 : i32
    %dma_start3A_245 = tpu.memref_slice %arg6[%add3A_241, %dma_start3A_244] : memref<10000x128xf32, #tpu.memory_space<vmem_shared>> -> memref<16x128xf32, #tpu.memory_space<vmem_shared>>
    tpu.enqueue_dma source(%arg12 : memref<16x128xf32, #tpu.memory_space<vmem>>) target(%dma_start3A_245 : memref<16x128xf32, #tpu.memory_space<vmem_shared>>) target_semaphore(%arg13 : memref<!tpu.dma_semaphore, #tpu.memory_space<semaphore_mem>>)
    %dma_wait3A_246 = arith.constant 0 : i32
    %dma_wait3A_247 = tpu.memref_slice %arg6[%add3A_205, %dma_wait3A_246] : memref<10000x128xf32, #tpu.memory_space<vmem_shared>> -> memref<16x128xf32, #tpu.memory_space<vmem_shared>>
    %dma_wait3A_248 = arith.constant 0 : i32
    %dma_wait3A_249 = tpu.memref_slice %arg6[%add3A_205, %dma_wait3A_248] : memref<10000x128xf32, #tpu.memory_space<vmem_shared>> -> memref<16x128xf32, #tpu.memory_space<vmem_shared>>
    tpu.wait_dma2 semaphore(%arg13 : memref<!tpu.dma_semaphore, #tpu.memory_space<semaphore_mem>>) src(%arg12 : memref<16x128xf32, #tpu.memory_space<vmem>>) dst(%dma_wait3A_249 : memref<16x128xf32, #tpu.memory_space<vmem_shared>>)
    %mul3A_250 = arith.constant 624 : i32
    %mul3A_251 = arith.muli %arg1, %mul3A_250 : i32
    %add3A_252 = arith.constant 320 : i32
    %add3A_253 = arith.addi %mul3A_251, %add3A_252 : i32
    %dma_start3A_254 = arith.constant 0 : i32
    %dma_start3A_255 = tpu.memref_slice %arg6[%add3A_253, %dma_start3A_254] : memref<10000x128xf32, #tpu.memory_space<vmem_shared>> -> memref<16x128xf32, #tpu.memory_space<vmem_shared>>
    %dma_start3A_256 = arith.constant 0 : i32
    %dma_start3A_257 = tpu.memref_slice %arg6[%add3A_253, %dma_start3A_256] : memref<10000x128xf32, #tpu.memory_space<vmem_shared>> -> memref<16x128xf32, #tpu.memory_space<vmem_shared>>
    tpu.enqueue_dma source(%arg12 : memref<16x128xf32, #tpu.memory_space<vmem>>) target(%dma_start3A_257 : memref<16x128xf32, #tpu.memory_space<vmem_shared>>) target_semaphore(%arg13 : memref<!tpu.dma_semaphore, #tpu.memory_space<semaphore_mem>>)
    %dma_wait3A_258 = arith.constant 0 : i32
    %dma_wait3A_259 = tpu.memref_slice %arg6[%add3A_217, %dma_wait3A_258] : memref<10000x128xf32, #tpu.memory_space<vmem_shared>> -> memref<16x128xf32, #tpu.memory_space<vmem_shared>>
    %dma_wait3A_260 = arith.constant 0 : i32
    %dma_wait3A_261 = tpu.memref_slice %arg6[%add3A_217, %dma_wait3A_260] : memref<10000x128xf32, #tpu.memory_space<vmem_shared>> -> memref<16x128xf32, #tpu.memory_space<vmem_shared>>
    tpu.wait_dma2 semaphore(%arg13 : memref<!tpu.dma_semaphore, #tpu.memory_space<semaphore_mem>>) src(%arg12 : memref<16x128xf32, #tpu.memory_space<vmem>>) dst(%dma_wait3A_261 : memref<16x128xf32, #tpu.memory_space<vmem_shared>>)
    %mul3A_262 = arith.constant 624 : i32
    %mul3A_263 = arith.muli %arg1, %mul3A_262 : i32
    %add3A_264 = arith.constant 336 : i32
    %add3A_265 = arith.addi %mul3A_263, %add3A_264 : i32
    %dma_start3A_266 = arith.constant 0 : i32
    %dma_start3A_267 = tpu.memref_slice %arg6[%add3A_265, %dma_start3A_266] : memref<10000x128xf32, #tpu.memory_space<vmem_shared>> -> memref<16x128xf32, #tpu.memory_space<vmem_shared>>
    %dma_start3A_268 = arith.constant 0 : i32
    %dma_start3A_269 = tpu.memref_slice %arg6[%add3A_265, %dma_start3A_268] : memref<10000x128xf32, #tpu.memory_space<vmem_shared>> -> memref<16x128xf32, #tpu.memory_space<vmem_shared>>
    tpu.enqueue_dma source(%arg12 : memref<16x128xf32, #tpu.memory_space<vmem>>) target(%dma_start3A_269 : memref<16x128xf32, #tpu.memory_space<vmem_shared>>) target_semaphore(%arg13 : memref<!tpu.dma_semaphore, #tpu.memory_space<semaphore_mem>>)
    %dma_wait3A_270 = arith.constant 0 : i32
    %dma_wait3A_271 = tpu.memref_slice %arg6[%add3A_229, %dma_wait3A_270] : memref<10000x128xf32, #tpu.memory_space<vmem_shared>> -> memref<16x128xf32, #tpu.memory_space<vmem_shared>>
    %dma_wait3A_272 = arith.constant 0 : i32
    %dma_wait3A_273 = tpu.memref_slice %arg6[%add3A_229, %dma_wait3A_272] : memref<10000x128xf32, #tpu.memory_space<vmem_shared>> -> memref<16x128xf32, #tpu.memory_space<vmem_shared>>
    tpu.wait_dma2 semaphore(%arg13 : memref<!tpu.dma_semaphore, #tpu.memory_space<semaphore_mem>>) src(%arg12 : memref<16x128xf32, #tpu.memory_space<vmem>>) dst(%dma_wait3A_273 : memref<16x128xf32, #tpu.memory_space<vmem_shared>>)
    %mul3A_274 = arith.constant 624 : i32
    %mul3A_275 = arith.muli %arg1, %mul3A_274 : i32
    %add3A_276 = arith.constant 352 : i32
    %add3A_277 = arith.addi %mul3A_275, %add3A_276 : i32
    %dma_start3A_278 = arith.constant 0 : i32
    %dma_start3A_279 = tpu.memref_slice %arg6[%add3A_277, %dma_start3A_278] : memref<10000x128xf32, #tpu.memory_space<vmem_shared>> -> memref<16x128xf32, #tpu.memory_space<vmem_shared>>
    %dma_start3A_280 = arith.constant 0 : i32
    %dma_start3A_281 = tpu.memref_slice %arg6[%add3A_277, %dma_start3A_280] : memref<10000x128xf32, #tpu.memory_space<vmem_shared>> -> memref<16x128xf32, #tpu.memory_space<vmem_shared>>
    tpu.enqueue_dma source(%arg12 : memref<16x128xf32, #tpu.memory_space<vmem>>) target(%dma_start3A_281 : memref<16x128xf32, #tpu.memory_space<vmem_shared>>) target_semaphore(%arg13 : memref<!tpu.dma_semaphore, #tpu.memory_space<semaphore_mem>>)
    %dma_wait3A_282 = arith.constant 0 : i32
    %dma_wait3A_283 = tpu.memref_slice %arg6[%add3A_241, %dma_wait3A_282] : memref<10000x128xf32, #tpu.memory_space<vmem_shared>> -> memref<16x128xf32, #tpu.memory_space<vmem_shared>>
    %dma_wait3A_284 = arith.constant 0 : i32
    %dma_wait3A_285 = tpu.memref_slice %arg6[%add3A_241, %dma_wait3A_284] : memref<10000x128xf32, #tpu.memory_space<vmem_shared>> -> memref<16x128xf32, #tpu.memory_space<vmem_shared>>
    tpu.wait_dma2 semaphore(%arg13 : memref<!tpu.dma_semaphore, #tpu.memory_space<semaphore_mem>>) src(%arg12 : memref<16x128xf32, #tpu.memory_space<vmem>>) dst(%dma_wait3A_285 : memref<16x128xf32, #tpu.memory_space<vmem_shared>>)
    %mul3A_286 = arith.constant 624 : i32
    %mul3A_287 = arith.muli %arg1, %mul3A_286 : i32
    %add3A_288 = arith.constant 368 : i32
    %add3A_289 = arith.addi %mul3A_287, %add3A_288 : i32
    %dma_start3A_290 = arith.constant 0 : i32
    %dma_start3A_291 = tpu.memref_slice %arg6[%add3A_289, %dma_start3A_290] : memref<10000x128xf32, #tpu.memory_space<vmem_shared>> -> memref<16x128xf32, #tpu.memory_space<vmem_shared>>
    %dma_start3A_292 = arith.constant 0 : i32
    %dma_start3A_293 = tpu.memref_slice %arg6[%add3A_289, %dma_start3A_292] : memref<10000x128xf32, #tpu.memory_space<vmem_shared>> -> memref<16x128xf32, #tpu.memory_space<vmem_shared>>
    tpu.enqueue_dma source(%arg12 : memref<16x128xf32, #tpu.memory_space<vmem>>) target(%dma_start3A_293 : memref<16x128xf32, #tpu.memory_space<vmem_shared>>) target_semaphore(%arg13 : memref<!tpu.dma_semaphore, #tpu.memory_space<semaphore_mem>>)
    %dma_wait3A_294 = arith.constant 0 : i32
    %dma_wait3A_295 = tpu.memref_slice %arg6[%add3A_253, %dma_wait3A_294] : memref<10000x128xf32, #tpu.memory_space<vmem_shared>> -> memref<16x128xf32, #tpu.memory_space<vmem_shared>>
    %dma_wait3A_296 = arith.constant 0 : i32
    %dma_wait3A_297 = tpu.memref_slice %arg6[%add3A_253, %dma_wait3A_296] : memref<10000x128xf32, #tpu.memory_space<vmem_shared>> -> memref<16x128xf32, #tpu.memory_space<vmem_shared>>
    tpu.wait_dma2 semaphore(%arg13 : memref<!tpu.dma_semaphore, #tpu.memory_space<semaphore_mem>>) src(%arg12 : memref<16x128xf32, #tpu.memory_space<vmem>>) dst(%dma_wait3A_297 : memref<16x128xf32, #tpu.memory_space<vmem_shared>>)
    %mul3A_298 = arith.constant 624 : i32
    %mul3A_299 = arith.muli %arg1, %mul3A_298 : i32
    %add3A_300 = arith.constant 384 : i32
    %add3A_301 = arith.addi %mul3A_299, %add3A_300 : i32
    %dma_start3A_302 = arith.constant 0 : i32
    %dma_start3A_303 = tpu.memref_slice %arg6[%add3A_301, %dma_start3A_302] : memref<10000x128xf32, #tpu.memory_space<vmem_shared>> -> memref<16x128xf32, #tpu.memory_space<vmem_shared>>
    %dma_start3A_304 = arith.constant 0 : i32
    %dma_start3A_305 = tpu.memref_slice %arg6[%add3A_301, %dma_start3A_304] : memref<10000x128xf32, #tpu.memory_space<vmem_shared>> -> memref<16x128xf32, #tpu.memory_space<vmem_shared>>
    tpu.enqueue_dma source(%arg12 : memref<16x128xf32, #tpu.memory_space<vmem>>) target(%dma_start3A_305 : memref<16x128xf32, #tpu.memory_space<vmem_shared>>) target_semaphore(%arg13 : memref<!tpu.dma_semaphore, #tpu.memory_space<semaphore_mem>>)
    %dma_wait3A_306 = arith.constant 0 : i32
    %dma_wait3A_307 = tpu.memref_slice %arg6[%add3A_265, %dma_wait3A_306] : memref<10000x128xf32, #tpu.memory_space<vmem_shared>> -> memref<16x128xf32, #tpu.memory_space<vmem_shared>>
    %dma_wait3A_308 = arith.constant 0 : i32
    %dma_wait3A_309 = tpu.memref_slice %arg6[%add3A_265, %dma_wait3A_308] : memref<10000x128xf32, #tpu.memory_space<vmem_shared>> -> memref<16x128xf32, #tpu.memory_space<vmem_shared>>
    tpu.wait_dma2 semaphore(%arg13 : memref<!tpu.dma_semaphore, #tpu.memory_space<semaphore_mem>>) src(%arg12 : memref<16x128xf32, #tpu.memory_space<vmem>>) dst(%dma_wait3A_309 : memref<16x128xf32, #tpu.memory_space<vmem_shared>>)
    %mul3A_310 = arith.constant 624 : i32
    %mul3A_311 = arith.muli %arg1, %mul3A_310 : i32
    %add3A_312 = arith.constant 400 : i32
    %add3A_313 = arith.addi %mul3A_311, %add3A_312 : i32
    %dma_start3A_314 = arith.constant 0 : i32
    %dma_start3A_315 = tpu.memref_slice %arg6[%add3A_313, %dma_start3A_314] : memref<10000x128xf32, #tpu.memory_space<vmem_shared>> -> memref<16x128xf32, #tpu.memory_space<vmem_shared>>
    %dma_start3A_316 = arith.constant 0 : i32
    %dma_start3A_317 = tpu.memref_slice %arg6[%add3A_313, %dma_start3A_316] : memref<10000x128xf32, #tpu.memory_space<vmem_shared>> -> memref<16x128xf32, #tpu.memory_space<vmem_shared>>
    tpu.enqueue_dma source(%arg12 : memref<16x128xf32, #tpu.memory_space<vmem>>) target(%dma_start3A_317 : memref<16x128xf32, #tpu.memory_space<vmem_shared>>) target_semaphore(%arg13 : memref<!tpu.dma_semaphore, #tpu.memory_space<semaphore_mem>>)
    %dma_wait3A_318 = arith.constant 0 : i32
    %dma_wait3A_319 = tpu.memref_slice %arg6[%add3A_277, %dma_wait3A_318] : memref<10000x128xf32, #tpu.memory_space<vmem_shared>> -> memref<16x128xf32, #tpu.memory_space<vmem_shared>>
    %dma_wait3A_320 = arith.constant 0 : i32
    %dma_wait3A_321 = tpu.memref_slice %arg6[%add3A_277, %dma_wait3A_320] : memref<10000x128xf32, #tpu.memory_space<vmem_shared>> -> memref<16x128xf32, #tpu.memory_space<vmem_shared>>
    tpu.wait_dma2 semaphore(%arg13 : memref<!tpu.dma_semaphore, #tpu.memory_space<semaphore_mem>>) src(%arg12 : memref<16x128xf32, #tpu.memory_space<vmem>>) dst(%dma_wait3A_321 : memref<16x128xf32, #tpu.memory_space<vmem_shared>>)
    %mul3A_322 = arith.constant 624 : i32
    %mul3A_323 = arith.muli %arg1, %mul3A_322 : i32
    %add3A_324 = arith.constant 416 : i32
    %add3A_325 = arith.addi %mul3A_323, %add3A_324 : i32
    %dma_start3A_326 = arith.constant 0 : i32
    %dma_start3A_327 = tpu.memref_slice %arg6[%add3A_325, %dma_start3A_326] : memref<10000x128xf32, #tpu.memory_space<vmem_shared>> -> memref<16x128xf32, #tpu.memory_space<vmem_shared>>
    %dma_start3A_328 = arith.constant 0 : i32
    %dma_start3A_329 = tpu.memref_slice %arg6[%add3A_325, %dma_start3A_328] : memref<10000x128xf32, #tpu.memory_space<vmem_shared>> -> memref<16x128xf32, #tpu.memory_space<vmem_shared>>
    tpu.enqueue_dma source(%arg12 : memref<16x128xf32, #tpu.memory_space<vmem>>) target(%dma_start3A_329 : memref<16x128xf32, #tpu.memory_space<vmem_shared>>) target_semaphore(%arg13 : memref<!tpu.dma_semaphore, #tpu.memory_space<semaphore_mem>>)
    %dma_wait3A_330 = arith.constant 0 : i32
    %dma_wait3A_331 = tpu.memref_slice %arg6[%add3A_289, %dma_wait3A_330] : memref<10000x128xf32, #tpu.memory_space<vmem_shared>> -> memref<16x128xf32, #tpu.memory_space<vmem_shared>>
    %dma_wait3A_332 = arith.constant 0 : i32
    %dma_wait3A_333 = tpu.memref_slice %arg6[%add3A_289, %dma_wait3A_332] : memref<10000x128xf32, #tpu.memory_space<vmem_shared>> -> memref<16x128xf32, #tpu.memory_space<vmem_shared>>
    tpu.wait_dma2 semaphore(%arg13 : memref<!tpu.dma_semaphore, #tpu.memory_space<semaphore_mem>>) src(%arg12 : memref<16x128xf32, #tpu.memory_space<vmem>>) dst(%dma_wait3A_333 : memref<16x128xf32, #tpu.memory_space<vmem_shared>>)
    %mul3A_334 = arith.constant 624 : i32
    %mul3A_335 = arith.muli %arg1, %mul3A_334 : i32
    %add3A_336 = arith.constant 432 : i32
    %add3A_337 = arith.addi %mul3A_335, %add3A_336 : i32
    %dma_start3A_338 = arith.constant 0 : i32
    %dma_start3A_339 = tpu.memref_slice %arg6[%add3A_337, %dma_start3A_338] : memref<10000x128xf32, #tpu.memory_space<vmem_shared>> -> memref<16x128xf32, #tpu.memory_space<vmem_shared>>
    %dma_start3A_340 = arith.constant 0 : i32
    %dma_start3A_341 = tpu.memref_slice %arg6[%add3A_337, %dma_start3A_340] : memref<10000x128xf32, #tpu.memory_space<vmem_shared>> -> memref<16x128xf32, #tpu.memory_space<vmem_shared>>
    tpu.enqueue_dma source(%arg12 : memref<16x128xf32, #tpu.memory_space<vmem>>) target(%dma_start3A_341 : memref<16x128xf32, #tpu.memory_space<vmem_shared>>) target_semaphore(%arg13 : memref<!tpu.dma_semaphore, #tpu.memory_space<semaphore_mem>>)
    %dma_wait3A_342 = arith.constant 0 : i32
    %dma_wait3A_343 = tpu.memref_slice %arg6[%add3A_301, %dma_wait3A_342] : memref<10000x128xf32, #tpu.memory_space<vmem_shared>> -> memref<16x128xf32, #tpu.memory_space<vmem_shared>>
    %dma_wait3A_344 = arith.constant 0 : i32
    %dma_wait3A_345 = tpu.memref_slice %arg6[%add3A_301, %dma_wait3A_344] : memref<10000x128xf32, #tpu.memory_space<vmem_shared>> -> memref<16x128xf32, #tpu.memory_space<vmem_shared>>
    tpu.wait_dma2 semaphore(%arg13 : memref<!tpu.dma_semaphore, #tpu.memory_space<semaphore_mem>>) src(%arg12 : memref<16x128xf32, #tpu.memory_space<vmem>>) dst(%dma_wait3A_345 : memref<16x128xf32, #tpu.memory_space<vmem_shared>>)
    %mul3A_346 = arith.constant 624 : i32
    %mul3A_347 = arith.muli %arg1, %mul3A_346 : i32
    %add3A_348 = arith.constant 448 : i32
    %add3A_349 = arith.addi %mul3A_347, %add3A_348 : i32
    %dma_start3A_350 = arith.constant 0 : i32
    %dma_start3A_351 = tpu.memref_slice %arg6[%add3A_349, %dma_start3A_350] : memref<10000x128xf32, #tpu.memory_space<vmem_shared>> -> memref<16x128xf32, #tpu.memory_space<vmem_shared>>
    %dma_start3A_352 = arith.constant 0 : i32
    %dma_start3A_353 = tpu.memref_slice %arg6[%add3A_349, %dma_start3A_352] : memref<10000x128xf32, #tpu.memory_space<vmem_shared>> -> memref<16x128xf32, #tpu.memory_space<vmem_shared>>
    tpu.enqueue_dma source(%arg12 : memref<16x128xf32, #tpu.memory_space<vmem>>) target(%dma_start3A_353 : memref<16x128xf32, #tpu.memory_space<vmem_shared>>) target_semaphore(%arg13 : memref<!tpu.dma_semaphore, #tpu.memory_space<semaphore_mem>>)
    %dma_wait3A_354 = arith.constant 0 : i32
    %dma_wait3A_355 = tpu.memref_slice %arg6[%add3A_313, %dma_wait3A_354] : memref<10000x128xf32, #tpu.memory_space<vmem_shared>> -> memref<16x128xf32, #tpu.memory_space<vmem_shared>>
    %dma_wait3A_356 = arith.constant 0 : i32
    %dma_wait3A_357 = tpu.memref_slice %arg6[%add3A_313, %dma_wait3A_356] : memref<10000x128xf32, #tpu.memory_space<vmem_shared>> -> memref<16x128xf32, #tpu.memory_space<vmem_shared>>
    tpu.wait_dma2 semaphore(%arg13 : memref<!tpu.dma_semaphore, #tpu.memory_space<semaphore_mem>>) src(%arg12 : memref<16x128xf32, #tpu.memory_space<vmem>>) dst(%dma_wait3A_357 : memref<16x128xf32, #tpu.memory_space<vmem_shared>>)
    %mul3A_358 = arith.constant 624 : i32
    %mul3A_359 = arith.muli %arg1, %mul3A_358 : i32
    %add3A_360 = arith.constant 464 : i32
    %add3A_361 = arith.addi %mul3A_359, %add3A_360 : i32
    %dma_start3A_362 = arith.constant 0 : i32
    %dma_start3A_363 = tpu.memref_slice %arg6[%add3A_361, %dma_start3A_362] : memref<10000x128xf32, #tpu.memory_space<vmem_shared>> -> memref<16x128xf32, #tpu.memory_space<vmem_shared>>
    %dma_start3A_364 = arith.constant 0 : i32
    %dma_start3A_365 = tpu.memref_slice %arg6[%add3A_361, %dma_start3A_364] : memref<10000x128xf32, #tpu.memory_space<vmem_shared>> -> memref<16x128xf32, #tpu.memory_space<vmem_shared>>
    tpu.enqueue_dma source(%arg12 : memref<16x128xf32, #tpu.memory_space<vmem>>) target(%dma_start3A_365 : memref<16x128xf32, #tpu.memory_space<vmem_shared>>) target_semaphore(%arg13 : memref<!tpu.dma_semaphore, #tpu.memory_space<semaphore_mem>>)
    %dma_wait3A_366 = arith.constant 0 : i32
    %dma_wait3A_367 = tpu.memref_slice %arg6[%add3A_325, %dma_wait3A_366] : memref<10000x128xf32, #tpu.memory_space<vmem_shared>> -> memref<16x128xf32, #tpu.memory_space<vmem_shared>>
    %dma_wait3A_368 = arith.constant 0 : i32
    %dma_wait3A_369 = tpu.memref_slice %arg6[%add3A_325, %dma_wait3A_368] : memref<10000x128xf32, #tpu.memory_space<vmem_shared>> -> memref<16x128xf32, #tpu.memory_space<vmem_shared>>
    tpu.wait_dma2 semaphore(%arg13 : memref<!tpu.dma_semaphore, #tpu.memory_space<semaphore_mem>>) src(%arg12 : memref<16x128xf32, #tpu.memory_space<vmem>>) dst(%dma_wait3A_369 : memref<16x128xf32, #tpu.memory_space<vmem_shared>>)
    %mul3A_370 = arith.constant 624 : i32
    %mul3A_371 = arith.muli %arg1, %mul3A_370 : i32
    %add3A_372 = arith.constant 480 : i32
    %add3A_373 = arith.addi %mul3A_371, %add3A_372 : i32
    %dma_start3A_374 = arith.constant 0 : i32
    %dma_start3A_375 = tpu.memref_slice %arg6[%add3A_373, %dma_start3A_374] : memref<10000x128xf32, #tpu.memory_space<vmem_shared>> -> memref<16x128xf32, #tpu.memory_space<vmem_shared>>
    %dma_start3A_376 = arith.constant 0 : i32
    %dma_start3A_377 = tpu.memref_slice %arg6[%add3A_373, %dma_start3A_376] : memref<10000x128xf32, #tpu.memory_space<vmem_shared>> -> memref<16x128xf32, #tpu.memory_space<vmem_shared>>
    tpu.enqueue_dma source(%arg12 : memref<16x128xf32, #tpu.memory_space<vmem>>) target(%dma_start3A_377 : memref<16x128xf32, #tpu.memory_space<vmem_shared>>) target_semaphore(%arg13 : memref<!tpu.dma_semaphore, #tpu.memory_space<semaphore_mem>>)
    %dma_wait3A_378 = arith.constant 0 : i32
    %dma_wait3A_379 = tpu.memref_slice %arg6[%add3A_337, %dma_wait3A_378] : memref<10000x128xf32, #tpu.memory_space<vmem_shared>> -> memref<16x128xf32, #tpu.memory_space<vmem_shared>>
    %dma_wait3A_380 = arith.constant 0 : i32
    %dma_wait3A_381 = tpu.memref_slice %arg6[%add3A_337, %dma_wait3A_380] : memref<10000x128xf32, #tpu.memory_space<vmem_shared>> -> memref<16x128xf32, #tpu.memory_space<vmem_shared>>
    tpu.wait_dma2 semaphore(%arg13 : memref<!tpu.dma_semaphore, #tpu.memory_space<semaphore_mem>>) src(%arg12 : memref<16x128xf32, #tpu.memory_space<vmem>>) dst(%dma_wait3A_381 : memref<16x128xf32, #tpu.memory_space<vmem_shared>>)
    %mul3A_382 = arith.constant 624 : i32
    %mul3A_383 = arith.muli %arg1, %mul3A_382 : i32
    %add3A_384 = arith.constant 496 : i32
    %add3A_385 = arith.addi %mul3A_383, %add3A_384 : i32
    %dma_start3A_386 = arith.constant 0 : i32
    %dma_start3A_387 = tpu.memref_slice %arg6[%add3A_385, %dma_start3A_386] : memref<10000x128xf32, #tpu.memory_space<vmem_shared>> -> memref<16x128xf32, #tpu.memory_space<vmem_shared>>
    %dma_start3A_388 = arith.constant 0 : i32
    %dma_start3A_389 = tpu.memref_slice %arg6[%add3A_385, %dma_start3A_388] : memref<10000x128xf32, #tpu.memory_space<vmem_shared>> -> memref<16x128xf32, #tpu.memory_space<vmem_shared>>
    tpu.enqueue_dma source(%arg12 : memref<16x128xf32, #tpu.memory_space<vmem>>) target(%dma_start3A_389 : memref<16x128xf32, #tpu.memory_space<vmem_shared>>) target_semaphore(%arg13 : memref<!tpu.dma_semaphore, #tpu.memory_space<semaphore_mem>>)
    %dma_wait3A_390 = arith.constant 0 : i32
    %dma_wait3A_391 = tpu.memref_slice %arg6[%add3A_349, %dma_wait3A_390] : memref<10000x128xf32, #tpu.memory_space<vmem_shared>> -> memref<16x128xf32, #tpu.memory_space<vmem_shared>>
    %dma_wait3A_392 = arith.constant 0 : i32
    %dma_wait3A_393 = tpu.memref_slice %arg6[%add3A_349, %dma_wait3A_392] : memref<10000x128xf32, #tpu.memory_space<vmem_shared>> -> memref<16x128xf32, #tpu.memory_space<vmem_shared>>
    tpu.wait_dma2 semaphore(%arg13 : memref<!tpu.dma_semaphore, #tpu.memory_space<semaphore_mem>>) src(%arg12 : memref<16x128xf32, #tpu.memory_space<vmem>>) dst(%dma_wait3A_393 : memref<16x128xf32, #tpu.memory_space<vmem_shared>>)
    %mul3A_394 = arith.constant 624 : i32
    %mul3A_395 = arith.muli %arg1, %mul3A_394 : i32
    %add3A_396 = arith.constant 512 : i32
    %add3A_397 = arith.addi %mul3A_395, %add3A_396 : i32
    %dma_start3A_398 = arith.constant 0 : i32
    %dma_start3A_399 = tpu.memref_slice %arg6[%add3A_397, %dma_start3A_398] : memref<10000x128xf32, #tpu.memory_space<vmem_shared>> -> memref<16x128xf32, #tpu.memory_space<vmem_shared>>
    %dma_start3A_400 = arith.constant 0 : i32
    %dma_start3A_401 = tpu.memref_slice %arg6[%add3A_397, %dma_start3A_400] : memref<10000x128xf32, #tpu.memory_space<vmem_shared>> -> memref<16x128xf32, #tpu.memory_space<vmem_shared>>
    tpu.enqueue_dma source(%arg12 : memref<16x128xf32, #tpu.memory_space<vmem>>) target(%dma_start3A_401 : memref<16x128xf32, #tpu.memory_space<vmem_shared>>) target_semaphore(%arg13 : memref<!tpu.dma_semaphore, #tpu.memory_space<semaphore_mem>>)
    %dma_wait3A_402 = arith.constant 0 : i32
    %dma_wait3A_403 = tpu.memref_slice %arg6[%add3A_361, %dma_wait3A_402] : memref<10000x128xf32, #tpu.memory_space<vmem_shared>> -> memref<16x128xf32, #tpu.memory_space<vmem_shared>>
    %dma_wait3A_404 = arith.constant 0 : i32
    %dma_wait3A_405 = tpu.memref_slice %arg6[%add3A_361, %dma_wait3A_404] : memref<10000x128xf32, #tpu.memory_space<vmem_shared>> -> memref<16x128xf32, #tpu.memory_space<vmem_shared>>
    tpu.wait_dma2 semaphore(%arg13 : memref<!tpu.dma_semaphore, #tpu.memory_space<semaphore_mem>>) src(%arg12 : memref<16x128xf32, #tpu.memory_space<vmem>>) dst(%dma_wait3A_405 : memref<16x128xf32, #tpu.memory_space<vmem_shared>>)
    %mul3A_406 = arith.constant 624 : i32
    %mul3A_407 = arith.muli %arg1, %mul3A_406 : i32
    %add3A_408 = arith.constant 528 : i32
    %add3A_409 = arith.addi %mul3A_407, %add3A_408 : i32
    %dma_start3A_410 = arith.constant 0 : i32
    %dma_start3A_411 = tpu.memref_slice %arg6[%add3A_409, %dma_start3A_410] : memref<10000x128xf32, #tpu.memory_space<vmem_shared>> -> memref<16x128xf32, #tpu.memory_space<vmem_shared>>
    %dma_start3A_412 = arith.constant 0 : i32
    %dma_start3A_413 = tpu.memref_slice %arg6[%add3A_409, %dma_start3A_412] : memref<10000x128xf32, #tpu.memory_space<vmem_shared>> -> memref<16x128xf32, #tpu.memory_space<vmem_shared>>
    tpu.enqueue_dma source(%arg12 : memref<16x128xf32, #tpu.memory_space<vmem>>) target(%dma_start3A_413 : memref<16x128xf32, #tpu.memory_space<vmem_shared>>) target_semaphore(%arg13 : memref<!tpu.dma_semaphore, #tpu.memory_space<semaphore_mem>>)
    %dma_wait3A_414 = arith.constant 0 : i32
    %dma_wait3A_415 = tpu.memref_slice %arg6[%add3A_373, %dma_wait3A_414] : memref<10000x128xf32, #tpu.memory_space<vmem_shared>> -> memref<16x128xf32, #tpu.memory_space<vmem_shared>>
    %dma_wait3A_416 = arith.constant 0 : i32
    %dma_wait3A_417 = tpu.memref_slice %arg6[%add3A_373, %dma_wait3A_416] : memref<10000x128xf32, #tpu.memory_space<vmem_shared>> -> memref<16x128xf32, #tpu.memory_space<vmem_shared>>
    tpu.wait_dma2 semaphore(%arg13 : memref<!tpu.dma_semaphore, #tpu.memory_space<semaphore_mem>>) src(%arg12 : memref<16x128xf32, #tpu.memory_space<vmem>>) dst(%dma_wait3A_417 : memref<16x128xf32, #tpu.memory_space<vmem_shared>>)
    %mul3A_418 = arith.constant 624 : i32
    %mul3A_419 = arith.muli %arg1, %mul3A_418 : i32
    %add3A_420 = arith.constant 544 : i32
    %add3A_421 = arith.addi %mul3A_419, %add3A_420 : i32
    %dma_start3A_422 = arith.constant 0 : i32
    %dma_start3A_423 = tpu.memref_slice %arg6[%add3A_421, %dma_start3A_422] : memref<10000x128xf32, #tpu.memory_space<vmem_shared>> -> memref<16x128xf32, #tpu.memory_space<vmem_shared>>
    %dma_start3A_424 = arith.constant 0 : i32
    %dma_start3A_425 = tpu.memref_slice %arg6[%add3A_421, %dma_start3A_424] : memref<10000x128xf32, #tpu.memory_space<vmem_shared>> -> memref<16x128xf32, #tpu.memory_space<vmem_shared>>
    tpu.enqueue_dma source(%arg12 : memref<16x128xf32, #tpu.memory_space<vmem>>) target(%dma_start3A_425 : memref<16x128xf32, #tpu.memory_space<vmem_shared>>) target_semaphore(%arg13 : memref<!tpu.dma_semaphore, #tpu.memory_space<semaphore_mem>>)
    %dma_wait3A_426 = arith.constant 0 : i32
    %dma_wait3A_427 = tpu.memref_slice %arg6[%add3A_385, %dma_wait3A_426] : memref<10000x128xf32, #tpu.memory_space<vmem_shared>> -> memref<16x128xf32, #tpu.memory_space<vmem_shared>>
    %dma_wait3A_428 = arith.constant 0 : i32
    %dma_wait3A_429 = tpu.memref_slice %arg6[%add3A_385, %dma_wait3A_428] : memref<10000x128xf32, #tpu.memory_space<vmem_shared>> -> memref<16x128xf32, #tpu.memory_space<vmem_shared>>
    tpu.wait_dma2 semaphore(%arg13 : memref<!tpu.dma_semaphore, #tpu.memory_space<semaphore_mem>>) src(%arg12 : memref<16x128xf32, #tpu.memory_space<vmem>>) dst(%dma_wait3A_429 : memref<16x128xf32, #tpu.memory_space<vmem_shared>>)
    %mul3A_430 = arith.constant 624 : i32
    %mul3A_431 = arith.muli %arg1, %mul3A_430 : i32
    %add3A_432 = arith.constant 560 : i32
    %add3A_433 = arith.addi %mul3A_431, %add3A_432 : i32
    %dma_start3A_434 = arith.constant 0 : i32
    %dma_start3A_435 = tpu.memref_slice %arg6[%add3A_433, %dma_start3A_434] : memref<10000x128xf32, #tpu.memory_space<vmem_shared>> -> memref<16x128xf32, #tpu.memory_space<vmem_shared>>
    %dma_start3A_436 = arith.constant 0 : i32
    %dma_start3A_437 = tpu.memref_slice %arg6[%add3A_433, %dma_start3A_436] : memref<10000x128xf32, #tpu.memory_space<vmem_shared>> -> memref<16x128xf32, #tpu.memory_space<vmem_shared>>
    tpu.enqueue_dma source(%arg12 : memref<16x128xf32, #tpu.memory_space<vmem>>) target(%dma_start3A_437 : memref<16x128xf32, #tpu.memory_space<vmem_shared>>) target_semaphore(%arg13 : memref<!tpu.dma_semaphore, #tpu.memory_space<semaphore_mem>>)
    %dma_wait3A_438 = arith.constant 0 : i32
    %dma_wait3A_439 = tpu.memref_slice %arg6[%add3A_397, %dma_wait3A_438] : memref<10000x128xf32, #tpu.memory_space<vmem_shared>> -> memref<16x128xf32, #tpu.memory_space<vmem_shared>>
    %dma_wait3A_440 = arith.constant 0 : i32
    %dma_wait3A_441 = tpu.memref_slice %arg6[%add3A_397, %dma_wait3A_440] : memref<10000x128xf32, #tpu.memory_space<vmem_shared>> -> memref<16x128xf32, #tpu.memory_space<vmem_shared>>
    tpu.wait_dma2 semaphore(%arg13 : memref<!tpu.dma_semaphore, #tpu.memory_space<semaphore_mem>>) src(%arg12 : memref<16x128xf32, #tpu.memory_space<vmem>>) dst(%dma_wait3A_441 : memref<16x128xf32, #tpu.memory_space<vmem_shared>>)
    %mul3A_442 = arith.constant 624 : i32
    %mul3A_443 = arith.muli %arg1, %mul3A_442 : i32
    %add3A_444 = arith.constant 576 : i32
    %add3A_445 = arith.addi %mul3A_443, %add3A_444 : i32
    %dma_start3A_446 = arith.constant 0 : i32
    %dma_start3A_447 = tpu.memref_slice %arg6[%add3A_445, %dma_start3A_446] : memref<10000x128xf32, #tpu.memory_space<vmem_shared>> -> memref<16x128xf32, #tpu.memory_space<vmem_shared>>
    %dma_start3A_448 = arith.constant 0 : i32
    %dma_start3A_449 = tpu.memref_slice %arg6[%add3A_445, %dma_start3A_448] : memref<10000x128xf32, #tpu.memory_space<vmem_shared>> -> memref<16x128xf32, #tpu.memory_space<vmem_shared>>
    tpu.enqueue_dma source(%arg12 : memref<16x128xf32, #tpu.memory_space<vmem>>) target(%dma_start3A_449 : memref<16x128xf32, #tpu.memory_space<vmem_shared>>) target_semaphore(%arg13 : memref<!tpu.dma_semaphore, #tpu.memory_space<semaphore_mem>>)
    %dma_wait3A_450 = arith.constant 0 : i32
    %dma_wait3A_451 = tpu.memref_slice %arg6[%add3A_409, %dma_wait3A_450] : memref<10000x128xf32, #tpu.memory_space<vmem_shared>> -> memref<16x128xf32, #tpu.memory_space<vmem_shared>>
    %dma_wait3A_452 = arith.constant 0 : i32
    %dma_wait3A_453 = tpu.memref_slice %arg6[%add3A_409, %dma_wait3A_452] : memref<10000x128xf32, #tpu.memory_space<vmem_shared>> -> memref<16x128xf32, #tpu.memory_space<vmem_shared>>
    tpu.wait_dma2 semaphore(%arg13 : memref<!tpu.dma_semaphore, #tpu.memory_space<semaphore_mem>>) src(%arg12 : memref<16x128xf32, #tpu.memory_space<vmem>>) dst(%dma_wait3A_453 : memref<16x128xf32, #tpu.memory_space<vmem_shared>>)
    %mul3A_454 = arith.constant 624 : i32
    %mul3A_455 = arith.muli %arg1, %mul3A_454 : i32
    %add3A_456 = arith.constant 592 : i32
    %add3A_457 = arith.addi %mul3A_455, %add3A_456 : i32
    %dma_start3A_458 = arith.constant 0 : i32
    %dma_start3A_459 = tpu.memref_slice %arg6[%add3A_457, %dma_start3A_458] : memref<10000x128xf32, #tpu.memory_space<vmem_shared>> -> memref<16x128xf32, #tpu.memory_space<vmem_shared>>
    %dma_start3A_460 = arith.constant 0 : i32
    %dma_start3A_461 = tpu.memref_slice %arg6[%add3A_457, %dma_start3A_460] : memref<10000x128xf32, #tpu.memory_space<vmem_shared>> -> memref<16x128xf32, #tpu.memory_space<vmem_shared>>
    tpu.enqueue_dma source(%arg12 : memref<16x128xf32, #tpu.memory_space<vmem>>) target(%dma_start3A_461 : memref<16x128xf32, #tpu.memory_space<vmem_shared>>) target_semaphore(%arg13 : memref<!tpu.dma_semaphore, #tpu.memory_space<semaphore_mem>>)
    %dma_wait3A_462 = arith.constant 0 : i32
    %dma_wait3A_463 = tpu.memref_slice %arg6[%add3A_421, %dma_wait3A_462] : memref<10000x128xf32, #tpu.memory_space<vmem_shared>> -> memref<16x128xf32, #tpu.memory_space<vmem_shared>>
    %dma_wait3A_464 = arith.constant 0 : i32
    %dma_wait3A_465 = tpu.memref_slice %arg6[%add3A_421, %dma_wait3A_464] : memref<10000x128xf32, #tpu.memory_space<vmem_shared>> -> memref<16x128xf32, #tpu.memory_space<vmem_shared>>
    tpu.wait_dma2 semaphore(%arg13 : memref<!tpu.dma_semaphore, #tpu.memory_space<semaphore_mem>>) src(%arg12 : memref<16x128xf32, #tpu.memory_space<vmem>>) dst(%dma_wait3A_465 : memref<16x128xf32, #tpu.memory_space<vmem_shared>>)
    %mul3A_466 = arith.constant 624 : i32
    %mul3A_467 = arith.muli %arg1, %mul3A_466 : i32
    %add3A_468 = arith.constant 608 : i32
    %add3A_469 = arith.addi %mul3A_467, %add3A_468 : i32
    %dma_start3A_470 = arith.constant 0 : i32
    %dma_start3A_471 = tpu.memref_slice %arg6[%add3A_469, %dma_start3A_470] : memref<10000x128xf32, #tpu.memory_space<vmem_shared>> -> memref<16x128xf32, #tpu.memory_space<vmem_shared>>
    %dma_start3A_472 = arith.constant 0 : i32
    %dma_start3A_473 = tpu.memref_slice %arg6[%add3A_469, %dma_start3A_472] : memref<10000x128xf32, #tpu.memory_space<vmem_shared>> -> memref<16x128xf32, #tpu.memory_space<vmem_shared>>
    tpu.enqueue_dma source(%arg12 : memref<16x128xf32, #tpu.memory_space<vmem>>) target(%dma_start3A_473 : memref<16x128xf32, #tpu.memory_space<vmem_shared>>) target_semaphore(%arg13 : memref<!tpu.dma_semaphore, #tpu.memory_space<semaphore_mem>>)
    %dma_wait3A_474 = arith.constant 0 : i32
    %dma_wait3A_475 = tpu.memref_slice %arg6[%add3A_433, %dma_wait3A_474] : memref<10000x128xf32, #tpu.memory_space<vmem_shared>> -> memref<16x128xf32, #tpu.memory_space<vmem_shared>>
    %dma_wait3A_476 = arith.constant 0 : i32
    %dma_wait3A_477 = tpu.memref_slice %arg6[%add3A_433, %dma_wait3A_476] : memref<10000x128xf32, #tpu.memory_space<vmem_shared>> -> memref<16x128xf32, #tpu.memory_space<vmem_shared>>
    tpu.wait_dma2 semaphore(%arg13 : memref<!tpu.dma_semaphore, #tpu.memory_space<semaphore_mem>>) src(%arg12 : memref<16x128xf32, #tpu.memory_space<vmem>>) dst(%dma_wait3A_477 : memref<16x128xf32, #tpu.memory_space<vmem_shared>>)
    %dma_wait3A_478 = arith.constant 0 : i32
    %dma_wait3A_479 = tpu.memref_slice %arg6[%add3A_445, %dma_wait3A_478] : memref<10000x128xf32, #tpu.memory_space<vmem_shared>> -> memref<16x128xf32, #tpu.memory_space<vmem_shared>>
    %dma_wait3A_480 = arith.constant 0 : i32
    %dma_wait3A_481 = tpu.memref_slice %arg6[%add3A_445, %dma_wait3A_480] : memref<10000x128xf32, #tpu.memory_space<vmem_shared>> -> memref<16x128xf32, #tpu.memory_space<vmem_shared>>
    tpu.wait_dma2 semaphore(%arg13 : memref<!tpu.dma_semaphore, #tpu.memory_space<semaphore_mem>>) src(%arg12 : memref<16x128xf32, #tpu.memory_space<vmem>>) dst(%dma_wait3A_481 : memref<16x128xf32, #tpu.memory_space<vmem_shared>>)
    %dma_wait3A_482 = arith.constant 0 : i32
    %dma_wait3A_483 = tpu.memref_slice %arg6[%add3A_457, %dma_wait3A_482] : memref<10000x128xf32, #tpu.memory_space<vmem_shared>> -> memref<16x128xf32, #tpu.memory_space<vmem_shared>>
    %dma_wait3A_484 = arith.constant 0 : i32
    %dma_wait3A_485 = tpu.memref_slice %arg6[%add3A_457, %dma_wait3A_484] : memref<10000x128xf32, #tpu.memory_space<vmem_shared>> -> memref<16x128xf32, #tpu.memory_space<vmem_shared>>
    tpu.wait_dma2 semaphore(%arg13 : memref<!tpu.dma_semaphore, #tpu.memory_space<semaphore_mem>>) src(%arg12 : memref<16x128xf32, #tpu.memory_space<vmem>>) dst(%dma_wait3A_485 : memref<16x128xf32, #tpu.memory_space<vmem_shared>>)
    %dma_wait3A_486 = arith.constant 0 : i32
    %dma_wait3A_487 = tpu.memref_slice %arg6[%add3A_469, %dma_wait3A_486] : memref<10000x128xf32, #tpu.memory_space<vmem_shared>> -> memref<16x128xf32, #tpu.memory_space<vmem_shared>>
    %dma_wait3A_488 = arith.constant 0 : i32
    %dma_wait3A_489 = tpu.memref_slice %arg6[%add3A_469, %dma_wait3A_488] : memref<10000x128xf32, #tpu.memory_space<vmem_shared>> -> memref<16x128xf32, #tpu.memory_space<vmem_shared>>
    tpu.wait_dma2 semaphore(%arg13 : memref<!tpu.dma_semaphore, #tpu.memory_space<semaphore_mem>>) src(%arg12 : memref<16x128xf32, #tpu.memory_space<vmem>>) dst(%dma_wait3A_489 : memref<16x128xf32, #tpu.memory_space<vmem_shared>>)
    %eq3A = arith.constant 15 : i32
    %eq3A_490 = arith.cmpi eq, %arg1, %eq3A : i32
    %convert_element_type3A = arith.extui %eq3A_490 : i1 to i32
    %cond3A = arith.constant 0 : i32
    %cond3A_491 = arith.cmpi ne, %convert_element_type3A, %cond3A : i32
    scf.if %cond3A_491 {
      "tpu.region"() ({
        %run_scoped3A_1380 = tpu.sem_alloc : memref<!tpu.dma_semaphore, #tpu.memory_space<semaphore_mem>>
        %dma_start3A_1381 = arith.constant 9984 : i32
        %dma_start3A_1382 = arith.constant 0 : i32
        %dma_start3A_1383 = tpu.memref_slice %arg6[%dma_start3A_1381, %dma_start3A_1382] : memref<10000x128xf32, #tpu.memory_space<vmem_shared>> -> memref<16x128xf32, #tpu.memory_space<vmem_shared>>
        %dma_start3A_1384 = arith.constant 9984 : i32
        %dma_start3A_1385 = arith.constant 0 : i32
        %dma_start3A_1386 = tpu.memref_slice %arg6[%dma_start3A_1384, %dma_start3A_1385] : memref<10000x128xf32, #tpu.memory_space<vmem_shared>> -> memref<16x128xf32, #tpu.memory_space<vmem_shared>>
        tpu.enqueue_dma source(%arg12 : memref<16x128xf32, #tpu.memory_space<vmem>>) target(%dma_start3A_1386 : memref<16x128xf32, #tpu.memory_space<vmem_shared>>) target_semaphore(%run_scoped3A_1380 : memref<!tpu.dma_semaphore, #tpu.memory_space<semaphore_mem>>)
        %dma_wait3A_1387 = arith.constant 9984 : i32
        %dma_wait3A_1388 = arith.constant 0 : i32
        %dma_wait3A_1389 = tpu.memref_slice %arg6[%dma_wait3A_1387, %dma_wait3A_1388] : memref<10000x128xf32, #tpu.memory_space<vmem_shared>> -> memref<16x128xf32, #tpu.memory_space<vmem_shared>>
        %dma_wait3A_1390 = arith.constant 9984 : i32
        %dma_wait3A_1391 = arith.constant 0 : i32
        %dma_wait3A_1392 = tpu.memref_slice %arg6[%dma_wait3A_1390, %dma_wait3A_1391] : memref<10000x128xf32, #tpu.memory_space<vmem_shared>> -> memref<16x128xf32, #tpu.memory_space<vmem_shared>>
        tpu.wait_dma2 semaphore(%run_scoped3A_1380 : memref<!tpu.dma_semaphore, #tpu.memory_space<semaphore_mem>>) src(%arg12 : memref<16x128xf32, #tpu.memory_space<vmem>>) dst(%dma_wait3A_1392 : memref<16x128xf32, #tpu.memory_space<vmem_shared>>)
        tpu.yield
      }) : () -> ()
    } else {
    }
    %dma_wait3A_492 = arith.constant 0 : i32
    %dma_wait3A_493 = arith.constant 0 : i32
    %dma_wait3A_494 = arith.constant 0 : i32
    %dma_wait3A_495 = tpu.memref_slice %arg3[%add3A, %dma_wait3A_492, %dma_wait3A_493, %dma_wait3A_494] : memref<32x5x25x80xi32, #tpu.memory_space<hbm>> -> memref<1x1x25x80xi32, #tpu.memory_space<hbm>>
    %dma_wait3A_496 = tpu.memref_squeeze %dma_wait3A_495 : memref<1x1x25x80xi32, #tpu.memory_space<hbm>> -> memref<25x80xi32, #tpu.memory_space<hbm>>
    %dma_wait3A_497 = arith.constant 0 : i32
    %dma_wait3A_498 = arith.constant 0 : i32
    %dma_wait3A_499 = tpu.memref_slice %arg3[%add3A, %dma_wait3A_492, %dma_wait3A_497, %dma_wait3A_498] : memref<32x5x25x80xi32, #tpu.memory_space<hbm>> -> memref<1x1x25x80xi32, #tpu.memory_space<hbm>>
    %dma_wait3A_500 = tpu.memref_squeeze %dma_wait3A_499 : memref<1x1x25x80xi32, #tpu.memory_space<hbm>> -> memref<25x80xi32, #tpu.memory_space<hbm>>
    tpu.wait_dma2 semaphore(%arg14 : memref<!tpu.dma_semaphore, #tpu.memory_space<semaphore_mem>>) src(%dma_wait3A_500 : memref<25x80xi32, #tpu.memory_space<hbm>>) dst(%arg7 : memref<25x80xi32, #tpu.memory_space<vmem>>)
    %dma_wait3A_501 = arith.constant 0 : i32
    %dma_wait3A_502 = arith.constant 0 : i32
    %dma_wait3A_503 = arith.constant 0 : i32
    %dma_wait3A_504 = tpu.memref_slice %arg4[%add3A, %dma_wait3A_501, %dma_wait3A_502, %dma_wait3A_503] : memref<32x5x25x80xi32, #tpu.memory_space<hbm>> -> memref<1x1x25x80xi32, #tpu.memory_space<hbm>>
    %dma_wait3A_505 = tpu.memref_squeeze %dma_wait3A_504 : memref<1x1x25x80xi32, #tpu.memory_space<hbm>> -> memref<25x80xi32, #tpu.memory_space<hbm>>
    %dma_wait3A_506 = arith.constant 0 : i32
    %dma_wait3A_507 = arith.constant 0 : i32
    %dma_wait3A_508 = tpu.memref_slice %arg4[%add3A, %dma_wait3A_501, %dma_wait3A_506, %dma_wait3A_507] : memref<32x5x25x80xi32, #tpu.memory_space<hbm>> -> memref<1x1x25x80xi32, #tpu.memory_space<hbm>>
    %dma_wait3A_509 = tpu.memref_squeeze %dma_wait3A_508 : memref<1x1x25x80xi32, #tpu.memory_space<hbm>> -> memref<25x80xi32, #tpu.memory_space<hbm>>
    tpu.wait_dma2 semaphore(%arg15 : memref<!tpu.dma_semaphore, #tpu.memory_space<semaphore_mem>>) src(%dma_wait3A_509 : memref<25x80xi32, #tpu.memory_space<hbm>>) dst(%arg8 : memref<25x80xi32, #tpu.memory_space<vmem>>)
    %dma_start3A_510 = arith.constant 0 : i32
    %dma_start3A_511 = arith.constant 0 : i32
    %dma_start3A_512 = arith.constant 0 : i32
    %dma_start3A_513 = tpu.memref_slice %arg9[%dma_start3A_511, %dma_start3A_512] : memref<80x128xf32, #tpu.memory_space<vmem>> -> memref<40x128xf32, #tpu.memory_space<vmem>>
    %dma_start3A_514 = arith.constant 0 : i32
    %dma_start3A_515 = tpu.memref_slice %arg7[%dma_start3A_510, %dma_start3A_514] : memref<25x80xi32, #tpu.memory_space<vmem>> -> memref<1x40xi32, #tpu.memory_space<vmem>>
    %dma_start3A_516 = tpu.memref_squeeze %dma_start3A_515 : memref<1x40xi32, #tpu.memory_space<vmem>> -> memref<40xi32, #tpu.memory_space<vmem>>
    %dma_start3A_517 = arith.constant 0 : i32
    %dma_start3A_518 = arith.constant 0 : i32
    %dma_start3A_519 = tpu.memref_slice %arg2[%dma_start3A_517, %dma_start3A_518] : memref<10000x128xf32, #tpu.memory_space<hbm>> -> memref<10000x128xf32, #tpu.memory_space<hbm>>
    tpu.enqueue_indirect_dma source(%dma_start3A_519 : memref<10000x128xf32, #tpu.memory_space<hbm>>) target(%dma_start3A_513 : memref<40x128xf32, #tpu.memory_space<vmem>>) offsets(%dma_start3A_516 : memref<40xi32, #tpu.memory_space<vmem>>) semaphore(%arg13 : memref<!tpu.dma_semaphore, #tpu.memory_space<semaphore_mem>>)
    %dma_start3A_520 = arith.constant 0 : i32
    %dma_start3A_521 = arith.constant 40 : i32
    %dma_start3A_522 = arith.constant 0 : i32
    %dma_start3A_523 = tpu.memref_slice %arg9[%dma_start3A_521, %dma_start3A_522] : memref<80x128xf32, #tpu.memory_space<vmem>> -> memref<40x128xf32, #tpu.memory_space<vmem>>
    %dma_start3A_524 = arith.constant 40 : i32
    %dma_start3A_525 = tpu.memref_slice %arg7[%dma_start3A_520, %dma_start3A_524] : memref<25x80xi32, #tpu.memory_space<vmem>> -> memref<1x40xi32, #tpu.memory_space<vmem>>
    %dma_start3A_526 = tpu.memref_squeeze %dma_start3A_525 : memref<1x40xi32, #tpu.memory_space<vmem>> -> memref<40xi32, #tpu.memory_space<vmem>>
    %dma_start3A_527 = arith.constant 0 : i32
    %dma_start3A_528 = arith.constant 0 : i32
    %dma_start3A_529 = tpu.memref_slice %arg2[%dma_start3A_527, %dma_start3A_528] : memref<10000x128xf32, #tpu.memory_space<hbm>> -> memref<10000x128xf32, #tpu.memory_space<hbm>>
    tpu.enqueue_indirect_dma source(%dma_start3A_529 : memref<10000x128xf32, #tpu.memory_space<hbm>>) target(%dma_start3A_523 : memref<40x128xf32, #tpu.memory_space<vmem>>) offsets(%dma_start3A_526 : memref<40xi32, #tpu.memory_space<vmem>>) semaphore(%arg13 : memref<!tpu.dma_semaphore, #tpu.memory_space<semaphore_mem>>)
    %dma_start3A_530 = arith.constant 1 : i32
    %dma_start3A_531 = arith.constant 0 : i32
    %dma_start3A_532 = arith.constant 0 : i32
    %dma_start3A_533 = tpu.memref_slice %arg10[%dma_start3A_531, %dma_start3A_532] : memref<80x128xf32, #tpu.memory_space<vmem>> -> memref<40x128xf32, #tpu.memory_space<vmem>>
    %dma_start3A_534 = arith.constant 0 : i32
    %dma_start3A_535 = tpu.memref_slice %arg7[%dma_start3A_530, %dma_start3A_534] : memref<25x80xi32, #tpu.memory_space<vmem>> -> memref<1x40xi32, #tpu.memory_space<vmem>>
    %dma_start3A_536 = tpu.memref_squeeze %dma_start3A_535 : memref<1x40xi32, #tpu.memory_space<vmem>> -> memref<40xi32, #tpu.memory_space<vmem>>
    %dma_start3A_537 = arith.constant 0 : i32
    %dma_start3A_538 = arith.constant 0 : i32
    %dma_start3A_539 = tpu.memref_slice %arg2[%dma_start3A_537, %dma_start3A_538] : memref<10000x128xf32, #tpu.memory_space<hbm>> -> memref<10000x128xf32, #tpu.memory_space<hbm>>
    tpu.enqueue_indirect_dma source(%dma_start3A_539 : memref<10000x128xf32, #tpu.memory_space<hbm>>) target(%dma_start3A_533 : memref<40x128xf32, #tpu.memory_space<vmem>>) offsets(%dma_start3A_536 : memref<40xi32, #tpu.memory_space<vmem>>) semaphore(%arg14 : memref<!tpu.dma_semaphore, #tpu.memory_space<semaphore_mem>>)
    %dma_start3A_540 = arith.constant 1 : i32
    %dma_start3A_541 = arith.constant 40 : i32
    %dma_start3A_542 = arith.constant 0 : i32
    %dma_start3A_543 = tpu.memref_slice %arg10[%dma_start3A_541, %dma_start3A_542] : memref<80x128xf32, #tpu.memory_space<vmem>> -> memref<40x128xf32, #tpu.memory_space<vmem>>
    %dma_start3A_544 = arith.constant 40 : i32
    %dma_start3A_545 = tpu.memref_slice %arg7[%dma_start3A_540, %dma_start3A_544] : memref<25x80xi32, #tpu.memory_space<vmem>> -> memref<1x40xi32, #tpu.memory_space<vmem>>
    %dma_start3A_546 = tpu.memref_squeeze %dma_start3A_545 : memref<1x40xi32, #tpu.memory_space<vmem>> -> memref<40xi32, #tpu.memory_space<vmem>>
    %dma_start3A_547 = arith.constant 0 : i32
    %dma_start3A_548 = arith.constant 0 : i32
    %dma_start3A_549 = tpu.memref_slice %arg2[%dma_start3A_547, %dma_start3A_548] : memref<10000x128xf32, #tpu.memory_space<hbm>> -> memref<10000x128xf32, #tpu.memory_space<hbm>>
    tpu.enqueue_indirect_dma source(%dma_start3A_549 : memref<10000x128xf32, #tpu.memory_space<hbm>>) target(%dma_start3A_543 : memref<40x128xf32, #tpu.memory_space<vmem>>) offsets(%dma_start3A_546 : memref<40xi32, #tpu.memory_space<vmem>>) semaphore(%arg14 : memref<!tpu.dma_semaphore, #tpu.memory_space<semaphore_mem>>)
    %dma_start3A_550 = arith.constant 2 : i32
    %dma_start3A_551 = arith.constant 0 : i32
    %dma_start3A_552 = arith.constant 0 : i32
    %dma_start3A_553 = tpu.memref_slice %arg11[%dma_start3A_551, %dma_start3A_552] : memref<80x128xf32, #tpu.memory_space<vmem>> -> memref<40x128xf32, #tpu.memory_space<vmem>>
    %dma_start3A_554 = arith.constant 0 : i32
    %dma_start3A_555 = tpu.memref_slice %arg7[%dma_start3A_550, %dma_start3A_554] : memref<25x80xi32, #tpu.memory_space<vmem>> -> memref<1x40xi32, #tpu.memory_space<vmem>>
    %dma_start3A_556 = tpu.memref_squeeze %dma_start3A_555 : memref<1x40xi32, #tpu.memory_space<vmem>> -> memref<40xi32, #tpu.memory_space<vmem>>
    %dma_start3A_557 = arith.constant 0 : i32
    %dma_start3A_558 = arith.constant 0 : i32
    %dma_start3A_559 = tpu.memref_slice %arg2[%dma_start3A_557, %dma_start3A_558] : memref<10000x128xf32, #tpu.memory_space<hbm>> -> memref<10000x128xf32, #tpu.memory_space<hbm>>
    tpu.enqueue_indirect_dma source(%dma_start3A_559 : memref<10000x128xf32, #tpu.memory_space<hbm>>) target(%dma_start3A_553 : memref<40x128xf32, #tpu.memory_space<vmem>>) offsets(%dma_start3A_556 : memref<40xi32, #tpu.memory_space<vmem>>) semaphore(%arg15 : memref<!tpu.dma_semaphore, #tpu.memory_space<semaphore_mem>>)
    %dma_start3A_560 = arith.constant 2 : i32
    %dma_start3A_561 = arith.constant 40 : i32
    %dma_start3A_562 = arith.constant 0 : i32
    %dma_start3A_563 = tpu.memref_slice %arg11[%dma_start3A_561, %dma_start3A_562] : memref<80x128xf32, #tpu.memory_space<vmem>> -> memref<40x128xf32, #tpu.memory_space<vmem>>
    %dma_start3A_564 = arith.constant 40 : i32
    %dma_start3A_565 = tpu.memref_slice %arg7[%dma_start3A_560, %dma_start3A_564] : memref<25x80xi32, #tpu.memory_space<vmem>> -> memref<1x40xi32, #tpu.memory_space<vmem>>
    %dma_start3A_566 = tpu.memref_squeeze %dma_start3A_565 : memref<1x40xi32, #tpu.memory_space<vmem>> -> memref<40xi32, #tpu.memory_space<vmem>>
    %dma_start3A_567 = arith.constant 0 : i32
    %dma_start3A_568 = arith.constant 0 : i32
    %dma_start3A_569 = tpu.memref_slice %arg2[%dma_start3A_567, %dma_start3A_568] : memref<10000x128xf32, #tpu.memory_space<hbm>> -> memref<10000x128xf32, #tpu.memory_space<hbm>>
    tpu.enqueue_indirect_dma source(%dma_start3A_569 : memref<10000x128xf32, #tpu.memory_space<hbm>>) target(%dma_start3A_563 : memref<40x128xf32, #tpu.memory_space<vmem>>) offsets(%dma_start3A_566 : memref<40xi32, #tpu.memory_space<vmem>>) semaphore(%arg15 : memref<!tpu.dma_semaphore, #tpu.memory_space<semaphore_mem>>)
    %barrier3A = arith.constant 0 : index
    tpu.barrier barrier_id(%barrier3A)
    %scan3A_570 = arith.constant 0 : i32
    %scan3A_571 = arith.constant 0 : i32
    %scan3A_572 = arith.constant 7 : i32
    %scan3A_573 = arith.addi %scan3A_571, %scan3A_572 : i32
    %scan3A_574 = arith.constant 1 : i32
    scf.for %scan3A_1380 = %scan3A_571 to %scan3A_573 step %scan3A_574  : i32 {
      %mul3A_1381 = arith.constant 3 : i32
      %mul3A_1382 = arith.muli %scan3A_1380, %mul3A_1381 : i32
      %dma_wait3A_1383 = arith.constant 0 : i32
      %dma_wait3A_1384 = arith.constant 0 : i32
      %dma_wait3A_1385 = tpu.memref_slice %arg7[%dma_wait3A_1383, %dma_wait3A_1384] : memref<25x80xi32, #tpu.memory_space<vmem>> -> memref<1x80xi32, #tpu.memory_space<vmem>>
      %dma_wait3A_1386 = tpu.memref_squeeze %dma_wait3A_1385 : memref<1x80xi32, #tpu.memory_space<vmem>> -> memref<80xi32, #tpu.memory_space<vmem>>
      %dma_wait3A_1387 = arith.constant 0 : i32
      %dma_wait3A_1388 = arith.constant 0 : i32
      %dma_wait3A_1389 = tpu.memref_slice %arg2[%dma_wait3A_1387, %dma_wait3A_1388] : memref<10000x128xf32, #tpu.memory_space<hbm>> -> memref<10000x128xf32, #tpu.memory_space<hbm>>
      tpu.wait_indirect_dma semaphore(%arg13 : memref<!tpu.dma_semaphore, #tpu.memory_space<semaphore_mem>>) src(%dma_wait3A_1389 : memref<10000x128xf32, #tpu.memory_space<hbm>>) dst(%arg9 : memref<80x128xf32, #tpu.memory_space<vmem>>)
      %add3A_1390 = arith.constant 0 : i32
      %add3A_1391 = arith.addi %mul3A_1382, %add3A_1390 : i32
      %dma_start3A_1392 = arith.constant 0 : i32
      %dma_start3A_1393 = tpu.memref_slice %arg8[%add3A_1391, %dma_start3A_1392] : memref<25x80xi32, #tpu.memory_space<vmem>> -> memref<1x80xi32, #tpu.memory_space<vmem>>
      %dma_start3A_1394 = tpu.memref_squeeze %dma_start3A_1393 : memref<1x80xi32, #tpu.memory_space<vmem>> -> memref<80xi32, #tpu.memory_space<vmem>>
      %dma_start3A_1395 = arith.constant 0 : i32
      %dma_start3A_1396 = arith.constant 0 : i32
      %dma_start3A_1397 = tpu.memref_slice %arg6[%dma_start3A_1395, %dma_start3A_1396] : memref<10000x128xf32, #tpu.memory_space<vmem_shared>> -> memref<10000x128xf32, #tpu.memory_space<vmem_shared>>
      tpu.enqueue_indirect_dma source(%arg9 : memref<80x128xf32, #tpu.memory_space<vmem>>) target(%dma_start3A_1397 : memref<10000x128xf32, #tpu.memory_space<vmem_shared>>) offsets(%dma_start3A_1394 : memref<80xi32, #tpu.memory_space<vmem>>) semaphore(%arg16 : memref<!tpu.dma_semaphore, #tpu.memory_space<semaphore_mem>>) {add = true}
      %dma_wait3A_1398 = arith.constant 0 : i32
      %dma_wait3A_1399 = arith.constant 0 : i32
      %dma_wait3A_1400 = tpu.memref_slice %arg7[%dma_wait3A_1398, %dma_wait3A_1399] : memref<25x80xi32, #tpu.memory_space<vmem>> -> memref<1x80xi32, #tpu.memory_space<vmem>>
      %dma_wait3A_1401 = tpu.memref_squeeze %dma_wait3A_1400 : memref<1x80xi32, #tpu.memory_space<vmem>> -> memref<80xi32, #tpu.memory_space<vmem>>
      %dma_wait3A_1402 = arith.constant 0 : i32
      %dma_wait3A_1403 = arith.constant 0 : i32
      %dma_wait3A_1404 = tpu.memref_slice %arg2[%dma_wait3A_1402, %dma_wait3A_1403] : memref<10000x128xf32, #tpu.memory_space<hbm>> -> memref<10000x128xf32, #tpu.memory_space<hbm>>
      tpu.wait_indirect_dma semaphore(%arg14 : memref<!tpu.dma_semaphore, #tpu.memory_space<semaphore_mem>>) src(%dma_wait3A_1404 : memref<10000x128xf32, #tpu.memory_space<hbm>>) dst(%arg10 : memref<80x128xf32, #tpu.memory_space<vmem>>)
      %add3A_1405 = arith.constant 1 : i32
      %add3A_1406 = arith.addi %mul3A_1382, %add3A_1405 : i32
      %dma_start3A_1407 = arith.constant 0 : i32
      %dma_start3A_1408 = tpu.memref_slice %arg8[%add3A_1406, %dma_start3A_1407] : memref<25x80xi32, #tpu.memory_space<vmem>> -> memref<1x80xi32, #tpu.memory_space<vmem>>
      %dma_start3A_1409 = tpu.memref_squeeze %dma_start3A_1408 : memref<1x80xi32, #tpu.memory_space<vmem>> -> memref<80xi32, #tpu.memory_space<vmem>>
      %dma_start3A_1410 = arith.constant 0 : i32
      %dma_start3A_1411 = arith.constant 0 : i32
      %dma_start3A_1412 = tpu.memref_slice %arg6[%dma_start3A_1410, %dma_start3A_1411] : memref<10000x128xf32, #tpu.memory_space<vmem_shared>> -> memref<10000x128xf32, #tpu.memory_space<vmem_shared>>
      tpu.enqueue_indirect_dma source(%arg10 : memref<80x128xf32, #tpu.memory_space<vmem>>) target(%dma_start3A_1412 : memref<10000x128xf32, #tpu.memory_space<vmem_shared>>) offsets(%dma_start3A_1409 : memref<80xi32, #tpu.memory_space<vmem>>) semaphore(%arg17 : memref<!tpu.dma_semaphore, #tpu.memory_space<semaphore_mem>>) {add = true}
      %dma_wait3A_1413 = arith.constant 0 : i32
      %dma_wait3A_1414 = arith.constant 0 : i32
      %dma_wait3A_1415 = tpu.memref_slice %arg7[%dma_wait3A_1413, %dma_wait3A_1414] : memref<25x80xi32, #tpu.memory_space<vmem>> -> memref<1x80xi32, #tpu.memory_space<vmem>>
      %dma_wait3A_1416 = tpu.memref_squeeze %dma_wait3A_1415 : memref<1x80xi32, #tpu.memory_space<vmem>> -> memref<80xi32, #tpu.memory_space<vmem>>
      %dma_wait3A_1417 = arith.constant 0 : i32
      %dma_wait3A_1418 = arith.constant 0 : i32
      %dma_wait3A_1419 = tpu.memref_slice %arg2[%dma_wait3A_1417, %dma_wait3A_1418] : memref<10000x128xf32, #tpu.memory_space<hbm>> -> memref<10000x128xf32, #tpu.memory_space<hbm>>
      tpu.wait_indirect_dma semaphore(%arg15 : memref<!tpu.dma_semaphore, #tpu.memory_space<semaphore_mem>>) src(%dma_wait3A_1419 : memref<10000x128xf32, #tpu.memory_space<hbm>>) dst(%arg11 : memref<80x128xf32, #tpu.memory_space<vmem>>)
      %add3A_1420 = arith.constant 2 : i32
      %add3A_1421 = arith.addi %mul3A_1382, %add3A_1420 : i32
      %dma_start3A_1422 = arith.constant 0 : i32
      %dma_start3A_1423 = tpu.memref_slice %arg8[%add3A_1421, %dma_start3A_1422] : memref<25x80xi32, #tpu.memory_space<vmem>> -> memref<1x80xi32, #tpu.memory_space<vmem>>
      %dma_start3A_1424 = tpu.memref_squeeze %dma_start3A_1423 : memref<1x80xi32, #tpu.memory_space<vmem>> -> memref<80xi32, #tpu.memory_space<vmem>>
      %dma_start3A_1425 = arith.constant 0 : i32
      %dma_start3A_1426 = arith.constant 0 : i32
      %dma_start3A_1427 = tpu.memref_slice %arg6[%dma_start3A_1425, %dma_start3A_1426] : memref<10000x128xf32, #tpu.memory_space<vmem_shared>> -> memref<10000x128xf32, #tpu.memory_space<vmem_shared>>
      tpu.enqueue_indirect_dma source(%arg11 : memref<80x128xf32, #tpu.memory_space<vmem>>) target(%dma_start3A_1427 : memref<10000x128xf32, #tpu.memory_space<vmem_shared>>) offsets(%dma_start3A_1424 : memref<80xi32, #tpu.memory_space<vmem>>) semaphore(%arg18 : memref<!tpu.dma_semaphore, #tpu.memory_space<semaphore_mem>>) {add = true}
      %dma_wait3A_1428 = arith.constant 0 : i32
      %dma_wait3A_1429 = tpu.memref_slice %arg8[%add3A_1391, %dma_wait3A_1428] : memref<25x80xi32, #tpu.memory_space<vmem>> -> memref<1x80xi32, #tpu.memory_space<vmem>>
      %dma_wait3A_1430 = tpu.memref_squeeze %dma_wait3A_1429 : memref<1x80xi32, #tpu.memory_space<vmem>> -> memref<80xi32, #tpu.memory_space<vmem>>
      %dma_wait3A_1431 = arith.constant 0 : i32
      %dma_wait3A_1432 = arith.constant 0 : i32
      %dma_wait3A_1433 = tpu.memref_slice %arg6[%dma_wait3A_1431, %dma_wait3A_1432] : memref<10000x128xf32, #tpu.memory_space<vmem_shared>> -> memref<10000x128xf32, #tpu.memory_space<vmem_shared>>
      tpu.wait_indirect_dma semaphore(%arg16 : memref<!tpu.dma_semaphore, #tpu.memory_space<semaphore_mem>>) src(%arg9 : memref<80x128xf32, #tpu.memory_space<vmem>>) dst(%dma_wait3A_1433 : memref<10000x128xf32, #tpu.memory_space<vmem_shared>>)
      %add3A_1434 = arith.constant 3 : i32
      %add3A_1435 = arith.addi %mul3A_1382, %add3A_1434 : i32
      %add3A_1436 = arith.constant 0 : i32
      %add3A_1437 = arith.addi %add3A_1435, %add3A_1436 : i32
      %dma_start3A_1438 = arith.constant 0 : i32
      %dma_start3A_1439 = arith.constant 0 : i32
      %dma_start3A_1440 = tpu.memref_slice %arg9[%dma_start3A_1438, %dma_start3A_1439] : memref<80x128xf32, #tpu.memory_space<vmem>> -> memref<40x128xf32, #tpu.memory_space<vmem>>
      %dma_start3A_1441 = arith.constant 0 : i32
      %dma_start3A_1442 = tpu.memref_slice %arg7[%add3A_1437, %dma_start3A_1441] : memref<25x80xi32, #tpu.memory_space<vmem>> -> memref<1x40xi32, #tpu.memory_space<vmem>>
      %dma_start3A_1443 = tpu.memref_squeeze %dma_start3A_1442 : memref<1x40xi32, #tpu.memory_space<vmem>> -> memref<40xi32, #tpu.memory_space<vmem>>
      %dma_start3A_1444 = arith.constant 0 : i32
      %dma_start3A_1445 = arith.constant 0 : i32
      %dma_start3A_1446 = tpu.memref_slice %arg2[%dma_start3A_1444, %dma_start3A_1445] : memref<10000x128xf32, #tpu.memory_space<hbm>> -> memref<10000x128xf32, #tpu.memory_space<hbm>>
      tpu.enqueue_indirect_dma source(%dma_start3A_1446 : memref<10000x128xf32, #tpu.memory_space<hbm>>) target(%dma_start3A_1440 : memref<40x128xf32, #tpu.memory_space<vmem>>) offsets(%dma_start3A_1443 : memref<40xi32, #tpu.memory_space<vmem>>) semaphore(%arg13 : memref<!tpu.dma_semaphore, #tpu.memory_space<semaphore_mem>>)
      %dma_start3A_1447 = arith.constant 40 : i32
      %dma_start3A_1448 = arith.constant 0 : i32
      %dma_start3A_1449 = tpu.memref_slice %arg9[%dma_start3A_1447, %dma_start3A_1448] : memref<80x128xf32, #tpu.memory_space<vmem>> -> memref<40x128xf32, #tpu.memory_space<vmem>>
      %dma_start3A_1450 = arith.constant 40 : i32
      %dma_start3A_1451 = tpu.memref_slice %arg7[%add3A_1437, %dma_start3A_1450] : memref<25x80xi32, #tpu.memory_space<vmem>> -> memref<1x40xi32, #tpu.memory_space<vmem>>
      %dma_start3A_1452 = tpu.memref_squeeze %dma_start3A_1451 : memref<1x40xi32, #tpu.memory_space<vmem>> -> memref<40xi32, #tpu.memory_space<vmem>>
      %dma_start3A_1453 = arith.constant 0 : i32
      %dma_start3A_1454 = arith.constant 0 : i32
      %dma_start3A_1455 = tpu.memref_slice %arg2[%dma_start3A_1453, %dma_start3A_1454] : memref<10000x128xf32, #tpu.memory_space<hbm>> -> memref<10000x128xf32, #tpu.memory_space<hbm>>
      tpu.enqueue_indirect_dma source(%dma_start3A_1455 : memref<10000x128xf32, #tpu.memory_space<hbm>>) target(%dma_start3A_1449 : memref<40x128xf32, #tpu.memory_space<vmem>>) offsets(%dma_start3A_1452 : memref<40xi32, #tpu.memory_space<vmem>>) semaphore(%arg13 : memref<!tpu.dma_semaphore, #tpu.memory_space<semaphore_mem>>)
      %dma_wait3A_1456 = arith.constant 0 : i32
      %dma_wait3A_1457 = tpu.memref_slice %arg8[%add3A_1406, %dma_wait3A_1456] : memref<25x80xi32, #tpu.memory_space<vmem>> -> memref<1x80xi32, #tpu.memory_space<vmem>>
      %dma_wait3A_1458 = tpu.memref_squeeze %dma_wait3A_1457 : memref<1x80xi32, #tpu.memory_space<vmem>> -> memref<80xi32, #tpu.memory_space<vmem>>
      %dma_wait3A_1459 = arith.constant 0 : i32
      %dma_wait3A_1460 = arith.constant 0 : i32
      %dma_wait3A_1461 = tpu.memref_slice %arg6[%dma_wait3A_1459, %dma_wait3A_1460] : memref<10000x128xf32, #tpu.memory_space<vmem_shared>> -> memref<10000x128xf32, #tpu.memory_space<vmem_shared>>
      tpu.wait_indirect_dma semaphore(%arg17 : memref<!tpu.dma_semaphore, #tpu.memory_space<semaphore_mem>>) src(%arg10 : memref<80x128xf32, #tpu.memory_space<vmem>>) dst(%dma_wait3A_1461 : memref<10000x128xf32, #tpu.memory_space<vmem_shared>>)
      %add3A_1462 = arith.constant 3 : i32
      %add3A_1463 = arith.addi %mul3A_1382, %add3A_1462 : i32
      %add3A_1464 = arith.constant 1 : i32
      %add3A_1465 = arith.addi %add3A_1463, %add3A_1464 : i32
      %dma_start3A_1466 = arith.constant 0 : i32
      %dma_start3A_1467 = arith.constant 0 : i32
      %dma_start3A_1468 = tpu.memref_slice %arg10[%dma_start3A_1466, %dma_start3A_1467] : memref<80x128xf32, #tpu.memory_space<vmem>> -> memref<40x128xf32, #tpu.memory_space<vmem>>
      %dma_start3A_1469 = arith.constant 0 : i32
      %dma_start3A_1470 = tpu.memref_slice %arg7[%add3A_1465, %dma_start3A_1469] : memref<25x80xi32, #tpu.memory_space<vmem>> -> memref<1x40xi32, #tpu.memory_space<vmem>>
      %dma_start3A_1471 = tpu.memref_squeeze %dma_start3A_1470 : memref<1x40xi32, #tpu.memory_space<vmem>> -> memref<40xi32, #tpu.memory_space<vmem>>
      %dma_start3A_1472 = arith.constant 0 : i32
      %dma_start3A_1473 = arith.constant 0 : i32
      %dma_start3A_1474 = tpu.memref_slice %arg2[%dma_start3A_1472, %dma_start3A_1473] : memref<10000x128xf32, #tpu.memory_space<hbm>> -> memref<10000x128xf32, #tpu.memory_space<hbm>>
      tpu.enqueue_indirect_dma source(%dma_start3A_1474 : memref<10000x128xf32, #tpu.memory_space<hbm>>) target(%dma_start3A_1468 : memref<40x128xf32, #tpu.memory_space<vmem>>) offsets(%dma_start3A_1471 : memref<40xi32, #tpu.memory_space<vmem>>) semaphore(%arg14 : memref<!tpu.dma_semaphore, #tpu.memory_space<semaphore_mem>>)
      %dma_start3A_1475 = arith.constant 40 : i32
      %dma_start3A_1476 = arith.constant 0 : i32
      %dma_start3A_1477 = tpu.memref_slice %arg10[%dma_start3A_1475, %dma_start3A_1476] : memref<80x128xf32, #tpu.memory_space<vmem>> -> memref<40x128xf32, #tpu.memory_space<vmem>>
      %dma_start3A_1478 = arith.constant 40 : i32
      %dma_start3A_1479 = tpu.memref_slice %arg7[%add3A_1465, %dma_start3A_1478] : memref<25x80xi32, #tpu.memory_space<vmem>> -> memref<1x40xi32, #tpu.memory_space<vmem>>
      %dma_start3A_1480 = tpu.memref_squeeze %dma_start3A_1479 : memref<1x40xi32, #tpu.memory_space<vmem>> -> memref<40xi32, #tpu.memory_space<vmem>>
      %dma_start3A_1481 = arith.constant 0 : i32
      %dma_start3A_1482 = arith.constant 0 : i32
      %dma_start3A_1483 = tpu.memref_slice %arg2[%dma_start3A_1481, %dma_start3A_1482] : memref<10000x128xf32, #tpu.memory_space<hbm>> -> memref<10000x128xf32, #tpu.memory_space<hbm>>
      tpu.enqueue_indirect_dma source(%dma_start3A_1483 : memref<10000x128xf32, #tpu.memory_space<hbm>>) target(%dma_start3A_1477 : memref<40x128xf32, #tpu.memory_space<vmem>>) offsets(%dma_start3A_1480 : memref<40xi32, #tpu.memory_space<vmem>>) semaphore(%arg14 : memref<!tpu.dma_semaphore, #tpu.memory_space<semaphore_mem>>)
      %dma_wait3A_1484 = arith.constant 0 : i32
      %dma_wait3A_1485 = tpu.memref_slice %arg8[%add3A_1421, %dma_wait3A_1484] : memref<25x80xi32, #tpu.memory_space<vmem>> -> memref<1x80xi32, #tpu.memory_space<vmem>>
      %dma_wait3A_1486 = tpu.memref_squeeze %dma_wait3A_1485 : memref<1x80xi32, #tpu.memory_space<vmem>> -> memref<80xi32, #tpu.memory_space<vmem>>
      %dma_wait3A_1487 = arith.constant 0 : i32
      %dma_wait3A_1488 = arith.constant 0 : i32
      %dma_wait3A_1489 = tpu.memref_slice %arg6[%dma_wait3A_1487, %dma_wait3A_1488] : memref<10000x128xf32, #tpu.memory_space<vmem_shared>> -> memref<10000x128xf32, #tpu.memory_space<vmem_shared>>
      tpu.wait_indirect_dma semaphore(%arg18 : memref<!tpu.dma_semaphore, #tpu.memory_space<semaphore_mem>>) src(%arg11 : memref<80x128xf32, #tpu.memory_space<vmem>>) dst(%dma_wait3A_1489 : memref<10000x128xf32, #tpu.memory_space<vmem_shared>>)
      %add3A_1490 = arith.constant 3 : i32
      %add3A_1491 = arith.addi %mul3A_1382, %add3A_1490 : i32
      %add3A_1492 = arith.constant 2 : i32
      %add3A_1493 = arith.addi %add3A_1491, %add3A_1492 : i32
      %dma_start3A_1494 = arith.constant 0 : i32
      %dma_start3A_1495 = arith.constant 0 : i32
      %dma_start3A_1496 = tpu.memref_slice %arg11[%dma_start3A_1494, %dma_start3A_1495] : memref<80x128xf32, #tpu.memory_space<vmem>> -> memref<40x128xf32, #tpu.memory_space<vmem>>
      %dma_start3A_1497 = arith.constant 0 : i32
      %dma_start3A_1498 = tpu.memref_slice %arg7[%add3A_1493, %dma_start3A_1497] : memref<25x80xi32, #tpu.memory_space<vmem>> -> memref<1x40xi32, #tpu.memory_space<vmem>>
      %dma_start3A_1499 = tpu.memref_squeeze %dma_start3A_1498 : memref<1x40xi32, #tpu.memory_space<vmem>> -> memref<40xi32, #tpu.memory_space<vmem>>
      %dma_start3A_1500 = arith.constant 0 : i32
      %dma_start3A_1501 = arith.constant 0 : i32
      %dma_start3A_1502 = tpu.memref_slice %arg2[%dma_start3A_1500, %dma_start3A_1501] : memref<10000x128xf32, #tpu.memory_space<hbm>> -> memref<10000x128xf32, #tpu.memory_space<hbm>>
      tpu.enqueue_indirect_dma source(%dma_start3A_1502 : memref<10000x128xf32, #tpu.memory_space<hbm>>) target(%dma_start3A_1496 : memref<40x128xf32, #tpu.memory_space<vmem>>) offsets(%dma_start3A_1499 : memref<40xi32, #tpu.memory_space<vmem>>) semaphore(%arg15 : memref<!tpu.dma_semaphore, #tpu.memory_space<semaphore_mem>>)
      %dma_start3A_1503 = arith.constant 40 : i32
      %dma_start3A_1504 = arith.constant 0 : i32
      %dma_start3A_1505 = tpu.memref_slice %arg11[%dma_start3A_1503, %dma_start3A_1504] : memref<80x128xf32, #tpu.memory_space<vmem>> -> memref<40x128xf32, #tpu.memory_space<vmem>>
      %dma_start3A_1506 = arith.constant 40 : i32
      %dma_start3A_1507 = tpu.memref_slice %arg7[%add3A_1493, %dma_start3A_1506] : memref<25x80xi32, #tpu.memory_space<vmem>> -> memref<1x40xi32, #tpu.memory_space<vmem>>
      %dma_start3A_1508 = tpu.memref_squeeze %dma_start3A_1507 : memref<1x40xi32, #tpu.memory_space<vmem>> -> memref<40xi32, #tpu.memory_space<vmem>>
      %dma_start3A_1509 = arith.constant 0 : i32
      %dma_start3A_1510 = arith.constant 0 : i32
      %dma_start3A_1511 = tpu.memref_slice %arg2[%dma_start3A_1509, %dma_start3A_1510] : memref<10000x128xf32, #tpu.memory_space<hbm>> -> memref<10000x128xf32, #tpu.memory_space<hbm>>
      tpu.enqueue_indirect_dma source(%dma_start3A_1511 : memref<10000x128xf32, #tpu.memory_space<hbm>>) target(%dma_start3A_1505 : memref<40x128xf32, #tpu.memory_space<vmem>>) offsets(%dma_start3A_1508 : memref<40xi32, #tpu.memory_space<vmem>>) semaphore(%arg15 : memref<!tpu.dma_semaphore, #tpu.memory_space<semaphore_mem>>)
    }
    %scan3A_575 = arith.constant 7 : i32
    %dma_wait3A_576 = arith.constant 0 : i32
    %dma_wait3A_577 = arith.constant 0 : i32
    %dma_wait3A_578 = tpu.memref_slice %arg7[%dma_wait3A_576, %dma_wait3A_577] : memref<25x80xi32, #tpu.memory_space<vmem>> -> memref<1x80xi32, #tpu.memory_space<vmem>>
    %dma_wait3A_579 = tpu.memref_squeeze %dma_wait3A_578 : memref<1x80xi32, #tpu.memory_space<vmem>> -> memref<80xi32, #tpu.memory_space<vmem>>
    %dma_wait3A_580 = arith.constant 0 : i32
    %dma_wait3A_581 = arith.constant 0 : i32
    %dma_wait3A_582 = tpu.memref_slice %arg2[%dma_wait3A_580, %dma_wait3A_581] : memref<10000x128xf32, #tpu.memory_space<hbm>> -> memref<10000x128xf32, #tpu.memory_space<hbm>>
    tpu.wait_indirect_dma semaphore(%arg13 : memref<!tpu.dma_semaphore, #tpu.memory_space<semaphore_mem>>) src(%dma_wait3A_582 : memref<10000x128xf32, #tpu.memory_space<hbm>>) dst(%arg9 : memref<80x128xf32, #tpu.memory_space<vmem>>)
    %dma_start3A_583 = arith.constant 21 : i32
    %dma_start3A_584 = arith.constant 0 : i32
    %dma_start3A_585 = tpu.memref_slice %arg8[%dma_start3A_583, %dma_start3A_584] : memref<25x80xi32, #tpu.memory_space<vmem>> -> memref<1x80xi32, #tpu.memory_space<vmem>>
    %dma_start3A_586 = tpu.memref_squeeze %dma_start3A_585 : memref<1x80xi32, #tpu.memory_space<vmem>> -> memref<80xi32, #tpu.memory_space<vmem>>
    %dma_start3A_587 = arith.constant 0 : i32
    %dma_start3A_588 = arith.constant 0 : i32
    %dma_start3A_589 = tpu.memref_slice %arg6[%dma_start3A_587, %dma_start3A_588] : memref<10000x128xf32, #tpu.memory_space<vmem_shared>> -> memref<10000x128xf32, #tpu.memory_space<vmem_shared>>
    tpu.enqueue_indirect_dma source(%arg9 : memref<80x128xf32, #tpu.memory_space<vmem>>) target(%dma_start3A_589 : memref<10000x128xf32, #tpu.memory_space<vmem_shared>>) offsets(%dma_start3A_586 : memref<80xi32, #tpu.memory_space<vmem>>) semaphore(%arg16 : memref<!tpu.dma_semaphore, #tpu.memory_space<semaphore_mem>>) {add = true}
    %dma_wait3A_590 = arith.constant 0 : i32
    %dma_wait3A_591 = arith.constant 0 : i32
    %dma_wait3A_592 = tpu.memref_slice %arg7[%dma_wait3A_590, %dma_wait3A_591] : memref<25x80xi32, #tpu.memory_space<vmem>> -> memref<1x80xi32, #tpu.memory_space<vmem>>
    %dma_wait3A_593 = tpu.memref_squeeze %dma_wait3A_592 : memref<1x80xi32, #tpu.memory_space<vmem>> -> memref<80xi32, #tpu.memory_space<vmem>>
    %dma_wait3A_594 = arith.constant 0 : i32
    %dma_wait3A_595 = arith.constant 0 : i32
    %dma_wait3A_596 = tpu.memref_slice %arg2[%dma_wait3A_594, %dma_wait3A_595] : memref<10000x128xf32, #tpu.memory_space<hbm>> -> memref<10000x128xf32, #tpu.memory_space<hbm>>
    tpu.wait_indirect_dma semaphore(%arg14 : memref<!tpu.dma_semaphore, #tpu.memory_space<semaphore_mem>>) src(%dma_wait3A_596 : memref<10000x128xf32, #tpu.memory_space<hbm>>) dst(%arg10 : memref<80x128xf32, #tpu.memory_space<vmem>>)
    %dma_start3A_597 = arith.constant 22 : i32
    %dma_start3A_598 = arith.constant 0 : i32
    %dma_start3A_599 = tpu.memref_slice %arg8[%dma_start3A_597, %dma_start3A_598] : memref<25x80xi32, #tpu.memory_space<vmem>> -> memref<1x80xi32, #tpu.memory_space<vmem>>
    %dma_start3A_600 = tpu.memref_squeeze %dma_start3A_599 : memref<1x80xi32, #tpu.memory_space<vmem>> -> memref<80xi32, #tpu.memory_space<vmem>>
    %dma_start3A_601 = arith.constant 0 : i32
    %dma_start3A_602 = arith.constant 0 : i32
    %dma_start3A_603 = tpu.memref_slice %arg6[%dma_start3A_601, %dma_start3A_602] : memref<10000x128xf32, #tpu.memory_space<vmem_shared>> -> memref<10000x128xf32, #tpu.memory_space<vmem_shared>>
    tpu.enqueue_indirect_dma source(%arg10 : memref<80x128xf32, #tpu.memory_space<vmem>>) target(%dma_start3A_603 : memref<10000x128xf32, #tpu.memory_space<vmem_shared>>) offsets(%dma_start3A_600 : memref<80xi32, #tpu.memory_space<vmem>>) semaphore(%arg17 : memref<!tpu.dma_semaphore, #tpu.memory_space<semaphore_mem>>) {add = true}
    %dma_wait3A_604 = arith.constant 0 : i32
    %dma_wait3A_605 = arith.constant 0 : i32
    %dma_wait3A_606 = tpu.memref_slice %arg7[%dma_wait3A_604, %dma_wait3A_605] : memref<25x80xi32, #tpu.memory_space<vmem>> -> memref<1x80xi32, #tpu.memory_space<vmem>>
    %dma_wait3A_607 = tpu.memref_squeeze %dma_wait3A_606 : memref<1x80xi32, #tpu.memory_space<vmem>> -> memref<80xi32, #tpu.memory_space<vmem>>
    %dma_wait3A_608 = arith.constant 0 : i32
    %dma_wait3A_609 = arith.constant 0 : i32
    %dma_wait3A_610 = tpu.memref_slice %arg2[%dma_wait3A_608, %dma_wait3A_609] : memref<10000x128xf32, #tpu.memory_space<hbm>> -> memref<10000x128xf32, #tpu.memory_space<hbm>>
    tpu.wait_indirect_dma semaphore(%arg15 : memref<!tpu.dma_semaphore, #tpu.memory_space<semaphore_mem>>) src(%dma_wait3A_610 : memref<10000x128xf32, #tpu.memory_space<hbm>>) dst(%arg11 : memref<80x128xf32, #tpu.memory_space<vmem>>)
    %dma_start3A_611 = arith.constant 23 : i32
    %dma_start3A_612 = arith.constant 0 : i32
    %dma_start3A_613 = tpu.memref_slice %arg8[%dma_start3A_611, %dma_start3A_612] : memref<25x80xi32, #tpu.memory_space<vmem>> -> memref<1x80xi32, #tpu.memory_space<vmem>>
    %dma_start3A_614 = tpu.memref_squeeze %dma_start3A_613 : memref<1x80xi32, #tpu.memory_space<vmem>> -> memref<80xi32, #tpu.memory_space<vmem>>
    %dma_start3A_615 = arith.constant 0 : i32
    %dma_start3A_616 = arith.constant 0 : i32
    %dma_start3A_617 = tpu.memref_slice %arg6[%dma_start3A_615, %dma_start3A_616] : memref<10000x128xf32, #tpu.memory_space<vmem_shared>> -> memref<10000x128xf32, #tpu.memory_space<vmem_shared>>
    tpu.enqueue_indirect_dma source(%arg11 : memref<80x128xf32, #tpu.memory_space<vmem>>) target(%dma_start3A_617 : memref<10000x128xf32, #tpu.memory_space<vmem_shared>>) offsets(%dma_start3A_614 : memref<80xi32, #tpu.memory_space<vmem>>) semaphore(%arg18 : memref<!tpu.dma_semaphore, #tpu.memory_space<semaphore_mem>>) {add = true}
    %dma_wait3A_618 = arith.constant 21 : i32
    %dma_wait3A_619 = arith.constant 0 : i32
    %dma_wait3A_620 = tpu.memref_slice %arg8[%dma_wait3A_618, %dma_wait3A_619] : memref<25x80xi32, #tpu.memory_space<vmem>> -> memref<1x80xi32, #tpu.memory_space<vmem>>
    %dma_wait3A_621 = tpu.memref_squeeze %dma_wait3A_620 : memref<1x80xi32, #tpu.memory_space<vmem>> -> memref<80xi32, #tpu.memory_space<vmem>>
    %dma_wait3A_622 = arith.constant 0 : i32
    %dma_wait3A_623 = arith.constant 0 : i32
    %dma_wait3A_624 = tpu.memref_slice %arg6[%dma_wait3A_622, %dma_wait3A_623] : memref<10000x128xf32, #tpu.memory_space<vmem_shared>> -> memref<10000x128xf32, #tpu.memory_space<vmem_shared>>
    tpu.wait_indirect_dma semaphore(%arg16 : memref<!tpu.dma_semaphore, #tpu.memory_space<semaphore_mem>>) src(%arg9 : memref<80x128xf32, #tpu.memory_space<vmem>>) dst(%dma_wait3A_624 : memref<10000x128xf32, #tpu.memory_space<vmem_shared>>)
    %dma_start3A_625 = arith.constant 24 : i32
    %dma_start3A_626 = arith.constant 0 : i32
    %dma_start3A_627 = arith.constant 0 : i32
    %dma_start3A_628 = tpu.memref_slice %arg9[%dma_start3A_626, %dma_start3A_627] : memref<80x128xf32, #tpu.memory_space<vmem>> -> memref<40x128xf32, #tpu.memory_space<vmem>>
    %dma_start3A_629 = arith.constant 0 : i32
    %dma_start3A_630 = tpu.memref_slice %arg7[%dma_start3A_625, %dma_start3A_629] : memref<25x80xi32, #tpu.memory_space<vmem>> -> memref<1x40xi32, #tpu.memory_space<vmem>>
    %dma_start3A_631 = tpu.memref_squeeze %dma_start3A_630 : memref<1x40xi32, #tpu.memory_space<vmem>> -> memref<40xi32, #tpu.memory_space<vmem>>
    %dma_start3A_632 = arith.constant 0 : i32
    %dma_start3A_633 = arith.constant 0 : i32
    %dma_start3A_634 = tpu.memref_slice %arg2[%dma_start3A_632, %dma_start3A_633] : memref<10000x128xf32, #tpu.memory_space<hbm>> -> memref<10000x128xf32, #tpu.memory_space<hbm>>
    tpu.enqueue_indirect_dma source(%dma_start3A_634 : memref<10000x128xf32, #tpu.memory_space<hbm>>) target(%dma_start3A_628 : memref<40x128xf32, #tpu.memory_space<vmem>>) offsets(%dma_start3A_631 : memref<40xi32, #tpu.memory_space<vmem>>) semaphore(%arg13 : memref<!tpu.dma_semaphore, #tpu.memory_space<semaphore_mem>>)
    %dma_start3A_635 = arith.constant 24 : i32
    %dma_start3A_636 = arith.constant 40 : i32
    %dma_start3A_637 = arith.constant 0 : i32
    %dma_start3A_638 = tpu.memref_slice %arg9[%dma_start3A_636, %dma_start3A_637] : memref<80x128xf32, #tpu.memory_space<vmem>> -> memref<40x128xf32, #tpu.memory_space<vmem>>
    %dma_start3A_639 = arith.constant 40 : i32
    %dma_start3A_640 = tpu.memref_slice %arg7[%dma_start3A_635, %dma_start3A_639] : memref<25x80xi32, #tpu.memory_space<vmem>> -> memref<1x40xi32, #tpu.memory_space<vmem>>
    %dma_start3A_641 = tpu.memref_squeeze %dma_start3A_640 : memref<1x40xi32, #tpu.memory_space<vmem>> -> memref<40xi32, #tpu.memory_space<vmem>>
    %dma_start3A_642 = arith.constant 0 : i32
    %dma_start3A_643 = arith.constant 0 : i32
    %dma_start3A_644 = tpu.memref_slice %arg2[%dma_start3A_642, %dma_start3A_643] : memref<10000x128xf32, #tpu.memory_space<hbm>> -> memref<10000x128xf32, #tpu.memory_space<hbm>>
    tpu.enqueue_indirect_dma source(%dma_start3A_644 : memref<10000x128xf32, #tpu.memory_space<hbm>>) target(%dma_start3A_638 : memref<40x128xf32, #tpu.memory_space<vmem>>) offsets(%dma_start3A_641 : memref<40xi32, #tpu.memory_space<vmem>>) semaphore(%arg13 : memref<!tpu.dma_semaphore, #tpu.memory_space<semaphore_mem>>)
    %dma_wait3A_645 = arith.constant 22 : i32
    %dma_wait3A_646 = arith.constant 0 : i32
    %dma_wait3A_647 = tpu.memref_slice %arg8[%dma_wait3A_645, %dma_wait3A_646] : memref<25x80xi32, #tpu.memory_space<vmem>> -> memref<1x80xi32, #tpu.memory_space<vmem>>
    %dma_wait3A_648 = tpu.memref_squeeze %dma_wait3A_647 : memref<1x80xi32, #tpu.memory_space<vmem>> -> memref<80xi32, #tpu.memory_space<vmem>>
    %dma_wait3A_649 = arith.constant 0 : i32
    %dma_wait3A_650 = arith.constant 0 : i32
    %dma_wait3A_651 = tpu.memref_slice %arg6[%dma_wait3A_649, %dma_wait3A_650] : memref<10000x128xf32, #tpu.memory_space<vmem_shared>> -> memref<10000x128xf32, #tpu.memory_space<vmem_shared>>
    tpu.wait_indirect_dma semaphore(%arg17 : memref<!tpu.dma_semaphore, #tpu.memory_space<semaphore_mem>>) src(%arg10 : memref<80x128xf32, #tpu.memory_space<vmem>>) dst(%dma_wait3A_651 : memref<10000x128xf32, #tpu.memory_space<vmem_shared>>)
    %dma_wait3A_652 = arith.constant 23 : i32
    %dma_wait3A_653 = arith.constant 0 : i32
    %dma_wait3A_654 = tpu.memref_slice %arg8[%dma_wait3A_652, %dma_wait3A_653] : memref<25x80xi32, #tpu.memory_space<vmem>> -> memref<1x80xi32, #tpu.memory_space<vmem>>
    %dma_wait3A_655 = tpu.memref_squeeze %dma_wait3A_654 : memref<1x80xi32, #tpu.memory_space<vmem>> -> memref<80xi32, #tpu.memory_space<vmem>>
    %dma_wait3A_656 = arith.constant 0 : i32
    %dma_wait3A_657 = arith.constant 0 : i32
    %dma_wait3A_658 = tpu.memref_slice %arg6[%dma_wait3A_656, %dma_wait3A_657] : memref<10000x128xf32, #tpu.memory_space<vmem_shared>> -> memref<10000x128xf32, #tpu.memory_space<vmem_shared>>
    tpu.wait_indirect_dma semaphore(%arg18 : memref<!tpu.dma_semaphore, #tpu.memory_space<semaphore_mem>>) src(%arg11 : memref<80x128xf32, #tpu.memory_space<vmem>>) dst(%dma_wait3A_658 : memref<10000x128xf32, #tpu.memory_space<vmem_shared>>)
    %dma_wait3A_659 = arith.constant 0 : i32
    %dma_wait3A_660 = arith.constant 0 : i32
    %dma_wait3A_661 = tpu.memref_slice %arg7[%dma_wait3A_659, %dma_wait3A_660] : memref<25x80xi32, #tpu.memory_space<vmem>> -> memref<1x80xi32, #tpu.memory_space<vmem>>
    %dma_wait3A_662 = tpu.memref_squeeze %dma_wait3A_661 : memref<1x80xi32, #tpu.memory_space<vmem>> -> memref<80xi32, #tpu.memory_space<vmem>>
    %dma_wait3A_663 = arith.constant 0 : i32
    %dma_wait3A_664 = arith.constant 0 : i32
    %dma_wait3A_665 = tpu.memref_slice %arg2[%dma_wait3A_663, %dma_wait3A_664] : memref<10000x128xf32, #tpu.memory_space<hbm>> -> memref<10000x128xf32, #tpu.memory_space<hbm>>
    tpu.wait_indirect_dma semaphore(%arg13 : memref<!tpu.dma_semaphore, #tpu.memory_space<semaphore_mem>>) src(%dma_wait3A_665 : memref<10000x128xf32, #tpu.memory_space<hbm>>) dst(%arg9 : memref<80x128xf32, #tpu.memory_space<vmem>>)
    %dma_start3A_666 = arith.constant 24 : i32
    %dma_start3A_667 = arith.constant 0 : i32
    %dma_start3A_668 = tpu.memref_slice %arg8[%dma_start3A_666, %dma_start3A_667] : memref<25x80xi32, #tpu.memory_space<vmem>> -> memref<1x80xi32, #tpu.memory_space<vmem>>
    %dma_start3A_669 = tpu.memref_squeeze %dma_start3A_668 : memref<1x80xi32, #tpu.memory_space<vmem>> -> memref<80xi32, #tpu.memory_space<vmem>>
    %dma_start3A_670 = arith.constant 0 : i32
    %dma_start3A_671 = arith.constant 0 : i32
    %dma_start3A_672 = tpu.memref_slice %arg6[%dma_start3A_670, %dma_start3A_671] : memref<10000x128xf32, #tpu.memory_space<vmem_shared>> -> memref<10000x128xf32, #tpu.memory_space<vmem_shared>>
    tpu.enqueue_indirect_dma source(%arg9 : memref<80x128xf32, #tpu.memory_space<vmem>>) target(%dma_start3A_672 : memref<10000x128xf32, #tpu.memory_space<vmem_shared>>) offsets(%dma_start3A_669 : memref<80xi32, #tpu.memory_space<vmem>>) semaphore(%arg16 : memref<!tpu.dma_semaphore, #tpu.memory_space<semaphore_mem>>) {add = true}
    %dma_wait3A_673 = arith.constant 24 : i32
    %dma_wait3A_674 = arith.constant 0 : i32
    %dma_wait3A_675 = tpu.memref_slice %arg8[%dma_wait3A_673, %dma_wait3A_674] : memref<25x80xi32, #tpu.memory_space<vmem>> -> memref<1x80xi32, #tpu.memory_space<vmem>>
    %dma_wait3A_676 = tpu.memref_squeeze %dma_wait3A_675 : memref<1x80xi32, #tpu.memory_space<vmem>> -> memref<80xi32, #tpu.memory_space<vmem>>
    %dma_wait3A_677 = arith.constant 0 : i32
    %dma_wait3A_678 = arith.constant 0 : i32
    %dma_wait3A_679 = tpu.memref_slice %arg6[%dma_wait3A_677, %dma_wait3A_678] : memref<10000x128xf32, #tpu.memory_space<vmem_shared>> -> memref<10000x128xf32, #tpu.memory_space<vmem_shared>>
    tpu.wait_indirect_dma semaphore(%arg16 : memref<!tpu.dma_semaphore, #tpu.memory_space<semaphore_mem>>) src(%arg9 : memref<80x128xf32, #tpu.memory_space<vmem>>) dst(%dma_wait3A_679 : memref<10000x128xf32, #tpu.memory_space<vmem_shared>>)
    %run_scoped3A = arith.constant 1 : i32
    "tpu.region"() ({
      %run_scoped3A_1380 = tpu.sem_alloc : memref<!tpu.dma_semaphore, #tpu.memory_space<semaphore_mem>>
      %dma_start3A_1381 = arith.constant 0 : i32
      %dma_start3A_1382 = arith.constant 0 : i32
      %dma_start3A_1383 = tpu.memref_slice %arg3[%add3A, %run_scoped3A, %dma_start3A_1381, %dma_start3A_1382] : memref<32x5x25x80xi32, #tpu.memory_space<hbm>> -> memref<1x1x25x80xi32, #tpu.memory_space<hbm>>
      %dma_start3A_1384 = tpu.memref_squeeze %dma_start3A_1383 : memref<1x1x25x80xi32, #tpu.memory_space<hbm>> -> memref<25x80xi32, #tpu.memory_space<hbm>>
      %dma_start3A_1385 = arith.constant 0 : i32
      %dma_start3A_1386 = arith.constant 0 : i32
      %dma_start3A_1387 = tpu.memref_slice %arg3[%add3A, %run_scoped3A, %dma_start3A_1385, %dma_start3A_1386] : memref<32x5x25x80xi32, #tpu.memory_space<hbm>> -> memref<1x1x25x80xi32, #tpu.memory_space<hbm>>
      %dma_start3A_1388 = tpu.memref_squeeze %dma_start3A_1387 : memref<1x1x25x80xi32, #tpu.memory_space<hbm>> -> memref<25x80xi32, #tpu.memory_space<hbm>>
      tpu.enqueue_dma source(%dma_start3A_1388 : memref<25x80xi32, #tpu.memory_space<hbm>>) target(%arg7 : memref<25x80xi32, #tpu.memory_space<vmem>>) target_semaphore(%run_scoped3A_1380 : memref<!tpu.dma_semaphore, #tpu.memory_space<semaphore_mem>>)
      %dma_wait3A_1389 = arith.constant 0 : i32
      %dma_wait3A_1390 = arith.constant 0 : i32
      %dma_wait3A_1391 = tpu.memref_slice %arg3[%add3A, %run_scoped3A, %dma_wait3A_1389, %dma_wait3A_1390] : memref<32x5x25x80xi32, #tpu.memory_space<hbm>> -> memref<1x1x25x80xi32, #tpu.memory_space<hbm>>
      %dma_wait3A_1392 = tpu.memref_squeeze %dma_wait3A_1391 : memref<1x1x25x80xi32, #tpu.memory_space<hbm>> -> memref<25x80xi32, #tpu.memory_space<hbm>>
      %dma_wait3A_1393 = arith.constant 0 : i32
      %dma_wait3A_1394 = arith.constant 0 : i32
      %dma_wait3A_1395 = tpu.memref_slice %arg3[%add3A, %run_scoped3A, %dma_wait3A_1393, %dma_wait3A_1394] : memref<32x5x25x80xi32, #tpu.memory_space<hbm>> -> memref<1x1x25x80xi32, #tpu.memory_space<hbm>>
      %dma_wait3A_1396 = tpu.memref_squeeze %dma_wait3A_1395 : memref<1x1x25x80xi32, #tpu.memory_space<hbm>> -> memref<25x80xi32, #tpu.memory_space<hbm>>
      tpu.wait_dma2 semaphore(%run_scoped3A_1380 : memref<!tpu.dma_semaphore, #tpu.memory_space<semaphore_mem>>) src(%dma_wait3A_1396 : memref<25x80xi32, #tpu.memory_space<hbm>>) dst(%arg7 : memref<25x80xi32, #tpu.memory_space<vmem>>)
      tpu.yield
    }) : () -> ()
    %run_scoped3A_680 = arith.constant 1 : i32
    "tpu.region"() ({
      %run_scoped3A_1380 = tpu.sem_alloc : memref<!tpu.dma_semaphore, #tpu.memory_space<semaphore_mem>>
      %dma_start3A_1381 = arith.constant 0 : i32
      %dma_start3A_1382 = arith.constant 0 : i32
      %dma_start3A_1383 = tpu.memref_slice %arg4[%add3A, %run_scoped3A_680, %dma_start3A_1381, %dma_start3A_1382] : memref<32x5x25x80xi32, #tpu.memory_space<hbm>> -> memref<1x1x25x80xi32, #tpu.memory_space<hbm>>
      %dma_start3A_1384 = tpu.memref_squeeze %dma_start3A_1383 : memref<1x1x25x80xi32, #tpu.memory_space<hbm>> -> memref<25x80xi32, #tpu.memory_space<hbm>>
      %dma_start3A_1385 = arith.constant 0 : i32
      %dma_start3A_1386 = arith.constant 0 : i32
      %dma_start3A_1387 = tpu.memref_slice %arg4[%add3A, %run_scoped3A_680, %dma_start3A_1385, %dma_start3A_1386] : memref<32x5x25x80xi32, #tpu.memory_space<hbm>> -> memref<1x1x25x80xi32, #tpu.memory_space<hbm>>
      %dma_start3A_1388 = tpu.memref_squeeze %dma_start3A_1387 : memref<1x1x25x80xi32, #tpu.memory_space<hbm>> -> memref<25x80xi32, #tpu.memory_space<hbm>>
      tpu.enqueue_dma source(%dma_start3A_1388 : memref<25x80xi32, #tpu.memory_space<hbm>>) target(%arg8 : memref<25x80xi32, #tpu.memory_space<vmem>>) target_semaphore(%run_scoped3A_1380 : memref<!tpu.dma_semaphore, #tpu.memory_space<semaphore_mem>>)
      %dma_wait3A_1389 = arith.constant 0 : i32
      %dma_wait3A_1390 = arith.constant 0 : i32
      %dma_wait3A_1391 = tpu.memref_slice %arg4[%add3A, %run_scoped3A_680, %dma_wait3A_1389, %dma_wait3A_1390] : memref<32x5x25x80xi32, #tpu.memory_space<hbm>> -> memref<1x1x25x80xi32, #tpu.memory_space<hbm>>
      %dma_wait3A_1392 = tpu.memref_squeeze %dma_wait3A_1391 : memref<1x1x25x80xi32, #tpu.memory_space<hbm>> -> memref<25x80xi32, #tpu.memory_space<hbm>>
      %dma_wait3A_1393 = arith.constant 0 : i32
      %dma_wait3A_1394 = arith.constant 0 : i32
      %dma_wait3A_1395 = tpu.memref_slice %arg4[%add3A, %run_scoped3A_680, %dma_wait3A_1393, %dma_wait3A_1394] : memref<32x5x25x80xi32, #tpu.memory_space<hbm>> -> memref<1x1x25x80xi32, #tpu.memory_space<hbm>>
      %dma_wait3A_1396 = tpu.memref_squeeze %dma_wait3A_1395 : memref<1x1x25x80xi32, #tpu.memory_space<hbm>> -> memref<25x80xi32, #tpu.memory_space<hbm>>
      tpu.wait_dma2 semaphore(%run_scoped3A_1380 : memref<!tpu.dma_semaphore, #tpu.memory_space<semaphore_mem>>) src(%dma_wait3A_1396 : memref<25x80xi32, #tpu.memory_space<hbm>>) dst(%arg8 : memref<25x80xi32, #tpu.memory_space<vmem>>)
      tpu.yield
    }) : () -> ()
    %dma_start3A_681 = arith.constant 0 : i32
    %dma_start3A_682 = arith.constant 0 : i32
    %dma_start3A_683 = arith.constant 0 : i32
    %dma_start3A_684 = tpu.memref_slice %arg9[%dma_start3A_682, %dma_start3A_683] : memref<80x128xf32, #tpu.memory_space<vmem>> -> memref<40x128xf32, #tpu.memory_space<vmem>>
    %dma_start3A_685 = arith.constant 0 : i32
    %dma_start3A_686 = tpu.memref_slice %arg7[%dma_start3A_681, %dma_start3A_685] : memref<25x80xi32, #tpu.memory_space<vmem>> -> memref<1x40xi32, #tpu.memory_space<vmem>>
    %dma_start3A_687 = tpu.memref_squeeze %dma_start3A_686 : memref<1x40xi32, #tpu.memory_space<vmem>> -> memref<40xi32, #tpu.memory_space<vmem>>
    %dma_start3A_688 = arith.constant 0 : i32
    %dma_start3A_689 = arith.constant 0 : i32
    %dma_start3A_690 = tpu.memref_slice %arg2[%dma_start3A_688, %dma_start3A_689] : memref<10000x128xf32, #tpu.memory_space<hbm>> -> memref<10000x128xf32, #tpu.memory_space<hbm>>
    tpu.enqueue_indirect_dma source(%dma_start3A_690 : memref<10000x128xf32, #tpu.memory_space<hbm>>) target(%dma_start3A_684 : memref<40x128xf32, #tpu.memory_space<vmem>>) offsets(%dma_start3A_687 : memref<40xi32, #tpu.memory_space<vmem>>) semaphore(%arg13 : memref<!tpu.dma_semaphore, #tpu.memory_space<semaphore_mem>>)
    %dma_start3A_691 = arith.constant 0 : i32
    %dma_start3A_692 = arith.constant 40 : i32
    %dma_start3A_693 = arith.constant 0 : i32
    %dma_start3A_694 = tpu.memref_slice %arg9[%dma_start3A_692, %dma_start3A_693] : memref<80x128xf32, #tpu.memory_space<vmem>> -> memref<40x128xf32, #tpu.memory_space<vmem>>
    %dma_start3A_695 = arith.constant 40 : i32
    %dma_start3A_696 = tpu.memref_slice %arg7[%dma_start3A_691, %dma_start3A_695] : memref<25x80xi32, #tpu.memory_space<vmem>> -> memref<1x40xi32, #tpu.memory_space<vmem>>
    %dma_start3A_697 = tpu.memref_squeeze %dma_start3A_696 : memref<1x40xi32, #tpu.memory_space<vmem>> -> memref<40xi32, #tpu.memory_space<vmem>>
    %dma_start3A_698 = arith.constant 0 : i32
    %dma_start3A_699 = arith.constant 0 : i32
    %dma_start3A_700 = tpu.memref_slice %arg2[%dma_start3A_698, %dma_start3A_699] : memref<10000x128xf32, #tpu.memory_space<hbm>> -> memref<10000x128xf32, #tpu.memory_space<hbm>>
    tpu.enqueue_indirect_dma source(%dma_start3A_700 : memref<10000x128xf32, #tpu.memory_space<hbm>>) target(%dma_start3A_694 : memref<40x128xf32, #tpu.memory_space<vmem>>) offsets(%dma_start3A_697 : memref<40xi32, #tpu.memory_space<vmem>>) semaphore(%arg13 : memref<!tpu.dma_semaphore, #tpu.memory_space<semaphore_mem>>)
    %dma_start3A_701 = arith.constant 1 : i32
    %dma_start3A_702 = arith.constant 0 : i32
    %dma_start3A_703 = arith.constant 0 : i32
    %dma_start3A_704 = tpu.memref_slice %arg10[%dma_start3A_702, %dma_start3A_703] : memref<80x128xf32, #tpu.memory_space<vmem>> -> memref<40x128xf32, #tpu.memory_space<vmem>>
    %dma_start3A_705 = arith.constant 0 : i32
    %dma_start3A_706 = tpu.memref_slice %arg7[%dma_start3A_701, %dma_start3A_705] : memref<25x80xi32, #tpu.memory_space<vmem>> -> memref<1x40xi32, #tpu.memory_space<vmem>>
    %dma_start3A_707 = tpu.memref_squeeze %dma_start3A_706 : memref<1x40xi32, #tpu.memory_space<vmem>> -> memref<40xi32, #tpu.memory_space<vmem>>
    %dma_start3A_708 = arith.constant 0 : i32
    %dma_start3A_709 = arith.constant 0 : i32
    %dma_start3A_710 = tpu.memref_slice %arg2[%dma_start3A_708, %dma_start3A_709] : memref<10000x128xf32, #tpu.memory_space<hbm>> -> memref<10000x128xf32, #tpu.memory_space<hbm>>
    tpu.enqueue_indirect_dma source(%dma_start3A_710 : memref<10000x128xf32, #tpu.memory_space<hbm>>) target(%dma_start3A_704 : memref<40x128xf32, #tpu.memory_space<vmem>>) offsets(%dma_start3A_707 : memref<40xi32, #tpu.memory_space<vmem>>) semaphore(%arg14 : memref<!tpu.dma_semaphore, #tpu.memory_space<semaphore_mem>>)
    %dma_start3A_711 = arith.constant 1 : i32
    %dma_start3A_712 = arith.constant 40 : i32
    %dma_start3A_713 = arith.constant 0 : i32
    %dma_start3A_714 = tpu.memref_slice %arg10[%dma_start3A_712, %dma_start3A_713] : memref<80x128xf32, #tpu.memory_space<vmem>> -> memref<40x128xf32, #tpu.memory_space<vmem>>
    %dma_start3A_715 = arith.constant 40 : i32
    %dma_start3A_716 = tpu.memref_slice %arg7[%dma_start3A_711, %dma_start3A_715] : memref<25x80xi32, #tpu.memory_space<vmem>> -> memref<1x40xi32, #tpu.memory_space<vmem>>
    %dma_start3A_717 = tpu.memref_squeeze %dma_start3A_716 : memref<1x40xi32, #tpu.memory_space<vmem>> -> memref<40xi32, #tpu.memory_space<vmem>>
    %dma_start3A_718 = arith.constant 0 : i32
    %dma_start3A_719 = arith.constant 0 : i32
    %dma_start3A_720 = tpu.memref_slice %arg2[%dma_start3A_718, %dma_start3A_719] : memref<10000x128xf32, #tpu.memory_space<hbm>> -> memref<10000x128xf32, #tpu.memory_space<hbm>>
    tpu.enqueue_indirect_dma source(%dma_start3A_720 : memref<10000x128xf32, #tpu.memory_space<hbm>>) target(%dma_start3A_714 : memref<40x128xf32, #tpu.memory_space<vmem>>) offsets(%dma_start3A_717 : memref<40xi32, #tpu.memory_space<vmem>>) semaphore(%arg14 : memref<!tpu.dma_semaphore, #tpu.memory_space<semaphore_mem>>)
    %dma_start3A_721 = arith.constant 2 : i32
    %dma_start3A_722 = arith.constant 0 : i32
    %dma_start3A_723 = arith.constant 0 : i32
    %dma_start3A_724 = tpu.memref_slice %arg11[%dma_start3A_722, %dma_start3A_723] : memref<80x128xf32, #tpu.memory_space<vmem>> -> memref<40x128xf32, #tpu.memory_space<vmem>>
    %dma_start3A_725 = arith.constant 0 : i32
    %dma_start3A_726 = tpu.memref_slice %arg7[%dma_start3A_721, %dma_start3A_725] : memref<25x80xi32, #tpu.memory_space<vmem>> -> memref<1x40xi32, #tpu.memory_space<vmem>>
    %dma_start3A_727 = tpu.memref_squeeze %dma_start3A_726 : memref<1x40xi32, #tpu.memory_space<vmem>> -> memref<40xi32, #tpu.memory_space<vmem>>
    %dma_start3A_728 = arith.constant 0 : i32
    %dma_start3A_729 = arith.constant 0 : i32
    %dma_start3A_730 = tpu.memref_slice %arg2[%dma_start3A_728, %dma_start3A_729] : memref<10000x128xf32, #tpu.memory_space<hbm>> -> memref<10000x128xf32, #tpu.memory_space<hbm>>
    tpu.enqueue_indirect_dma source(%dma_start3A_730 : memref<10000x128xf32, #tpu.memory_space<hbm>>) target(%dma_start3A_724 : memref<40x128xf32, #tpu.memory_space<vmem>>) offsets(%dma_start3A_727 : memref<40xi32, #tpu.memory_space<vmem>>) semaphore(%arg15 : memref<!tpu.dma_semaphore, #tpu.memory_space<semaphore_mem>>)
    %dma_start3A_731 = arith.constant 2 : i32
    %dma_start3A_732 = arith.constant 40 : i32
    %dma_start3A_733 = arith.constant 0 : i32
    %dma_start3A_734 = tpu.memref_slice %arg11[%dma_start3A_732, %dma_start3A_733] : memref<80x128xf32, #tpu.memory_space<vmem>> -> memref<40x128xf32, #tpu.memory_space<vmem>>
    %dma_start3A_735 = arith.constant 40 : i32
    %dma_start3A_736 = tpu.memref_slice %arg7[%dma_start3A_731, %dma_start3A_735] : memref<25x80xi32, #tpu.memory_space<vmem>> -> memref<1x40xi32, #tpu.memory_space<vmem>>
    %dma_start3A_737 = tpu.memref_squeeze %dma_start3A_736 : memref<1x40xi32, #tpu.memory_space<vmem>> -> memref<40xi32, #tpu.memory_space<vmem>>
    %dma_start3A_738 = arith.constant 0 : i32
    %dma_start3A_739 = arith.constant 0 : i32
    %dma_start3A_740 = tpu.memref_slice %arg2[%dma_start3A_738, %dma_start3A_739] : memref<10000x128xf32, #tpu.memory_space<hbm>> -> memref<10000x128xf32, #tpu.memory_space<hbm>>
    tpu.enqueue_indirect_dma source(%dma_start3A_740 : memref<10000x128xf32, #tpu.memory_space<hbm>>) target(%dma_start3A_734 : memref<40x128xf32, #tpu.memory_space<vmem>>) offsets(%dma_start3A_737 : memref<40xi32, #tpu.memory_space<vmem>>) semaphore(%arg15 : memref<!tpu.dma_semaphore, #tpu.memory_space<semaphore_mem>>)
    %scan3A_741 = arith.constant 0 : i32
    %scan3A_742 = arith.constant 0 : i32
    %scan3A_743 = arith.constant 7 : i32
    %scan3A_744 = arith.addi %scan3A_742, %scan3A_743 : i32
    %scan3A_745 = arith.constant 1 : i32
    scf.for %scan3A_1380 = %scan3A_742 to %scan3A_744 step %scan3A_745  : i32 {
      %mul3A_1381 = arith.constant 3 : i32
      %mul3A_1382 = arith.muli %scan3A_1380, %mul3A_1381 : i32
      %dma_wait3A_1383 = arith.constant 0 : i32
      %dma_wait3A_1384 = arith.constant 0 : i32
      %dma_wait3A_1385 = tpu.memref_slice %arg7[%dma_wait3A_1383, %dma_wait3A_1384] : memref<25x80xi32, #tpu.memory_space<vmem>> -> memref<1x80xi32, #tpu.memory_space<vmem>>
      %dma_wait3A_1386 = tpu.memref_squeeze %dma_wait3A_1385 : memref<1x80xi32, #tpu.memory_space<vmem>> -> memref<80xi32, #tpu.memory_space<vmem>>
      %dma_wait3A_1387 = arith.constant 0 : i32
      %dma_wait3A_1388 = arith.constant 0 : i32
      %dma_wait3A_1389 = tpu.memref_slice %arg2[%dma_wait3A_1387, %dma_wait3A_1388] : memref<10000x128xf32, #tpu.memory_space<hbm>> -> memref<10000x128xf32, #tpu.memory_space<hbm>>
      tpu.wait_indirect_dma semaphore(%arg13 : memref<!tpu.dma_semaphore, #tpu.memory_space<semaphore_mem>>) src(%dma_wait3A_1389 : memref<10000x128xf32, #tpu.memory_space<hbm>>) dst(%arg9 : memref<80x128xf32, #tpu.memory_space<vmem>>)
      %add3A_1390 = arith.constant 0 : i32
      %add3A_1391 = arith.addi %mul3A_1382, %add3A_1390 : i32
      %dma_start3A_1392 = arith.constant 0 : i32
      %dma_start3A_1393 = tpu.memref_slice %arg8[%add3A_1391, %dma_start3A_1392] : memref<25x80xi32, #tpu.memory_space<vmem>> -> memref<1x80xi32, #tpu.memory_space<vmem>>
      %dma_start3A_1394 = tpu.memref_squeeze %dma_start3A_1393 : memref<1x80xi32, #tpu.memory_space<vmem>> -> memref<80xi32, #tpu.memory_space<vmem>>
      %dma_start3A_1395 = arith.constant 0 : i32
      %dma_start3A_1396 = arith.constant 0 : i32
      %dma_start3A_1397 = tpu.memref_slice %arg6[%dma_start3A_1395, %dma_start3A_1396] : memref<10000x128xf32, #tpu.memory_space<vmem_shared>> -> memref<10000x128xf32, #tpu.memory_space<vmem_shared>>
      tpu.enqueue_indirect_dma source(%arg9 : memref<80x128xf32, #tpu.memory_space<vmem>>) target(%dma_start3A_1397 : memref<10000x128xf32, #tpu.memory_space<vmem_shared>>) offsets(%dma_start3A_1394 : memref<80xi32, #tpu.memory_space<vmem>>) semaphore(%arg16 : memref<!tpu.dma_semaphore, #tpu.memory_space<semaphore_mem>>) {add = true}
      %dma_wait3A_1398 = arith.constant 0 : i32
      %dma_wait3A_1399 = arith.constant 0 : i32
      %dma_wait3A_1400 = tpu.memref_slice %arg7[%dma_wait3A_1398, %dma_wait3A_1399] : memref<25x80xi32, #tpu.memory_space<vmem>> -> memref<1x80xi32, #tpu.memory_space<vmem>>
      %dma_wait3A_1401 = tpu.memref_squeeze %dma_wait3A_1400 : memref<1x80xi32, #tpu.memory_space<vmem>> -> memref<80xi32, #tpu.memory_space<vmem>>
      %dma_wait3A_1402 = arith.constant 0 : i32
      %dma_wait3A_1403 = arith.constant 0 : i32
      %dma_wait3A_1404 = tpu.memref_slice %arg2[%dma_wait3A_1402, %dma_wait3A_1403] : memref<10000x128xf32, #tpu.memory_space<hbm>> -> memref<10000x128xf32, #tpu.memory_space<hbm>>
      tpu.wait_indirect_dma semaphore(%arg14 : memref<!tpu.dma_semaphore, #tpu.memory_space<semaphore_mem>>) src(%dma_wait3A_1404 : memref<10000x128xf32, #tpu.memory_space<hbm>>) dst(%arg10 : memref<80x128xf32, #tpu.memory_space<vmem>>)
      %add3A_1405 = arith.constant 1 : i32
      %add3A_1406 = arith.addi %mul3A_1382, %add3A_1405 : i32
      %dma_start3A_1407 = arith.constant 0 : i32
      %dma_start3A_1408 = tpu.memref_slice %arg8[%add3A_1406, %dma_start3A_1407] : memref<25x80xi32, #tpu.memory_space<vmem>> -> memref<1x80xi32, #tpu.memory_space<vmem>>
      %dma_start3A_1409 = tpu.memref_squeeze %dma_start3A_1408 : memref<1x80xi32, #tpu.memory_space<vmem>> -> memref<80xi32, #tpu.memory_space<vmem>>
      %dma_start3A_1410 = arith.constant 0 : i32
      %dma_start3A_1411 = arith.constant 0 : i32
      %dma_start3A_1412 = tpu.memref_slice %arg6[%dma_start3A_1410, %dma_start3A_1411] : memref<10000x128xf32, #tpu.memory_space<vmem_shared>> -> memref<10000x128xf32, #tpu.memory_space<vmem_shared>>
      tpu.enqueue_indirect_dma source(%arg10 : memref<80x128xf32, #tpu.memory_space<vmem>>) target(%dma_start3A_1412 : memref<10000x128xf32, #tpu.memory_space<vmem_shared>>) offsets(%dma_start3A_1409 : memref<80xi32, #tpu.memory_space<vmem>>) semaphore(%arg17 : memref<!tpu.dma_semaphore, #tpu.memory_space<semaphore_mem>>) {add = true}
      %dma_wait3A_1413 = arith.constant 0 : i32
      %dma_wait3A_1414 = arith.constant 0 : i32
      %dma_wait3A_1415 = tpu.memref_slice %arg7[%dma_wait3A_1413, %dma_wait3A_1414] : memref<25x80xi32, #tpu.memory_space<vmem>> -> memref<1x80xi32, #tpu.memory_space<vmem>>
      %dma_wait3A_1416 = tpu.memref_squeeze %dma_wait3A_1415 : memref<1x80xi32, #tpu.memory_space<vmem>> -> memref<80xi32, #tpu.memory_space<vmem>>
      %dma_wait3A_1417 = arith.constant 0 : i32
      %dma_wait3A_1418 = arith.constant 0 : i32
      %dma_wait3A_1419 = tpu.memref_slice %arg2[%dma_wait3A_1417, %dma_wait3A_1418] : memref<10000x128xf32, #tpu.memory_space<hbm>> -> memref<10000x128xf32, #tpu.memory_space<hbm>>
      tpu.wait_indirect_dma semaphore(%arg15 : memref<!tpu.dma_semaphore, #tpu.memory_space<semaphore_mem>>) src(%dma_wait3A_1419 : memref<10000x128xf32, #tpu.memory_space<hbm>>) dst(%arg11 : memref<80x128xf32, #tpu.memory_space<vmem>>)
      %add3A_1420 = arith.constant 2 : i32
      %add3A_1421 = arith.addi %mul3A_1382, %add3A_1420 : i32
      %dma_start3A_1422 = arith.constant 0 : i32
      %dma_start3A_1423 = tpu.memref_slice %arg8[%add3A_1421, %dma_start3A_1422] : memref<25x80xi32, #tpu.memory_space<vmem>> -> memref<1x80xi32, #tpu.memory_space<vmem>>
      %dma_start3A_1424 = tpu.memref_squeeze %dma_start3A_1423 : memref<1x80xi32, #tpu.memory_space<vmem>> -> memref<80xi32, #tpu.memory_space<vmem>>
      %dma_start3A_1425 = arith.constant 0 : i32
      %dma_start3A_1426 = arith.constant 0 : i32
      %dma_start3A_1427 = tpu.memref_slice %arg6[%dma_start3A_1425, %dma_start3A_1426] : memref<10000x128xf32, #tpu.memory_space<vmem_shared>> -> memref<10000x128xf32, #tpu.memory_space<vmem_shared>>
      tpu.enqueue_indirect_dma source(%arg11 : memref<80x128xf32, #tpu.memory_space<vmem>>) target(%dma_start3A_1427 : memref<10000x128xf32, #tpu.memory_space<vmem_shared>>) offsets(%dma_start3A_1424 : memref<80xi32, #tpu.memory_space<vmem>>) semaphore(%arg18 : memref<!tpu.dma_semaphore, #tpu.memory_space<semaphore_mem>>) {add = true}
      %dma_wait3A_1428 = arith.constant 0 : i32
      %dma_wait3A_1429 = tpu.memref_slice %arg8[%add3A_1391, %dma_wait3A_1428] : memref<25x80xi32, #tpu.memory_space<vmem>> -> memref<1x80xi32, #tpu.memory_space<vmem>>
      %dma_wait3A_1430 = tpu.memref_squeeze %dma_wait3A_1429 : memref<1x80xi32, #tpu.memory_space<vmem>> -> memref<80xi32, #tpu.memory_space<vmem>>
      %dma_wait3A_1431 = arith.constant 0 : i32
      %dma_wait3A_1432 = arith.constant 0 : i32
      %dma_wait3A_1433 = tpu.memref_slice %arg6[%dma_wait3A_1431, %dma_wait3A_1432] : memref<10000x128xf32, #tpu.memory_space<vmem_shared>> -> memref<10000x128xf32, #tpu.memory_space<vmem_shared>>
      tpu.wait_indirect_dma semaphore(%arg16 : memref<!tpu.dma_semaphore, #tpu.memory_space<semaphore_mem>>) src(%arg9 : memref<80x128xf32, #tpu.memory_space<vmem>>) dst(%dma_wait3A_1433 : memref<10000x128xf32, #tpu.memory_space<vmem_shared>>)
      %add3A_1434 = arith.constant 3 : i32
      %add3A_1435 = arith.addi %mul3A_1382, %add3A_1434 : i32
      %add3A_1436 = arith.constant 0 : i32
      %add3A_1437 = arith.addi %add3A_1435, %add3A_1436 : i32
      %dma_start3A_1438 = arith.constant 0 : i32
      %dma_start3A_1439 = arith.constant 0 : i32
      %dma_start3A_1440 = tpu.memref_slice %arg9[%dma_start3A_1438, %dma_start3A_1439] : memref<80x128xf32, #tpu.memory_space<vmem>> -> memref<40x128xf32, #tpu.memory_space<vmem>>
      %dma_start3A_1441 = arith.constant 0 : i32
      %dma_start3A_1442 = tpu.memref_slice %arg7[%add3A_1437, %dma_start3A_1441] : memref<25x80xi32, #tpu.memory_space<vmem>> -> memref<1x40xi32, #tpu.memory_space<vmem>>
      %dma_start3A_1443 = tpu.memref_squeeze %dma_start3A_1442 : memref<1x40xi32, #tpu.memory_space<vmem>> -> memref<40xi32, #tpu.memory_space<vmem>>
      %dma_start3A_1444 = arith.constant 0 : i32
      %dma_start3A_1445 = arith.constant 0 : i32
      %dma_start3A_1446 = tpu.memref_slice %arg2[%dma_start3A_1444, %dma_start3A_1445] : memref<10000x128xf32, #tpu.memory_space<hbm>> -> memref<10000x128xf32, #tpu.memory_space<hbm>>
      tpu.enqueue_indirect_dma source(%dma_start3A_1446 : memref<10000x128xf32, #tpu.memory_space<hbm>>) target(%dma_start3A_1440 : memref<40x128xf32, #tpu.memory_space<vmem>>) offsets(%dma_start3A_1443 : memref<40xi32, #tpu.memory_space<vmem>>) semaphore(%arg13 : memref<!tpu.dma_semaphore, #tpu.memory_space<semaphore_mem>>)
      %dma_start3A_1447 = arith.constant 40 : i32
      %dma_start3A_1448 = arith.constant 0 : i32
      %dma_start3A_1449 = tpu.memref_slice %arg9[%dma_start3A_1447, %dma_start3A_1448] : memref<80x128xf32, #tpu.memory_space<vmem>> -> memref<40x128xf32, #tpu.memory_space<vmem>>
      %dma_start3A_1450 = arith.constant 40 : i32
      %dma_start3A_1451 = tpu.memref_slice %arg7[%add3A_1437, %dma_start3A_1450] : memref<25x80xi32, #tpu.memory_space<vmem>> -> memref<1x40xi32, #tpu.memory_space<vmem>>
      %dma_start3A_1452 = tpu.memref_squeeze %dma_start3A_1451 : memref<1x40xi32, #tpu.memory_space<vmem>> -> memref<40xi32, #tpu.memory_space<vmem>>
      %dma_start3A_1453 = arith.constant 0 : i32
      %dma_start3A_1454 = arith.constant 0 : i32
      %dma_start3A_1455 = tpu.memref_slice %arg2[%dma_start3A_1453, %dma_start3A_1454] : memref<10000x128xf32, #tpu.memory_space<hbm>> -> memref<10000x128xf32, #tpu.memory_space<hbm>>
      tpu.enqueue_indirect_dma source(%dma_start3A_1455 : memref<10000x128xf32, #tpu.memory_space<hbm>>) target(%dma_start3A_1449 : memref<40x128xf32, #tpu.memory_space<vmem>>) offsets(%dma_start3A_1452 : memref<40xi32, #tpu.memory_space<vmem>>) semaphore(%arg13 : memref<!tpu.dma_semaphore, #tpu.memory_space<semaphore_mem>>)
      %dma_wait3A_1456 = arith.constant 0 : i32
      %dma_wait3A_1457 = tpu.memref_slice %arg8[%add3A_1406, %dma_wait3A_1456] : memref<25x80xi32, #tpu.memory_space<vmem>> -> memref<1x80xi32, #tpu.memory_space<vmem>>
      %dma_wait3A_1458 = tpu.memref_squeeze %dma_wait3A_1457 : memref<1x80xi32, #tpu.memory_space<vmem>> -> memref<80xi32, #tpu.memory_space<vmem>>
      %dma_wait3A_1459 = arith.constant 0 : i32
      %dma_wait3A_1460 = arith.constant 0 : i32
      %dma_wait3A_1461 = tpu.memref_slice %arg6[%dma_wait3A_1459, %dma_wait3A_1460] : memref<10000x128xf32, #tpu.memory_space<vmem_shared>> -> memref<10000x128xf32, #tpu.memory_space<vmem_shared>>
      tpu.wait_indirect_dma semaphore(%arg17 : memref<!tpu.dma_semaphore, #tpu.memory_space<semaphore_mem>>) src(%arg10 : memref<80x128xf32, #tpu.memory_space<vmem>>) dst(%dma_wait3A_1461 : memref<10000x128xf32, #tpu.memory_space<vmem_shared>>)
      %add3A_1462 = arith.constant 3 : i32
      %add3A_1463 = arith.addi %mul3A_1382, %add3A_1462 : i32
      %add3A_1464 = arith.constant 1 : i32
      %add3A_1465 = arith.addi %add3A_1463, %add3A_1464 : i32
      %dma_start3A_1466 = arith.constant 0 : i32
      %dma_start3A_1467 = arith.constant 0 : i32
      %dma_start3A_1468 = tpu.memref_slice %arg10[%dma_start3A_1466, %dma_start3A_1467] : memref<80x128xf32, #tpu.memory_space<vmem>> -> memref<40x128xf32, #tpu.memory_space<vmem>>
      %dma_start3A_1469 = arith.constant 0 : i32
      %dma_start3A_1470 = tpu.memref_slice %arg7[%add3A_1465, %dma_start3A_1469] : memref<25x80xi32, #tpu.memory_space<vmem>> -> memref<1x40xi32, #tpu.memory_space<vmem>>
      %dma_start3A_1471 = tpu.memref_squeeze %dma_start3A_1470 : memref<1x40xi32, #tpu.memory_space<vmem>> -> memref<40xi32, #tpu.memory_space<vmem>>
      %dma_start3A_1472 = arith.constant 0 : i32
      %dma_start3A_1473 = arith.constant 0 : i32
      %dma_start3A_1474 = tpu.memref_slice %arg2[%dma_start3A_1472, %dma_start3A_1473] : memref<10000x128xf32, #tpu.memory_space<hbm>> -> memref<10000x128xf32, #tpu.memory_space<hbm>>
      tpu.enqueue_indirect_dma source(%dma_start3A_1474 : memref<10000x128xf32, #tpu.memory_space<hbm>>) target(%dma_start3A_1468 : memref<40x128xf32, #tpu.memory_space<vmem>>) offsets(%dma_start3A_1471 : memref<40xi32, #tpu.memory_space<vmem>>) semaphore(%arg14 : memref<!tpu.dma_semaphore, #tpu.memory_space<semaphore_mem>>)
      %dma_start3A_1475 = arith.constant 40 : i32
      %dma_start3A_1476 = arith.constant 0 : i32
      %dma_start3A_1477 = tpu.memref_slice %arg10[%dma_start3A_1475, %dma_start3A_1476] : memref<80x128xf32, #tpu.memory_space<vmem>> -> memref<40x128xf32, #tpu.memory_space<vmem>>
      %dma_start3A_1478 = arith.constant 40 : i32
      %dma_start3A_1479 = tpu.memref_slice %arg7[%add3A_1465, %dma_start3A_1478] : memref<25x80xi32, #tpu.memory_space<vmem>> -> memref<1x40xi32, #tpu.memory_space<vmem>>
      %dma_start3A_1480 = tpu.memref_squeeze %dma_start3A_1479 : memref<1x40xi32, #tpu.memory_space<vmem>> -> memref<40xi32, #tpu.memory_space<vmem>>
      %dma_start3A_1481 = arith.constant 0 : i32
      %dma_start3A_1482 = arith.constant 0 : i32
      %dma_start3A_1483 = tpu.memref_slice %arg2[%dma_start3A_1481, %dma_start3A_1482] : memref<10000x128xf32, #tpu.memory_space<hbm>> -> memref<10000x128xf32, #tpu.memory_space<hbm>>
      tpu.enqueue_indirect_dma source(%dma_start3A_1483 : memref<10000x128xf32, #tpu.memory_space<hbm>>) target(%dma_start3A_1477 : memref<40x128xf32, #tpu.memory_space<vmem>>) offsets(%dma_start3A_1480 : memref<40xi32, #tpu.memory_space<vmem>>) semaphore(%arg14 : memref<!tpu.dma_semaphore, #tpu.memory_space<semaphore_mem>>)
      %dma_wait3A_1484 = arith.constant 0 : i32
      %dma_wait3A_1485 = tpu.memref_slice %arg8[%add3A_1421, %dma_wait3A_1484] : memref<25x80xi32, #tpu.memory_space<vmem>> -> memref<1x80xi32, #tpu.memory_space<vmem>>
      %dma_wait3A_1486 = tpu.memref_squeeze %dma_wait3A_1485 : memref<1x80xi32, #tpu.memory_space<vmem>> -> memref<80xi32, #tpu.memory_space<vmem>>
      %dma_wait3A_1487 = arith.constant 0 : i32
      %dma_wait3A_1488 = arith.constant 0 : i32
      %dma_wait3A_1489 = tpu.memref_slice %arg6[%dma_wait3A_1487, %dma_wait3A_1488] : memref<10000x128xf32, #tpu.memory_space<vmem_shared>> -> memref<10000x128xf32, #tpu.memory_space<vmem_shared>>
      tpu.wait_indirect_dma semaphore(%arg18 : memref<!tpu.dma_semaphore, #tpu.memory_space<semaphore_mem>>) src(%arg11 : memref<80x128xf32, #tpu.memory_space<vmem>>) dst(%dma_wait3A_1489 : memref<10000x128xf32, #tpu.memory_space<vmem_shared>>)
      %add3A_1490 = arith.constant 3 : i32
      %add3A_1491 = arith.addi %mul3A_1382, %add3A_1490 : i32
      %add3A_1492 = arith.constant 2 : i32
      %add3A_1493 = arith.addi %add3A_1491, %add3A_1492 : i32
      %dma_start3A_1494 = arith.constant 0 : i32
      %dma_start3A_1495 = arith.constant 0 : i32
      %dma_start3A_1496 = tpu.memref_slice %arg11[%dma_start3A_1494, %dma_start3A_1495] : memref<80x128xf32, #tpu.memory_space<vmem>> -> memref<40x128xf32, #tpu.memory_space<vmem>>
      %dma_start3A_1497 = arith.constant 0 : i32
      %dma_start3A_1498 = tpu.memref_slice %arg7[%add3A_1493, %dma_start3A_1497] : memref<25x80xi32, #tpu.memory_space<vmem>> -> memref<1x40xi32, #tpu.memory_space<vmem>>
      %dma_start3A_1499 = tpu.memref_squeeze %dma_start3A_1498 : memref<1x40xi32, #tpu.memory_space<vmem>> -> memref<40xi32, #tpu.memory_space<vmem>>
      %dma_start3A_1500 = arith.constant 0 : i32
      %dma_start3A_1501 = arith.constant 0 : i32
      %dma_start3A_1502 = tpu.memref_slice %arg2[%dma_start3A_1500, %dma_start3A_1501] : memref<10000x128xf32, #tpu.memory_space<hbm>> -> memref<10000x128xf32, #tpu.memory_space<hbm>>
      tpu.enqueue_indirect_dma source(%dma_start3A_1502 : memref<10000x128xf32, #tpu.memory_space<hbm>>) target(%dma_start3A_1496 : memref<40x128xf32, #tpu.memory_space<vmem>>) offsets(%dma_start3A_1499 : memref<40xi32, #tpu.memory_space<vmem>>) semaphore(%arg15 : memref<!tpu.dma_semaphore, #tpu.memory_space<semaphore_mem>>)
      %dma_start3A_1503 = arith.constant 40 : i32
      %dma_start3A_1504 = arith.constant 0 : i32
      %dma_start3A_1505 = tpu.memref_slice %arg11[%dma_start3A_1503, %dma_start3A_1504] : memref<80x128xf32, #tpu.memory_space<vmem>> -> memref<40x128xf32, #tpu.memory_space<vmem>>
      %dma_start3A_1506 = arith.constant 40 : i32
      %dma_start3A_1507 = tpu.memref_slice %arg7[%add3A_1493, %dma_start3A_1506] : memref<25x80xi32, #tpu.memory_space<vmem>> -> memref<1x40xi32, #tpu.memory_space<vmem>>
      %dma_start3A_1508 = tpu.memref_squeeze %dma_start3A_1507 : memref<1x40xi32, #tpu.memory_space<vmem>> -> memref<40xi32, #tpu.memory_space<vmem>>
      %dma_start3A_1509 = arith.constant 0 : i32
      %dma_start3A_1510 = arith.constant 0 : i32
      %dma_start3A_1511 = tpu.memref_slice %arg2[%dma_start3A_1509, %dma_start3A_1510] : memref<10000x128xf32, #tpu.memory_space<hbm>> -> memref<10000x128xf32, #tpu.memory_space<hbm>>
      tpu.enqueue_indirect_dma source(%dma_start3A_1511 : memref<10000x128xf32, #tpu.memory_space<hbm>>) target(%dma_start3A_1505 : memref<40x128xf32, #tpu.memory_space<vmem>>) offsets(%dma_start3A_1508 : memref<40xi32, #tpu.memory_space<vmem>>) semaphore(%arg15 : memref<!tpu.dma_semaphore, #tpu.memory_space<semaphore_mem>>)
    }
    %scan3A_746 = arith.constant 7 : i32
    %dma_wait3A_747 = arith.constant 0 : i32
    %dma_wait3A_748 = arith.constant 0 : i32
    %dma_wait3A_749 = tpu.memref_slice %arg7[%dma_wait3A_747, %dma_wait3A_748] : memref<25x80xi32, #tpu.memory_space<vmem>> -> memref<1x80xi32, #tpu.memory_space<vmem>>
    %dma_wait3A_750 = tpu.memref_squeeze %dma_wait3A_749 : memref<1x80xi32, #tpu.memory_space<vmem>> -> memref<80xi32, #tpu.memory_space<vmem>>
    %dma_wait3A_751 = arith.constant 0 : i32
    %dma_wait3A_752 = arith.constant 0 : i32
    %dma_wait3A_753 = tpu.memref_slice %arg2[%dma_wait3A_751, %dma_wait3A_752] : memref<10000x128xf32, #tpu.memory_space<hbm>> -> memref<10000x128xf32, #tpu.memory_space<hbm>>
    tpu.wait_indirect_dma semaphore(%arg13 : memref<!tpu.dma_semaphore, #tpu.memory_space<semaphore_mem>>) src(%dma_wait3A_753 : memref<10000x128xf32, #tpu.memory_space<hbm>>) dst(%arg9 : memref<80x128xf32, #tpu.memory_space<vmem>>)
    %dma_start3A_754 = arith.constant 21 : i32
    %dma_start3A_755 = arith.constant 0 : i32
    %dma_start3A_756 = tpu.memref_slice %arg8[%dma_start3A_754, %dma_start3A_755] : memref<25x80xi32, #tpu.memory_space<vmem>> -> memref<1x80xi32, #tpu.memory_space<vmem>>
    %dma_start3A_757 = tpu.memref_squeeze %dma_start3A_756 : memref<1x80xi32, #tpu.memory_space<vmem>> -> memref<80xi32, #tpu.memory_space<vmem>>
    %dma_start3A_758 = arith.constant 0 : i32
    %dma_start3A_759 = arith.constant 0 : i32
    %dma_start3A_760 = tpu.memref_slice %arg6[%dma_start3A_758, %dma_start3A_759] : memref<10000x128xf32, #tpu.memory_space<vmem_shared>> -> memref<10000x128xf32, #tpu.memory_space<vmem_shared>>
    tpu.enqueue_indirect_dma source(%arg9 : memref<80x128xf32, #tpu.memory_space<vmem>>) target(%dma_start3A_760 : memref<10000x128xf32, #tpu.memory_space<vmem_shared>>) offsets(%dma_start3A_757 : memref<80xi32, #tpu.memory_space<vmem>>) semaphore(%arg16 : memref<!tpu.dma_semaphore, #tpu.memory_space<semaphore_mem>>) {add = true}
    %dma_wait3A_761 = arith.constant 0 : i32
    %dma_wait3A_762 = arith.constant 0 : i32
    %dma_wait3A_763 = tpu.memref_slice %arg7[%dma_wait3A_761, %dma_wait3A_762] : memref<25x80xi32, #tpu.memory_space<vmem>> -> memref<1x80xi32, #tpu.memory_space<vmem>>
    %dma_wait3A_764 = tpu.memref_squeeze %dma_wait3A_763 : memref<1x80xi32, #tpu.memory_space<vmem>> -> memref<80xi32, #tpu.memory_space<vmem>>
    %dma_wait3A_765 = arith.constant 0 : i32
    %dma_wait3A_766 = arith.constant 0 : i32
    %dma_wait3A_767 = tpu.memref_slice %arg2[%dma_wait3A_765, %dma_wait3A_766] : memref<10000x128xf32, #tpu.memory_space<hbm>> -> memref<10000x128xf32, #tpu.memory_space<hbm>>
    tpu.wait_indirect_dma semaphore(%arg14 : memref<!tpu.dma_semaphore, #tpu.memory_space<semaphore_mem>>) src(%dma_wait3A_767 : memref<10000x128xf32, #tpu.memory_space<hbm>>) dst(%arg10 : memref<80x128xf32, #tpu.memory_space<vmem>>)
    %dma_start3A_768 = arith.constant 22 : i32
    %dma_start3A_769 = arith.constant 0 : i32
    %dma_start3A_770 = tpu.memref_slice %arg8[%dma_start3A_768, %dma_start3A_769] : memref<25x80xi32, #tpu.memory_space<vmem>> -> memref<1x80xi32, #tpu.memory_space<vmem>>
    %dma_start3A_771 = tpu.memref_squeeze %dma_start3A_770 : memref<1x80xi32, #tpu.memory_space<vmem>> -> memref<80xi32, #tpu.memory_space<vmem>>
    %dma_start3A_772 = arith.constant 0 : i32
    %dma_start3A_773 = arith.constant 0 : i32
    %dma_start3A_774 = tpu.memref_slice %arg6[%dma_start3A_772, %dma_start3A_773] : memref<10000x128xf32, #tpu.memory_space<vmem_shared>> -> memref<10000x128xf32, #tpu.memory_space<vmem_shared>>
    tpu.enqueue_indirect_dma source(%arg10 : memref<80x128xf32, #tpu.memory_space<vmem>>) target(%dma_start3A_774 : memref<10000x128xf32, #tpu.memory_space<vmem_shared>>) offsets(%dma_start3A_771 : memref<80xi32, #tpu.memory_space<vmem>>) semaphore(%arg17 : memref<!tpu.dma_semaphore, #tpu.memory_space<semaphore_mem>>) {add = true}
    %dma_wait3A_775 = arith.constant 0 : i32
    %dma_wait3A_776 = arith.constant 0 : i32
    %dma_wait3A_777 = tpu.memref_slice %arg7[%dma_wait3A_775, %dma_wait3A_776] : memref<25x80xi32, #tpu.memory_space<vmem>> -> memref<1x80xi32, #tpu.memory_space<vmem>>
    %dma_wait3A_778 = tpu.memref_squeeze %dma_wait3A_777 : memref<1x80xi32, #tpu.memory_space<vmem>> -> memref<80xi32, #tpu.memory_space<vmem>>
    %dma_wait3A_779 = arith.constant 0 : i32
    %dma_wait3A_780 = arith.constant 0 : i32
    %dma_wait3A_781 = tpu.memref_slice %arg2[%dma_wait3A_779, %dma_wait3A_780] : memref<10000x128xf32, #tpu.memory_space<hbm>> -> memref<10000x128xf32, #tpu.memory_space<hbm>>
    tpu.wait_indirect_dma semaphore(%arg15 : memref<!tpu.dma_semaphore, #tpu.memory_space<semaphore_mem>>) src(%dma_wait3A_781 : memref<10000x128xf32, #tpu.memory_space<hbm>>) dst(%arg11 : memref<80x128xf32, #tpu.memory_space<vmem>>)
    %dma_start3A_782 = arith.constant 23 : i32
    %dma_start3A_783 = arith.constant 0 : i32
    %dma_start3A_784 = tpu.memref_slice %arg8[%dma_start3A_782, %dma_start3A_783] : memref<25x80xi32, #tpu.memory_space<vmem>> -> memref<1x80xi32, #tpu.memory_space<vmem>>
    %dma_start3A_785 = tpu.memref_squeeze %dma_start3A_784 : memref<1x80xi32, #tpu.memory_space<vmem>> -> memref<80xi32, #tpu.memory_space<vmem>>
    %dma_start3A_786 = arith.constant 0 : i32
    %dma_start3A_787 = arith.constant 0 : i32
    %dma_start3A_788 = tpu.memref_slice %arg6[%dma_start3A_786, %dma_start3A_787] : memref<10000x128xf32, #tpu.memory_space<vmem_shared>> -> memref<10000x128xf32, #tpu.memory_space<vmem_shared>>
    tpu.enqueue_indirect_dma source(%arg11 : memref<80x128xf32, #tpu.memory_space<vmem>>) target(%dma_start3A_788 : memref<10000x128xf32, #tpu.memory_space<vmem_shared>>) offsets(%dma_start3A_785 : memref<80xi32, #tpu.memory_space<vmem>>) semaphore(%arg18 : memref<!tpu.dma_semaphore, #tpu.memory_space<semaphore_mem>>) {add = true}
    %dma_wait3A_789 = arith.constant 21 : i32
    %dma_wait3A_790 = arith.constant 0 : i32
    %dma_wait3A_791 = tpu.memref_slice %arg8[%dma_wait3A_789, %dma_wait3A_790] : memref<25x80xi32, #tpu.memory_space<vmem>> -> memref<1x80xi32, #tpu.memory_space<vmem>>
    %dma_wait3A_792 = tpu.memref_squeeze %dma_wait3A_791 : memref<1x80xi32, #tpu.memory_space<vmem>> -> memref<80xi32, #tpu.memory_space<vmem>>
    %dma_wait3A_793 = arith.constant 0 : i32
    %dma_wait3A_794 = arith.constant 0 : i32
    %dma_wait3A_795 = tpu.memref_slice %arg6[%dma_wait3A_793, %dma_wait3A_794] : memref<10000x128xf32, #tpu.memory_space<vmem_shared>> -> memref<10000x128xf32, #tpu.memory_space<vmem_shared>>
    tpu.wait_indirect_dma semaphore(%arg16 : memref<!tpu.dma_semaphore, #tpu.memory_space<semaphore_mem>>) src(%arg9 : memref<80x128xf32, #tpu.memory_space<vmem>>) dst(%dma_wait3A_795 : memref<10000x128xf32, #tpu.memory_space<vmem_shared>>)
    %dma_start3A_796 = arith.constant 24 : i32
    %dma_start3A_797 = arith.constant 0 : i32
    %dma_start3A_798 = arith.constant 0 : i32
    %dma_start3A_799 = tpu.memref_slice %arg9[%dma_start3A_797, %dma_start3A_798] : memref<80x128xf32, #tpu.memory_space<vmem>> -> memref<40x128xf32, #tpu.memory_space<vmem>>
    %dma_start3A_800 = arith.constant 0 : i32
    %dma_start3A_801 = tpu.memref_slice %arg7[%dma_start3A_796, %dma_start3A_800] : memref<25x80xi32, #tpu.memory_space<vmem>> -> memref<1x40xi32, #tpu.memory_space<vmem>>
    %dma_start3A_802 = tpu.memref_squeeze %dma_start3A_801 : memref<1x40xi32, #tpu.memory_space<vmem>> -> memref<40xi32, #tpu.memory_space<vmem>>
    %dma_start3A_803 = arith.constant 0 : i32
    %dma_start3A_804 = arith.constant 0 : i32
    %dma_start3A_805 = tpu.memref_slice %arg2[%dma_start3A_803, %dma_start3A_804] : memref<10000x128xf32, #tpu.memory_space<hbm>> -> memref<10000x128xf32, #tpu.memory_space<hbm>>
    tpu.enqueue_indirect_dma source(%dma_start3A_805 : memref<10000x128xf32, #tpu.memory_space<hbm>>) target(%dma_start3A_799 : memref<40x128xf32, #tpu.memory_space<vmem>>) offsets(%dma_start3A_802 : memref<40xi32, #tpu.memory_space<vmem>>) semaphore(%arg13 : memref<!tpu.dma_semaphore, #tpu.memory_space<semaphore_mem>>)
    %dma_start3A_806 = arith.constant 24 : i32
    %dma_start3A_807 = arith.constant 40 : i32
    %dma_start3A_808 = arith.constant 0 : i32
    %dma_start3A_809 = tpu.memref_slice %arg9[%dma_start3A_807, %dma_start3A_808] : memref<80x128xf32, #tpu.memory_space<vmem>> -> memref<40x128xf32, #tpu.memory_space<vmem>>
    %dma_start3A_810 = arith.constant 40 : i32
    %dma_start3A_811 = tpu.memref_slice %arg7[%dma_start3A_806, %dma_start3A_810] : memref<25x80xi32, #tpu.memory_space<vmem>> -> memref<1x40xi32, #tpu.memory_space<vmem>>
    %dma_start3A_812 = tpu.memref_squeeze %dma_start3A_811 : memref<1x40xi32, #tpu.memory_space<vmem>> -> memref<40xi32, #tpu.memory_space<vmem>>
    %dma_start3A_813 = arith.constant 0 : i32
    %dma_start3A_814 = arith.constant 0 : i32
    %dma_start3A_815 = tpu.memref_slice %arg2[%dma_start3A_813, %dma_start3A_814] : memref<10000x128xf32, #tpu.memory_space<hbm>> -> memref<10000x128xf32, #tpu.memory_space<hbm>>
    tpu.enqueue_indirect_dma source(%dma_start3A_815 : memref<10000x128xf32, #tpu.memory_space<hbm>>) target(%dma_start3A_809 : memref<40x128xf32, #tpu.memory_space<vmem>>) offsets(%dma_start3A_812 : memref<40xi32, #tpu.memory_space<vmem>>) semaphore(%arg13 : memref<!tpu.dma_semaphore, #tpu.memory_space<semaphore_mem>>)
    %dma_wait3A_816 = arith.constant 22 : i32
    %dma_wait3A_817 = arith.constant 0 : i32
    %dma_wait3A_818 = tpu.memref_slice %arg8[%dma_wait3A_816, %dma_wait3A_817] : memref<25x80xi32, #tpu.memory_space<vmem>> -> memref<1x80xi32, #tpu.memory_space<vmem>>
    %dma_wait3A_819 = tpu.memref_squeeze %dma_wait3A_818 : memref<1x80xi32, #tpu.memory_space<vmem>> -> memref<80xi32, #tpu.memory_space<vmem>>
    %dma_wait3A_820 = arith.constant 0 : i32
    %dma_wait3A_821 = arith.constant 0 : i32
    %dma_wait3A_822 = tpu.memref_slice %arg6[%dma_wait3A_820, %dma_wait3A_821] : memref<10000x128xf32, #tpu.memory_space<vmem_shared>> -> memref<10000x128xf32, #tpu.memory_space<vmem_shared>>
    tpu.wait_indirect_dma semaphore(%arg17 : memref<!tpu.dma_semaphore, #tpu.memory_space<semaphore_mem>>) src(%arg10 : memref<80x128xf32, #tpu.memory_space<vmem>>) dst(%dma_wait3A_822 : memref<10000x128xf32, #tpu.memory_space<vmem_shared>>)
    %dma_wait3A_823 = arith.constant 23 : i32
    %dma_wait3A_824 = arith.constant 0 : i32
    %dma_wait3A_825 = tpu.memref_slice %arg8[%dma_wait3A_823, %dma_wait3A_824] : memref<25x80xi32, #tpu.memory_space<vmem>> -> memref<1x80xi32, #tpu.memory_space<vmem>>
    %dma_wait3A_826 = tpu.memref_squeeze %dma_wait3A_825 : memref<1x80xi32, #tpu.memory_space<vmem>> -> memref<80xi32, #tpu.memory_space<vmem>>
    %dma_wait3A_827 = arith.constant 0 : i32
    %dma_wait3A_828 = arith.constant 0 : i32
    %dma_wait3A_829 = tpu.memref_slice %arg6[%dma_wait3A_827, %dma_wait3A_828] : memref<10000x128xf32, #tpu.memory_space<vmem_shared>> -> memref<10000x128xf32, #tpu.memory_space<vmem_shared>>
    tpu.wait_indirect_dma semaphore(%arg18 : memref<!tpu.dma_semaphore, #tpu.memory_space<semaphore_mem>>) src(%arg11 : memref<80x128xf32, #tpu.memory_space<vmem>>) dst(%dma_wait3A_829 : memref<10000x128xf32, #tpu.memory_space<vmem_shared>>)
    %dma_wait3A_830 = arith.constant 0 : i32
    %dma_wait3A_831 = arith.constant 0 : i32
    %dma_wait3A_832 = tpu.memref_slice %arg7[%dma_wait3A_830, %dma_wait3A_831] : memref<25x80xi32, #tpu.memory_space<vmem>> -> memref<1x80xi32, #tpu.memory_space<vmem>>
    %dma_wait3A_833 = tpu.memref_squeeze %dma_wait3A_832 : memref<1x80xi32, #tpu.memory_space<vmem>> -> memref<80xi32, #tpu.memory_space<vmem>>
    %dma_wait3A_834 = arith.constant 0 : i32
    %dma_wait3A_835 = arith.constant 0 : i32
    %dma_wait3A_836 = tpu.memref_slice %arg2[%dma_wait3A_834, %dma_wait3A_835] : memref<10000x128xf32, #tpu.memory_space<hbm>> -> memref<10000x128xf32, #tpu.memory_space<hbm>>
    tpu.wait_indirect_dma semaphore(%arg13 : memref<!tpu.dma_semaphore, #tpu.memory_space<semaphore_mem>>) src(%dma_wait3A_836 : memref<10000x128xf32, #tpu.memory_space<hbm>>) dst(%arg9 : memref<80x128xf32, #tpu.memory_space<vmem>>)
    %dma_start3A_837 = arith.constant 24 : i32
    %dma_start3A_838 = arith.constant 0 : i32
    %dma_start3A_839 = tpu.memref_slice %arg8[%dma_start3A_837, %dma_start3A_838] : memref<25x80xi32, #tpu.memory_space<vmem>> -> memref<1x80xi32, #tpu.memory_space<vmem>>
    %dma_start3A_840 = tpu.memref_squeeze %dma_start3A_839 : memref<1x80xi32, #tpu.memory_space<vmem>> -> memref<80xi32, #tpu.memory_space<vmem>>
    %dma_start3A_841 = arith.constant 0 : i32
    %dma_start3A_842 = arith.constant 0 : i32
    %dma_start3A_843 = tpu.memref_slice %arg6[%dma_start3A_841, %dma_start3A_842] : memref<10000x128xf32, #tpu.memory_space<vmem_shared>> -> memref<10000x128xf32, #tpu.memory_space<vmem_shared>>
    tpu.enqueue_indirect_dma source(%arg9 : memref<80x128xf32, #tpu.memory_space<vmem>>) target(%dma_start3A_843 : memref<10000x128xf32, #tpu.memory_space<vmem_shared>>) offsets(%dma_start3A_840 : memref<80xi32, #tpu.memory_space<vmem>>) semaphore(%arg16 : memref<!tpu.dma_semaphore, #tpu.memory_space<semaphore_mem>>) {add = true}
    %dma_wait3A_844 = arith.constant 24 : i32
    %dma_wait3A_845 = arith.constant 0 : i32
    %dma_wait3A_846 = tpu.memref_slice %arg8[%dma_wait3A_844, %dma_wait3A_845] : memref<25x80xi32, #tpu.memory_space<vmem>> -> memref<1x80xi32, #tpu.memory_space<vmem>>
    %dma_wait3A_847 = tpu.memref_squeeze %dma_wait3A_846 : memref<1x80xi32, #tpu.memory_space<vmem>> -> memref<80xi32, #tpu.memory_space<vmem>>
    %dma_wait3A_848 = arith.constant 0 : i32
    %dma_wait3A_849 = arith.constant 0 : i32
    %dma_wait3A_850 = tpu.memref_slice %arg6[%dma_wait3A_848, %dma_wait3A_849] : memref<10000x128xf32, #tpu.memory_space<vmem_shared>> -> memref<10000x128xf32, #tpu.memory_space<vmem_shared>>
    tpu.wait_indirect_dma semaphore(%arg16 : memref<!tpu.dma_semaphore, #tpu.memory_space<semaphore_mem>>) src(%arg9 : memref<80x128xf32, #tpu.memory_space<vmem>>) dst(%dma_wait3A_850 : memref<10000x128xf32, #tpu.memory_space<vmem_shared>>)
    %run_scoped3A_851 = arith.constant 2 : i32
    "tpu.region"() ({
      %run_scoped3A_1380 = tpu.sem_alloc : memref<!tpu.dma_semaphore, #tpu.memory_space<semaphore_mem>>
      %dma_start3A_1381 = arith.constant 0 : i32
      %dma_start3A_1382 = arith.constant 0 : i32
      %dma_start3A_1383 = tpu.memref_slice %arg3[%add3A, %run_scoped3A_851, %dma_start3A_1381, %dma_start3A_1382] : memref<32x5x25x80xi32, #tpu.memory_space<hbm>> -> memref<1x1x25x80xi32, #tpu.memory_space<hbm>>
      %dma_start3A_1384 = tpu.memref_squeeze %dma_start3A_1383 : memref<1x1x25x80xi32, #tpu.memory_space<hbm>> -> memref<25x80xi32, #tpu.memory_space<hbm>>
      %dma_start3A_1385 = arith.constant 0 : i32
      %dma_start3A_1386 = arith.constant 0 : i32
      %dma_start3A_1387 = tpu.memref_slice %arg3[%add3A, %run_scoped3A_851, %dma_start3A_1385, %dma_start3A_1386] : memref<32x5x25x80xi32, #tpu.memory_space<hbm>> -> memref<1x1x25x80xi32, #tpu.memory_space<hbm>>
      %dma_start3A_1388 = tpu.memref_squeeze %dma_start3A_1387 : memref<1x1x25x80xi32, #tpu.memory_space<hbm>> -> memref<25x80xi32, #tpu.memory_space<hbm>>
      tpu.enqueue_dma source(%dma_start3A_1388 : memref<25x80xi32, #tpu.memory_space<hbm>>) target(%arg7 : memref<25x80xi32, #tpu.memory_space<vmem>>) target_semaphore(%run_scoped3A_1380 : memref<!tpu.dma_semaphore, #tpu.memory_space<semaphore_mem>>)
      %dma_wait3A_1389 = arith.constant 0 : i32
      %dma_wait3A_1390 = arith.constant 0 : i32
      %dma_wait3A_1391 = tpu.memref_slice %arg3[%add3A, %run_scoped3A_851, %dma_wait3A_1389, %dma_wait3A_1390] : memref<32x5x25x80xi32, #tpu.memory_space<hbm>> -> memref<1x1x25x80xi32, #tpu.memory_space<hbm>>
      %dma_wait3A_1392 = tpu.memref_squeeze %dma_wait3A_1391 : memref<1x1x25x80xi32, #tpu.memory_space<hbm>> -> memref<25x80xi32, #tpu.memory_space<hbm>>
      %dma_wait3A_1393 = arith.constant 0 : i32
      %dma_wait3A_1394 = arith.constant 0 : i32
      %dma_wait3A_1395 = tpu.memref_slice %arg3[%add3A, %run_scoped3A_851, %dma_wait3A_1393, %dma_wait3A_1394] : memref<32x5x25x80xi32, #tpu.memory_space<hbm>> -> memref<1x1x25x80xi32, #tpu.memory_space<hbm>>
      %dma_wait3A_1396 = tpu.memref_squeeze %dma_wait3A_1395 : memref<1x1x25x80xi32, #tpu.memory_space<hbm>> -> memref<25x80xi32, #tpu.memory_space<hbm>>
      tpu.wait_dma2 semaphore(%run_scoped3A_1380 : memref<!tpu.dma_semaphore, #tpu.memory_space<semaphore_mem>>) src(%dma_wait3A_1396 : memref<25x80xi32, #tpu.memory_space<hbm>>) dst(%arg7 : memref<25x80xi32, #tpu.memory_space<vmem>>)
      tpu.yield
    }) : () -> ()
    %run_scoped3A_852 = arith.constant 2 : i32
    "tpu.region"() ({
      %run_scoped3A_1380 = tpu.sem_alloc : memref<!tpu.dma_semaphore, #tpu.memory_space<semaphore_mem>>
      %dma_start3A_1381 = arith.constant 0 : i32
      %dma_start3A_1382 = arith.constant 0 : i32
      %dma_start3A_1383 = tpu.memref_slice %arg4[%add3A, %run_scoped3A_852, %dma_start3A_1381, %dma_start3A_1382] : memref<32x5x25x80xi32, #tpu.memory_space<hbm>> -> memref<1x1x25x80xi32, #tpu.memory_space<hbm>>
      %dma_start3A_1384 = tpu.memref_squeeze %dma_start3A_1383 : memref<1x1x25x80xi32, #tpu.memory_space<hbm>> -> memref<25x80xi32, #tpu.memory_space<hbm>>
      %dma_start3A_1385 = arith.constant 0 : i32
      %dma_start3A_1386 = arith.constant 0 : i32
      %dma_start3A_1387 = tpu.memref_slice %arg4[%add3A, %run_scoped3A_852, %dma_start3A_1385, %dma_start3A_1386] : memref<32x5x25x80xi32, #tpu.memory_space<hbm>> -> memref<1x1x25x80xi32, #tpu.memory_space<hbm>>
      %dma_start3A_1388 = tpu.memref_squeeze %dma_start3A_1387 : memref<1x1x25x80xi32, #tpu.memory_space<hbm>> -> memref<25x80xi32, #tpu.memory_space<hbm>>
      tpu.enqueue_dma source(%dma_start3A_1388 : memref<25x80xi32, #tpu.memory_space<hbm>>) target(%arg8 : memref<25x80xi32, #tpu.memory_space<vmem>>) target_semaphore(%run_scoped3A_1380 : memref<!tpu.dma_semaphore, #tpu.memory_space<semaphore_mem>>)
      %dma_wait3A_1389 = arith.constant 0 : i32
      %dma_wait3A_1390 = arith.constant 0 : i32
      %dma_wait3A_1391 = tpu.memref_slice %arg4[%add3A, %run_scoped3A_852, %dma_wait3A_1389, %dma_wait3A_1390] : memref<32x5x25x80xi32, #tpu.memory_space<hbm>> -> memref<1x1x25x80xi32, #tpu.memory_space<hbm>>
      %dma_wait3A_1392 = tpu.memref_squeeze %dma_wait3A_1391 : memref<1x1x25x80xi32, #tpu.memory_space<hbm>> -> memref<25x80xi32, #tpu.memory_space<hbm>>
      %dma_wait3A_1393 = arith.constant 0 : i32
      %dma_wait3A_1394 = arith.constant 0 : i32
      %dma_wait3A_1395 = tpu.memref_slice %arg4[%add3A, %run_scoped3A_852, %dma_wait3A_1393, %dma_wait3A_1394] : memref<32x5x25x80xi32, #tpu.memory_space<hbm>> -> memref<1x1x25x80xi32, #tpu.memory_space<hbm>>
      %dma_wait3A_1396 = tpu.memref_squeeze %dma_wait3A_1395 : memref<1x1x25x80xi32, #tpu.memory_space<hbm>> -> memref<25x80xi32, #tpu.memory_space<hbm>>
      tpu.wait_dma2 semaphore(%run_scoped3A_1380 : memref<!tpu.dma_semaphore, #tpu.memory_space<semaphore_mem>>) src(%dma_wait3A_1396 : memref<25x80xi32, #tpu.memory_space<hbm>>) dst(%arg8 : memref<25x80xi32, #tpu.memory_space<vmem>>)
      tpu.yield
    }) : () -> ()
    %dma_start3A_853 = arith.constant 0 : i32
    %dma_start3A_854 = arith.constant 0 : i32
    %dma_start3A_855 = arith.constant 0 : i32
    %dma_start3A_856 = tpu.memref_slice %arg9[%dma_start3A_854, %dma_start3A_855] : memref<80x128xf32, #tpu.memory_space<vmem>> -> memref<40x128xf32, #tpu.memory_space<vmem>>
    %dma_start3A_857 = arith.constant 0 : i32
    %dma_start3A_858 = tpu.memref_slice %arg7[%dma_start3A_853, %dma_start3A_857] : memref<25x80xi32, #tpu.memory_space<vmem>> -> memref<1x40xi32, #tpu.memory_space<vmem>>
    %dma_start3A_859 = tpu.memref_squeeze %dma_start3A_858 : memref<1x40xi32, #tpu.memory_space<vmem>> -> memref<40xi32, #tpu.memory_space<vmem>>
    %dma_start3A_860 = arith.constant 0 : i32
    %dma_start3A_861 = arith.constant 0 : i32
    %dma_start3A_862 = tpu.memref_slice %arg2[%dma_start3A_860, %dma_start3A_861] : memref<10000x128xf32, #tpu.memory_space<hbm>> -> memref<10000x128xf32, #tpu.memory_space<hbm>>
    tpu.enqueue_indirect_dma source(%dma_start3A_862 : memref<10000x128xf32, #tpu.memory_space<hbm>>) target(%dma_start3A_856 : memref<40x128xf32, #tpu.memory_space<vmem>>) offsets(%dma_start3A_859 : memref<40xi32, #tpu.memory_space<vmem>>) semaphore(%arg13 : memref<!tpu.dma_semaphore, #tpu.memory_space<semaphore_mem>>)
    %dma_start3A_863 = arith.constant 0 : i32
    %dma_start3A_864 = arith.constant 40 : i32
    %dma_start3A_865 = arith.constant 0 : i32
    %dma_start3A_866 = tpu.memref_slice %arg9[%dma_start3A_864, %dma_start3A_865] : memref<80x128xf32, #tpu.memory_space<vmem>> -> memref<40x128xf32, #tpu.memory_space<vmem>>
    %dma_start3A_867 = arith.constant 40 : i32
    %dma_start3A_868 = tpu.memref_slice %arg7[%dma_start3A_863, %dma_start3A_867] : memref<25x80xi32, #tpu.memory_space<vmem>> -> memref<1x40xi32, #tpu.memory_space<vmem>>
    %dma_start3A_869 = tpu.memref_squeeze %dma_start3A_868 : memref<1x40xi32, #tpu.memory_space<vmem>> -> memref<40xi32, #tpu.memory_space<vmem>>
    %dma_start3A_870 = arith.constant 0 : i32
    %dma_start3A_871 = arith.constant 0 : i32
    %dma_start3A_872 = tpu.memref_slice %arg2[%dma_start3A_870, %dma_start3A_871] : memref<10000x128xf32, #tpu.memory_space<hbm>> -> memref<10000x128xf32, #tpu.memory_space<hbm>>
    tpu.enqueue_indirect_dma source(%dma_start3A_872 : memref<10000x128xf32, #tpu.memory_space<hbm>>) target(%dma_start3A_866 : memref<40x128xf32, #tpu.memory_space<vmem>>) offsets(%dma_start3A_869 : memref<40xi32, #tpu.memory_space<vmem>>) semaphore(%arg13 : memref<!tpu.dma_semaphore, #tpu.memory_space<semaphore_mem>>)
    %dma_start3A_873 = arith.constant 1 : i32
    %dma_start3A_874 = arith.constant 0 : i32
    %dma_start3A_875 = arith.constant 0 : i32
    %dma_start3A_876 = tpu.memref_slice %arg10[%dma_start3A_874, %dma_start3A_875] : memref<80x128xf32, #tpu.memory_space<vmem>> -> memref<40x128xf32, #tpu.memory_space<vmem>>
    %dma_start3A_877 = arith.constant 0 : i32
    %dma_start3A_878 = tpu.memref_slice %arg7[%dma_start3A_873, %dma_start3A_877] : memref<25x80xi32, #tpu.memory_space<vmem>> -> memref<1x40xi32, #tpu.memory_space<vmem>>
    %dma_start3A_879 = tpu.memref_squeeze %dma_start3A_878 : memref<1x40xi32, #tpu.memory_space<vmem>> -> memref<40xi32, #tpu.memory_space<vmem>>
    %dma_start3A_880 = arith.constant 0 : i32
    %dma_start3A_881 = arith.constant 0 : i32
    %dma_start3A_882 = tpu.memref_slice %arg2[%dma_start3A_880, %dma_start3A_881] : memref<10000x128xf32, #tpu.memory_space<hbm>> -> memref<10000x128xf32, #tpu.memory_space<hbm>>
    tpu.enqueue_indirect_dma source(%dma_start3A_882 : memref<10000x128xf32, #tpu.memory_space<hbm>>) target(%dma_start3A_876 : memref<40x128xf32, #tpu.memory_space<vmem>>) offsets(%dma_start3A_879 : memref<40xi32, #tpu.memory_space<vmem>>) semaphore(%arg14 : memref<!tpu.dma_semaphore, #tpu.memory_space<semaphore_mem>>)
    %dma_start3A_883 = arith.constant 1 : i32
    %dma_start3A_884 = arith.constant 40 : i32
    %dma_start3A_885 = arith.constant 0 : i32
    %dma_start3A_886 = tpu.memref_slice %arg10[%dma_start3A_884, %dma_start3A_885] : memref<80x128xf32, #tpu.memory_space<vmem>> -> memref<40x128xf32, #tpu.memory_space<vmem>>
    %dma_start3A_887 = arith.constant 40 : i32
    %dma_start3A_888 = tpu.memref_slice %arg7[%dma_start3A_883, %dma_start3A_887] : memref<25x80xi32, #tpu.memory_space<vmem>> -> memref<1x40xi32, #tpu.memory_space<vmem>>
    %dma_start3A_889 = tpu.memref_squeeze %dma_start3A_888 : memref<1x40xi32, #tpu.memory_space<vmem>> -> memref<40xi32, #tpu.memory_space<vmem>>
    %dma_start3A_890 = arith.constant 0 : i32
    %dma_start3A_891 = arith.constant 0 : i32
    %dma_start3A_892 = tpu.memref_slice %arg2[%dma_start3A_890, %dma_start3A_891] : memref<10000x128xf32, #tpu.memory_space<hbm>> -> memref<10000x128xf32, #tpu.memory_space<hbm>>
    tpu.enqueue_indirect_dma source(%dma_start3A_892 : memref<10000x128xf32, #tpu.memory_space<hbm>>) target(%dma_start3A_886 : memref<40x128xf32, #tpu.memory_space<vmem>>) offsets(%dma_start3A_889 : memref<40xi32, #tpu.memory_space<vmem>>) semaphore(%arg14 : memref<!tpu.dma_semaphore, #tpu.memory_space<semaphore_mem>>)
    %dma_start3A_893 = arith.constant 2 : i32
    %dma_start3A_894 = arith.constant 0 : i32
    %dma_start3A_895 = arith.constant 0 : i32
    %dma_start3A_896 = tpu.memref_slice %arg11[%dma_start3A_894, %dma_start3A_895] : memref<80x128xf32, #tpu.memory_space<vmem>> -> memref<40x128xf32, #tpu.memory_space<vmem>>
    %dma_start3A_897 = arith.constant 0 : i32
    %dma_start3A_898 = tpu.memref_slice %arg7[%dma_start3A_893, %dma_start3A_897] : memref<25x80xi32, #tpu.memory_space<vmem>> -> memref<1x40xi32, #tpu.memory_space<vmem>>
    %dma_start3A_899 = tpu.memref_squeeze %dma_start3A_898 : memref<1x40xi32, #tpu.memory_space<vmem>> -> memref<40xi32, #tpu.memory_space<vmem>>
    %dma_start3A_900 = arith.constant 0 : i32
    %dma_start3A_901 = arith.constant 0 : i32
    %dma_start3A_902 = tpu.memref_slice %arg2[%dma_start3A_900, %dma_start3A_901] : memref<10000x128xf32, #tpu.memory_space<hbm>> -> memref<10000x128xf32, #tpu.memory_space<hbm>>
    tpu.enqueue_indirect_dma source(%dma_start3A_902 : memref<10000x128xf32, #tpu.memory_space<hbm>>) target(%dma_start3A_896 : memref<40x128xf32, #tpu.memory_space<vmem>>) offsets(%dma_start3A_899 : memref<40xi32, #tpu.memory_space<vmem>>) semaphore(%arg15 : memref<!tpu.dma_semaphore, #tpu.memory_space<semaphore_mem>>)
    %dma_start3A_903 = arith.constant 2 : i32
    %dma_start3A_904 = arith.constant 40 : i32
    %dma_start3A_905 = arith.constant 0 : i32
    %dma_start3A_906 = tpu.memref_slice %arg11[%dma_start3A_904, %dma_start3A_905] : memref<80x128xf32, #tpu.memory_space<vmem>> -> memref<40x128xf32, #tpu.memory_space<vmem>>
    %dma_start3A_907 = arith.constant 40 : i32
    %dma_start3A_908 = tpu.memref_slice %arg7[%dma_start3A_903, %dma_start3A_907] : memref<25x80xi32, #tpu.memory_space<vmem>> -> memref<1x40xi32, #tpu.memory_space<vmem>>
    %dma_start3A_909 = tpu.memref_squeeze %dma_start3A_908 : memref<1x40xi32, #tpu.memory_space<vmem>> -> memref<40xi32, #tpu.memory_space<vmem>>
    %dma_start3A_910 = arith.constant 0 : i32
    %dma_start3A_911 = arith.constant 0 : i32
    %dma_start3A_912 = tpu.memref_slice %arg2[%dma_start3A_910, %dma_start3A_911] : memref<10000x128xf32, #tpu.memory_space<hbm>> -> memref<10000x128xf32, #tpu.memory_space<hbm>>
    tpu.enqueue_indirect_dma source(%dma_start3A_912 : memref<10000x128xf32, #tpu.memory_space<hbm>>) target(%dma_start3A_906 : memref<40x128xf32, #tpu.memory_space<vmem>>) offsets(%dma_start3A_909 : memref<40xi32, #tpu.memory_space<vmem>>) semaphore(%arg15 : memref<!tpu.dma_semaphore, #tpu.memory_space<semaphore_mem>>)
    %scan3A_913 = arith.constant 0 : i32
    %scan3A_914 = arith.constant 0 : i32
    %scan3A_915 = arith.constant 7 : i32
    %scan3A_916 = arith.addi %scan3A_914, %scan3A_915 : i32
    %scan3A_917 = arith.constant 1 : i32
    scf.for %scan3A_1380 = %scan3A_914 to %scan3A_916 step %scan3A_917  : i32 {
      %mul3A_1381 = arith.constant 3 : i32
      %mul3A_1382 = arith.muli %scan3A_1380, %mul3A_1381 : i32
      %dma_wait3A_1383 = arith.constant 0 : i32
      %dma_wait3A_1384 = arith.constant 0 : i32
      %dma_wait3A_1385 = tpu.memref_slice %arg7[%dma_wait3A_1383, %dma_wait3A_1384] : memref<25x80xi32, #tpu.memory_space<vmem>> -> memref<1x80xi32, #tpu.memory_space<vmem>>
      %dma_wait3A_1386 = tpu.memref_squeeze %dma_wait3A_1385 : memref<1x80xi32, #tpu.memory_space<vmem>> -> memref<80xi32, #tpu.memory_space<vmem>>
      %dma_wait3A_1387 = arith.constant 0 : i32
      %dma_wait3A_1388 = arith.constant 0 : i32
      %dma_wait3A_1389 = tpu.memref_slice %arg2[%dma_wait3A_1387, %dma_wait3A_1388] : memref<10000x128xf32, #tpu.memory_space<hbm>> -> memref<10000x128xf32, #tpu.memory_space<hbm>>
      tpu.wait_indirect_dma semaphore(%arg13 : memref<!tpu.dma_semaphore, #tpu.memory_space<semaphore_mem>>) src(%dma_wait3A_1389 : memref<10000x128xf32, #tpu.memory_space<hbm>>) dst(%arg9 : memref<80x128xf32, #tpu.memory_space<vmem>>)
      %add3A_1390 = arith.constant 0 : i32
      %add3A_1391 = arith.addi %mul3A_1382, %add3A_1390 : i32
      %dma_start3A_1392 = arith.constant 0 : i32
      %dma_start3A_1393 = tpu.memref_slice %arg8[%add3A_1391, %dma_start3A_1392] : memref<25x80xi32, #tpu.memory_space<vmem>> -> memref<1x80xi32, #tpu.memory_space<vmem>>
      %dma_start3A_1394 = tpu.memref_squeeze %dma_start3A_1393 : memref<1x80xi32, #tpu.memory_space<vmem>> -> memref<80xi32, #tpu.memory_space<vmem>>
      %dma_start3A_1395 = arith.constant 0 : i32
      %dma_start3A_1396 = arith.constant 0 : i32
      %dma_start3A_1397 = tpu.memref_slice %arg6[%dma_start3A_1395, %dma_start3A_1396] : memref<10000x128xf32, #tpu.memory_space<vmem_shared>> -> memref<10000x128xf32, #tpu.memory_space<vmem_shared>>
      tpu.enqueue_indirect_dma source(%arg9 : memref<80x128xf32, #tpu.memory_space<vmem>>) target(%dma_start3A_1397 : memref<10000x128xf32, #tpu.memory_space<vmem_shared>>) offsets(%dma_start3A_1394 : memref<80xi32, #tpu.memory_space<vmem>>) semaphore(%arg16 : memref<!tpu.dma_semaphore, #tpu.memory_space<semaphore_mem>>) {add = true}
      %dma_wait3A_1398 = arith.constant 0 : i32
      %dma_wait3A_1399 = arith.constant 0 : i32
      %dma_wait3A_1400 = tpu.memref_slice %arg7[%dma_wait3A_1398, %dma_wait3A_1399] : memref<25x80xi32, #tpu.memory_space<vmem>> -> memref<1x80xi32, #tpu.memory_space<vmem>>
      %dma_wait3A_1401 = tpu.memref_squeeze %dma_wait3A_1400 : memref<1x80xi32, #tpu.memory_space<vmem>> -> memref<80xi32, #tpu.memory_space<vmem>>
      %dma_wait3A_1402 = arith.constant 0 : i32
      %dma_wait3A_1403 = arith.constant 0 : i32
      %dma_wait3A_1404 = tpu.memref_slice %arg2[%dma_wait3A_1402, %dma_wait3A_1403] : memref<10000x128xf32, #tpu.memory_space<hbm>> -> memref<10000x128xf32, #tpu.memory_space<hbm>>
      tpu.wait_indirect_dma semaphore(%arg14 : memref<!tpu.dma_semaphore, #tpu.memory_space<semaphore_mem>>) src(%dma_wait3A_1404 : memref<10000x128xf32, #tpu.memory_space<hbm>>) dst(%arg10 : memref<80x128xf32, #tpu.memory_space<vmem>>)
      %add3A_1405 = arith.constant 1 : i32
      %add3A_1406 = arith.addi %mul3A_1382, %add3A_1405 : i32
      %dma_start3A_1407 = arith.constant 0 : i32
      %dma_start3A_1408 = tpu.memref_slice %arg8[%add3A_1406, %dma_start3A_1407] : memref<25x80xi32, #tpu.memory_space<vmem>> -> memref<1x80xi32, #tpu.memory_space<vmem>>
      %dma_start3A_1409 = tpu.memref_squeeze %dma_start3A_1408 : memref<1x80xi32, #tpu.memory_space<vmem>> -> memref<80xi32, #tpu.memory_space<vmem>>
      %dma_start3A_1410 = arith.constant 0 : i32
      %dma_start3A_1411 = arith.constant 0 : i32
      %dma_start3A_1412 = tpu.memref_slice %arg6[%dma_start3A_1410, %dma_start3A_1411] : memref<10000x128xf32, #tpu.memory_space<vmem_shared>> -> memref<10000x128xf32, #tpu.memory_space<vmem_shared>>
      tpu.enqueue_indirect_dma source(%arg10 : memref<80x128xf32, #tpu.memory_space<vmem>>) target(%dma_start3A_1412 : memref<10000x128xf32, #tpu.memory_space<vmem_shared>>) offsets(%dma_start3A_1409 : memref<80xi32, #tpu.memory_space<vmem>>) semaphore(%arg17 : memref<!tpu.dma_semaphore, #tpu.memory_space<semaphore_mem>>) {add = true}
      %dma_wait3A_1413 = arith.constant 0 : i32
      %dma_wait3A_1414 = arith.constant 0 : i32
      %dma_wait3A_1415 = tpu.memref_slice %arg7[%dma_wait3A_1413, %dma_wait3A_1414] : memref<25x80xi32, #tpu.memory_space<vmem>> -> memref<1x80xi32, #tpu.memory_space<vmem>>
      %dma_wait3A_1416 = tpu.memref_squeeze %dma_wait3A_1415 : memref<1x80xi32, #tpu.memory_space<vmem>> -> memref<80xi32, #tpu.memory_space<vmem>>
      %dma_wait3A_1417 = arith.constant 0 : i32
      %dma_wait3A_1418 = arith.constant 0 : i32
      %dma_wait3A_1419 = tpu.memref_slice %arg2[%dma_wait3A_1417, %dma_wait3A_1418] : memref<10000x128xf32, #tpu.memory_space<hbm>> -> memref<10000x128xf32, #tpu.memory_space<hbm>>
      tpu.wait_indirect_dma semaphore(%arg15 : memref<!tpu.dma_semaphore, #tpu.memory_space<semaphore_mem>>) src(%dma_wait3A_1419 : memref<10000x128xf32, #tpu.memory_space<hbm>>) dst(%arg11 : memref<80x128xf32, #tpu.memory_space<vmem>>)
      %add3A_1420 = arith.constant 2 : i32
      %add3A_1421 = arith.addi %mul3A_1382, %add3A_1420 : i32
      %dma_start3A_1422 = arith.constant 0 : i32
      %dma_start3A_1423 = tpu.memref_slice %arg8[%add3A_1421, %dma_start3A_1422] : memref<25x80xi32, #tpu.memory_space<vmem>> -> memref<1x80xi32, #tpu.memory_space<vmem>>
      %dma_start3A_1424 = tpu.memref_squeeze %dma_start3A_1423 : memref<1x80xi32, #tpu.memory_space<vmem>> -> memref<80xi32, #tpu.memory_space<vmem>>
      %dma_start3A_1425 = arith.constant 0 : i32
      %dma_start3A_1426 = arith.constant 0 : i32
      %dma_start3A_1427 = tpu.memref_slice %arg6[%dma_start3A_1425, %dma_start3A_1426] : memref<10000x128xf32, #tpu.memory_space<vmem_shared>> -> memref<10000x128xf32, #tpu.memory_space<vmem_shared>>
      tpu.enqueue_indirect_dma source(%arg11 : memref<80x128xf32, #tpu.memory_space<vmem>>) target(%dma_start3A_1427 : memref<10000x128xf32, #tpu.memory_space<vmem_shared>>) offsets(%dma_start3A_1424 : memref<80xi32, #tpu.memory_space<vmem>>) semaphore(%arg18 : memref<!tpu.dma_semaphore, #tpu.memory_space<semaphore_mem>>) {add = true}
      %dma_wait3A_1428 = arith.constant 0 : i32
      %dma_wait3A_1429 = tpu.memref_slice %arg8[%add3A_1391, %dma_wait3A_1428] : memref<25x80xi32, #tpu.memory_space<vmem>> -> memref<1x80xi32, #tpu.memory_space<vmem>>
      %dma_wait3A_1430 = tpu.memref_squeeze %dma_wait3A_1429 : memref<1x80xi32, #tpu.memory_space<vmem>> -> memref<80xi32, #tpu.memory_space<vmem>>
      %dma_wait3A_1431 = arith.constant 0 : i32
      %dma_wait3A_1432 = arith.constant 0 : i32
      %dma_wait3A_1433 = tpu.memref_slice %arg6[%dma_wait3A_1431, %dma_wait3A_1432] : memref<10000x128xf32, #tpu.memory_space<vmem_shared>> -> memref<10000x128xf32, #tpu.memory_space<vmem_shared>>
      tpu.wait_indirect_dma semaphore(%arg16 : memref<!tpu.dma_semaphore, #tpu.memory_space<semaphore_mem>>) src(%arg9 : memref<80x128xf32, #tpu.memory_space<vmem>>) dst(%dma_wait3A_1433 : memref<10000x128xf32, #tpu.memory_space<vmem_shared>>)
      %add3A_1434 = arith.constant 3 : i32
      %add3A_1435 = arith.addi %mul3A_1382, %add3A_1434 : i32
      %add3A_1436 = arith.constant 0 : i32
      %add3A_1437 = arith.addi %add3A_1435, %add3A_1436 : i32
      %dma_start3A_1438 = arith.constant 0 : i32
      %dma_start3A_1439 = arith.constant 0 : i32
      %dma_start3A_1440 = tpu.memref_slice %arg9[%dma_start3A_1438, %dma_start3A_1439] : memref<80x128xf32, #tpu.memory_space<vmem>> -> memref<40x128xf32, #tpu.memory_space<vmem>>
      %dma_start3A_1441 = arith.constant 0 : i32
      %dma_start3A_1442 = tpu.memref_slice %arg7[%add3A_1437, %dma_start3A_1441] : memref<25x80xi32, #tpu.memory_space<vmem>> -> memref<1x40xi32, #tpu.memory_space<vmem>>
      %dma_start3A_1443 = tpu.memref_squeeze %dma_start3A_1442 : memref<1x40xi32, #tpu.memory_space<vmem>> -> memref<40xi32, #tpu.memory_space<vmem>>
      %dma_start3A_1444 = arith.constant 0 : i32
      %dma_start3A_1445 = arith.constant 0 : i32
      %dma_start3A_1446 = tpu.memref_slice %arg2[%dma_start3A_1444, %dma_start3A_1445] : memref<10000x128xf32, #tpu.memory_space<hbm>> -> memref<10000x128xf32, #tpu.memory_space<hbm>>
      tpu.enqueue_indirect_dma source(%dma_start3A_1446 : memref<10000x128xf32, #tpu.memory_space<hbm>>) target(%dma_start3A_1440 : memref<40x128xf32, #tpu.memory_space<vmem>>) offsets(%dma_start3A_1443 : memref<40xi32, #tpu.memory_space<vmem>>) semaphore(%arg13 : memref<!tpu.dma_semaphore, #tpu.memory_space<semaphore_mem>>)
      %dma_start3A_1447 = arith.constant 40 : i32
      %dma_start3A_1448 = arith.constant 0 : i32
      %dma_start3A_1449 = tpu.memref_slice %arg9[%dma_start3A_1447, %dma_start3A_1448] : memref<80x128xf32, #tpu.memory_space<vmem>> -> memref<40x128xf32, #tpu.memory_space<vmem>>
      %dma_start3A_1450 = arith.constant 40 : i32
      %dma_start3A_1451 = tpu.memref_slice %arg7[%add3A_1437, %dma_start3A_1450] : memref<25x80xi32, #tpu.memory_space<vmem>> -> memref<1x40xi32, #tpu.memory_space<vmem>>
      %dma_start3A_1452 = tpu.memref_squeeze %dma_start3A_1451 : memref<1x40xi32, #tpu.memory_space<vmem>> -> memref<40xi32, #tpu.memory_space<vmem>>
      %dma_start3A_1453 = arith.constant 0 : i32
      %dma_start3A_1454 = arith.constant 0 : i32
      %dma_start3A_1455 = tpu.memref_slice %arg2[%dma_start3A_1453, %dma_start3A_1454] : memref<10000x128xf32, #tpu.memory_space<hbm>> -> memref<10000x128xf32, #tpu.memory_space<hbm>>
      tpu.enqueue_indirect_dma source(%dma_start3A_1455 : memref<10000x128xf32, #tpu.memory_space<hbm>>) target(%dma_start3A_1449 : memref<40x128xf32, #tpu.memory_space<vmem>>) offsets(%dma_start3A_1452 : memref<40xi32, #tpu.memory_space<vmem>>) semaphore(%arg13 : memref<!tpu.dma_semaphore, #tpu.memory_space<semaphore_mem>>)
      %dma_wait3A_1456 = arith.constant 0 : i32
      %dma_wait3A_1457 = tpu.memref_slice %arg8[%add3A_1406, %dma_wait3A_1456] : memref<25x80xi32, #tpu.memory_space<vmem>> -> memref<1x80xi32, #tpu.memory_space<vmem>>
      %dma_wait3A_1458 = tpu.memref_squeeze %dma_wait3A_1457 : memref<1x80xi32, #tpu.memory_space<vmem>> -> memref<80xi32, #tpu.memory_space<vmem>>
      %dma_wait3A_1459 = arith.constant 0 : i32
      %dma_wait3A_1460 = arith.constant 0 : i32
      %dma_wait3A_1461 = tpu.memref_slice %arg6[%dma_wait3A_1459, %dma_wait3A_1460] : memref<10000x128xf32, #tpu.memory_space<vmem_shared>> -> memref<10000x128xf32, #tpu.memory_space<vmem_shared>>
      tpu.wait_indirect_dma semaphore(%arg17 : memref<!tpu.dma_semaphore, #tpu.memory_space<semaphore_mem>>) src(%arg10 : memref<80x128xf32, #tpu.memory_space<vmem>>) dst(%dma_wait3A_1461 : memref<10000x128xf32, #tpu.memory_space<vmem_shared>>)
      %add3A_1462 = arith.constant 3 : i32
      %add3A_1463 = arith.addi %mul3A_1382, %add3A_1462 : i32
      %add3A_1464 = arith.constant 1 : i32
      %add3A_1465 = arith.addi %add3A_1463, %add3A_1464 : i32
      %dma_start3A_1466 = arith.constant 0 : i32
      %dma_start3A_1467 = arith.constant 0 : i32
      %dma_start3A_1468 = tpu.memref_slice %arg10[%dma_start3A_1466, %dma_start3A_1467] : memref<80x128xf32, #tpu.memory_space<vmem>> -> memref<40x128xf32, #tpu.memory_space<vmem>>
      %dma_start3A_1469 = arith.constant 0 : i32
      %dma_start3A_1470 = tpu.memref_slice %arg7[%add3A_1465, %dma_start3A_1469] : memref<25x80xi32, #tpu.memory_space<vmem>> -> memref<1x40xi32, #tpu.memory_space<vmem>>
      %dma_start3A_1471 = tpu.memref_squeeze %dma_start3A_1470 : memref<1x40xi32, #tpu.memory_space<vmem>> -> memref<40xi32, #tpu.memory_space<vmem>>
      %dma_start3A_1472 = arith.constant 0 : i32
      %dma_start3A_1473 = arith.constant 0 : i32
      %dma_start3A_1474 = tpu.memref_slice %arg2[%dma_start3A_1472, %dma_start3A_1473] : memref<10000x128xf32, #tpu.memory_space<hbm>> -> memref<10000x128xf32, #tpu.memory_space<hbm>>
      tpu.enqueue_indirect_dma source(%dma_start3A_1474 : memref<10000x128xf32, #tpu.memory_space<hbm>>) target(%dma_start3A_1468 : memref<40x128xf32, #tpu.memory_space<vmem>>) offsets(%dma_start3A_1471 : memref<40xi32, #tpu.memory_space<vmem>>) semaphore(%arg14 : memref<!tpu.dma_semaphore, #tpu.memory_space<semaphore_mem>>)
      %dma_start3A_1475 = arith.constant 40 : i32
      %dma_start3A_1476 = arith.constant 0 : i32
      %dma_start3A_1477 = tpu.memref_slice %arg10[%dma_start3A_1475, %dma_start3A_1476] : memref<80x128xf32, #tpu.memory_space<vmem>> -> memref<40x128xf32, #tpu.memory_space<vmem>>
      %dma_start3A_1478 = arith.constant 40 : i32
      %dma_start3A_1479 = tpu.memref_slice %arg7[%add3A_1465, %dma_start3A_1478] : memref<25x80xi32, #tpu.memory_space<vmem>> -> memref<1x40xi32, #tpu.memory_space<vmem>>
      %dma_start3A_1480 = tpu.memref_squeeze %dma_start3A_1479 : memref<1x40xi32, #tpu.memory_space<vmem>> -> memref<40xi32, #tpu.memory_space<vmem>>
      %dma_start3A_1481 = arith.constant 0 : i32
      %dma_start3A_1482 = arith.constant 0 : i32
      %dma_start3A_1483 = tpu.memref_slice %arg2[%dma_start3A_1481, %dma_start3A_1482] : memref<10000x128xf32, #tpu.memory_space<hbm>> -> memref<10000x128xf32, #tpu.memory_space<hbm>>
      tpu.enqueue_indirect_dma source(%dma_start3A_1483 : memref<10000x128xf32, #tpu.memory_space<hbm>>) target(%dma_start3A_1477 : memref<40x128xf32, #tpu.memory_space<vmem>>) offsets(%dma_start3A_1480 : memref<40xi32, #tpu.memory_space<vmem>>) semaphore(%arg14 : memref<!tpu.dma_semaphore, #tpu.memory_space<semaphore_mem>>)
      %dma_wait3A_1484 = arith.constant 0 : i32
      %dma_wait3A_1485 = tpu.memref_slice %arg8[%add3A_1421, %dma_wait3A_1484] : memref<25x80xi32, #tpu.memory_space<vmem>> -> memref<1x80xi32, #tpu.memory_space<vmem>>
      %dma_wait3A_1486 = tpu.memref_squeeze %dma_wait3A_1485 : memref<1x80xi32, #tpu.memory_space<vmem>> -> memref<80xi32, #tpu.memory_space<vmem>>
      %dma_wait3A_1487 = arith.constant 0 : i32
      %dma_wait3A_1488 = arith.constant 0 : i32
      %dma_wait3A_1489 = tpu.memref_slice %arg6[%dma_wait3A_1487, %dma_wait3A_1488] : memref<10000x128xf32, #tpu.memory_space<vmem_shared>> -> memref<10000x128xf32, #tpu.memory_space<vmem_shared>>
      tpu.wait_indirect_dma semaphore(%arg18 : memref<!tpu.dma_semaphore, #tpu.memory_space<semaphore_mem>>) src(%arg11 : memref<80x128xf32, #tpu.memory_space<vmem>>) dst(%dma_wait3A_1489 : memref<10000x128xf32, #tpu.memory_space<vmem_shared>>)
      %add3A_1490 = arith.constant 3 : i32
      %add3A_1491 = arith.addi %mul3A_1382, %add3A_1490 : i32
      %add3A_1492 = arith.constant 2 : i32
      %add3A_1493 = arith.addi %add3A_1491, %add3A_1492 : i32
      %dma_start3A_1494 = arith.constant 0 : i32
      %dma_start3A_1495 = arith.constant 0 : i32
      %dma_start3A_1496 = tpu.memref_slice %arg11[%dma_start3A_1494, %dma_start3A_1495] : memref<80x128xf32, #tpu.memory_space<vmem>> -> memref<40x128xf32, #tpu.memory_space<vmem>>
      %dma_start3A_1497 = arith.constant 0 : i32
      %dma_start3A_1498 = tpu.memref_slice %arg7[%add3A_1493, %dma_start3A_1497] : memref<25x80xi32, #tpu.memory_space<vmem>> -> memref<1x40xi32, #tpu.memory_space<vmem>>
      %dma_start3A_1499 = tpu.memref_squeeze %dma_start3A_1498 : memref<1x40xi32, #tpu.memory_space<vmem>> -> memref<40xi32, #tpu.memory_space<vmem>>
      %dma_start3A_1500 = arith.constant 0 : i32
      %dma_start3A_1501 = arith.constant 0 : i32
      %dma_start3A_1502 = tpu.memref_slice %arg2[%dma_start3A_1500, %dma_start3A_1501] : memref<10000x128xf32, #tpu.memory_space<hbm>> -> memref<10000x128xf32, #tpu.memory_space<hbm>>
      tpu.enqueue_indirect_dma source(%dma_start3A_1502 : memref<10000x128xf32, #tpu.memory_space<hbm>>) target(%dma_start3A_1496 : memref<40x128xf32, #tpu.memory_space<vmem>>) offsets(%dma_start3A_1499 : memref<40xi32, #tpu.memory_space<vmem>>) semaphore(%arg15 : memref<!tpu.dma_semaphore, #tpu.memory_space<semaphore_mem>>)
      %dma_start3A_1503 = arith.constant 40 : i32
      %dma_start3A_1504 = arith.constant 0 : i32
      %dma_start3A_1505 = tpu.memref_slice %arg11[%dma_start3A_1503, %dma_start3A_1504] : memref<80x128xf32, #tpu.memory_space<vmem>> -> memref<40x128xf32, #tpu.memory_space<vmem>>
      %dma_start3A_1506 = arith.constant 40 : i32
      %dma_start3A_1507 = tpu.memref_slice %arg7[%add3A_1493, %dma_start3A_1506] : memref<25x80xi32, #tpu.memory_space<vmem>> -> memref<1x40xi32, #tpu.memory_space<vmem>>
      %dma_start3A_1508 = tpu.memref_squeeze %dma_start3A_1507 : memref<1x40xi32, #tpu.memory_space<vmem>> -> memref<40xi32, #tpu.memory_space<vmem>>
      %dma_start3A_1509 = arith.constant 0 : i32
      %dma_start3A_1510 = arith.constant 0 : i32
      %dma_start3A_1511 = tpu.memref_slice %arg2[%dma_start3A_1509, %dma_start3A_1510] : memref<10000x128xf32, #tpu.memory_space<hbm>> -> memref<10000x128xf32, #tpu.memory_space<hbm>>
      tpu.enqueue_indirect_dma source(%dma_start3A_1511 : memref<10000x128xf32, #tpu.memory_space<hbm>>) target(%dma_start3A_1505 : memref<40x128xf32, #tpu.memory_space<vmem>>) offsets(%dma_start3A_1508 : memref<40xi32, #tpu.memory_space<vmem>>) semaphore(%arg15 : memref<!tpu.dma_semaphore, #tpu.memory_space<semaphore_mem>>)
    }
    %scan3A_918 = arith.constant 7 : i32
    %dma_wait3A_919 = arith.constant 0 : i32
    %dma_wait3A_920 = arith.constant 0 : i32
    %dma_wait3A_921 = tpu.memref_slice %arg7[%dma_wait3A_919, %dma_wait3A_920] : memref<25x80xi32, #tpu.memory_space<vmem>> -> memref<1x80xi32, #tpu.memory_space<vmem>>
    %dma_wait3A_922 = tpu.memref_squeeze %dma_wait3A_921 : memref<1x80xi32, #tpu.memory_space<vmem>> -> memref<80xi32, #tpu.memory_space<vmem>>
    %dma_wait3A_923 = arith.constant 0 : i32
    %dma_wait3A_924 = arith.constant 0 : i32
    %dma_wait3A_925 = tpu.memref_slice %arg2[%dma_wait3A_923, %dma_wait3A_924] : memref<10000x128xf32, #tpu.memory_space<hbm>> -> memref<10000x128xf32, #tpu.memory_space<hbm>>
    tpu.wait_indirect_dma semaphore(%arg13 : memref<!tpu.dma_semaphore, #tpu.memory_space<semaphore_mem>>) src(%dma_wait3A_925 : memref<10000x128xf32, #tpu.memory_space<hbm>>) dst(%arg9 : memref<80x128xf32, #tpu.memory_space<vmem>>)
    %dma_start3A_926 = arith.constant 21 : i32
    %dma_start3A_927 = arith.constant 0 : i32
    %dma_start3A_928 = tpu.memref_slice %arg8[%dma_start3A_926, %dma_start3A_927] : memref<25x80xi32, #tpu.memory_space<vmem>> -> memref<1x80xi32, #tpu.memory_space<vmem>>
    %dma_start3A_929 = tpu.memref_squeeze %dma_start3A_928 : memref<1x80xi32, #tpu.memory_space<vmem>> -> memref<80xi32, #tpu.memory_space<vmem>>
    %dma_start3A_930 = arith.constant 0 : i32
    %dma_start3A_931 = arith.constant 0 : i32
    %dma_start3A_932 = tpu.memref_slice %arg6[%dma_start3A_930, %dma_start3A_931] : memref<10000x128xf32, #tpu.memory_space<vmem_shared>> -> memref<10000x128xf32, #tpu.memory_space<vmem_shared>>
    tpu.enqueue_indirect_dma source(%arg9 : memref<80x128xf32, #tpu.memory_space<vmem>>) target(%dma_start3A_932 : memref<10000x128xf32, #tpu.memory_space<vmem_shared>>) offsets(%dma_start3A_929 : memref<80xi32, #tpu.memory_space<vmem>>) semaphore(%arg16 : memref<!tpu.dma_semaphore, #tpu.memory_space<semaphore_mem>>) {add = true}
    %dma_wait3A_933 = arith.constant 0 : i32
    %dma_wait3A_934 = arith.constant 0 : i32
    %dma_wait3A_935 = tpu.memref_slice %arg7[%dma_wait3A_933, %dma_wait3A_934] : memref<25x80xi32, #tpu.memory_space<vmem>> -> memref<1x80xi32, #tpu.memory_space<vmem>>
    %dma_wait3A_936 = tpu.memref_squeeze %dma_wait3A_935 : memref<1x80xi32, #tpu.memory_space<vmem>> -> memref<80xi32, #tpu.memory_space<vmem>>
    %dma_wait3A_937 = arith.constant 0 : i32
    %dma_wait3A_938 = arith.constant 0 : i32
    %dma_wait3A_939 = tpu.memref_slice %arg2[%dma_wait3A_937, %dma_wait3A_938] : memref<10000x128xf32, #tpu.memory_space<hbm>> -> memref<10000x128xf32, #tpu.memory_space<hbm>>
    tpu.wait_indirect_dma semaphore(%arg14 : memref<!tpu.dma_semaphore, #tpu.memory_space<semaphore_mem>>) src(%dma_wait3A_939 : memref<10000x128xf32, #tpu.memory_space<hbm>>) dst(%arg10 : memref<80x128xf32, #tpu.memory_space<vmem>>)
    %dma_start3A_940 = arith.constant 22 : i32
    %dma_start3A_941 = arith.constant 0 : i32
    %dma_start3A_942 = tpu.memref_slice %arg8[%dma_start3A_940, %dma_start3A_941] : memref<25x80xi32, #tpu.memory_space<vmem>> -> memref<1x80xi32, #tpu.memory_space<vmem>>
    %dma_start3A_943 = tpu.memref_squeeze %dma_start3A_942 : memref<1x80xi32, #tpu.memory_space<vmem>> -> memref<80xi32, #tpu.memory_space<vmem>>
    %dma_start3A_944 = arith.constant 0 : i32
    %dma_start3A_945 = arith.constant 0 : i32
    %dma_start3A_946 = tpu.memref_slice %arg6[%dma_start3A_944, %dma_start3A_945] : memref<10000x128xf32, #tpu.memory_space<vmem_shared>> -> memref<10000x128xf32, #tpu.memory_space<vmem_shared>>
    tpu.enqueue_indirect_dma source(%arg10 : memref<80x128xf32, #tpu.memory_space<vmem>>) target(%dma_start3A_946 : memref<10000x128xf32, #tpu.memory_space<vmem_shared>>) offsets(%dma_start3A_943 : memref<80xi32, #tpu.memory_space<vmem>>) semaphore(%arg17 : memref<!tpu.dma_semaphore, #tpu.memory_space<semaphore_mem>>) {add = true}
    %dma_wait3A_947 = arith.constant 0 : i32
    %dma_wait3A_948 = arith.constant 0 : i32
    %dma_wait3A_949 = tpu.memref_slice %arg7[%dma_wait3A_947, %dma_wait3A_948] : memref<25x80xi32, #tpu.memory_space<vmem>> -> memref<1x80xi32, #tpu.memory_space<vmem>>
    %dma_wait3A_950 = tpu.memref_squeeze %dma_wait3A_949 : memref<1x80xi32, #tpu.memory_space<vmem>> -> memref<80xi32, #tpu.memory_space<vmem>>
    %dma_wait3A_951 = arith.constant 0 : i32
    %dma_wait3A_952 = arith.constant 0 : i32
    %dma_wait3A_953 = tpu.memref_slice %arg2[%dma_wait3A_951, %dma_wait3A_952] : memref<10000x128xf32, #tpu.memory_space<hbm>> -> memref<10000x128xf32, #tpu.memory_space<hbm>>
    tpu.wait_indirect_dma semaphore(%arg15 : memref<!tpu.dma_semaphore, #tpu.memory_space<semaphore_mem>>) src(%dma_wait3A_953 : memref<10000x128xf32, #tpu.memory_space<hbm>>) dst(%arg11 : memref<80x128xf32, #tpu.memory_space<vmem>>)
    %dma_start3A_954 = arith.constant 23 : i32
    %dma_start3A_955 = arith.constant 0 : i32
    %dma_start3A_956 = tpu.memref_slice %arg8[%dma_start3A_954, %dma_start3A_955] : memref<25x80xi32, #tpu.memory_space<vmem>> -> memref<1x80xi32, #tpu.memory_space<vmem>>
    %dma_start3A_957 = tpu.memref_squeeze %dma_start3A_956 : memref<1x80xi32, #tpu.memory_space<vmem>> -> memref<80xi32, #tpu.memory_space<vmem>>
    %dma_start3A_958 = arith.constant 0 : i32
    %dma_start3A_959 = arith.constant 0 : i32
    %dma_start3A_960 = tpu.memref_slice %arg6[%dma_start3A_958, %dma_start3A_959] : memref<10000x128xf32, #tpu.memory_space<vmem_shared>> -> memref<10000x128xf32, #tpu.memory_space<vmem_shared>>
    tpu.enqueue_indirect_dma source(%arg11 : memref<80x128xf32, #tpu.memory_space<vmem>>) target(%dma_start3A_960 : memref<10000x128xf32, #tpu.memory_space<vmem_shared>>) offsets(%dma_start3A_957 : memref<80xi32, #tpu.memory_space<vmem>>) semaphore(%arg18 : memref<!tpu.dma_semaphore, #tpu.memory_space<semaphore_mem>>) {add = true}
    %dma_wait3A_961 = arith.constant 21 : i32
    %dma_wait3A_962 = arith.constant 0 : i32
    %dma_wait3A_963 = tpu.memref_slice %arg8[%dma_wait3A_961, %dma_wait3A_962] : memref<25x80xi32, #tpu.memory_space<vmem>> -> memref<1x80xi32, #tpu.memory_space<vmem>>
    %dma_wait3A_964 = tpu.memref_squeeze %dma_wait3A_963 : memref<1x80xi32, #tpu.memory_space<vmem>> -> memref<80xi32, #tpu.memory_space<vmem>>
    %dma_wait3A_965 = arith.constant 0 : i32
    %dma_wait3A_966 = arith.constant 0 : i32
    %dma_wait3A_967 = tpu.memref_slice %arg6[%dma_wait3A_965, %dma_wait3A_966] : memref<10000x128xf32, #tpu.memory_space<vmem_shared>> -> memref<10000x128xf32, #tpu.memory_space<vmem_shared>>
    tpu.wait_indirect_dma semaphore(%arg16 : memref<!tpu.dma_semaphore, #tpu.memory_space<semaphore_mem>>) src(%arg9 : memref<80x128xf32, #tpu.memory_space<vmem>>) dst(%dma_wait3A_967 : memref<10000x128xf32, #tpu.memory_space<vmem_shared>>)
    %dma_start3A_968 = arith.constant 24 : i32
    %dma_start3A_969 = arith.constant 0 : i32
    %dma_start3A_970 = arith.constant 0 : i32
    %dma_start3A_971 = tpu.memref_slice %arg9[%dma_start3A_969, %dma_start3A_970] : memref<80x128xf32, #tpu.memory_space<vmem>> -> memref<40x128xf32, #tpu.memory_space<vmem>>
    %dma_start3A_972 = arith.constant 0 : i32
    %dma_start3A_973 = tpu.memref_slice %arg7[%dma_start3A_968, %dma_start3A_972] : memref<25x80xi32, #tpu.memory_space<vmem>> -> memref<1x40xi32, #tpu.memory_space<vmem>>
    %dma_start3A_974 = tpu.memref_squeeze %dma_start3A_973 : memref<1x40xi32, #tpu.memory_space<vmem>> -> memref<40xi32, #tpu.memory_space<vmem>>
    %dma_start3A_975 = arith.constant 0 : i32
    %dma_start3A_976 = arith.constant 0 : i32
    %dma_start3A_977 = tpu.memref_slice %arg2[%dma_start3A_975, %dma_start3A_976] : memref<10000x128xf32, #tpu.memory_space<hbm>> -> memref<10000x128xf32, #tpu.memory_space<hbm>>
    tpu.enqueue_indirect_dma source(%dma_start3A_977 : memref<10000x128xf32, #tpu.memory_space<hbm>>) target(%dma_start3A_971 : memref<40x128xf32, #tpu.memory_space<vmem>>) offsets(%dma_start3A_974 : memref<40xi32, #tpu.memory_space<vmem>>) semaphore(%arg13 : memref<!tpu.dma_semaphore, #tpu.memory_space<semaphore_mem>>)
    %dma_start3A_978 = arith.constant 24 : i32
    %dma_start3A_979 = arith.constant 40 : i32
    %dma_start3A_980 = arith.constant 0 : i32
    %dma_start3A_981 = tpu.memref_slice %arg9[%dma_start3A_979, %dma_start3A_980] : memref<80x128xf32, #tpu.memory_space<vmem>> -> memref<40x128xf32, #tpu.memory_space<vmem>>
    %dma_start3A_982 = arith.constant 40 : i32
    %dma_start3A_983 = tpu.memref_slice %arg7[%dma_start3A_978, %dma_start3A_982] : memref<25x80xi32, #tpu.memory_space<vmem>> -> memref<1x40xi32, #tpu.memory_space<vmem>>
    %dma_start3A_984 = tpu.memref_squeeze %dma_start3A_983 : memref<1x40xi32, #tpu.memory_space<vmem>> -> memref<40xi32, #tpu.memory_space<vmem>>
    %dma_start3A_985 = arith.constant 0 : i32
    %dma_start3A_986 = arith.constant 0 : i32
    %dma_start3A_987 = tpu.memref_slice %arg2[%dma_start3A_985, %dma_start3A_986] : memref<10000x128xf32, #tpu.memory_space<hbm>> -> memref<10000x128xf32, #tpu.memory_space<hbm>>
    tpu.enqueue_indirect_dma source(%dma_start3A_987 : memref<10000x128xf32, #tpu.memory_space<hbm>>) target(%dma_start3A_981 : memref<40x128xf32, #tpu.memory_space<vmem>>) offsets(%dma_start3A_984 : memref<40xi32, #tpu.memory_space<vmem>>) semaphore(%arg13 : memref<!tpu.dma_semaphore, #tpu.memory_space<semaphore_mem>>)
    %dma_wait3A_988 = arith.constant 22 : i32
    %dma_wait3A_989 = arith.constant 0 : i32
    %dma_wait3A_990 = tpu.memref_slice %arg8[%dma_wait3A_988, %dma_wait3A_989] : memref<25x80xi32, #tpu.memory_space<vmem>> -> memref<1x80xi32, #tpu.memory_space<vmem>>
    %dma_wait3A_991 = tpu.memref_squeeze %dma_wait3A_990 : memref<1x80xi32, #tpu.memory_space<vmem>> -> memref<80xi32, #tpu.memory_space<vmem>>
    %dma_wait3A_992 = arith.constant 0 : i32
    %dma_wait3A_993 = arith.constant 0 : i32
    %dma_wait3A_994 = tpu.memref_slice %arg6[%dma_wait3A_992, %dma_wait3A_993] : memref<10000x128xf32, #tpu.memory_space<vmem_shared>> -> memref<10000x128xf32, #tpu.memory_space<vmem_shared>>
    tpu.wait_indirect_dma semaphore(%arg17 : memref<!tpu.dma_semaphore, #tpu.memory_space<semaphore_mem>>) src(%arg10 : memref<80x128xf32, #tpu.memory_space<vmem>>) dst(%dma_wait3A_994 : memref<10000x128xf32, #tpu.memory_space<vmem_shared>>)
    %dma_wait3A_995 = arith.constant 23 : i32
    %dma_wait3A_996 = arith.constant 0 : i32
    %dma_wait3A_997 = tpu.memref_slice %arg8[%dma_wait3A_995, %dma_wait3A_996] : memref<25x80xi32, #tpu.memory_space<vmem>> -> memref<1x80xi32, #tpu.memory_space<vmem>>
    %dma_wait3A_998 = tpu.memref_squeeze %dma_wait3A_997 : memref<1x80xi32, #tpu.memory_space<vmem>> -> memref<80xi32, #tpu.memory_space<vmem>>
    %dma_wait3A_999 = arith.constant 0 : i32
    %dma_wait3A_1000 = arith.constant 0 : i32
    %dma_wait3A_1001 = tpu.memref_slice %arg6[%dma_wait3A_999, %dma_wait3A_1000] : memref<10000x128xf32, #tpu.memory_space<vmem_shared>> -> memref<10000x128xf32, #tpu.memory_space<vmem_shared>>
    tpu.wait_indirect_dma semaphore(%arg18 : memref<!tpu.dma_semaphore, #tpu.memory_space<semaphore_mem>>) src(%arg11 : memref<80x128xf32, #tpu.memory_space<vmem>>) dst(%dma_wait3A_1001 : memref<10000x128xf32, #tpu.memory_space<vmem_shared>>)
    %dma_wait3A_1002 = arith.constant 0 : i32
    %dma_wait3A_1003 = arith.constant 0 : i32
    %dma_wait3A_1004 = tpu.memref_slice %arg7[%dma_wait3A_1002, %dma_wait3A_1003] : memref<25x80xi32, #tpu.memory_space<vmem>> -> memref<1x80xi32, #tpu.memory_space<vmem>>
    %dma_wait3A_1005 = tpu.memref_squeeze %dma_wait3A_1004 : memref<1x80xi32, #tpu.memory_space<vmem>> -> memref<80xi32, #tpu.memory_space<vmem>>
    %dma_wait3A_1006 = arith.constant 0 : i32
    %dma_wait3A_1007 = arith.constant 0 : i32
    %dma_wait3A_1008 = tpu.memref_slice %arg2[%dma_wait3A_1006, %dma_wait3A_1007] : memref<10000x128xf32, #tpu.memory_space<hbm>> -> memref<10000x128xf32, #tpu.memory_space<hbm>>
    tpu.wait_indirect_dma semaphore(%arg13 : memref<!tpu.dma_semaphore, #tpu.memory_space<semaphore_mem>>) src(%dma_wait3A_1008 : memref<10000x128xf32, #tpu.memory_space<hbm>>) dst(%arg9 : memref<80x128xf32, #tpu.memory_space<vmem>>)
    %dma_start3A_1009 = arith.constant 24 : i32
    %dma_start3A_1010 = arith.constant 0 : i32
    %dma_start3A_1011 = tpu.memref_slice %arg8[%dma_start3A_1009, %dma_start3A_1010] : memref<25x80xi32, #tpu.memory_space<vmem>> -> memref<1x80xi32, #tpu.memory_space<vmem>>
    %dma_start3A_1012 = tpu.memref_squeeze %dma_start3A_1011 : memref<1x80xi32, #tpu.memory_space<vmem>> -> memref<80xi32, #tpu.memory_space<vmem>>
    %dma_start3A_1013 = arith.constant 0 : i32
    %dma_start3A_1014 = arith.constant 0 : i32
    %dma_start3A_1015 = tpu.memref_slice %arg6[%dma_start3A_1013, %dma_start3A_1014] : memref<10000x128xf32, #tpu.memory_space<vmem_shared>> -> memref<10000x128xf32, #tpu.memory_space<vmem_shared>>
    tpu.enqueue_indirect_dma source(%arg9 : memref<80x128xf32, #tpu.memory_space<vmem>>) target(%dma_start3A_1015 : memref<10000x128xf32, #tpu.memory_space<vmem_shared>>) offsets(%dma_start3A_1012 : memref<80xi32, #tpu.memory_space<vmem>>) semaphore(%arg16 : memref<!tpu.dma_semaphore, #tpu.memory_space<semaphore_mem>>) {add = true}
    %dma_wait3A_1016 = arith.constant 24 : i32
    %dma_wait3A_1017 = arith.constant 0 : i32
    %dma_wait3A_1018 = tpu.memref_slice %arg8[%dma_wait3A_1016, %dma_wait3A_1017] : memref<25x80xi32, #tpu.memory_space<vmem>> -> memref<1x80xi32, #tpu.memory_space<vmem>>
    %dma_wait3A_1019 = tpu.memref_squeeze %dma_wait3A_1018 : memref<1x80xi32, #tpu.memory_space<vmem>> -> memref<80xi32, #tpu.memory_space<vmem>>
    %dma_wait3A_1020 = arith.constant 0 : i32
    %dma_wait3A_1021 = arith.constant 0 : i32
    %dma_wait3A_1022 = tpu.memref_slice %arg6[%dma_wait3A_1020, %dma_wait3A_1021] : memref<10000x128xf32, #tpu.memory_space<vmem_shared>> -> memref<10000x128xf32, #tpu.memory_space<vmem_shared>>
    tpu.wait_indirect_dma semaphore(%arg16 : memref<!tpu.dma_semaphore, #tpu.memory_space<semaphore_mem>>) src(%arg9 : memref<80x128xf32, #tpu.memory_space<vmem>>) dst(%dma_wait3A_1022 : memref<10000x128xf32, #tpu.memory_space<vmem_shared>>)
    %run_scoped3A_1023 = arith.constant 3 : i32
    "tpu.region"() ({
      %run_scoped3A_1380 = tpu.sem_alloc : memref<!tpu.dma_semaphore, #tpu.memory_space<semaphore_mem>>
      %dma_start3A_1381 = arith.constant 0 : i32
      %dma_start3A_1382 = arith.constant 0 : i32
      %dma_start3A_1383 = tpu.memref_slice %arg3[%add3A, %run_scoped3A_1023, %dma_start3A_1381, %dma_start3A_1382] : memref<32x5x25x80xi32, #tpu.memory_space<hbm>> -> memref<1x1x25x80xi32, #tpu.memory_space<hbm>>
      %dma_start3A_1384 = tpu.memref_squeeze %dma_start3A_1383 : memref<1x1x25x80xi32, #tpu.memory_space<hbm>> -> memref<25x80xi32, #tpu.memory_space<hbm>>
      %dma_start3A_1385 = arith.constant 0 : i32
      %dma_start3A_1386 = arith.constant 0 : i32
      %dma_start3A_1387 = tpu.memref_slice %arg3[%add3A, %run_scoped3A_1023, %dma_start3A_1385, %dma_start3A_1386] : memref<32x5x25x80xi32, #tpu.memory_space<hbm>> -> memref<1x1x25x80xi32, #tpu.memory_space<hbm>>
      %dma_start3A_1388 = tpu.memref_squeeze %dma_start3A_1387 : memref<1x1x25x80xi32, #tpu.memory_space<hbm>> -> memref<25x80xi32, #tpu.memory_space<hbm>>
      tpu.enqueue_dma source(%dma_start3A_1388 : memref<25x80xi32, #tpu.memory_space<hbm>>) target(%arg7 : memref<25x80xi32, #tpu.memory_space<vmem>>) target_semaphore(%run_scoped3A_1380 : memref<!tpu.dma_semaphore, #tpu.memory_space<semaphore_mem>>)
      %dma_wait3A_1389 = arith.constant 0 : i32
      %dma_wait3A_1390 = arith.constant 0 : i32
      %dma_wait3A_1391 = tpu.memref_slice %arg3[%add3A, %run_scoped3A_1023, %dma_wait3A_1389, %dma_wait3A_1390] : memref<32x5x25x80xi32, #tpu.memory_space<hbm>> -> memref<1x1x25x80xi32, #tpu.memory_space<hbm>>
      %dma_wait3A_1392 = tpu.memref_squeeze %dma_wait3A_1391 : memref<1x1x25x80xi32, #tpu.memory_space<hbm>> -> memref<25x80xi32, #tpu.memory_space<hbm>>
      %dma_wait3A_1393 = arith.constant 0 : i32
      %dma_wait3A_1394 = arith.constant 0 : i32
      %dma_wait3A_1395 = tpu.memref_slice %arg3[%add3A, %run_scoped3A_1023, %dma_wait3A_1393, %dma_wait3A_1394] : memref<32x5x25x80xi32, #tpu.memory_space<hbm>> -> memref<1x1x25x80xi32, #tpu.memory_space<hbm>>
      %dma_wait3A_1396 = tpu.memref_squeeze %dma_wait3A_1395 : memref<1x1x25x80xi32, #tpu.memory_space<hbm>> -> memref<25x80xi32, #tpu.memory_space<hbm>>
      tpu.wait_dma2 semaphore(%run_scoped3A_1380 : memref<!tpu.dma_semaphore, #tpu.memory_space<semaphore_mem>>) src(%dma_wait3A_1396 : memref<25x80xi32, #tpu.memory_space<hbm>>) dst(%arg7 : memref<25x80xi32, #tpu.memory_space<vmem>>)
      tpu.yield
    }) : () -> ()
    %run_scoped3A_1024 = arith.constant 3 : i32
    "tpu.region"() ({
      %run_scoped3A_1380 = tpu.sem_alloc : memref<!tpu.dma_semaphore, #tpu.memory_space<semaphore_mem>>
      %dma_start3A_1381 = arith.constant 0 : i32
      %dma_start3A_1382 = arith.constant 0 : i32
      %dma_start3A_1383 = tpu.memref_slice %arg4[%add3A, %run_scoped3A_1024, %dma_start3A_1381, %dma_start3A_1382] : memref<32x5x25x80xi32, #tpu.memory_space<hbm>> -> memref<1x1x25x80xi32, #tpu.memory_space<hbm>>
      %dma_start3A_1384 = tpu.memref_squeeze %dma_start3A_1383 : memref<1x1x25x80xi32, #tpu.memory_space<hbm>> -> memref<25x80xi32, #tpu.memory_space<hbm>>
      %dma_start3A_1385 = arith.constant 0 : i32
      %dma_start3A_1386 = arith.constant 0 : i32
      %dma_start3A_1387 = tpu.memref_slice %arg4[%add3A, %run_scoped3A_1024, %dma_start3A_1385, %dma_start3A_1386] : memref<32x5x25x80xi32, #tpu.memory_space<hbm>> -> memref<1x1x25x80xi32, #tpu.memory_space<hbm>>
      %dma_start3A_1388 = tpu.memref_squeeze %dma_start3A_1387 : memref<1x1x25x80xi32, #tpu.memory_space<hbm>> -> memref<25x80xi32, #tpu.memory_space<hbm>>
      tpu.enqueue_dma source(%dma_start3A_1388 : memref<25x80xi32, #tpu.memory_space<hbm>>) target(%arg8 : memref<25x80xi32, #tpu.memory_space<vmem>>) target_semaphore(%run_scoped3A_1380 : memref<!tpu.dma_semaphore, #tpu.memory_space<semaphore_mem>>)
      %dma_wait3A_1389 = arith.constant 0 : i32
      %dma_wait3A_1390 = arith.constant 0 : i32
      %dma_wait3A_1391 = tpu.memref_slice %arg4[%add3A, %run_scoped3A_1024, %dma_wait3A_1389, %dma_wait3A_1390] : memref<32x5x25x80xi32, #tpu.memory_space<hbm>> -> memref<1x1x25x80xi32, #tpu.memory_space<hbm>>
      %dma_wait3A_1392 = tpu.memref_squeeze %dma_wait3A_1391 : memref<1x1x25x80xi32, #tpu.memory_space<hbm>> -> memref<25x80xi32, #tpu.memory_space<hbm>>
      %dma_wait3A_1393 = arith.constant 0 : i32
      %dma_wait3A_1394 = arith.constant 0 : i32
      %dma_wait3A_1395 = tpu.memref_slice %arg4[%add3A, %run_scoped3A_1024, %dma_wait3A_1393, %dma_wait3A_1394] : memref<32x5x25x80xi32, #tpu.memory_space<hbm>> -> memref<1x1x25x80xi32, #tpu.memory_space<hbm>>
      %dma_wait3A_1396 = tpu.memref_squeeze %dma_wait3A_1395 : memref<1x1x25x80xi32, #tpu.memory_space<hbm>> -> memref<25x80xi32, #tpu.memory_space<hbm>>
      tpu.wait_dma2 semaphore(%run_scoped3A_1380 : memref<!tpu.dma_semaphore, #tpu.memory_space<semaphore_mem>>) src(%dma_wait3A_1396 : memref<25x80xi32, #tpu.memory_space<hbm>>) dst(%arg8 : memref<25x80xi32, #tpu.memory_space<vmem>>)
      tpu.yield
    }) : () -> ()
    %dma_start3A_1025 = arith.constant 0 : i32
    %dma_start3A_1026 = arith.constant 0 : i32
    %dma_start3A_1027 = arith.constant 0 : i32
    %dma_start3A_1028 = tpu.memref_slice %arg9[%dma_start3A_1026, %dma_start3A_1027] : memref<80x128xf32, #tpu.memory_space<vmem>> -> memref<40x128xf32, #tpu.memory_space<vmem>>
    %dma_start3A_1029 = arith.constant 0 : i32
    %dma_start3A_1030 = tpu.memref_slice %arg7[%dma_start3A_1025, %dma_start3A_1029] : memref<25x80xi32, #tpu.memory_space<vmem>> -> memref<1x40xi32, #tpu.memory_space<vmem>>
    %dma_start3A_1031 = tpu.memref_squeeze %dma_start3A_1030 : memref<1x40xi32, #tpu.memory_space<vmem>> -> memref<40xi32, #tpu.memory_space<vmem>>
    %dma_start3A_1032 = arith.constant 0 : i32
    %dma_start3A_1033 = arith.constant 0 : i32
    %dma_start3A_1034 = tpu.memref_slice %arg2[%dma_start3A_1032, %dma_start3A_1033] : memref<10000x128xf32, #tpu.memory_space<hbm>> -> memref<10000x128xf32, #tpu.memory_space<hbm>>
    tpu.enqueue_indirect_dma source(%dma_start3A_1034 : memref<10000x128xf32, #tpu.memory_space<hbm>>) target(%dma_start3A_1028 : memref<40x128xf32, #tpu.memory_space<vmem>>) offsets(%dma_start3A_1031 : memref<40xi32, #tpu.memory_space<vmem>>) semaphore(%arg13 : memref<!tpu.dma_semaphore, #tpu.memory_space<semaphore_mem>>)
    %dma_start3A_1035 = arith.constant 0 : i32
    %dma_start3A_1036 = arith.constant 40 : i32
    %dma_start3A_1037 = arith.constant 0 : i32
    %dma_start3A_1038 = tpu.memref_slice %arg9[%dma_start3A_1036, %dma_start3A_1037] : memref<80x128xf32, #tpu.memory_space<vmem>> -> memref<40x128xf32, #tpu.memory_space<vmem>>
    %dma_start3A_1039 = arith.constant 40 : i32
    %dma_start3A_1040 = tpu.memref_slice %arg7[%dma_start3A_1035, %dma_start3A_1039] : memref<25x80xi32, #tpu.memory_space<vmem>> -> memref<1x40xi32, #tpu.memory_space<vmem>>
    %dma_start3A_1041 = tpu.memref_squeeze %dma_start3A_1040 : memref<1x40xi32, #tpu.memory_space<vmem>> -> memref<40xi32, #tpu.memory_space<vmem>>
    %dma_start3A_1042 = arith.constant 0 : i32
    %dma_start3A_1043 = arith.constant 0 : i32
    %dma_start3A_1044 = tpu.memref_slice %arg2[%dma_start3A_1042, %dma_start3A_1043] : memref<10000x128xf32, #tpu.memory_space<hbm>> -> memref<10000x128xf32, #tpu.memory_space<hbm>>
    tpu.enqueue_indirect_dma source(%dma_start3A_1044 : memref<10000x128xf32, #tpu.memory_space<hbm>>) target(%dma_start3A_1038 : memref<40x128xf32, #tpu.memory_space<vmem>>) offsets(%dma_start3A_1041 : memref<40xi32, #tpu.memory_space<vmem>>) semaphore(%arg13 : memref<!tpu.dma_semaphore, #tpu.memory_space<semaphore_mem>>)
    %dma_start3A_1045 = arith.constant 1 : i32
    %dma_start3A_1046 = arith.constant 0 : i32
    %dma_start3A_1047 = arith.constant 0 : i32
    %dma_start3A_1048 = tpu.memref_slice %arg10[%dma_start3A_1046, %dma_start3A_1047] : memref<80x128xf32, #tpu.memory_space<vmem>> -> memref<40x128xf32, #tpu.memory_space<vmem>>
    %dma_start3A_1049 = arith.constant 0 : i32
    %dma_start3A_1050 = tpu.memref_slice %arg7[%dma_start3A_1045, %dma_start3A_1049] : memref<25x80xi32, #tpu.memory_space<vmem>> -> memref<1x40xi32, #tpu.memory_space<vmem>>
    %dma_start3A_1051 = tpu.memref_squeeze %dma_start3A_1050 : memref<1x40xi32, #tpu.memory_space<vmem>> -> memref<40xi32, #tpu.memory_space<vmem>>
    %dma_start3A_1052 = arith.constant 0 : i32
    %dma_start3A_1053 = arith.constant 0 : i32
    %dma_start3A_1054 = tpu.memref_slice %arg2[%dma_start3A_1052, %dma_start3A_1053] : memref<10000x128xf32, #tpu.memory_space<hbm>> -> memref<10000x128xf32, #tpu.memory_space<hbm>>
    tpu.enqueue_indirect_dma source(%dma_start3A_1054 : memref<10000x128xf32, #tpu.memory_space<hbm>>) target(%dma_start3A_1048 : memref<40x128xf32, #tpu.memory_space<vmem>>) offsets(%dma_start3A_1051 : memref<40xi32, #tpu.memory_space<vmem>>) semaphore(%arg14 : memref<!tpu.dma_semaphore, #tpu.memory_space<semaphore_mem>>)
    %dma_start3A_1055 = arith.constant 1 : i32
    %dma_start3A_1056 = arith.constant 40 : i32
    %dma_start3A_1057 = arith.constant 0 : i32
    %dma_start3A_1058 = tpu.memref_slice %arg10[%dma_start3A_1056, %dma_start3A_1057] : memref<80x128xf32, #tpu.memory_space<vmem>> -> memref<40x128xf32, #tpu.memory_space<vmem>>
    %dma_start3A_1059 = arith.constant 40 : i32
    %dma_start3A_1060 = tpu.memref_slice %arg7[%dma_start3A_1055, %dma_start3A_1059] : memref<25x80xi32, #tpu.memory_space<vmem>> -> memref<1x40xi32, #tpu.memory_space<vmem>>
    %dma_start3A_1061 = tpu.memref_squeeze %dma_start3A_1060 : memref<1x40xi32, #tpu.memory_space<vmem>> -> memref<40xi32, #tpu.memory_space<vmem>>
    %dma_start3A_1062 = arith.constant 0 : i32
    %dma_start3A_1063 = arith.constant 0 : i32
    %dma_start3A_1064 = tpu.memref_slice %arg2[%dma_start3A_1062, %dma_start3A_1063] : memref<10000x128xf32, #tpu.memory_space<hbm>> -> memref<10000x128xf32, #tpu.memory_space<hbm>>
    tpu.enqueue_indirect_dma source(%dma_start3A_1064 : memref<10000x128xf32, #tpu.memory_space<hbm>>) target(%dma_start3A_1058 : memref<40x128xf32, #tpu.memory_space<vmem>>) offsets(%dma_start3A_1061 : memref<40xi32, #tpu.memory_space<vmem>>) semaphore(%arg14 : memref<!tpu.dma_semaphore, #tpu.memory_space<semaphore_mem>>)
    %dma_start3A_1065 = arith.constant 2 : i32
    %dma_start3A_1066 = arith.constant 0 : i32
    %dma_start3A_1067 = arith.constant 0 : i32
    %dma_start3A_1068 = tpu.memref_slice %arg11[%dma_start3A_1066, %dma_start3A_1067] : memref<80x128xf32, #tpu.memory_space<vmem>> -> memref<40x128xf32, #tpu.memory_space<vmem>>
    %dma_start3A_1069 = arith.constant 0 : i32
    %dma_start3A_1070 = tpu.memref_slice %arg7[%dma_start3A_1065, %dma_start3A_1069] : memref<25x80xi32, #tpu.memory_space<vmem>> -> memref<1x40xi32, #tpu.memory_space<vmem>>
    %dma_start3A_1071 = tpu.memref_squeeze %dma_start3A_1070 : memref<1x40xi32, #tpu.memory_space<vmem>> -> memref<40xi32, #tpu.memory_space<vmem>>
    %dma_start3A_1072 = arith.constant 0 : i32
    %dma_start3A_1073 = arith.constant 0 : i32
    %dma_start3A_1074 = tpu.memref_slice %arg2[%dma_start3A_1072, %dma_start3A_1073] : memref<10000x128xf32, #tpu.memory_space<hbm>> -> memref<10000x128xf32, #tpu.memory_space<hbm>>
    tpu.enqueue_indirect_dma source(%dma_start3A_1074 : memref<10000x128xf32, #tpu.memory_space<hbm>>) target(%dma_start3A_1068 : memref<40x128xf32, #tpu.memory_space<vmem>>) offsets(%dma_start3A_1071 : memref<40xi32, #tpu.memory_space<vmem>>) semaphore(%arg15 : memref<!tpu.dma_semaphore, #tpu.memory_space<semaphore_mem>>)
    %dma_start3A_1075 = arith.constant 2 : i32
    %dma_start3A_1076 = arith.constant 40 : i32
    %dma_start3A_1077 = arith.constant 0 : i32
    %dma_start3A_1078 = tpu.memref_slice %arg11[%dma_start3A_1076, %dma_start3A_1077] : memref<80x128xf32, #tpu.memory_space<vmem>> -> memref<40x128xf32, #tpu.memory_space<vmem>>
    %dma_start3A_1079 = arith.constant 40 : i32
    %dma_start3A_1080 = tpu.memref_slice %arg7[%dma_start3A_1075, %dma_start3A_1079] : memref<25x80xi32, #tpu.memory_space<vmem>> -> memref<1x40xi32, #tpu.memory_space<vmem>>
    %dma_start3A_1081 = tpu.memref_squeeze %dma_start3A_1080 : memref<1x40xi32, #tpu.memory_space<vmem>> -> memref<40xi32, #tpu.memory_space<vmem>>
    %dma_start3A_1082 = arith.constant 0 : i32
    %dma_start3A_1083 = arith.constant 0 : i32
    %dma_start3A_1084 = tpu.memref_slice %arg2[%dma_start3A_1082, %dma_start3A_1083] : memref<10000x128xf32, #tpu.memory_space<hbm>> -> memref<10000x128xf32, #tpu.memory_space<hbm>>
    tpu.enqueue_indirect_dma source(%dma_start3A_1084 : memref<10000x128xf32, #tpu.memory_space<hbm>>) target(%dma_start3A_1078 : memref<40x128xf32, #tpu.memory_space<vmem>>) offsets(%dma_start3A_1081 : memref<40xi32, #tpu.memory_space<vmem>>) semaphore(%arg15 : memref<!tpu.dma_semaphore, #tpu.memory_space<semaphore_mem>>)
    %scan3A_1085 = arith.constant 0 : i32
    %scan3A_1086 = arith.constant 0 : i32
    %scan3A_1087 = arith.constant 7 : i32
    %scan3A_1088 = arith.addi %scan3A_1086, %scan3A_1087 : i32
    %scan3A_1089 = arith.constant 1 : i32
    scf.for %scan3A_1380 = %scan3A_1086 to %scan3A_1088 step %scan3A_1089  : i32 {
      %mul3A_1381 = arith.constant 3 : i32
      %mul3A_1382 = arith.muli %scan3A_1380, %mul3A_1381 : i32
      %dma_wait3A_1383 = arith.constant 0 : i32
      %dma_wait3A_1384 = arith.constant 0 : i32
      %dma_wait3A_1385 = tpu.memref_slice %arg7[%dma_wait3A_1383, %dma_wait3A_1384] : memref<25x80xi32, #tpu.memory_space<vmem>> -> memref<1x80xi32, #tpu.memory_space<vmem>>
      %dma_wait3A_1386 = tpu.memref_squeeze %dma_wait3A_1385 : memref<1x80xi32, #tpu.memory_space<vmem>> -> memref<80xi32, #tpu.memory_space<vmem>>
      %dma_wait3A_1387 = arith.constant 0 : i32
      %dma_wait3A_1388 = arith.constant 0 : i32
      %dma_wait3A_1389 = tpu.memref_slice %arg2[%dma_wait3A_1387, %dma_wait3A_1388] : memref<10000x128xf32, #tpu.memory_space<hbm>> -> memref<10000x128xf32, #tpu.memory_space<hbm>>
      tpu.wait_indirect_dma semaphore(%arg13 : memref<!tpu.dma_semaphore, #tpu.memory_space<semaphore_mem>>) src(%dma_wait3A_1389 : memref<10000x128xf32, #tpu.memory_space<hbm>>) dst(%arg9 : memref<80x128xf32, #tpu.memory_space<vmem>>)
      %add3A_1390 = arith.constant 0 : i32
      %add3A_1391 = arith.addi %mul3A_1382, %add3A_1390 : i32
      %dma_start3A_1392 = arith.constant 0 : i32
      %dma_start3A_1393 = tpu.memref_slice %arg8[%add3A_1391, %dma_start3A_1392] : memref<25x80xi32, #tpu.memory_space<vmem>> -> memref<1x80xi32, #tpu.memory_space<vmem>>
      %dma_start3A_1394 = tpu.memref_squeeze %dma_start3A_1393 : memref<1x80xi32, #tpu.memory_space<vmem>> -> memref<80xi32, #tpu.memory_space<vmem>>
      %dma_start3A_1395 = arith.constant 0 : i32
      %dma_start3A_1396 = arith.constant 0 : i32
      %dma_start3A_1397 = tpu.memref_slice %arg6[%dma_start3A_1395, %dma_start3A_1396] : memref<10000x128xf32, #tpu.memory_space<vmem_shared>> -> memref<10000x128xf32, #tpu.memory_space<vmem_shared>>
      tpu.enqueue_indirect_dma source(%arg9 : memref<80x128xf32, #tpu.memory_space<vmem>>) target(%dma_start3A_1397 : memref<10000x128xf32, #tpu.memory_space<vmem_shared>>) offsets(%dma_start3A_1394 : memref<80xi32, #tpu.memory_space<vmem>>) semaphore(%arg16 : memref<!tpu.dma_semaphore, #tpu.memory_space<semaphore_mem>>) {add = true}
      %dma_wait3A_1398 = arith.constant 0 : i32
      %dma_wait3A_1399 = arith.constant 0 : i32
      %dma_wait3A_1400 = tpu.memref_slice %arg7[%dma_wait3A_1398, %dma_wait3A_1399] : memref<25x80xi32, #tpu.memory_space<vmem>> -> memref<1x80xi32, #tpu.memory_space<vmem>>
      %dma_wait3A_1401 = tpu.memref_squeeze %dma_wait3A_1400 : memref<1x80xi32, #tpu.memory_space<vmem>> -> memref<80xi32, #tpu.memory_space<vmem>>
      %dma_wait3A_1402 = arith.constant 0 : i32
      %dma_wait3A_1403 = arith.constant 0 : i32
      %dma_wait3A_1404 = tpu.memref_slice %arg2[%dma_wait3A_1402, %dma_wait3A_1403] : memref<10000x128xf32, #tpu.memory_space<hbm>> -> memref<10000x128xf32, #tpu.memory_space<hbm>>
      tpu.wait_indirect_dma semaphore(%arg14 : memref<!tpu.dma_semaphore, #tpu.memory_space<semaphore_mem>>) src(%dma_wait3A_1404 : memref<10000x128xf32, #tpu.memory_space<hbm>>) dst(%arg10 : memref<80x128xf32, #tpu.memory_space<vmem>>)
      %add3A_1405 = arith.constant 1 : i32
      %add3A_1406 = arith.addi %mul3A_1382, %add3A_1405 : i32
      %dma_start3A_1407 = arith.constant 0 : i32
      %dma_start3A_1408 = tpu.memref_slice %arg8[%add3A_1406, %dma_start3A_1407] : memref<25x80xi32, #tpu.memory_space<vmem>> -> memref<1x80xi32, #tpu.memory_space<vmem>>
      %dma_start3A_1409 = tpu.memref_squeeze %dma_start3A_1408 : memref<1x80xi32, #tpu.memory_space<vmem>> -> memref<80xi32, #tpu.memory_space<vmem>>
      %dma_start3A_1410 = arith.constant 0 : i32
      %dma_start3A_1411 = arith.constant 0 : i32
      %dma_start3A_1412 = tpu.memref_slice %arg6[%dma_start3A_1410, %dma_start3A_1411] : memref<10000x128xf32, #tpu.memory_space<vmem_shared>> -> memref<10000x128xf32, #tpu.memory_space<vmem_shared>>
      tpu.enqueue_indirect_dma source(%arg10 : memref<80x128xf32, #tpu.memory_space<vmem>>) target(%dma_start3A_1412 : memref<10000x128xf32, #tpu.memory_space<vmem_shared>>) offsets(%dma_start3A_1409 : memref<80xi32, #tpu.memory_space<vmem>>) semaphore(%arg17 : memref<!tpu.dma_semaphore, #tpu.memory_space<semaphore_mem>>) {add = true}
      %dma_wait3A_1413 = arith.constant 0 : i32
      %dma_wait3A_1414 = arith.constant 0 : i32
      %dma_wait3A_1415 = tpu.memref_slice %arg7[%dma_wait3A_1413, %dma_wait3A_1414] : memref<25x80xi32, #tpu.memory_space<vmem>> -> memref<1x80xi32, #tpu.memory_space<vmem>>
      %dma_wait3A_1416 = tpu.memref_squeeze %dma_wait3A_1415 : memref<1x80xi32, #tpu.memory_space<vmem>> -> memref<80xi32, #tpu.memory_space<vmem>>
      %dma_wait3A_1417 = arith.constant 0 : i32
      %dma_wait3A_1418 = arith.constant 0 : i32
      %dma_wait3A_1419 = tpu.memref_slice %arg2[%dma_wait3A_1417, %dma_wait3A_1418] : memref<10000x128xf32, #tpu.memory_space<hbm>> -> memref<10000x128xf32, #tpu.memory_space<hbm>>
      tpu.wait_indirect_dma semaphore(%arg15 : memref<!tpu.dma_semaphore, #tpu.memory_space<semaphore_mem>>) src(%dma_wait3A_1419 : memref<10000x128xf32, #tpu.memory_space<hbm>>) dst(%arg11 : memref<80x128xf32, #tpu.memory_space<vmem>>)
      %add3A_1420 = arith.constant 2 : i32
      %add3A_1421 = arith.addi %mul3A_1382, %add3A_1420 : i32
      %dma_start3A_1422 = arith.constant 0 : i32
      %dma_start3A_1423 = tpu.memref_slice %arg8[%add3A_1421, %dma_start3A_1422] : memref<25x80xi32, #tpu.memory_space<vmem>> -> memref<1x80xi32, #tpu.memory_space<vmem>>
      %dma_start3A_1424 = tpu.memref_squeeze %dma_start3A_1423 : memref<1x80xi32, #tpu.memory_space<vmem>> -> memref<80xi32, #tpu.memory_space<vmem>>
      %dma_start3A_1425 = arith.constant 0 : i32
      %dma_start3A_1426 = arith.constant 0 : i32
      %dma_start3A_1427 = tpu.memref_slice %arg6[%dma_start3A_1425, %dma_start3A_1426] : memref<10000x128xf32, #tpu.memory_space<vmem_shared>> -> memref<10000x128xf32, #tpu.memory_space<vmem_shared>>
      tpu.enqueue_indirect_dma source(%arg11 : memref<80x128xf32, #tpu.memory_space<vmem>>) target(%dma_start3A_1427 : memref<10000x128xf32, #tpu.memory_space<vmem_shared>>) offsets(%dma_start3A_1424 : memref<80xi32, #tpu.memory_space<vmem>>) semaphore(%arg18 : memref<!tpu.dma_semaphore, #tpu.memory_space<semaphore_mem>>) {add = true}
      %dma_wait3A_1428 = arith.constant 0 : i32
      %dma_wait3A_1429 = tpu.memref_slice %arg8[%add3A_1391, %dma_wait3A_1428] : memref<25x80xi32, #tpu.memory_space<vmem>> -> memref<1x80xi32, #tpu.memory_space<vmem>>
      %dma_wait3A_1430 = tpu.memref_squeeze %dma_wait3A_1429 : memref<1x80xi32, #tpu.memory_space<vmem>> -> memref<80xi32, #tpu.memory_space<vmem>>
      %dma_wait3A_1431 = arith.constant 0 : i32
      %dma_wait3A_1432 = arith.constant 0 : i32
      %dma_wait3A_1433 = tpu.memref_slice %arg6[%dma_wait3A_1431, %dma_wait3A_1432] : memref<10000x128xf32, #tpu.memory_space<vmem_shared>> -> memref<10000x128xf32, #tpu.memory_space<vmem_shared>>
      tpu.wait_indirect_dma semaphore(%arg16 : memref<!tpu.dma_semaphore, #tpu.memory_space<semaphore_mem>>) src(%arg9 : memref<80x128xf32, #tpu.memory_space<vmem>>) dst(%dma_wait3A_1433 : memref<10000x128xf32, #tpu.memory_space<vmem_shared>>)
      %add3A_1434 = arith.constant 3 : i32
      %add3A_1435 = arith.addi %mul3A_1382, %add3A_1434 : i32
      %add3A_1436 = arith.constant 0 : i32
      %add3A_1437 = arith.addi %add3A_1435, %add3A_1436 : i32
      %dma_start3A_1438 = arith.constant 0 : i32
      %dma_start3A_1439 = arith.constant 0 : i32
      %dma_start3A_1440 = tpu.memref_slice %arg9[%dma_start3A_1438, %dma_start3A_1439] : memref<80x128xf32, #tpu.memory_space<vmem>> -> memref<40x128xf32, #tpu.memory_space<vmem>>
      %dma_start3A_1441 = arith.constant 0 : i32
      %dma_start3A_1442 = tpu.memref_slice %arg7[%add3A_1437, %dma_start3A_1441] : memref<25x80xi32, #tpu.memory_space<vmem>> -> memref<1x40xi32, #tpu.memory_space<vmem>>
      %dma_start3A_1443 = tpu.memref_squeeze %dma_start3A_1442 : memref<1x40xi32, #tpu.memory_space<vmem>> -> memref<40xi32, #tpu.memory_space<vmem>>
      %dma_start3A_1444 = arith.constant 0 : i32
      %dma_start3A_1445 = arith.constant 0 : i32
      %dma_start3A_1446 = tpu.memref_slice %arg2[%dma_start3A_1444, %dma_start3A_1445] : memref<10000x128xf32, #tpu.memory_space<hbm>> -> memref<10000x128xf32, #tpu.memory_space<hbm>>
      tpu.enqueue_indirect_dma source(%dma_start3A_1446 : memref<10000x128xf32, #tpu.memory_space<hbm>>) target(%dma_start3A_1440 : memref<40x128xf32, #tpu.memory_space<vmem>>) offsets(%dma_start3A_1443 : memref<40xi32, #tpu.memory_space<vmem>>) semaphore(%arg13 : memref<!tpu.dma_semaphore, #tpu.memory_space<semaphore_mem>>)
      %dma_start3A_1447 = arith.constant 40 : i32
      %dma_start3A_1448 = arith.constant 0 : i32
      %dma_start3A_1449 = tpu.memref_slice %arg9[%dma_start3A_1447, %dma_start3A_1448] : memref<80x128xf32, #tpu.memory_space<vmem>> -> memref<40x128xf32, #tpu.memory_space<vmem>>
      %dma_start3A_1450 = arith.constant 40 : i32
      %dma_start3A_1451 = tpu.memref_slice %arg7[%add3A_1437, %dma_start3A_1450] : memref<25x80xi32, #tpu.memory_space<vmem>> -> memref<1x40xi32, #tpu.memory_space<vmem>>
      %dma_start3A_1452 = tpu.memref_squeeze %dma_start3A_1451 : memref<1x40xi32, #tpu.memory_space<vmem>> -> memref<40xi32, #tpu.memory_space<vmem>>
      %dma_start3A_1453 = arith.constant 0 : i32
      %dma_start3A_1454 = arith.constant 0 : i32
      %dma_start3A_1455 = tpu.memref_slice %arg2[%dma_start3A_1453, %dma_start3A_1454] : memref<10000x128xf32, #tpu.memory_space<hbm>> -> memref<10000x128xf32, #tpu.memory_space<hbm>>
      tpu.enqueue_indirect_dma source(%dma_start3A_1455 : memref<10000x128xf32, #tpu.memory_space<hbm>>) target(%dma_start3A_1449 : memref<40x128xf32, #tpu.memory_space<vmem>>) offsets(%dma_start3A_1452 : memref<40xi32, #tpu.memory_space<vmem>>) semaphore(%arg13 : memref<!tpu.dma_semaphore, #tpu.memory_space<semaphore_mem>>)
      %dma_wait3A_1456 = arith.constant 0 : i32
      %dma_wait3A_1457 = tpu.memref_slice %arg8[%add3A_1406, %dma_wait3A_1456] : memref<25x80xi32, #tpu.memory_space<vmem>> -> memref<1x80xi32, #tpu.memory_space<vmem>>
      %dma_wait3A_1458 = tpu.memref_squeeze %dma_wait3A_1457 : memref<1x80xi32, #tpu.memory_space<vmem>> -> memref<80xi32, #tpu.memory_space<vmem>>
      %dma_wait3A_1459 = arith.constant 0 : i32
      %dma_wait3A_1460 = arith.constant 0 : i32
      %dma_wait3A_1461 = tpu.memref_slice %arg6[%dma_wait3A_1459, %dma_wait3A_1460] : memref<10000x128xf32, #tpu.memory_space<vmem_shared>> -> memref<10000x128xf32, #tpu.memory_space<vmem_shared>>
      tpu.wait_indirect_dma semaphore(%arg17 : memref<!tpu.dma_semaphore, #tpu.memory_space<semaphore_mem>>) src(%arg10 : memref<80x128xf32, #tpu.memory_space<vmem>>) dst(%dma_wait3A_1461 : memref<10000x128xf32, #tpu.memory_space<vmem_shared>>)
      %add3A_1462 = arith.constant 3 : i32
      %add3A_1463 = arith.addi %mul3A_1382, %add3A_1462 : i32
      %add3A_1464 = arith.constant 1 : i32
      %add3A_1465 = arith.addi %add3A_1463, %add3A_1464 : i32
      %dma_start3A_1466 = arith.constant 0 : i32
      %dma_start3A_1467 = arith.constant 0 : i32
      %dma_start3A_1468 = tpu.memref_slice %arg10[%dma_start3A_1466, %dma_start3A_1467] : memref<80x128xf32, #tpu.memory_space<vmem>> -> memref<40x128xf32, #tpu.memory_space<vmem>>
      %dma_start3A_1469 = arith.constant 0 : i32
      %dma_start3A_1470 = tpu.memref_slice %arg7[%add3A_1465, %dma_start3A_1469] : memref<25x80xi32, #tpu.memory_space<vmem>> -> memref<1x40xi32, #tpu.memory_space<vmem>>
      %dma_start3A_1471 = tpu.memref_squeeze %dma_start3A_1470 : memref<1x40xi32, #tpu.memory_space<vmem>> -> memref<40xi32, #tpu.memory_space<vmem>>
      %dma_start3A_1472 = arith.constant 0 : i32
      %dma_start3A_1473 = arith.constant 0 : i32
      %dma_start3A_1474 = tpu.memref_slice %arg2[%dma_start3A_1472, %dma_start3A_1473] : memref<10000x128xf32, #tpu.memory_space<hbm>> -> memref<10000x128xf32, #tpu.memory_space<hbm>>
      tpu.enqueue_indirect_dma source(%dma_start3A_1474 : memref<10000x128xf32, #tpu.memory_space<hbm>>) target(%dma_start3A_1468 : memref<40x128xf32, #tpu.memory_space<vmem>>) offsets(%dma_start3A_1471 : memref<40xi32, #tpu.memory_space<vmem>>) semaphore(%arg14 : memref<!tpu.dma_semaphore, #tpu.memory_space<semaphore_mem>>)
      %dma_start3A_1475 = arith.constant 40 : i32
      %dma_start3A_1476 = arith.constant 0 : i32
      %dma_start3A_1477 = tpu.memref_slice %arg10[%dma_start3A_1475, %dma_start3A_1476] : memref<80x128xf32, #tpu.memory_space<vmem>> -> memref<40x128xf32, #tpu.memory_space<vmem>>
      %dma_start3A_1478 = arith.constant 40 : i32
      %dma_start3A_1479 = tpu.memref_slice %arg7[%add3A_1465, %dma_start3A_1478] : memref<25x80xi32, #tpu.memory_space<vmem>> -> memref<1x40xi32, #tpu.memory_space<vmem>>
      %dma_start3A_1480 = tpu.memref_squeeze %dma_start3A_1479 : memref<1x40xi32, #tpu.memory_space<vmem>> -> memref<40xi32, #tpu.memory_space<vmem>>
      %dma_start3A_1481 = arith.constant 0 : i32
      %dma_start3A_1482 = arith.constant 0 : i32
      %dma_start3A_1483 = tpu.memref_slice %arg2[%dma_start3A_1481, %dma_start3A_1482] : memref<10000x128xf32, #tpu.memory_space<hbm>> -> memref<10000x128xf32, #tpu.memory_space<hbm>>
      tpu.enqueue_indirect_dma source(%dma_start3A_1483 : memref<10000x128xf32, #tpu.memory_space<hbm>>) target(%dma_start3A_1477 : memref<40x128xf32, #tpu.memory_space<vmem>>) offsets(%dma_start3A_1480 : memref<40xi32, #tpu.memory_space<vmem>>) semaphore(%arg14 : memref<!tpu.dma_semaphore, #tpu.memory_space<semaphore_mem>>)
      %dma_wait3A_1484 = arith.constant 0 : i32
      %dma_wait3A_1485 = tpu.memref_slice %arg8[%add3A_1421, %dma_wait3A_1484] : memref<25x80xi32, #tpu.memory_space<vmem>> -> memref<1x80xi32, #tpu.memory_space<vmem>>
      %dma_wait3A_1486 = tpu.memref_squeeze %dma_wait3A_1485 : memref<1x80xi32, #tpu.memory_space<vmem>> -> memref<80xi32, #tpu.memory_space<vmem>>
      %dma_wait3A_1487 = arith.constant 0 : i32
      %dma_wait3A_1488 = arith.constant 0 : i32
      %dma_wait3A_1489 = tpu.memref_slice %arg6[%dma_wait3A_1487, %dma_wait3A_1488] : memref<10000x128xf32, #tpu.memory_space<vmem_shared>> -> memref<10000x128xf32, #tpu.memory_space<vmem_shared>>
      tpu.wait_indirect_dma semaphore(%arg18 : memref<!tpu.dma_semaphore, #tpu.memory_space<semaphore_mem>>) src(%arg11 : memref<80x128xf32, #tpu.memory_space<vmem>>) dst(%dma_wait3A_1489 : memref<10000x128xf32, #tpu.memory_space<vmem_shared>>)
      %add3A_1490 = arith.constant 3 : i32
      %add3A_1491 = arith.addi %mul3A_1382, %add3A_1490 : i32
      %add3A_1492 = arith.constant 2 : i32
      %add3A_1493 = arith.addi %add3A_1491, %add3A_1492 : i32
      %dma_start3A_1494 = arith.constant 0 : i32
      %dma_start3A_1495 = arith.constant 0 : i32
      %dma_start3A_1496 = tpu.memref_slice %arg11[%dma_start3A_1494, %dma_start3A_1495] : memref<80x128xf32, #tpu.memory_space<vmem>> -> memref<40x128xf32, #tpu.memory_space<vmem>>
      %dma_start3A_1497 = arith.constant 0 : i32
      %dma_start3A_1498 = tpu.memref_slice %arg7[%add3A_1493, %dma_start3A_1497] : memref<25x80xi32, #tpu.memory_space<vmem>> -> memref<1x40xi32, #tpu.memory_space<vmem>>
      %dma_start3A_1499 = tpu.memref_squeeze %dma_start3A_1498 : memref<1x40xi32, #tpu.memory_space<vmem>> -> memref<40xi32, #tpu.memory_space<vmem>>
      %dma_start3A_1500 = arith.constant 0 : i32
      %dma_start3A_1501 = arith.constant 0 : i32
      %dma_start3A_1502 = tpu.memref_slice %arg2[%dma_start3A_1500, %dma_start3A_1501] : memref<10000x128xf32, #tpu.memory_space<hbm>> -> memref<10000x128xf32, #tpu.memory_space<hbm>>
      tpu.enqueue_indirect_dma source(%dma_start3A_1502 : memref<10000x128xf32, #tpu.memory_space<hbm>>) target(%dma_start3A_1496 : memref<40x128xf32, #tpu.memory_space<vmem>>) offsets(%dma_start3A_1499 : memref<40xi32, #tpu.memory_space<vmem>>) semaphore(%arg15 : memref<!tpu.dma_semaphore, #tpu.memory_space<semaphore_mem>>)
      %dma_start3A_1503 = arith.constant 40 : i32
      %dma_start3A_1504 = arith.constant 0 : i32
      %dma_start3A_1505 = tpu.memref_slice %arg11[%dma_start3A_1503, %dma_start3A_1504] : memref<80x128xf32, #tpu.memory_space<vmem>> -> memref<40x128xf32, #tpu.memory_space<vmem>>
      %dma_start3A_1506 = arith.constant 40 : i32
      %dma_start3A_1507 = tpu.memref_slice %arg7[%add3A_1493, %dma_start3A_1506] : memref<25x80xi32, #tpu.memory_space<vmem>> -> memref<1x40xi32, #tpu.memory_space<vmem>>
      %dma_start3A_1508 = tpu.memref_squeeze %dma_start3A_1507 : memref<1x40xi32, #tpu.memory_space<vmem>> -> memref<40xi32, #tpu.memory_space<vmem>>
      %dma_start3A_1509 = arith.constant 0 : i32
      %dma_start3A_1510 = arith.constant 0 : i32
      %dma_start3A_1511 = tpu.memref_slice %arg2[%dma_start3A_1509, %dma_start3A_1510] : memref<10000x128xf32, #tpu.memory_space<hbm>> -> memref<10000x128xf32, #tpu.memory_space<hbm>>
      tpu.enqueue_indirect_dma source(%dma_start3A_1511 : memref<10000x128xf32, #tpu.memory_space<hbm>>) target(%dma_start3A_1505 : memref<40x128xf32, #tpu.memory_space<vmem>>) offsets(%dma_start3A_1508 : memref<40xi32, #tpu.memory_space<vmem>>) semaphore(%arg15 : memref<!tpu.dma_semaphore, #tpu.memory_space<semaphore_mem>>)
    }
    %scan3A_1090 = arith.constant 7 : i32
    %dma_wait3A_1091 = arith.constant 0 : i32
    %dma_wait3A_1092 = arith.constant 0 : i32
    %dma_wait3A_1093 = tpu.memref_slice %arg7[%dma_wait3A_1091, %dma_wait3A_1092] : memref<25x80xi32, #tpu.memory_space<vmem>> -> memref<1x80xi32, #tpu.memory_space<vmem>>
    %dma_wait3A_1094 = tpu.memref_squeeze %dma_wait3A_1093 : memref<1x80xi32, #tpu.memory_space<vmem>> -> memref<80xi32, #tpu.memory_space<vmem>>
    %dma_wait3A_1095 = arith.constant 0 : i32
    %dma_wait3A_1096 = arith.constant 0 : i32
    %dma_wait3A_1097 = tpu.memref_slice %arg2[%dma_wait3A_1095, %dma_wait3A_1096] : memref<10000x128xf32, #tpu.memory_space<hbm>> -> memref<10000x128xf32, #tpu.memory_space<hbm>>
    tpu.wait_indirect_dma semaphore(%arg13 : memref<!tpu.dma_semaphore, #tpu.memory_space<semaphore_mem>>) src(%dma_wait3A_1097 : memref<10000x128xf32, #tpu.memory_space<hbm>>) dst(%arg9 : memref<80x128xf32, #tpu.memory_space<vmem>>)
    %dma_start3A_1098 = arith.constant 21 : i32
    %dma_start3A_1099 = arith.constant 0 : i32
    %dma_start3A_1100 = tpu.memref_slice %arg8[%dma_start3A_1098, %dma_start3A_1099] : memref<25x80xi32, #tpu.memory_space<vmem>> -> memref<1x80xi32, #tpu.memory_space<vmem>>
    %dma_start3A_1101 = tpu.memref_squeeze %dma_start3A_1100 : memref<1x80xi32, #tpu.memory_space<vmem>> -> memref<80xi32, #tpu.memory_space<vmem>>
    %dma_start3A_1102 = arith.constant 0 : i32
    %dma_start3A_1103 = arith.constant 0 : i32
    %dma_start3A_1104 = tpu.memref_slice %arg6[%dma_start3A_1102, %dma_start3A_1103] : memref<10000x128xf32, #tpu.memory_space<vmem_shared>> -> memref<10000x128xf32, #tpu.memory_space<vmem_shared>>
    tpu.enqueue_indirect_dma source(%arg9 : memref<80x128xf32, #tpu.memory_space<vmem>>) target(%dma_start3A_1104 : memref<10000x128xf32, #tpu.memory_space<vmem_shared>>) offsets(%dma_start3A_1101 : memref<80xi32, #tpu.memory_space<vmem>>) semaphore(%arg16 : memref<!tpu.dma_semaphore, #tpu.memory_space<semaphore_mem>>) {add = true}
    %dma_wait3A_1105 = arith.constant 0 : i32
    %dma_wait3A_1106 = arith.constant 0 : i32
    %dma_wait3A_1107 = tpu.memref_slice %arg7[%dma_wait3A_1105, %dma_wait3A_1106] : memref<25x80xi32, #tpu.memory_space<vmem>> -> memref<1x80xi32, #tpu.memory_space<vmem>>
    %dma_wait3A_1108 = tpu.memref_squeeze %dma_wait3A_1107 : memref<1x80xi32, #tpu.memory_space<vmem>> -> memref<80xi32, #tpu.memory_space<vmem>>
    %dma_wait3A_1109 = arith.constant 0 : i32
    %dma_wait3A_1110 = arith.constant 0 : i32
    %dma_wait3A_1111 = tpu.memref_slice %arg2[%dma_wait3A_1109, %dma_wait3A_1110] : memref<10000x128xf32, #tpu.memory_space<hbm>> -> memref<10000x128xf32, #tpu.memory_space<hbm>>
    tpu.wait_indirect_dma semaphore(%arg14 : memref<!tpu.dma_semaphore, #tpu.memory_space<semaphore_mem>>) src(%dma_wait3A_1111 : memref<10000x128xf32, #tpu.memory_space<hbm>>) dst(%arg10 : memref<80x128xf32, #tpu.memory_space<vmem>>)
    %dma_start3A_1112 = arith.constant 22 : i32
    %dma_start3A_1113 = arith.constant 0 : i32
    %dma_start3A_1114 = tpu.memref_slice %arg8[%dma_start3A_1112, %dma_start3A_1113] : memref<25x80xi32, #tpu.memory_space<vmem>> -> memref<1x80xi32, #tpu.memory_space<vmem>>
    %dma_start3A_1115 = tpu.memref_squeeze %dma_start3A_1114 : memref<1x80xi32, #tpu.memory_space<vmem>> -> memref<80xi32, #tpu.memory_space<vmem>>
    %dma_start3A_1116 = arith.constant 0 : i32
    %dma_start3A_1117 = arith.constant 0 : i32
    %dma_start3A_1118 = tpu.memref_slice %arg6[%dma_start3A_1116, %dma_start3A_1117] : memref<10000x128xf32, #tpu.memory_space<vmem_shared>> -> memref<10000x128xf32, #tpu.memory_space<vmem_shared>>
    tpu.enqueue_indirect_dma source(%arg10 : memref<80x128xf32, #tpu.memory_space<vmem>>) target(%dma_start3A_1118 : memref<10000x128xf32, #tpu.memory_space<vmem_shared>>) offsets(%dma_start3A_1115 : memref<80xi32, #tpu.memory_space<vmem>>) semaphore(%arg17 : memref<!tpu.dma_semaphore, #tpu.memory_space<semaphore_mem>>) {add = true}
    %dma_wait3A_1119 = arith.constant 0 : i32
    %dma_wait3A_1120 = arith.constant 0 : i32
    %dma_wait3A_1121 = tpu.memref_slice %arg7[%dma_wait3A_1119, %dma_wait3A_1120] : memref<25x80xi32, #tpu.memory_space<vmem>> -> memref<1x80xi32, #tpu.memory_space<vmem>>
    %dma_wait3A_1122 = tpu.memref_squeeze %dma_wait3A_1121 : memref<1x80xi32, #tpu.memory_space<vmem>> -> memref<80xi32, #tpu.memory_space<vmem>>
    %dma_wait3A_1123 = arith.constant 0 : i32
    %dma_wait3A_1124 = arith.constant 0 : i32
    %dma_wait3A_1125 = tpu.memref_slice %arg2[%dma_wait3A_1123, %dma_wait3A_1124] : memref<10000x128xf32, #tpu.memory_space<hbm>> -> memref<10000x128xf32, #tpu.memory_space<hbm>>
    tpu.wait_indirect_dma semaphore(%arg15 : memref<!tpu.dma_semaphore, #tpu.memory_space<semaphore_mem>>) src(%dma_wait3A_1125 : memref<10000x128xf32, #tpu.memory_space<hbm>>) dst(%arg11 : memref<80x128xf32, #tpu.memory_space<vmem>>)
    %dma_start3A_1126 = arith.constant 23 : i32
    %dma_start3A_1127 = arith.constant 0 : i32
    %dma_start3A_1128 = tpu.memref_slice %arg8[%dma_start3A_1126, %dma_start3A_1127] : memref<25x80xi32, #tpu.memory_space<vmem>> -> memref<1x80xi32, #tpu.memory_space<vmem>>
    %dma_start3A_1129 = tpu.memref_squeeze %dma_start3A_1128 : memref<1x80xi32, #tpu.memory_space<vmem>> -> memref<80xi32, #tpu.memory_space<vmem>>
    %dma_start3A_1130 = arith.constant 0 : i32
    %dma_start3A_1131 = arith.constant 0 : i32
    %dma_start3A_1132 = tpu.memref_slice %arg6[%dma_start3A_1130, %dma_start3A_1131] : memref<10000x128xf32, #tpu.memory_space<vmem_shared>> -> memref<10000x128xf32, #tpu.memory_space<vmem_shared>>
    tpu.enqueue_indirect_dma source(%arg11 : memref<80x128xf32, #tpu.memory_space<vmem>>) target(%dma_start3A_1132 : memref<10000x128xf32, #tpu.memory_space<vmem_shared>>) offsets(%dma_start3A_1129 : memref<80xi32, #tpu.memory_space<vmem>>) semaphore(%arg18 : memref<!tpu.dma_semaphore, #tpu.memory_space<semaphore_mem>>) {add = true}
    %dma_wait3A_1133 = arith.constant 21 : i32
    %dma_wait3A_1134 = arith.constant 0 : i32
    %dma_wait3A_1135 = tpu.memref_slice %arg8[%dma_wait3A_1133, %dma_wait3A_1134] : memref<25x80xi32, #tpu.memory_space<vmem>> -> memref<1x80xi32, #tpu.memory_space<vmem>>
    %dma_wait3A_1136 = tpu.memref_squeeze %dma_wait3A_1135 : memref<1x80xi32, #tpu.memory_space<vmem>> -> memref<80xi32, #tpu.memory_space<vmem>>
    %dma_wait3A_1137 = arith.constant 0 : i32
    %dma_wait3A_1138 = arith.constant 0 : i32
    %dma_wait3A_1139 = tpu.memref_slice %arg6[%dma_wait3A_1137, %dma_wait3A_1138] : memref<10000x128xf32, #tpu.memory_space<vmem_shared>> -> memref<10000x128xf32, #tpu.memory_space<vmem_shared>>
    tpu.wait_indirect_dma semaphore(%arg16 : memref<!tpu.dma_semaphore, #tpu.memory_space<semaphore_mem>>) src(%arg9 : memref<80x128xf32, #tpu.memory_space<vmem>>) dst(%dma_wait3A_1139 : memref<10000x128xf32, #tpu.memory_space<vmem_shared>>)
    %dma_start3A_1140 = arith.constant 24 : i32
    %dma_start3A_1141 = arith.constant 0 : i32
    %dma_start3A_1142 = arith.constant 0 : i32
    %dma_start3A_1143 = tpu.memref_slice %arg9[%dma_start3A_1141, %dma_start3A_1142] : memref<80x128xf32, #tpu.memory_space<vmem>> -> memref<40x128xf32, #tpu.memory_space<vmem>>
    %dma_start3A_1144 = arith.constant 0 : i32
    %dma_start3A_1145 = tpu.memref_slice %arg7[%dma_start3A_1140, %dma_start3A_1144] : memref<25x80xi32, #tpu.memory_space<vmem>> -> memref<1x40xi32, #tpu.memory_space<vmem>>
    %dma_start3A_1146 = tpu.memref_squeeze %dma_start3A_1145 : memref<1x40xi32, #tpu.memory_space<vmem>> -> memref<40xi32, #tpu.memory_space<vmem>>
    %dma_start3A_1147 = arith.constant 0 : i32
    %dma_start3A_1148 = arith.constant 0 : i32
    %dma_start3A_1149 = tpu.memref_slice %arg2[%dma_start3A_1147, %dma_start3A_1148] : memref<10000x128xf32, #tpu.memory_space<hbm>> -> memref<10000x128xf32, #tpu.memory_space<hbm>>
    tpu.enqueue_indirect_dma source(%dma_start3A_1149 : memref<10000x128xf32, #tpu.memory_space<hbm>>) target(%dma_start3A_1143 : memref<40x128xf32, #tpu.memory_space<vmem>>) offsets(%dma_start3A_1146 : memref<40xi32, #tpu.memory_space<vmem>>) semaphore(%arg13 : memref<!tpu.dma_semaphore, #tpu.memory_space<semaphore_mem>>)
    %dma_start3A_1150 = arith.constant 24 : i32
    %dma_start3A_1151 = arith.constant 40 : i32
    %dma_start3A_1152 = arith.constant 0 : i32
    %dma_start3A_1153 = tpu.memref_slice %arg9[%dma_start3A_1151, %dma_start3A_1152] : memref<80x128xf32, #tpu.memory_space<vmem>> -> memref<40x128xf32, #tpu.memory_space<vmem>>
    %dma_start3A_1154 = arith.constant 40 : i32
    %dma_start3A_1155 = tpu.memref_slice %arg7[%dma_start3A_1150, %dma_start3A_1154] : memref<25x80xi32, #tpu.memory_space<vmem>> -> memref<1x40xi32, #tpu.memory_space<vmem>>
    %dma_start3A_1156 = tpu.memref_squeeze %dma_start3A_1155 : memref<1x40xi32, #tpu.memory_space<vmem>> -> memref<40xi32, #tpu.memory_space<vmem>>
    %dma_start3A_1157 = arith.constant 0 : i32
    %dma_start3A_1158 = arith.constant 0 : i32
    %dma_start3A_1159 = tpu.memref_slice %arg2[%dma_start3A_1157, %dma_start3A_1158] : memref<10000x128xf32, #tpu.memory_space<hbm>> -> memref<10000x128xf32, #tpu.memory_space<hbm>>
    tpu.enqueue_indirect_dma source(%dma_start3A_1159 : memref<10000x128xf32, #tpu.memory_space<hbm>>) target(%dma_start3A_1153 : memref<40x128xf32, #tpu.memory_space<vmem>>) offsets(%dma_start3A_1156 : memref<40xi32, #tpu.memory_space<vmem>>) semaphore(%arg13 : memref<!tpu.dma_semaphore, #tpu.memory_space<semaphore_mem>>)
    %dma_wait3A_1160 = arith.constant 22 : i32
    %dma_wait3A_1161 = arith.constant 0 : i32
    %dma_wait3A_1162 = tpu.memref_slice %arg8[%dma_wait3A_1160, %dma_wait3A_1161] : memref<25x80xi32, #tpu.memory_space<vmem>> -> memref<1x80xi32, #tpu.memory_space<vmem>>
    %dma_wait3A_1163 = tpu.memref_squeeze %dma_wait3A_1162 : memref<1x80xi32, #tpu.memory_space<vmem>> -> memref<80xi32, #tpu.memory_space<vmem>>
    %dma_wait3A_1164 = arith.constant 0 : i32
    %dma_wait3A_1165 = arith.constant 0 : i32
    %dma_wait3A_1166 = tpu.memref_slice %arg6[%dma_wait3A_1164, %dma_wait3A_1165] : memref<10000x128xf32, #tpu.memory_space<vmem_shared>> -> memref<10000x128xf32, #tpu.memory_space<vmem_shared>>
    tpu.wait_indirect_dma semaphore(%arg17 : memref<!tpu.dma_semaphore, #tpu.memory_space<semaphore_mem>>) src(%arg10 : memref<80x128xf32, #tpu.memory_space<vmem>>) dst(%dma_wait3A_1166 : memref<10000x128xf32, #tpu.memory_space<vmem_shared>>)
    %dma_wait3A_1167 = arith.constant 23 : i32
    %dma_wait3A_1168 = arith.constant 0 : i32
    %dma_wait3A_1169 = tpu.memref_slice %arg8[%dma_wait3A_1167, %dma_wait3A_1168] : memref<25x80xi32, #tpu.memory_space<vmem>> -> memref<1x80xi32, #tpu.memory_space<vmem>>
    %dma_wait3A_1170 = tpu.memref_squeeze %dma_wait3A_1169 : memref<1x80xi32, #tpu.memory_space<vmem>> -> memref<80xi32, #tpu.memory_space<vmem>>
    %dma_wait3A_1171 = arith.constant 0 : i32
    %dma_wait3A_1172 = arith.constant 0 : i32
    %dma_wait3A_1173 = tpu.memref_slice %arg6[%dma_wait3A_1171, %dma_wait3A_1172] : memref<10000x128xf32, #tpu.memory_space<vmem_shared>> -> memref<10000x128xf32, #tpu.memory_space<vmem_shared>>
    tpu.wait_indirect_dma semaphore(%arg18 : memref<!tpu.dma_semaphore, #tpu.memory_space<semaphore_mem>>) src(%arg11 : memref<80x128xf32, #tpu.memory_space<vmem>>) dst(%dma_wait3A_1173 : memref<10000x128xf32, #tpu.memory_space<vmem_shared>>)
    %dma_wait3A_1174 = arith.constant 0 : i32
    %dma_wait3A_1175 = arith.constant 0 : i32
    %dma_wait3A_1176 = tpu.memref_slice %arg7[%dma_wait3A_1174, %dma_wait3A_1175] : memref<25x80xi32, #tpu.memory_space<vmem>> -> memref<1x80xi32, #tpu.memory_space<vmem>>
    %dma_wait3A_1177 = tpu.memref_squeeze %dma_wait3A_1176 : memref<1x80xi32, #tpu.memory_space<vmem>> -> memref<80xi32, #tpu.memory_space<vmem>>
    %dma_wait3A_1178 = arith.constant 0 : i32
    %dma_wait3A_1179 = arith.constant 0 : i32
    %dma_wait3A_1180 = tpu.memref_slice %arg2[%dma_wait3A_1178, %dma_wait3A_1179] : memref<10000x128xf32, #tpu.memory_space<hbm>> -> memref<10000x128xf32, #tpu.memory_space<hbm>>
    tpu.wait_indirect_dma semaphore(%arg13 : memref<!tpu.dma_semaphore, #tpu.memory_space<semaphore_mem>>) src(%dma_wait3A_1180 : memref<10000x128xf32, #tpu.memory_space<hbm>>) dst(%arg9 : memref<80x128xf32, #tpu.memory_space<vmem>>)
    %dma_start3A_1181 = arith.constant 24 : i32
    %dma_start3A_1182 = arith.constant 0 : i32
    %dma_start3A_1183 = tpu.memref_slice %arg8[%dma_start3A_1181, %dma_start3A_1182] : memref<25x80xi32, #tpu.memory_space<vmem>> -> memref<1x80xi32, #tpu.memory_space<vmem>>
    %dma_start3A_1184 = tpu.memref_squeeze %dma_start3A_1183 : memref<1x80xi32, #tpu.memory_space<vmem>> -> memref<80xi32, #tpu.memory_space<vmem>>
    %dma_start3A_1185 = arith.constant 0 : i32
    %dma_start3A_1186 = arith.constant 0 : i32
    %dma_start3A_1187 = tpu.memref_slice %arg6[%dma_start3A_1185, %dma_start3A_1186] : memref<10000x128xf32, #tpu.memory_space<vmem_shared>> -> memref<10000x128xf32, #tpu.memory_space<vmem_shared>>
    tpu.enqueue_indirect_dma source(%arg9 : memref<80x128xf32, #tpu.memory_space<vmem>>) target(%dma_start3A_1187 : memref<10000x128xf32, #tpu.memory_space<vmem_shared>>) offsets(%dma_start3A_1184 : memref<80xi32, #tpu.memory_space<vmem>>) semaphore(%arg16 : memref<!tpu.dma_semaphore, #tpu.memory_space<semaphore_mem>>) {add = true}
    %dma_wait3A_1188 = arith.constant 24 : i32
    %dma_wait3A_1189 = arith.constant 0 : i32
    %dma_wait3A_1190 = tpu.memref_slice %arg8[%dma_wait3A_1188, %dma_wait3A_1189] : memref<25x80xi32, #tpu.memory_space<vmem>> -> memref<1x80xi32, #tpu.memory_space<vmem>>
    %dma_wait3A_1191 = tpu.memref_squeeze %dma_wait3A_1190 : memref<1x80xi32, #tpu.memory_space<vmem>> -> memref<80xi32, #tpu.memory_space<vmem>>
    %dma_wait3A_1192 = arith.constant 0 : i32
    %dma_wait3A_1193 = arith.constant 0 : i32
    %dma_wait3A_1194 = tpu.memref_slice %arg6[%dma_wait3A_1192, %dma_wait3A_1193] : memref<10000x128xf32, #tpu.memory_space<vmem_shared>> -> memref<10000x128xf32, #tpu.memory_space<vmem_shared>>
    tpu.wait_indirect_dma semaphore(%arg16 : memref<!tpu.dma_semaphore, #tpu.memory_space<semaphore_mem>>) src(%arg9 : memref<80x128xf32, #tpu.memory_space<vmem>>) dst(%dma_wait3A_1194 : memref<10000x128xf32, #tpu.memory_space<vmem_shared>>)
    %run_scoped3A_1195 = arith.constant 4 : i32
    "tpu.region"() ({
      %run_scoped3A_1380 = tpu.sem_alloc : memref<!tpu.dma_semaphore, #tpu.memory_space<semaphore_mem>>
      %dma_start3A_1381 = arith.constant 0 : i32
      %dma_start3A_1382 = arith.constant 0 : i32
      %dma_start3A_1383 = tpu.memref_slice %arg3[%add3A, %run_scoped3A_1195, %dma_start3A_1381, %dma_start3A_1382] : memref<32x5x25x80xi32, #tpu.memory_space<hbm>> -> memref<1x1x25x80xi32, #tpu.memory_space<hbm>>
      %dma_start3A_1384 = tpu.memref_squeeze %dma_start3A_1383 : memref<1x1x25x80xi32, #tpu.memory_space<hbm>> -> memref<25x80xi32, #tpu.memory_space<hbm>>
      %dma_start3A_1385 = arith.constant 0 : i32
      %dma_start3A_1386 = arith.constant 0 : i32
      %dma_start3A_1387 = tpu.memref_slice %arg3[%add3A, %run_scoped3A_1195, %dma_start3A_1385, %dma_start3A_1386] : memref<32x5x25x80xi32, #tpu.memory_space<hbm>> -> memref<1x1x25x80xi32, #tpu.memory_space<hbm>>
      %dma_start3A_1388 = tpu.memref_squeeze %dma_start3A_1387 : memref<1x1x25x80xi32, #tpu.memory_space<hbm>> -> memref<25x80xi32, #tpu.memory_space<hbm>>
      tpu.enqueue_dma source(%dma_start3A_1388 : memref<25x80xi32, #tpu.memory_space<hbm>>) target(%arg7 : memref<25x80xi32, #tpu.memory_space<vmem>>) target_semaphore(%run_scoped3A_1380 : memref<!tpu.dma_semaphore, #tpu.memory_space<semaphore_mem>>)
      %dma_wait3A_1389 = arith.constant 0 : i32
      %dma_wait3A_1390 = arith.constant 0 : i32
      %dma_wait3A_1391 = tpu.memref_slice %arg3[%add3A, %run_scoped3A_1195, %dma_wait3A_1389, %dma_wait3A_1390] : memref<32x5x25x80xi32, #tpu.memory_space<hbm>> -> memref<1x1x25x80xi32, #tpu.memory_space<hbm>>
      %dma_wait3A_1392 = tpu.memref_squeeze %dma_wait3A_1391 : memref<1x1x25x80xi32, #tpu.memory_space<hbm>> -> memref<25x80xi32, #tpu.memory_space<hbm>>
      %dma_wait3A_1393 = arith.constant 0 : i32
      %dma_wait3A_1394 = arith.constant 0 : i32
      %dma_wait3A_1395 = tpu.memref_slice %arg3[%add3A, %run_scoped3A_1195, %dma_wait3A_1393, %dma_wait3A_1394] : memref<32x5x25x80xi32, #tpu.memory_space<hbm>> -> memref<1x1x25x80xi32, #tpu.memory_space<hbm>>
      %dma_wait3A_1396 = tpu.memref_squeeze %dma_wait3A_1395 : memref<1x1x25x80xi32, #tpu.memory_space<hbm>> -> memref<25x80xi32, #tpu.memory_space<hbm>>
      tpu.wait_dma2 semaphore(%run_scoped3A_1380 : memref<!tpu.dma_semaphore, #tpu.memory_space<semaphore_mem>>) src(%dma_wait3A_1396 : memref<25x80xi32, #tpu.memory_space<hbm>>) dst(%arg7 : memref<25x80xi32, #tpu.memory_space<vmem>>)
      tpu.yield
    }) : () -> ()
    %run_scoped3A_1196 = arith.constant 4 : i32
    "tpu.region"() ({
      %run_scoped3A_1380 = tpu.sem_alloc : memref<!tpu.dma_semaphore, #tpu.memory_space<semaphore_mem>>
      %dma_start3A_1381 = arith.constant 0 : i32
      %dma_start3A_1382 = arith.constant 0 : i32
      %dma_start3A_1383 = tpu.memref_slice %arg4[%add3A, %run_scoped3A_1196, %dma_start3A_1381, %dma_start3A_1382] : memref<32x5x25x80xi32, #tpu.memory_space<hbm>> -> memref<1x1x25x80xi32, #tpu.memory_space<hbm>>
      %dma_start3A_1384 = tpu.memref_squeeze %dma_start3A_1383 : memref<1x1x25x80xi32, #tpu.memory_space<hbm>> -> memref<25x80xi32, #tpu.memory_space<hbm>>
      %dma_start3A_1385 = arith.constant 0 : i32
      %dma_start3A_1386 = arith.constant 0 : i32
      %dma_start3A_1387 = tpu.memref_slice %arg4[%add3A, %run_scoped3A_1196, %dma_start3A_1385, %dma_start3A_1386] : memref<32x5x25x80xi32, #tpu.memory_space<hbm>> -> memref<1x1x25x80xi32, #tpu.memory_space<hbm>>
      %dma_start3A_1388 = tpu.memref_squeeze %dma_start3A_1387 : memref<1x1x25x80xi32, #tpu.memory_space<hbm>> -> memref<25x80xi32, #tpu.memory_space<hbm>>
      tpu.enqueue_dma source(%dma_start3A_1388 : memref<25x80xi32, #tpu.memory_space<hbm>>) target(%arg8 : memref<25x80xi32, #tpu.memory_space<vmem>>) target_semaphore(%run_scoped3A_1380 : memref<!tpu.dma_semaphore, #tpu.memory_space<semaphore_mem>>)
      %dma_wait3A_1389 = arith.constant 0 : i32
      %dma_wait3A_1390 = arith.constant 0 : i32
      %dma_wait3A_1391 = tpu.memref_slice %arg4[%add3A, %run_scoped3A_1196, %dma_wait3A_1389, %dma_wait3A_1390] : memref<32x5x25x80xi32, #tpu.memory_space<hbm>> -> memref<1x1x25x80xi32, #tpu.memory_space<hbm>>
      %dma_wait3A_1392 = tpu.memref_squeeze %dma_wait3A_1391 : memref<1x1x25x80xi32, #tpu.memory_space<hbm>> -> memref<25x80xi32, #tpu.memory_space<hbm>>
      %dma_wait3A_1393 = arith.constant 0 : i32
      %dma_wait3A_1394 = arith.constant 0 : i32
      %dma_wait3A_1395 = tpu.memref_slice %arg4[%add3A, %run_scoped3A_1196, %dma_wait3A_1393, %dma_wait3A_1394] : memref<32x5x25x80xi32, #tpu.memory_space<hbm>> -> memref<1x1x25x80xi32, #tpu.memory_space<hbm>>
      %dma_wait3A_1396 = tpu.memref_squeeze %dma_wait3A_1395 : memref<1x1x25x80xi32, #tpu.memory_space<hbm>> -> memref<25x80xi32, #tpu.memory_space<hbm>>
      tpu.wait_dma2 semaphore(%run_scoped3A_1380 : memref<!tpu.dma_semaphore, #tpu.memory_space<semaphore_mem>>) src(%dma_wait3A_1396 : memref<25x80xi32, #tpu.memory_space<hbm>>) dst(%arg8 : memref<25x80xi32, #tpu.memory_space<vmem>>)
      tpu.yield
    }) : () -> ()
    %dma_start3A_1197 = arith.constant 0 : i32
    %dma_start3A_1198 = arith.constant 0 : i32
    %dma_start3A_1199 = arith.constant 0 : i32
    %dma_start3A_1200 = tpu.memref_slice %arg9[%dma_start3A_1198, %dma_start3A_1199] : memref<80x128xf32, #tpu.memory_space<vmem>> -> memref<40x128xf32, #tpu.memory_space<vmem>>
    %dma_start3A_1201 = arith.constant 0 : i32
    %dma_start3A_1202 = tpu.memref_slice %arg7[%dma_start3A_1197, %dma_start3A_1201] : memref<25x80xi32, #tpu.memory_space<vmem>> -> memref<1x40xi32, #tpu.memory_space<vmem>>
    %dma_start3A_1203 = tpu.memref_squeeze %dma_start3A_1202 : memref<1x40xi32, #tpu.memory_space<vmem>> -> memref<40xi32, #tpu.memory_space<vmem>>
    %dma_start3A_1204 = arith.constant 0 : i32
    %dma_start3A_1205 = arith.constant 0 : i32
    %dma_start3A_1206 = tpu.memref_slice %arg2[%dma_start3A_1204, %dma_start3A_1205] : memref<10000x128xf32, #tpu.memory_space<hbm>> -> memref<10000x128xf32, #tpu.memory_space<hbm>>
    tpu.enqueue_indirect_dma source(%dma_start3A_1206 : memref<10000x128xf32, #tpu.memory_space<hbm>>) target(%dma_start3A_1200 : memref<40x128xf32, #tpu.memory_space<vmem>>) offsets(%dma_start3A_1203 : memref<40xi32, #tpu.memory_space<vmem>>) semaphore(%arg13 : memref<!tpu.dma_semaphore, #tpu.memory_space<semaphore_mem>>)
    %dma_start3A_1207 = arith.constant 0 : i32
    %dma_start3A_1208 = arith.constant 40 : i32
    %dma_start3A_1209 = arith.constant 0 : i32
    %dma_start3A_1210 = tpu.memref_slice %arg9[%dma_start3A_1208, %dma_start3A_1209] : memref<80x128xf32, #tpu.memory_space<vmem>> -> memref<40x128xf32, #tpu.memory_space<vmem>>
    %dma_start3A_1211 = arith.constant 40 : i32
    %dma_start3A_1212 = tpu.memref_slice %arg7[%dma_start3A_1207, %dma_start3A_1211] : memref<25x80xi32, #tpu.memory_space<vmem>> -> memref<1x40xi32, #tpu.memory_space<vmem>>
    %dma_start3A_1213 = tpu.memref_squeeze %dma_start3A_1212 : memref<1x40xi32, #tpu.memory_space<vmem>> -> memref<40xi32, #tpu.memory_space<vmem>>
    %dma_start3A_1214 = arith.constant 0 : i32
    %dma_start3A_1215 = arith.constant 0 : i32
    %dma_start3A_1216 = tpu.memref_slice %arg2[%dma_start3A_1214, %dma_start3A_1215] : memref<10000x128xf32, #tpu.memory_space<hbm>> -> memref<10000x128xf32, #tpu.memory_space<hbm>>
    tpu.enqueue_indirect_dma source(%dma_start3A_1216 : memref<10000x128xf32, #tpu.memory_space<hbm>>) target(%dma_start3A_1210 : memref<40x128xf32, #tpu.memory_space<vmem>>) offsets(%dma_start3A_1213 : memref<40xi32, #tpu.memory_space<vmem>>) semaphore(%arg13 : memref<!tpu.dma_semaphore, #tpu.memory_space<semaphore_mem>>)
    %dma_start3A_1217 = arith.constant 1 : i32
    %dma_start3A_1218 = arith.constant 0 : i32
    %dma_start3A_1219 = arith.constant 0 : i32
    %dma_start3A_1220 = tpu.memref_slice %arg10[%dma_start3A_1218, %dma_start3A_1219] : memref<80x128xf32, #tpu.memory_space<vmem>> -> memref<40x128xf32, #tpu.memory_space<vmem>>
    %dma_start3A_1221 = arith.constant 0 : i32
    %dma_start3A_1222 = tpu.memref_slice %arg7[%dma_start3A_1217, %dma_start3A_1221] : memref<25x80xi32, #tpu.memory_space<vmem>> -> memref<1x40xi32, #tpu.memory_space<vmem>>
    %dma_start3A_1223 = tpu.memref_squeeze %dma_start3A_1222 : memref<1x40xi32, #tpu.memory_space<vmem>> -> memref<40xi32, #tpu.memory_space<vmem>>
    %dma_start3A_1224 = arith.constant 0 : i32
    %dma_start3A_1225 = arith.constant 0 : i32
    %dma_start3A_1226 = tpu.memref_slice %arg2[%dma_start3A_1224, %dma_start3A_1225] : memref<10000x128xf32, #tpu.memory_space<hbm>> -> memref<10000x128xf32, #tpu.memory_space<hbm>>
    tpu.enqueue_indirect_dma source(%dma_start3A_1226 : memref<10000x128xf32, #tpu.memory_space<hbm>>) target(%dma_start3A_1220 : memref<40x128xf32, #tpu.memory_space<vmem>>) offsets(%dma_start3A_1223 : memref<40xi32, #tpu.memory_space<vmem>>) semaphore(%arg14 : memref<!tpu.dma_semaphore, #tpu.memory_space<semaphore_mem>>)
    %dma_start3A_1227 = arith.constant 1 : i32
    %dma_start3A_1228 = arith.constant 40 : i32
    %dma_start3A_1229 = arith.constant 0 : i32
    %dma_start3A_1230 = tpu.memref_slice %arg10[%dma_start3A_1228, %dma_start3A_1229] : memref<80x128xf32, #tpu.memory_space<vmem>> -> memref<40x128xf32, #tpu.memory_space<vmem>>
    %dma_start3A_1231 = arith.constant 40 : i32
    %dma_start3A_1232 = tpu.memref_slice %arg7[%dma_start3A_1227, %dma_start3A_1231] : memref<25x80xi32, #tpu.memory_space<vmem>> -> memref<1x40xi32, #tpu.memory_space<vmem>>
    %dma_start3A_1233 = tpu.memref_squeeze %dma_start3A_1232 : memref<1x40xi32, #tpu.memory_space<vmem>> -> memref<40xi32, #tpu.memory_space<vmem>>
    %dma_start3A_1234 = arith.constant 0 : i32
    %dma_start3A_1235 = arith.constant 0 : i32
    %dma_start3A_1236 = tpu.memref_slice %arg2[%dma_start3A_1234, %dma_start3A_1235] : memref<10000x128xf32, #tpu.memory_space<hbm>> -> memref<10000x128xf32, #tpu.memory_space<hbm>>
    tpu.enqueue_indirect_dma source(%dma_start3A_1236 : memref<10000x128xf32, #tpu.memory_space<hbm>>) target(%dma_start3A_1230 : memref<40x128xf32, #tpu.memory_space<vmem>>) offsets(%dma_start3A_1233 : memref<40xi32, #tpu.memory_space<vmem>>) semaphore(%arg14 : memref<!tpu.dma_semaphore, #tpu.memory_space<semaphore_mem>>)
    %dma_start3A_1237 = arith.constant 2 : i32
    %dma_start3A_1238 = arith.constant 0 : i32
    %dma_start3A_1239 = arith.constant 0 : i32
    %dma_start3A_1240 = tpu.memref_slice %arg11[%dma_start3A_1238, %dma_start3A_1239] : memref<80x128xf32, #tpu.memory_space<vmem>> -> memref<40x128xf32, #tpu.memory_space<vmem>>
    %dma_start3A_1241 = arith.constant 0 : i32
    %dma_start3A_1242 = tpu.memref_slice %arg7[%dma_start3A_1237, %dma_start3A_1241] : memref<25x80xi32, #tpu.memory_space<vmem>> -> memref<1x40xi32, #tpu.memory_space<vmem>>
    %dma_start3A_1243 = tpu.memref_squeeze %dma_start3A_1242 : memref<1x40xi32, #tpu.memory_space<vmem>> -> memref<40xi32, #tpu.memory_space<vmem>>
    %dma_start3A_1244 = arith.constant 0 : i32
    %dma_start3A_1245 = arith.constant 0 : i32
    %dma_start3A_1246 = tpu.memref_slice %arg2[%dma_start3A_1244, %dma_start3A_1245] : memref<10000x128xf32, #tpu.memory_space<hbm>> -> memref<10000x128xf32, #tpu.memory_space<hbm>>
    tpu.enqueue_indirect_dma source(%dma_start3A_1246 : memref<10000x128xf32, #tpu.memory_space<hbm>>) target(%dma_start3A_1240 : memref<40x128xf32, #tpu.memory_space<vmem>>) offsets(%dma_start3A_1243 : memref<40xi32, #tpu.memory_space<vmem>>) semaphore(%arg15 : memref<!tpu.dma_semaphore, #tpu.memory_space<semaphore_mem>>)
    %dma_start3A_1247 = arith.constant 2 : i32
    %dma_start3A_1248 = arith.constant 40 : i32
    %dma_start3A_1249 = arith.constant 0 : i32
    %dma_start3A_1250 = tpu.memref_slice %arg11[%dma_start3A_1248, %dma_start3A_1249] : memref<80x128xf32, #tpu.memory_space<vmem>> -> memref<40x128xf32, #tpu.memory_space<vmem>>
    %dma_start3A_1251 = arith.constant 40 : i32
    %dma_start3A_1252 = tpu.memref_slice %arg7[%dma_start3A_1247, %dma_start3A_1251] : memref<25x80xi32, #tpu.memory_space<vmem>> -> memref<1x40xi32, #tpu.memory_space<vmem>>
    %dma_start3A_1253 = tpu.memref_squeeze %dma_start3A_1252 : memref<1x40xi32, #tpu.memory_space<vmem>> -> memref<40xi32, #tpu.memory_space<vmem>>
    %dma_start3A_1254 = arith.constant 0 : i32
    %dma_start3A_1255 = arith.constant 0 : i32
    %dma_start3A_1256 = tpu.memref_slice %arg2[%dma_start3A_1254, %dma_start3A_1255] : memref<10000x128xf32, #tpu.memory_space<hbm>> -> memref<10000x128xf32, #tpu.memory_space<hbm>>
    tpu.enqueue_indirect_dma source(%dma_start3A_1256 : memref<10000x128xf32, #tpu.memory_space<hbm>>) target(%dma_start3A_1250 : memref<40x128xf32, #tpu.memory_space<vmem>>) offsets(%dma_start3A_1253 : memref<40xi32, #tpu.memory_space<vmem>>) semaphore(%arg15 : memref<!tpu.dma_semaphore, #tpu.memory_space<semaphore_mem>>)
    %scan3A_1257 = arith.constant 0 : i32
    %scan3A_1258 = arith.constant 0 : i32
    %scan3A_1259 = arith.constant 7 : i32
    %scan3A_1260 = arith.addi %scan3A_1258, %scan3A_1259 : i32
    %scan3A_1261 = arith.constant 1 : i32
    scf.for %scan3A_1380 = %scan3A_1258 to %scan3A_1260 step %scan3A_1261  : i32 {
      %mul3A_1381 = arith.constant 3 : i32
      %mul3A_1382 = arith.muli %scan3A_1380, %mul3A_1381 : i32
      %dma_wait3A_1383 = arith.constant 0 : i32
      %dma_wait3A_1384 = arith.constant 0 : i32
      %dma_wait3A_1385 = tpu.memref_slice %arg7[%dma_wait3A_1383, %dma_wait3A_1384] : memref<25x80xi32, #tpu.memory_space<vmem>> -> memref<1x80xi32, #tpu.memory_space<vmem>>
      %dma_wait3A_1386 = tpu.memref_squeeze %dma_wait3A_1385 : memref<1x80xi32, #tpu.memory_space<vmem>> -> memref<80xi32, #tpu.memory_space<vmem>>
      %dma_wait3A_1387 = arith.constant 0 : i32
      %dma_wait3A_1388 = arith.constant 0 : i32
      %dma_wait3A_1389 = tpu.memref_slice %arg2[%dma_wait3A_1387, %dma_wait3A_1388] : memref<10000x128xf32, #tpu.memory_space<hbm>> -> memref<10000x128xf32, #tpu.memory_space<hbm>>
      tpu.wait_indirect_dma semaphore(%arg13 : memref<!tpu.dma_semaphore, #tpu.memory_space<semaphore_mem>>) src(%dma_wait3A_1389 : memref<10000x128xf32, #tpu.memory_space<hbm>>) dst(%arg9 : memref<80x128xf32, #tpu.memory_space<vmem>>)
      %add3A_1390 = arith.constant 0 : i32
      %add3A_1391 = arith.addi %mul3A_1382, %add3A_1390 : i32
      %dma_start3A_1392 = arith.constant 0 : i32
      %dma_start3A_1393 = tpu.memref_slice %arg8[%add3A_1391, %dma_start3A_1392] : memref<25x80xi32, #tpu.memory_space<vmem>> -> memref<1x80xi32, #tpu.memory_space<vmem>>
      %dma_start3A_1394 = tpu.memref_squeeze %dma_start3A_1393 : memref<1x80xi32, #tpu.memory_space<vmem>> -> memref<80xi32, #tpu.memory_space<vmem>>
      %dma_start3A_1395 = arith.constant 0 : i32
      %dma_start3A_1396 = arith.constant 0 : i32
      %dma_start3A_1397 = tpu.memref_slice %arg6[%dma_start3A_1395, %dma_start3A_1396] : memref<10000x128xf32, #tpu.memory_space<vmem_shared>> -> memref<10000x128xf32, #tpu.memory_space<vmem_shared>>
      tpu.enqueue_indirect_dma source(%arg9 : memref<80x128xf32, #tpu.memory_space<vmem>>) target(%dma_start3A_1397 : memref<10000x128xf32, #tpu.memory_space<vmem_shared>>) offsets(%dma_start3A_1394 : memref<80xi32, #tpu.memory_space<vmem>>) semaphore(%arg16 : memref<!tpu.dma_semaphore, #tpu.memory_space<semaphore_mem>>) {add = true}
      %dma_wait3A_1398 = arith.constant 0 : i32
      %dma_wait3A_1399 = arith.constant 0 : i32
      %dma_wait3A_1400 = tpu.memref_slice %arg7[%dma_wait3A_1398, %dma_wait3A_1399] : memref<25x80xi32, #tpu.memory_space<vmem>> -> memref<1x80xi32, #tpu.memory_space<vmem>>
      %dma_wait3A_1401 = tpu.memref_squeeze %dma_wait3A_1400 : memref<1x80xi32, #tpu.memory_space<vmem>> -> memref<80xi32, #tpu.memory_space<vmem>>
      %dma_wait3A_1402 = arith.constant 0 : i32
      %dma_wait3A_1403 = arith.constant 0 : i32
      %dma_wait3A_1404 = tpu.memref_slice %arg2[%dma_wait3A_1402, %dma_wait3A_1403] : memref<10000x128xf32, #tpu.memory_space<hbm>> -> memref<10000x128xf32, #tpu.memory_space<hbm>>
      tpu.wait_indirect_dma semaphore(%arg14 : memref<!tpu.dma_semaphore, #tpu.memory_space<semaphore_mem>>) src(%dma_wait3A_1404 : memref<10000x128xf32, #tpu.memory_space<hbm>>) dst(%arg10 : memref<80x128xf32, #tpu.memory_space<vmem>>)
      %add3A_1405 = arith.constant 1 : i32
      %add3A_1406 = arith.addi %mul3A_1382, %add3A_1405 : i32
      %dma_start3A_1407 = arith.constant 0 : i32
      %dma_start3A_1408 = tpu.memref_slice %arg8[%add3A_1406, %dma_start3A_1407] : memref<25x80xi32, #tpu.memory_space<vmem>> -> memref<1x80xi32, #tpu.memory_space<vmem>>
      %dma_start3A_1409 = tpu.memref_squeeze %dma_start3A_1408 : memref<1x80xi32, #tpu.memory_space<vmem>> -> memref<80xi32, #tpu.memory_space<vmem>>
      %dma_start3A_1410 = arith.constant 0 : i32
      %dma_start3A_1411 = arith.constant 0 : i32
      %dma_start3A_1412 = tpu.memref_slice %arg6[%dma_start3A_1410, %dma_start3A_1411] : memref<10000x128xf32, #tpu.memory_space<vmem_shared>> -> memref<10000x128xf32, #tpu.memory_space<vmem_shared>>
      tpu.enqueue_indirect_dma source(%arg10 : memref<80x128xf32, #tpu.memory_space<vmem>>) target(%dma_start3A_1412 : memref<10000x128xf32, #tpu.memory_space<vmem_shared>>) offsets(%dma_start3A_1409 : memref<80xi32, #tpu.memory_space<vmem>>) semaphore(%arg17 : memref<!tpu.dma_semaphore, #tpu.memory_space<semaphore_mem>>) {add = true}
      %dma_wait3A_1413 = arith.constant 0 : i32
      %dma_wait3A_1414 = arith.constant 0 : i32
      %dma_wait3A_1415 = tpu.memref_slice %arg7[%dma_wait3A_1413, %dma_wait3A_1414] : memref<25x80xi32, #tpu.memory_space<vmem>> -> memref<1x80xi32, #tpu.memory_space<vmem>>
      %dma_wait3A_1416 = tpu.memref_squeeze %dma_wait3A_1415 : memref<1x80xi32, #tpu.memory_space<vmem>> -> memref<80xi32, #tpu.memory_space<vmem>>
      %dma_wait3A_1417 = arith.constant 0 : i32
      %dma_wait3A_1418 = arith.constant 0 : i32
      %dma_wait3A_1419 = tpu.memref_slice %arg2[%dma_wait3A_1417, %dma_wait3A_1418] : memref<10000x128xf32, #tpu.memory_space<hbm>> -> memref<10000x128xf32, #tpu.memory_space<hbm>>
      tpu.wait_indirect_dma semaphore(%arg15 : memref<!tpu.dma_semaphore, #tpu.memory_space<semaphore_mem>>) src(%dma_wait3A_1419 : memref<10000x128xf32, #tpu.memory_space<hbm>>) dst(%arg11 : memref<80x128xf32, #tpu.memory_space<vmem>>)
      %add3A_1420 = arith.constant 2 : i32
      %add3A_1421 = arith.addi %mul3A_1382, %add3A_1420 : i32
      %dma_start3A_1422 = arith.constant 0 : i32
      %dma_start3A_1423 = tpu.memref_slice %arg8[%add3A_1421, %dma_start3A_1422] : memref<25x80xi32, #tpu.memory_space<vmem>> -> memref<1x80xi32, #tpu.memory_space<vmem>>
      %dma_start3A_1424 = tpu.memref_squeeze %dma_start3A_1423 : memref<1x80xi32, #tpu.memory_space<vmem>> -> memref<80xi32, #tpu.memory_space<vmem>>
      %dma_start3A_1425 = arith.constant 0 : i32
      %dma_start3A_1426 = arith.constant 0 : i32
      %dma_start3A_1427 = tpu.memref_slice %arg6[%dma_start3A_1425, %dma_start3A_1426] : memref<10000x128xf32, #tpu.memory_space<vmem_shared>> -> memref<10000x128xf32, #tpu.memory_space<vmem_shared>>
      tpu.enqueue_indirect_dma source(%arg11 : memref<80x128xf32, #tpu.memory_space<vmem>>) target(%dma_start3A_1427 : memref<10000x128xf32, #tpu.memory_space<vmem_shared>>) offsets(%dma_start3A_1424 : memref<80xi32, #tpu.memory_space<vmem>>) semaphore(%arg18 : memref<!tpu.dma_semaphore, #tpu.memory_space<semaphore_mem>>) {add = true}
      %dma_wait3A_1428 = arith.constant 0 : i32
      %dma_wait3A_1429 = tpu.memref_slice %arg8[%add3A_1391, %dma_wait3A_1428] : memref<25x80xi32, #tpu.memory_space<vmem>> -> memref<1x80xi32, #tpu.memory_space<vmem>>
      %dma_wait3A_1430 = tpu.memref_squeeze %dma_wait3A_1429 : memref<1x80xi32, #tpu.memory_space<vmem>> -> memref<80xi32, #tpu.memory_space<vmem>>
      %dma_wait3A_1431 = arith.constant 0 : i32
      %dma_wait3A_1432 = arith.constant 0 : i32
      %dma_wait3A_1433 = tpu.memref_slice %arg6[%dma_wait3A_1431, %dma_wait3A_1432] : memref<10000x128xf32, #tpu.memory_space<vmem_shared>> -> memref<10000x128xf32, #tpu.memory_space<vmem_shared>>
      tpu.wait_indirect_dma semaphore(%arg16 : memref<!tpu.dma_semaphore, #tpu.memory_space<semaphore_mem>>) src(%arg9 : memref<80x128xf32, #tpu.memory_space<vmem>>) dst(%dma_wait3A_1433 : memref<10000x128xf32, #tpu.memory_space<vmem_shared>>)
      %add3A_1434 = arith.constant 3 : i32
      %add3A_1435 = arith.addi %mul3A_1382, %add3A_1434 : i32
      %add3A_1436 = arith.constant 0 : i32
      %add3A_1437 = arith.addi %add3A_1435, %add3A_1436 : i32
      %dma_start3A_1438 = arith.constant 0 : i32
      %dma_start3A_1439 = arith.constant 0 : i32
      %dma_start3A_1440 = tpu.memref_slice %arg9[%dma_start3A_1438, %dma_start3A_1439] : memref<80x128xf32, #tpu.memory_space<vmem>> -> memref<40x128xf32, #tpu.memory_space<vmem>>
      %dma_start3A_1441 = arith.constant 0 : i32
      %dma_start3A_1442 = tpu.memref_slice %arg7[%add3A_1437, %dma_start3A_1441] : memref<25x80xi32, #tpu.memory_space<vmem>> -> memref<1x40xi32, #tpu.memory_space<vmem>>
      %dma_start3A_1443 = tpu.memref_squeeze %dma_start3A_1442 : memref<1x40xi32, #tpu.memory_space<vmem>> -> memref<40xi32, #tpu.memory_space<vmem>>
      %dma_start3A_1444 = arith.constant 0 : i32
      %dma_start3A_1445 = arith.constant 0 : i32
      %dma_start3A_1446 = tpu.memref_slice %arg2[%dma_start3A_1444, %dma_start3A_1445] : memref<10000x128xf32, #tpu.memory_space<hbm>> -> memref<10000x128xf32, #tpu.memory_space<hbm>>
      tpu.enqueue_indirect_dma source(%dma_start3A_1446 : memref<10000x128xf32, #tpu.memory_space<hbm>>) target(%dma_start3A_1440 : memref<40x128xf32, #tpu.memory_space<vmem>>) offsets(%dma_start3A_1443 : memref<40xi32, #tpu.memory_space<vmem>>) semaphore(%arg13 : memref<!tpu.dma_semaphore, #tpu.memory_space<semaphore_mem>>)
      %dma_start3A_1447 = arith.constant 40 : i32
      %dma_start3A_1448 = arith.constant 0 : i32
      %dma_start3A_1449 = tpu.memref_slice %arg9[%dma_start3A_1447, %dma_start3A_1448] : memref<80x128xf32, #tpu.memory_space<vmem>> -> memref<40x128xf32, #tpu.memory_space<vmem>>
      %dma_start3A_1450 = arith.constant 40 : i32
      %dma_start3A_1451 = tpu.memref_slice %arg7[%add3A_1437, %dma_start3A_1450] : memref<25x80xi32, #tpu.memory_space<vmem>> -> memref<1x40xi32, #tpu.memory_space<vmem>>
      %dma_start3A_1452 = tpu.memref_squeeze %dma_start3A_1451 : memref<1x40xi32, #tpu.memory_space<vmem>> -> memref<40xi32, #tpu.memory_space<vmem>>
      %dma_start3A_1453 = arith.constant 0 : i32
      %dma_start3A_1454 = arith.constant 0 : i32
      %dma_start3A_1455 = tpu.memref_slice %arg2[%dma_start3A_1453, %dma_start3A_1454] : memref<10000x128xf32, #tpu.memory_space<hbm>> -> memref<10000x128xf32, #tpu.memory_space<hbm>>
      tpu.enqueue_indirect_dma source(%dma_start3A_1455 : memref<10000x128xf32, #tpu.memory_space<hbm>>) target(%dma_start3A_1449 : memref<40x128xf32, #tpu.memory_space<vmem>>) offsets(%dma_start3A_1452 : memref<40xi32, #tpu.memory_space<vmem>>) semaphore(%arg13 : memref<!tpu.dma_semaphore, #tpu.memory_space<semaphore_mem>>)
      %dma_wait3A_1456 = arith.constant 0 : i32
      %dma_wait3A_1457 = tpu.memref_slice %arg8[%add3A_1406, %dma_wait3A_1456] : memref<25x80xi32, #tpu.memory_space<vmem>> -> memref<1x80xi32, #tpu.memory_space<vmem>>
      %dma_wait3A_1458 = tpu.memref_squeeze %dma_wait3A_1457 : memref<1x80xi32, #tpu.memory_space<vmem>> -> memref<80xi32, #tpu.memory_space<vmem>>
      %dma_wait3A_1459 = arith.constant 0 : i32
      %dma_wait3A_1460 = arith.constant 0 : i32
      %dma_wait3A_1461 = tpu.memref_slice %arg6[%dma_wait3A_1459, %dma_wait3A_1460] : memref<10000x128xf32, #tpu.memory_space<vmem_shared>> -> memref<10000x128xf32, #tpu.memory_space<vmem_shared>>
      tpu.wait_indirect_dma semaphore(%arg17 : memref<!tpu.dma_semaphore, #tpu.memory_space<semaphore_mem>>) src(%arg10 : memref<80x128xf32, #tpu.memory_space<vmem>>) dst(%dma_wait3A_1461 : memref<10000x128xf32, #tpu.memory_space<vmem_shared>>)
      %add3A_1462 = arith.constant 3 : i32
      %add3A_1463 = arith.addi %mul3A_1382, %add3A_1462 : i32
      %add3A_1464 = arith.constant 1 : i32
      %add3A_1465 = arith.addi %add3A_1463, %add3A_1464 : i32
      %dma_start3A_1466 = arith.constant 0 : i32
      %dma_start3A_1467 = arith.constant 0 : i32
      %dma_start3A_1468 = tpu.memref_slice %arg10[%dma_start3A_1466, %dma_start3A_1467] : memref<80x128xf32, #tpu.memory_space<vmem>> -> memref<40x128xf32, #tpu.memory_space<vmem>>
      %dma_start3A_1469 = arith.constant 0 : i32
      %dma_start3A_1470 = tpu.memref_slice %arg7[%add3A_1465, %dma_start3A_1469] : memref<25x80xi32, #tpu.memory_space<vmem>> -> memref<1x40xi32, #tpu.memory_space<vmem>>
      %dma_start3A_1471 = tpu.memref_squeeze %dma_start3A_1470 : memref<1x40xi32, #tpu.memory_space<vmem>> -> memref<40xi32, #tpu.memory_space<vmem>>
      %dma_start3A_1472 = arith.constant 0 : i32
      %dma_start3A_1473 = arith.constant 0 : i32
      %dma_start3A_1474 = tpu.memref_slice %arg2[%dma_start3A_1472, %dma_start3A_1473] : memref<10000x128xf32, #tpu.memory_space<hbm>> -> memref<10000x128xf32, #tpu.memory_space<hbm>>
      tpu.enqueue_indirect_dma source(%dma_start3A_1474 : memref<10000x128xf32, #tpu.memory_space<hbm>>) target(%dma_start3A_1468 : memref<40x128xf32, #tpu.memory_space<vmem>>) offsets(%dma_start3A_1471 : memref<40xi32, #tpu.memory_space<vmem>>) semaphore(%arg14 : memref<!tpu.dma_semaphore, #tpu.memory_space<semaphore_mem>>)
      %dma_start3A_1475 = arith.constant 40 : i32
      %dma_start3A_1476 = arith.constant 0 : i32
      %dma_start3A_1477 = tpu.memref_slice %arg10[%dma_start3A_1475, %dma_start3A_1476] : memref<80x128xf32, #tpu.memory_space<vmem>> -> memref<40x128xf32, #tpu.memory_space<vmem>>
      %dma_start3A_1478 = arith.constant 40 : i32
      %dma_start3A_1479 = tpu.memref_slice %arg7[%add3A_1465, %dma_start3A_1478] : memref<25x80xi32, #tpu.memory_space<vmem>> -> memref<1x40xi32, #tpu.memory_space<vmem>>
      %dma_start3A_1480 = tpu.memref_squeeze %dma_start3A_1479 : memref<1x40xi32, #tpu.memory_space<vmem>> -> memref<40xi32, #tpu.memory_space<vmem>>
      %dma_start3A_1481 = arith.constant 0 : i32
      %dma_start3A_1482 = arith.constant 0 : i32
      %dma_start3A_1483 = tpu.memref_slice %arg2[%dma_start3A_1481, %dma_start3A_1482] : memref<10000x128xf32, #tpu.memory_space<hbm>> -> memref<10000x128xf32, #tpu.memory_space<hbm>>
      tpu.enqueue_indirect_dma source(%dma_start3A_1483 : memref<10000x128xf32, #tpu.memory_space<hbm>>) target(%dma_start3A_1477 : memref<40x128xf32, #tpu.memory_space<vmem>>) offsets(%dma_start3A_1480 : memref<40xi32, #tpu.memory_space<vmem>>) semaphore(%arg14 : memref<!tpu.dma_semaphore, #tpu.memory_space<semaphore_mem>>)
      %dma_wait3A_1484 = arith.constant 0 : i32
      %dma_wait3A_1485 = tpu.memref_slice %arg8[%add3A_1421, %dma_wait3A_1484] : memref<25x80xi32, #tpu.memory_space<vmem>> -> memref<1x80xi32, #tpu.memory_space<vmem>>
      %dma_wait3A_1486 = tpu.memref_squeeze %dma_wait3A_1485 : memref<1x80xi32, #tpu.memory_space<vmem>> -> memref<80xi32, #tpu.memory_space<vmem>>
      %dma_wait3A_1487 = arith.constant 0 : i32
      %dma_wait3A_1488 = arith.constant 0 : i32
      %dma_wait3A_1489 = tpu.memref_slice %arg6[%dma_wait3A_1487, %dma_wait3A_1488] : memref<10000x128xf32, #tpu.memory_space<vmem_shared>> -> memref<10000x128xf32, #tpu.memory_space<vmem_shared>>
      tpu.wait_indirect_dma semaphore(%arg18 : memref<!tpu.dma_semaphore, #tpu.memory_space<semaphore_mem>>) src(%arg11 : memref<80x128xf32, #tpu.memory_space<vmem>>) dst(%dma_wait3A_1489 : memref<10000x128xf32, #tpu.memory_space<vmem_shared>>)
      %add3A_1490 = arith.constant 3 : i32
      %add3A_1491 = arith.addi %mul3A_1382, %add3A_1490 : i32
      %add3A_1492 = arith.constant 2 : i32
      %add3A_1493 = arith.addi %add3A_1491, %add3A_1492 : i32
      %dma_start3A_1494 = arith.constant 0 : i32
      %dma_start3A_1495 = arith.constant 0 : i32
      %dma_start3A_1496 = tpu.memref_slice %arg11[%dma_start3A_1494, %dma_start3A_1495] : memref<80x128xf32, #tpu.memory_space<vmem>> -> memref<40x128xf32, #tpu.memory_space<vmem>>
      %dma_start3A_1497 = arith.constant 0 : i32
      %dma_start3A_1498 = tpu.memref_slice %arg7[%add3A_1493, %dma_start3A_1497] : memref<25x80xi32, #tpu.memory_space<vmem>> -> memref<1x40xi32, #tpu.memory_space<vmem>>
      %dma_start3A_1499 = tpu.memref_squeeze %dma_start3A_1498 : memref<1x40xi32, #tpu.memory_space<vmem>> -> memref<40xi32, #tpu.memory_space<vmem>>
      %dma_start3A_1500 = arith.constant 0 : i32
      %dma_start3A_1501 = arith.constant 0 : i32
      %dma_start3A_1502 = tpu.memref_slice %arg2[%dma_start3A_1500, %dma_start3A_1501] : memref<10000x128xf32, #tpu.memory_space<hbm>> -> memref<10000x128xf32, #tpu.memory_space<hbm>>
      tpu.enqueue_indirect_dma source(%dma_start3A_1502 : memref<10000x128xf32, #tpu.memory_space<hbm>>) target(%dma_start3A_1496 : memref<40x128xf32, #tpu.memory_space<vmem>>) offsets(%dma_start3A_1499 : memref<40xi32, #tpu.memory_space<vmem>>) semaphore(%arg15 : memref<!tpu.dma_semaphore, #tpu.memory_space<semaphore_mem>>)
      %dma_start3A_1503 = arith.constant 40 : i32
      %dma_start3A_1504 = arith.constant 0 : i32
      %dma_start3A_1505 = tpu.memref_slice %arg11[%dma_start3A_1503, %dma_start3A_1504] : memref<80x128xf32, #tpu.memory_space<vmem>> -> memref<40x128xf32, #tpu.memory_space<vmem>>
      %dma_start3A_1506 = arith.constant 40 : i32
      %dma_start3A_1507 = tpu.memref_slice %arg7[%add3A_1493, %dma_start3A_1506] : memref<25x80xi32, #tpu.memory_space<vmem>> -> memref<1x40xi32, #tpu.memory_space<vmem>>
      %dma_start3A_1508 = tpu.memref_squeeze %dma_start3A_1507 : memref<1x40xi32, #tpu.memory_space<vmem>> -> memref<40xi32, #tpu.memory_space<vmem>>
      %dma_start3A_1509 = arith.constant 0 : i32
      %dma_start3A_1510 = arith.constant 0 : i32
      %dma_start3A_1511 = tpu.memref_slice %arg2[%dma_start3A_1509, %dma_start3A_1510] : memref<10000x128xf32, #tpu.memory_space<hbm>> -> memref<10000x128xf32, #tpu.memory_space<hbm>>
      tpu.enqueue_indirect_dma source(%dma_start3A_1511 : memref<10000x128xf32, #tpu.memory_space<hbm>>) target(%dma_start3A_1505 : memref<40x128xf32, #tpu.memory_space<vmem>>) offsets(%dma_start3A_1508 : memref<40xi32, #tpu.memory_space<vmem>>) semaphore(%arg15 : memref<!tpu.dma_semaphore, #tpu.memory_space<semaphore_mem>>)
    }
    %scan3A_1262 = arith.constant 7 : i32
    %dma_wait3A_1263 = arith.constant 0 : i32
    %dma_wait3A_1264 = arith.constant 0 : i32
    %dma_wait3A_1265 = tpu.memref_slice %arg7[%dma_wait3A_1263, %dma_wait3A_1264] : memref<25x80xi32, #tpu.memory_space<vmem>> -> memref<1x80xi32, #tpu.memory_space<vmem>>
    %dma_wait3A_1266 = tpu.memref_squeeze %dma_wait3A_1265 : memref<1x80xi32, #tpu.memory_space<vmem>> -> memref<80xi32, #tpu.memory_space<vmem>>
    %dma_wait3A_1267 = arith.constant 0 : i32
    %dma_wait3A_1268 = arith.constant 0 : i32
    %dma_wait3A_1269 = tpu.memref_slice %arg2[%dma_wait3A_1267, %dma_wait3A_1268] : memref<10000x128xf32, #tpu.memory_space<hbm>> -> memref<10000x128xf32, #tpu.memory_space<hbm>>
    tpu.wait_indirect_dma semaphore(%arg13 : memref<!tpu.dma_semaphore, #tpu.memory_space<semaphore_mem>>) src(%dma_wait3A_1269 : memref<10000x128xf32, #tpu.memory_space<hbm>>) dst(%arg9 : memref<80x128xf32, #tpu.memory_space<vmem>>)
    %dma_start3A_1270 = arith.constant 21 : i32
    %dma_start3A_1271 = arith.constant 0 : i32
    %dma_start3A_1272 = tpu.memref_slice %arg8[%dma_start3A_1270, %dma_start3A_1271] : memref<25x80xi32, #tpu.memory_space<vmem>> -> memref<1x80xi32, #tpu.memory_space<vmem>>
    %dma_start3A_1273 = tpu.memref_squeeze %dma_start3A_1272 : memref<1x80xi32, #tpu.memory_space<vmem>> -> memref<80xi32, #tpu.memory_space<vmem>>
    %dma_start3A_1274 = arith.constant 0 : i32
    %dma_start3A_1275 = arith.constant 0 : i32
    %dma_start3A_1276 = tpu.memref_slice %arg6[%dma_start3A_1274, %dma_start3A_1275] : memref<10000x128xf32, #tpu.memory_space<vmem_shared>> -> memref<10000x128xf32, #tpu.memory_space<vmem_shared>>
    tpu.enqueue_indirect_dma source(%arg9 : memref<80x128xf32, #tpu.memory_space<vmem>>) target(%dma_start3A_1276 : memref<10000x128xf32, #tpu.memory_space<vmem_shared>>) offsets(%dma_start3A_1273 : memref<80xi32, #tpu.memory_space<vmem>>) semaphore(%arg16 : memref<!tpu.dma_semaphore, #tpu.memory_space<semaphore_mem>>) {add = true}
    %dma_wait3A_1277 = arith.constant 0 : i32
    %dma_wait3A_1278 = arith.constant 0 : i32
    %dma_wait3A_1279 = tpu.memref_slice %arg7[%dma_wait3A_1277, %dma_wait3A_1278] : memref<25x80xi32, #tpu.memory_space<vmem>> -> memref<1x80xi32, #tpu.memory_space<vmem>>
    %dma_wait3A_1280 = tpu.memref_squeeze %dma_wait3A_1279 : memref<1x80xi32, #tpu.memory_space<vmem>> -> memref<80xi32, #tpu.memory_space<vmem>>
    %dma_wait3A_1281 = arith.constant 0 : i32
    %dma_wait3A_1282 = arith.constant 0 : i32
    %dma_wait3A_1283 = tpu.memref_slice %arg2[%dma_wait3A_1281, %dma_wait3A_1282] : memref<10000x128xf32, #tpu.memory_space<hbm>> -> memref<10000x128xf32, #tpu.memory_space<hbm>>
    tpu.wait_indirect_dma semaphore(%arg14 : memref<!tpu.dma_semaphore, #tpu.memory_space<semaphore_mem>>) src(%dma_wait3A_1283 : memref<10000x128xf32, #tpu.memory_space<hbm>>) dst(%arg10 : memref<80x128xf32, #tpu.memory_space<vmem>>)
    %dma_start3A_1284 = arith.constant 22 : i32
    %dma_start3A_1285 = arith.constant 0 : i32
    %dma_start3A_1286 = tpu.memref_slice %arg8[%dma_start3A_1284, %dma_start3A_1285] : memref<25x80xi32, #tpu.memory_space<vmem>> -> memref<1x80xi32, #tpu.memory_space<vmem>>
    %dma_start3A_1287 = tpu.memref_squeeze %dma_start3A_1286 : memref<1x80xi32, #tpu.memory_space<vmem>> -> memref<80xi32, #tpu.memory_space<vmem>>
    %dma_start3A_1288 = arith.constant 0 : i32
    %dma_start3A_1289 = arith.constant 0 : i32
    %dma_start3A_1290 = tpu.memref_slice %arg6[%dma_start3A_1288, %dma_start3A_1289] : memref<10000x128xf32, #tpu.memory_space<vmem_shared>> -> memref<10000x128xf32, #tpu.memory_space<vmem_shared>>
    tpu.enqueue_indirect_dma source(%arg10 : memref<80x128xf32, #tpu.memory_space<vmem>>) target(%dma_start3A_1290 : memref<10000x128xf32, #tpu.memory_space<vmem_shared>>) offsets(%dma_start3A_1287 : memref<80xi32, #tpu.memory_space<vmem>>) semaphore(%arg17 : memref<!tpu.dma_semaphore, #tpu.memory_space<semaphore_mem>>) {add = true}
    %dma_wait3A_1291 = arith.constant 0 : i32
    %dma_wait3A_1292 = arith.constant 0 : i32
    %dma_wait3A_1293 = tpu.memref_slice %arg7[%dma_wait3A_1291, %dma_wait3A_1292] : memref<25x80xi32, #tpu.memory_space<vmem>> -> memref<1x80xi32, #tpu.memory_space<vmem>>
    %dma_wait3A_1294 = tpu.memref_squeeze %dma_wait3A_1293 : memref<1x80xi32, #tpu.memory_space<vmem>> -> memref<80xi32, #tpu.memory_space<vmem>>
    %dma_wait3A_1295 = arith.constant 0 : i32
    %dma_wait3A_1296 = arith.constant 0 : i32
    %dma_wait3A_1297 = tpu.memref_slice %arg2[%dma_wait3A_1295, %dma_wait3A_1296] : memref<10000x128xf32, #tpu.memory_space<hbm>> -> memref<10000x128xf32, #tpu.memory_space<hbm>>
    tpu.wait_indirect_dma semaphore(%arg15 : memref<!tpu.dma_semaphore, #tpu.memory_space<semaphore_mem>>) src(%dma_wait3A_1297 : memref<10000x128xf32, #tpu.memory_space<hbm>>) dst(%arg11 : memref<80x128xf32, #tpu.memory_space<vmem>>)
    %dma_start3A_1298 = arith.constant 23 : i32
    %dma_start3A_1299 = arith.constant 0 : i32
    %dma_start3A_1300 = tpu.memref_slice %arg8[%dma_start3A_1298, %dma_start3A_1299] : memref<25x80xi32, #tpu.memory_space<vmem>> -> memref<1x80xi32, #tpu.memory_space<vmem>>
    %dma_start3A_1301 = tpu.memref_squeeze %dma_start3A_1300 : memref<1x80xi32, #tpu.memory_space<vmem>> -> memref<80xi32, #tpu.memory_space<vmem>>
    %dma_start3A_1302 = arith.constant 0 : i32
    %dma_start3A_1303 = arith.constant 0 : i32
    %dma_start3A_1304 = tpu.memref_slice %arg6[%dma_start3A_1302, %dma_start3A_1303] : memref<10000x128xf32, #tpu.memory_space<vmem_shared>> -> memref<10000x128xf32, #tpu.memory_space<vmem_shared>>
    tpu.enqueue_indirect_dma source(%arg11 : memref<80x128xf32, #tpu.memory_space<vmem>>) target(%dma_start3A_1304 : memref<10000x128xf32, #tpu.memory_space<vmem_shared>>) offsets(%dma_start3A_1301 : memref<80xi32, #tpu.memory_space<vmem>>) semaphore(%arg18 : memref<!tpu.dma_semaphore, #tpu.memory_space<semaphore_mem>>) {add = true}
    %dma_wait3A_1305 = arith.constant 21 : i32
    %dma_wait3A_1306 = arith.constant 0 : i32
    %dma_wait3A_1307 = tpu.memref_slice %arg8[%dma_wait3A_1305, %dma_wait3A_1306] : memref<25x80xi32, #tpu.memory_space<vmem>> -> memref<1x80xi32, #tpu.memory_space<vmem>>
    %dma_wait3A_1308 = tpu.memref_squeeze %dma_wait3A_1307 : memref<1x80xi32, #tpu.memory_space<vmem>> -> memref<80xi32, #tpu.memory_space<vmem>>
    %dma_wait3A_1309 = arith.constant 0 : i32
    %dma_wait3A_1310 = arith.constant 0 : i32
    %dma_wait3A_1311 = tpu.memref_slice %arg6[%dma_wait3A_1309, %dma_wait3A_1310] : memref<10000x128xf32, #tpu.memory_space<vmem_shared>> -> memref<10000x128xf32, #tpu.memory_space<vmem_shared>>
    tpu.wait_indirect_dma semaphore(%arg16 : memref<!tpu.dma_semaphore, #tpu.memory_space<semaphore_mem>>) src(%arg9 : memref<80x128xf32, #tpu.memory_space<vmem>>) dst(%dma_wait3A_1311 : memref<10000x128xf32, #tpu.memory_space<vmem_shared>>)
    %dma_start3A_1312 = arith.constant 24 : i32
    %dma_start3A_1313 = arith.constant 0 : i32
    %dma_start3A_1314 = arith.constant 0 : i32
    %dma_start3A_1315 = tpu.memref_slice %arg9[%dma_start3A_1313, %dma_start3A_1314] : memref<80x128xf32, #tpu.memory_space<vmem>> -> memref<40x128xf32, #tpu.memory_space<vmem>>
    %dma_start3A_1316 = arith.constant 0 : i32
    %dma_start3A_1317 = tpu.memref_slice %arg7[%dma_start3A_1312, %dma_start3A_1316] : memref<25x80xi32, #tpu.memory_space<vmem>> -> memref<1x40xi32, #tpu.memory_space<vmem>>
    %dma_start3A_1318 = tpu.memref_squeeze %dma_start3A_1317 : memref<1x40xi32, #tpu.memory_space<vmem>> -> memref<40xi32, #tpu.memory_space<vmem>>
    %dma_start3A_1319 = arith.constant 0 : i32
    %dma_start3A_1320 = arith.constant 0 : i32
    %dma_start3A_1321 = tpu.memref_slice %arg2[%dma_start3A_1319, %dma_start3A_1320] : memref<10000x128xf32, #tpu.memory_space<hbm>> -> memref<10000x128xf32, #tpu.memory_space<hbm>>
    tpu.enqueue_indirect_dma source(%dma_start3A_1321 : memref<10000x128xf32, #tpu.memory_space<hbm>>) target(%dma_start3A_1315 : memref<40x128xf32, #tpu.memory_space<vmem>>) offsets(%dma_start3A_1318 : memref<40xi32, #tpu.memory_space<vmem>>) semaphore(%arg13 : memref<!tpu.dma_semaphore, #tpu.memory_space<semaphore_mem>>)
    %dma_start3A_1322 = arith.constant 24 : i32
    %dma_start3A_1323 = arith.constant 40 : i32
    %dma_start3A_1324 = arith.constant 0 : i32
    %dma_start3A_1325 = tpu.memref_slice %arg9[%dma_start3A_1323, %dma_start3A_1324] : memref<80x128xf32, #tpu.memory_space<vmem>> -> memref<40x128xf32, #tpu.memory_space<vmem>>
    %dma_start3A_1326 = arith.constant 40 : i32
    %dma_start3A_1327 = tpu.memref_slice %arg7[%dma_start3A_1322, %dma_start3A_1326] : memref<25x80xi32, #tpu.memory_space<vmem>> -> memref<1x40xi32, #tpu.memory_space<vmem>>
    %dma_start3A_1328 = tpu.memref_squeeze %dma_start3A_1327 : memref<1x40xi32, #tpu.memory_space<vmem>> -> memref<40xi32, #tpu.memory_space<vmem>>
    %dma_start3A_1329 = arith.constant 0 : i32
    %dma_start3A_1330 = arith.constant 0 : i32
    %dma_start3A_1331 = tpu.memref_slice %arg2[%dma_start3A_1329, %dma_start3A_1330] : memref<10000x128xf32, #tpu.memory_space<hbm>> -> memref<10000x128xf32, #tpu.memory_space<hbm>>
    tpu.enqueue_indirect_dma source(%dma_start3A_1331 : memref<10000x128xf32, #tpu.memory_space<hbm>>) target(%dma_start3A_1325 : memref<40x128xf32, #tpu.memory_space<vmem>>) offsets(%dma_start3A_1328 : memref<40xi32, #tpu.memory_space<vmem>>) semaphore(%arg13 : memref<!tpu.dma_semaphore, #tpu.memory_space<semaphore_mem>>)
    %dma_wait3A_1332 = arith.constant 22 : i32
    %dma_wait3A_1333 = arith.constant 0 : i32
    %dma_wait3A_1334 = tpu.memref_slice %arg8[%dma_wait3A_1332, %dma_wait3A_1333] : memref<25x80xi32, #tpu.memory_space<vmem>> -> memref<1x80xi32, #tpu.memory_space<vmem>>
    %dma_wait3A_1335 = tpu.memref_squeeze %dma_wait3A_1334 : memref<1x80xi32, #tpu.memory_space<vmem>> -> memref<80xi32, #tpu.memory_space<vmem>>
    %dma_wait3A_1336 = arith.constant 0 : i32
    %dma_wait3A_1337 = arith.constant 0 : i32
    %dma_wait3A_1338 = tpu.memref_slice %arg6[%dma_wait3A_1336, %dma_wait3A_1337] : memref<10000x128xf32, #tpu.memory_space<vmem_shared>> -> memref<10000x128xf32, #tpu.memory_space<vmem_shared>>
    tpu.wait_indirect_dma semaphore(%arg17 : memref<!tpu.dma_semaphore, #tpu.memory_space<semaphore_mem>>) src(%arg10 : memref<80x128xf32, #tpu.memory_space<vmem>>) dst(%dma_wait3A_1338 : memref<10000x128xf32, #tpu.memory_space<vmem_shared>>)
    %dma_wait3A_1339 = arith.constant 23 : i32
    %dma_wait3A_1340 = arith.constant 0 : i32
    %dma_wait3A_1341 = tpu.memref_slice %arg8[%dma_wait3A_1339, %dma_wait3A_1340] : memref<25x80xi32, #tpu.memory_space<vmem>> -> memref<1x80xi32, #tpu.memory_space<vmem>>
    %dma_wait3A_1342 = tpu.memref_squeeze %dma_wait3A_1341 : memref<1x80xi32, #tpu.memory_space<vmem>> -> memref<80xi32, #tpu.memory_space<vmem>>
    %dma_wait3A_1343 = arith.constant 0 : i32
    %dma_wait3A_1344 = arith.constant 0 : i32
    %dma_wait3A_1345 = tpu.memref_slice %arg6[%dma_wait3A_1343, %dma_wait3A_1344] : memref<10000x128xf32, #tpu.memory_space<vmem_shared>> -> memref<10000x128xf32, #tpu.memory_space<vmem_shared>>
    tpu.wait_indirect_dma semaphore(%arg18 : memref<!tpu.dma_semaphore, #tpu.memory_space<semaphore_mem>>) src(%arg11 : memref<80x128xf32, #tpu.memory_space<vmem>>) dst(%dma_wait3A_1345 : memref<10000x128xf32, #tpu.memory_space<vmem_shared>>)
    %dma_wait3A_1346 = arith.constant 0 : i32
    %dma_wait3A_1347 = arith.constant 0 : i32
    %dma_wait3A_1348 = tpu.memref_slice %arg7[%dma_wait3A_1346, %dma_wait3A_1347] : memref<25x80xi32, #tpu.memory_space<vmem>> -> memref<1x80xi32, #tpu.memory_space<vmem>>
    %dma_wait3A_1349 = tpu.memref_squeeze %dma_wait3A_1348 : memref<1x80xi32, #tpu.memory_space<vmem>> -> memref<80xi32, #tpu.memory_space<vmem>>
    %dma_wait3A_1350 = arith.constant 0 : i32
    %dma_wait3A_1351 = arith.constant 0 : i32
    %dma_wait3A_1352 = tpu.memref_slice %arg2[%dma_wait3A_1350, %dma_wait3A_1351] : memref<10000x128xf32, #tpu.memory_space<hbm>> -> memref<10000x128xf32, #tpu.memory_space<hbm>>
    tpu.wait_indirect_dma semaphore(%arg13 : memref<!tpu.dma_semaphore, #tpu.memory_space<semaphore_mem>>) src(%dma_wait3A_1352 : memref<10000x128xf32, #tpu.memory_space<hbm>>) dst(%arg9 : memref<80x128xf32, #tpu.memory_space<vmem>>)
    %dma_start3A_1353 = arith.constant 24 : i32
    %dma_start3A_1354 = arith.constant 0 : i32
    %dma_start3A_1355 = tpu.memref_slice %arg8[%dma_start3A_1353, %dma_start3A_1354] : memref<25x80xi32, #tpu.memory_space<vmem>> -> memref<1x80xi32, #tpu.memory_space<vmem>>
    %dma_start3A_1356 = tpu.memref_squeeze %dma_start3A_1355 : memref<1x80xi32, #tpu.memory_space<vmem>> -> memref<80xi32, #tpu.memory_space<vmem>>
    %dma_start3A_1357 = arith.constant 0 : i32
    %dma_start3A_1358 = arith.constant 0 : i32
    %dma_start3A_1359 = tpu.memref_slice %arg6[%dma_start3A_1357, %dma_start3A_1358] : memref<10000x128xf32, #tpu.memory_space<vmem_shared>> -> memref<10000x128xf32, #tpu.memory_space<vmem_shared>>
    tpu.enqueue_indirect_dma source(%arg9 : memref<80x128xf32, #tpu.memory_space<vmem>>) target(%dma_start3A_1359 : memref<10000x128xf32, #tpu.memory_space<vmem_shared>>) offsets(%dma_start3A_1356 : memref<80xi32, #tpu.memory_space<vmem>>) semaphore(%arg16 : memref<!tpu.dma_semaphore, #tpu.memory_space<semaphore_mem>>) {add = true}
    %dma_wait3A_1360 = arith.constant 24 : i32
    %dma_wait3A_1361 = arith.constant 0 : i32
    %dma_wait3A_1362 = tpu.memref_slice %arg8[%dma_wait3A_1360, %dma_wait3A_1361] : memref<25x80xi32, #tpu.memory_space<vmem>> -> memref<1x80xi32, #tpu.memory_space<vmem>>
    %dma_wait3A_1363 = tpu.memref_squeeze %dma_wait3A_1362 : memref<1x80xi32, #tpu.memory_space<vmem>> -> memref<80xi32, #tpu.memory_space<vmem>>
    %dma_wait3A_1364 = arith.constant 0 : i32
    %dma_wait3A_1365 = arith.constant 0 : i32
    %dma_wait3A_1366 = tpu.memref_slice %arg6[%dma_wait3A_1364, %dma_wait3A_1365] : memref<10000x128xf32, #tpu.memory_space<vmem_shared>> -> memref<10000x128xf32, #tpu.memory_space<vmem_shared>>
    tpu.wait_indirect_dma semaphore(%arg16 : memref<!tpu.dma_semaphore, #tpu.memory_space<semaphore_mem>>) src(%arg9 : memref<80x128xf32, #tpu.memory_space<vmem>>) dst(%dma_wait3A_1366 : memref<10000x128xf32, #tpu.memory_space<vmem_shared>>)
    %barrier3A_1367 = arith.constant 0 : index
    tpu.barrier barrier_id(%barrier3A_1367)
    %mul3A_1368 = arith.constant 624 : i32
    %mul3A_1369 = arith.muli %arg1, %mul3A_1368 : i32
    %mul3A_1370 = arith.constant 10000 : i32
    %mul3A_1371 = arith.muli %arg0, %mul3A_1370 : i32
    %mul3A_1372 = arith.constant 624 : i32
    %mul3A_1373 = arith.muli %arg1, %mul3A_1372 : i32
    %add3A_1374 = arith.addi %mul3A_1371, %mul3A_1373 : i32
    "tpu.region"() ({
      %run_scoped3A_1380 = tpu.sem_alloc : memref<!tpu.dma_semaphore, #tpu.memory_space<semaphore_mem>>
      %dma_start3A_1381 = arith.constant 0 : i32
      %dma_start3A_1382 = tpu.memref_slice %arg5[%add3A_1374, %dma_start3A_1381] : memref<20000x128xf32, #tpu.memory_space<hbm>> -> memref<624x128xf32, #tpu.memory_space<hbm>>
      %dma_start3A_1383 = arith.constant 0 : i32
      %dma_start3A_1384 = tpu.memref_slice %arg6[%mul3A_1369, %dma_start3A_1383] : memref<10000x128xf32, #tpu.memory_space<vmem_shared>> -> memref<624x128xf32, #tpu.memory_space<vmem_shared>>
      tpu.enqueue_dma source(%dma_start3A_1384 : memref<624x128xf32, #tpu.memory_space<vmem_shared>>) target(%dma_start3A_1382 : memref<624x128xf32, #tpu.memory_space<hbm>>) target_semaphore(%run_scoped3A_1380 : memref<!tpu.dma_semaphore, #tpu.memory_space<semaphore_mem>>)
      %dma_wait3A_1385 = arith.constant 0 : i32
      %dma_wait3A_1386 = tpu.memref_slice %arg5[%add3A_1374, %dma_wait3A_1385] : memref<20000x128xf32, #tpu.memory_space<hbm>> -> memref<624x128xf32, #tpu.memory_space<hbm>>
      %dma_wait3A_1387 = arith.constant 0 : i32
      %dma_wait3A_1388 = tpu.memref_slice %arg6[%mul3A_1369, %dma_wait3A_1387] : memref<10000x128xf32, #tpu.memory_space<vmem_shared>> -> memref<624x128xf32, #tpu.memory_space<vmem_shared>>
      tpu.wait_dma2 semaphore(%run_scoped3A_1380 : memref<!tpu.dma_semaphore, #tpu.memory_space<semaphore_mem>>) src(%dma_wait3A_1388 : memref<624x128xf32, #tpu.memory_space<vmem_shared>>) dst(%dma_wait3A_1386 : memref<624x128xf32, #tpu.memory_space<hbm>>)
      tpu.yield
    }) : () -> ()
    %eq3A_1375 = arith.constant 15 : i32
    %eq3A_1376 = arith.cmpi eq, %arg1, %eq3A_1375 : i32
    %convert_element_type3A_1377 = arith.extui %eq3A_1376 : i1 to i32
    %cond3A_1378 = arith.constant 0 : i32
    %cond3A_1379 = arith.cmpi ne, %convert_element_type3A_1377, %cond3A_1378 : i32
    scf.if %cond3A_1379 {
      %mul3A_1380 = arith.constant 10000 : i32
      %mul3A_1381 = arith.muli %arg0, %mul3A_1380 : i32
      %add3A_1382 = arith.constant 9984 : i32
      %add3A_1383 = arith.addi %mul3A_1381, %add3A_1382 : i32
      "tpu.region"() ({
        %run_scoped3A_1384 = tpu.sem_alloc : memref<!tpu.dma_semaphore, #tpu.memory_space<semaphore_mem>>
        %dma_start3A_1385 = arith.constant 0 : i32
        %dma_start3A_1386 = tpu.memref_slice %arg5[%add3A_1383, %dma_start3A_1385] : memref<20000x128xf32, #tpu.memory_space<hbm>> -> memref<16x128xf32, #tpu.memory_space<hbm>>
        %dma_start3A_1387 = arith.constant 9984 : i32
        %dma_start3A_1388 = arith.constant 0 : i32
        %dma_start3A_1389 = tpu.memref_slice %arg6[%dma_start3A_1387, %dma_start3A_1388] : memref<10000x128xf32, #tpu.memory_space<vmem_shared>> -> memref<16x128xf32, #tpu.memory_space<vmem_shared>>
        tpu.enqueue_dma source(%dma_start3A_1389 : memref<16x128xf32, #tpu.memory_space<vmem_shared>>) target(%dma_start3A_1386 : memref<16x128xf32, #tpu.memory_space<hbm>>) target_semaphore(%run_scoped3A_1384 : memref<!tpu.dma_semaphore, #tpu.memory_space<semaphore_mem>>)
        %dma_wait3A_1390 = arith.constant 0 : i32
        %dma_wait3A_1391 = tpu.memref_slice %arg5[%add3A_1383, %dma_wait3A_1390] : memref<20000x128xf32, #tpu.memory_space<hbm>> -> memref<16x128xf32, #tpu.memory_space<hbm>>
        %dma_wait3A_1392 = arith.constant 9984 : i32
        %dma_wait3A_1393 = arith.constant 0 : i32
        %dma_wait3A_1394 = tpu.memref_slice %arg6[%dma_wait3A_1392, %dma_wait3A_1393] : memref<10000x128xf32, #tpu.memory_space<vmem_shared>> -> memref<16x128xf32, #tpu.memory_space<vmem_shared>>
        tpu.wait_dma2 semaphore(%run_scoped3A_1384 : memref<!tpu.dma_semaphore, #tpu.memory_space<semaphore_mem>>) src(%dma_wait3A_1394 : memref<16x128xf32, #tpu.memory_space<vmem_shared>>) dst(%dma_wait3A_1391 : memref<16x128xf32, #tpu.memory_space<hbm>>)
        tpu.yield
      }) : () -> ()
    } else {
    }
    return
  }
}

module attributes {stable_mosaic.version = 14 : i64} {
  func.func @_matmul_body(%arg0: i32, %arg1: memref<1000x128xf32, #tpu.memory_space<vmem>>, %arg2: memref<128x128xf32, #tpu.memory_space<vmem>>, %arg3: memref<1000x128xf32, #tpu.memory_space<vmem>>) attributes {dimension_semantics = [#tpu.dimension_semantics<parallel>], iteration_bounds = array<i64: 10>, scalar_prefetch = 0 : i64, scratch_operands = 0 : i64, tpu.core_type = #tpu.core_type<tc>, window_params = [{transform_indices = @transform_0, window_bounds = array<i64: 1000, 128>}, {pipeline_mode = #tpu.pipeline_mode<synchronous>, transform_indices = @transform_1, window_bounds = array<i64: 128, 128>}, {transform_indices = @transform_2, window_bounds = array<i64: 1000, 128>}]} {
    %get3A = arith.constant 0 : index
    %get3A_0 = arith.constant 0 : index
    %get3A_1 = vector.load %arg1[%get3A, %get3A_0] : memref<1000x128xf32, #tpu.memory_space<vmem>>, vector<1000x128xf32>
    %get3A_2 = arith.constant 0 : index
    %get3A_3 = arith.constant 0 : index
    %get3A_4 = vector.load %arg2[%get3A_2, %get3A_3] : memref<128x128xf32, #tpu.memory_space<vmem>>, vector<128x128xf32>
    %dot_general3A = arith.constant dense<0.000000e+00> : vector<1000x128xf32>
    %dot_general3A_5 = tpu.matmul %get3A_1, %get3A_4, %dot_general3A {dimension_numbers = #tpu.dot_dimension_numbers<[1], [0], [0], [1], [0, 0, 1, 1], [], []>, transpose_lhs_hint = false} : vector<1000x128xf32>, vector<128x128xf32>, vector<1000x128xf32> -> vector<1000x128xf32>
    %mul3A = arith.constant 3.125000e-02 : f32
    %mul3A_6 = vector.broadcast %mul3A : f32 to vector<1000x128xf32>
    %mul3A_7 = arith.mulf %dot_general3A_5, %mul3A_6 : vector<1000x128xf32>
    %swap3A = arith.constant 0 : index
    %swap3A_8 = arith.constant 0 : index
    %swap3A_9 = vector.load %arg3[%swap3A, %swap3A_8] : memref<1000x128xf32, #tpu.memory_space<vmem>>, vector<1000x128xf32>
    tpu.vector_store %arg3[%swap3A, %swap3A_8], %mul3A_7 {strides = array<i32>} : memref<1000x128xf32, #tpu.memory_space<vmem>>, vector<1000x128xf32>,
    return
  }
  func.func @transform_0(%arg0: i32) -> (i32, i32) {
    %c0_i32 = arith.constant 0 : i32
    %c0_i32_0 = arith.constant 0 : i32
    return %arg0, %c0_i32 : i32, i32
  }
  func.func @transform_1(%arg0: i32) -> (i32, i32) {
    %c0_i32 = arith.constant 0 : i32
    %c0_i32_0 = arith.constant 0 : i32
    %c0_i32_1 = arith.constant 0 : i32
    return %c0_i32, %c0_i32_0 : i32, i32
  }
  func.func @transform_2(%arg0: i32) -> (i32, i32) {
    %c0_i32 = arith.constant 0 : i32
    %c0_i32_0 = arith.constant 0 : i32
    return %arg0, %c0_i32 : i32, i32
  }
}

module attributes {stable_mosaic.version = 14 : i64} {
  func.func @_combine_body(%arg0: i32, %arg1: memref<1000x128xf32, #tpu.memory_space<vmem>>, %arg2: memref<1000x128xf32, #tpu.memory_space<vmem>>, %arg3: memref<1x128xf32, #tpu.memory_space<vmem>>, %arg4: memref<1000x128xf32, #tpu.memory_space<vmem>>) attributes {dimension_semantics = [#tpu.dimension_semantics<parallel>], iteration_bounds = array<i64: 10>, scalar_prefetch = 0 : i64, scratch_operands = 0 : i64, tpu.core_type = #tpu.core_type<tc>, window_params = [{transform_indices = @transform_0, window_bounds = array<i64: 1000, 128>}, {transform_indices = @transform_1, window_bounds = array<i64: 1000, 128>}, {pipeline_mode = #tpu.pipeline_mode<synchronous>, transform_indices = @transform_2, window_bounds = array<i64: 1, 128>}, {transform_indices = @transform_3, window_bounds = array<i64: 1000, 128>}]} {
    %get3A = arith.constant 0 : index
    %get3A_0 = arith.constant 0 : index
    %get3A_1 = vector.load %arg1[%get3A, %get3A_0] : memref<1000x128xf32, #tpu.memory_space<vmem>>, vector<1000x128xf32>
    %get3A_2 = arith.constant 0 : index
    %get3A_3 = arith.constant 0 : index
    %get3A_4 = vector.load %arg2[%get3A_2, %get3A_3] : memref<1000x128xf32, #tpu.memory_space<vmem>>, vector<1000x128xf32>
    %add3A = arith.addf %get3A_1, %get3A_4 : vector<1000x128xf32>
    %get3A_5 = arith.constant 0 : index
    %get3A_6 = arith.constant 0 : index
    %get3A_7 = vector.load %arg3[%get3A_5, %get3A_6] : memref<1x128xf32, #tpu.memory_space<vmem>>, vector<1x128xf32>
    %add3A_8 = vector.broadcast %get3A_7 : vector<1x128xf32> to vector<1000x128xf32>
    %add3A_9 = arith.addf %add3A, %add3A_8 : vector<1000x128xf32>
    %swap3A = arith.constant 0 : index
    %swap3A_10 = arith.constant 0 : index
    %swap3A_11 = vector.load %arg4[%swap3A, %swap3A_10] : memref<1000x128xf32, #tpu.memory_space<vmem>>, vector<1000x128xf32>
    tpu.vector_store %arg4[%swap3A, %swap3A_10], %add3A_9 {strides = array<i32>} : memref<1000x128xf32, #tpu.memory_space<vmem>>, vector<1000x128xf32>,
    return
  }
  func.func @transform_0(%arg0: i32) -> (i32, i32) {
    %c0_i32 = arith.constant 0 : i32
    %c0_i32_0 = arith.constant 0 : i32
    return %arg0, %c0_i32 : i32, i32
  }
  func.func @transform_1(%arg0: i32) -> (i32, i32) {
    %add3A = arith.constant 10 : i32
    %add3A_0 = arith.addi %add3A, %arg0 : i32
    %c0_i32 = arith.constant 0 : i32
    %c0_i32_1 = arith.constant 0 : i32
    return %add3A_0, %c0_i32 : i32, i32
  }
  func.func @transform_2(%arg0: i32) -> (i32, i32) {
    %c0_i32 = arith.constant 0 : i32
    %c0_i32_0 = arith.constant 0 : i32
    %c0_i32_1 = arith.constant 0 : i32
    return %c0_i32, %c0_i32_0 : i32, i32
  }
  func.func @transform_3(%arg0: i32) -> (i32, i32) {
    %c0_i32 = arith.constant 0 : i32
    %c0_i32_0 = arith.constant 0 : i32
    return %arg0, %c0_i32 : i32, i32
  }
}

</mosaic_0001>

<sc_bundles>
// kernel: kernel.5.cloned.1.call-start
scs
__scs_entry_jumppad:
0x0: {  	(pc) =	sbr.rel $0x88, $3  }
0x1: {  	(tag) =	ssettag $0x0;
	lr =	simm.s32 $0x1  }
0x2: {  	[smem:$0x3F9C] =	sst lr;
	_ =	strace $0xD0000000  }
0x3: {  	_ = 	snop  }
0x4: {  	_ = 	snop  }
0x5: {  	_ = 	snop  }
0x6: {  	_ = 	snop  }
0x7: {  	_ = 	snop  }
__scs_overlays_trampoline_lowered:
0x8: {  	[smem:$0x3FAB] =	sst s0  }
0x9: {  	[smem:$0x3FAC] =	sst s1  }
0xa: {  	[smem:$0x3FAD] =	sst s2  }
0xb: {  	[smem:$0x3FAE] =	sst s3  }
0xc: {  	[smem:$0x3FAF] =	sst s4  }
0xd: {  	[smem:$0x3FB0] =	sst s5  }
0xe: {  	[smem:$0x3FB1] =	sst s6  }
0xf: {  	[smem:$0x3FB2] =	sst s7  }
0x10: {  	[smem:$0x3FB3] =	sst s8  }
0x11: {  	[smem:$0x3FB4] =	sst s9;
	s0 =	simm.s32 @!p0 $0x0  }
0x12: {  	s1 =	sld [smem:$0x3F9A];
	s0 =	simm.s32 @p0 $0x1  }
0x13: {  	[smem:$0x3FB5] =	sst s0;
	s0 =	simm.s32 @!p1 $0x0  }
0x14: {  	s2 =	sld [smem:$0x3F99];
	s0 =	simm.s32 @p1 $0x1  }
0x15: {  	[smem:$0x3FB6] =	sst s0;
	s0 =	simm.s32 @!p2 $0x0  }
0x16: {  	s3 =	sld [smem:$0x3FDB];
	s0 =	simm.s32 @p2 $0x1  }
0x17: {  	s4 =	simm.s32 $0x1BF5;
	[smem:$0x3FB8] =	sst s0  }
0x18: {  	s0 =	sld [smem:$0x3F9B];
	_ =	swait.ge [sflag:s4], $0x0  }
0x19: {  	s7 =	sld [smem:$0x3F9C]  }
0x1a: {  	s8 =	sadd.s32 $0xFFFFE003, lr  }
0x1b: {  	s9 =	sadd.s32 $0xFFFFFEF7, lr;
	s5 =	simm.s32 $0xFFFFFFFF;
	p2 =	slt.u32 s8, $0xFFFFF086  }
0x1c: {  	p1 =	slt.u32 s9, $0xF7A;
	s5 =	simm.s32 @!p2 $0x0  }
0x1d: {  	s5 =	simm.s32 @p1 $0x1;
	p0 =	seq.s32 s7, s2  }
0x1e: {  	s7 =	smul.u32 @!p0 $0xF7A, s2;
	p2 =	seq.s32 @!p0 s5, $0x0  }
0x1f: {  	s9 =	smul.u32 $0xF7A, s1;
	s8 =	simm.s32 @!p0 $0x1BF5;
	p2 =	por !p2, p0  }
0x20: {  	[sflag:s8] =	ssyncset.s32 @!p0 $0xFFFFF086;
	s6 =	sadd.s32 @!p0 s3, s7;
	s7 =	simm.s32 @!p0 $0x108  }
0x21: {  	s3 =	sadd.s32 s3, s9;
	s6 =	sadd.s32 @!p0 $0x88, s6;
	s7 =	simm.s32 @p2 $0x1082  }
0x22: {  	[simem:s7], [sflag:s8] =	dma.local @!p0 [hbm:s6], $0xF7A  }
0x23: {  	s9 =	sor.u32 $0xD0000000, s2;
	s6 =	simm.s32 $0x108;
	_ =	swait.ge @!p0 [sflag:s8], $0x0  }
0x24: {  	s3 =	sadd.s32 $0x88, s3;
	s6 =	simm.s32 @!p1 $0x1082;
	[sflag:s4] =	ssyncset.s32 $0xFFFFF086  }
0x25: {  	[simem:s6], [sflag:s4] =	dma.local [hbm:s3], $0xF7A  }
0x26: {  	[smem:$0x3F9C] =	sst s1;
	(tag) =	ssettag s2;
	_ =	strace s9  }
0x27: {  	s1 =	sld [smem:$0x3FAC]  }
0x28: {  	s2 =	sld [smem:$0x3FAD]  }
0x29: {  	s4 =	sld [smem:$0x3FAF]  }
0x2a: {  	p0 =	seq.s32 s5, $0x0;
	s5 =	sld [smem:$0x3FB0]  }
0x2b: {  	s6 =	sld [smem:$0x3FB1]  }
0x2c: {  	s7 =	sld [smem:$0x3FB2]  }
0x2d: {  	s3 =	simm.s32 $0x108;
	s8 =	sld [smem:$0x3FB3]  }
0x2e: {  	s3 =	simm.s32 @!p0 $0x1082;
	s9 =	sld [smem:$0x3FB4]  }
0x2f: {  	lr =	sadd.s32 s0, s3;
	s0 =	sld [smem:$0x3FAB]  }
0x30: {  	s3 =	sld [smem:$0x3FAE]  }
0x31: {  	[smem:$0x3FB7] =	sst s10  }
0x32: {  	s10 =	sld [smem:$0x3FB5];
	_ =	sdelay $0x3  }
0x33: {  	p0 =	seq.s32 s10, $0x1;
	s10 =	sld [smem:$0x3FB7];
	_ =	sdelay $0x3  }
0x34: {  	[smem:$0x3FB7] =	sst s10  }
0x35: {  	s10 =	sld [smem:$0x3FB6];
	_ =	sdelay $0x3  }
0x36: {  	p1 =	seq.s32 s10, $0x1;
	s10 =	sld [smem:$0x3FB7];
	_ =	sdelay $0x3  }
0x37: {  	[smem:$0x3FB7] =	sst s10  }
0x38: {  	s10 =	sld [smem:$0x3FB8]  }
0x39: {  	_ = 	snop;
	(pc) =	sbr.ind lr, $3  }
0x3a: {  	_ = 	snop  }
0x3b: {  	_ = 	snop  }
0x3c: {  	p2 =	seq.s32 s10, $0x1;
	s10 =	sld [smem:$0x3FB7]  }
0x3d: {  	_ =	shalt  }
0x3e: {  	_ =	shalt  }
0x3f: {  	_ =	shalt  }
0x40: {  	_ =	shalt  }
0x41: {  	_ =	shalt  }
0x42: {  	_ =	shalt  }
0x43: {  	_ =	shalt  }
0x44: {  	_ =	shalt  }
0x45: {  	_ =	shalt  }
0x46: {  	_ =	shalt  }
0x47: {  	_ =	shalt  }
0x48: {  	_ =	shalt  }
0x49: {  	_ =	shalt  }
0x4a: {  	_ =	shalt  }
0x4b: {  	_ =	shalt  }
0x4c: {  	_ =	shalt  }
0x4d: {  	_ =	shalt  }
0x4e: {  	_ =	shalt  }
0x4f: {  	_ =	shalt  }
0x50: {  	_ =	shalt  }
0x51: {  	_ =	shalt  }
0x52: {  	_ =	shalt  }
0x53: {  	_ =	shalt  }
0x54: {  	_ =	shalt  }
0x55: {  	_ =	shalt  }
0x56: {  	_ =	shalt  }
0x57: {  	_ =	shalt  }
0x58: {  	_ =	shalt  }
0x59: {  	_ =	shalt  }
0x5a: {  	_ =	shalt  }
0x5b: {  	_ =	shalt  }
0x5c: {  	_ =	shalt  }
0x5d: {  	_ =	shalt  }
0x5e: {  	_ =	shalt  }
0x5f: {  	_ =	shalt  }
0x60: {  	_ =	shalt  }
0x61: {  	_ =	shalt  }
0x62: {  	_ =	shalt  }
0x63: {  	_ =	shalt  }
0x64: {  	_ =	shalt  }
0x65: {  	_ =	shalt  }
0x66: {  	_ =	shalt  }
0x67: {  	_ =	shalt  }
0x68: {  	_ =	shalt  }
0x69: {  	_ =	shalt  }
0x6a: {  	_ =	shalt  }
0x6b: {  	_ =	shalt  }
0x6c: {  	_ =	shalt  }
0x6d: {  	_ =	shalt  }
0x6e: {  	_ =	shalt  }
0x6f: {  	_ =	shalt  }
0x70: {  	_ =	shalt  }
0x71: {  	_ =	shalt  }
0x72: {  	_ =	shalt  }
0x73: {  	_ =	shalt  }
0x74: {  	_ =	shalt  }
0x75: {  	_ =	shalt  }
0x76: {  	_ =	shalt  }
0x77: {  	_ =	shalt  }
0x78: {  	_ =	shalt  }
0x79: {  	_ =	shalt  }
0x7a: {  	_ =	shalt  }
0x7b: {  	_ =	shalt  }
0x7c: {  	_ =	shalt  }
0x7d: {  	_ =	shalt  }
0x7e: {  	_ =	shalt  }
0x7f: {  	_ =	shalt  }
0x80: {  	_ =	shalt  }
0x81: {  	_ =	shalt  }
0x82: {  	_ =	shalt  }
0x83: {  	_ =	shalt  }
0x84: {  	_ =	shalt  }
0x85: {  	_ =	shalt  }
0x86: {  	_ =	shalt  }
0x87: {  	_ =	shalt  }
.Lfunc_end0:
.L_simem_size_0:
called_computation_lowered:
.L_overlay_start_0:
0x88: {  	s2 =	sld [smem:$0x3FD9]  }
0x89: {  	s3 =	sld [smem:$0x3FFE];
	_ =	sdelay $0x1  }
0x8a: {  	s1 =	srdreg.scid  }
0x8b: {  	s0 =	sand.u32 $0x1, s1  }
0x8c: {  	s17 =	sshll.u32 s0, $0xA;
	s2 =	sadd.s32 s3, s2  }
0x8d: {  	s2 =	sadd.s32 s2, s17  }
0x8e: {  	[smem:$0x3FC3] =	sst s2  }
0x8f: {  	_ = 	snop  }
0x90: {  	s2 =	sld [smem:$0x3FD0];
	(tm) =	ssettm $0x1  }
0x91: {  	s18 =	sld [smem:$0x3FFB];
	_ =	sdelay $0x3  }
0x92: {  	_ =	strace s18  }
0x93: {  	s3 =	sld [smem:$0x3FFC];
	_ =	sdelay $0x3  }
0x94: {  	_ =	strace s3  }
0x95: {  	s3 =	sld [smem:$0x3FFD];
	_ =	sdelay $0x3  }
0x96: {  	_ =	strace s3  }
0x97: {  	_ =	strace $0x8FFFFFFF  }
0x98: {  	s19 =	sld [smem:$0x3FDB];
	_ =	sdelay $0x1  }
0x99: {  	s4 =	simm.s32 $_scs_section_size  }
0x9a: {  	s5 =	simm.s32 $_size__tile_overlayer_lowered;
	s6 =	simm.s32 $_tile_overlayer_lowered  }
0x9b: {  	s22 =	simm.s32 $0x1BFF;
	s21 =	sshll.u32 s6, $0x1;
	s3 =	sadd.s32 s4, s19  }
0x9c: {  	s7 =	simm.s32 $0x0;
	s20 =	sshll.u32 s5, $0x1;
	s5 =	sadd.s32 s21, s3  }
0x9d: {  	[timem:s7], [sflag:s22] =	dma.local [hbm:s5], s20  }
0x9e: {  	_ =	swait.ge [sflag:s22], s20  }
0x9f: {  	s4 =	ssub.s32 $0x0, s20;
	[sflag:s22] =	ssyncset.done $0x0  }
0xa0: {  	[sflag:s22] =	ssyncadd.s32 s4;
	_ =	sdelay $0x1  }
0xa1: {  	s23 =	simm.s32 $0x1B8B  }
0xa2: {  	_ =	swait.ge [sflag:s23], $0x1  }
0xa3: {  	[sflag:s23] =	ssyncset.done $0x0  }
0xa4: {  	s25 =	simm.s32 $0x1B8E;
	s24 =	sld [smem:$0x3FFE];
	[sflag:s23] =	ssyncadd.s32 $0xFFFFFFFF  }
0xa5: {  	s26 =	simm.s32 $execute0_lowered;
	[smem:$0x3FD2] =	sst s25  }
0xa6: {  	s5 =	sshll.u32 s26, $0x1;
	_ =	strace $0x80000046;
	[dreg:$0x1] =	wrdreg $0xFFFFFFFF  }
0xa7: {  	s28 =	simm.s32 $_size_execute0_lowered;
	s3 =	sadd.s32 s3, s5;
	[dreg:$0x0] =	wrdreg $0x0  }
0xa8: {  	s5 =	sshll.u32 s28, $0x1;
	[dreg:$0x2] =	wrdreg s3  }
0xa9: {  	[dreg:$0x3] =	wrdreg s5  }
0xaa: {  	[dreg:$0x4] =	wrdreg $0xC0  }
0xab: {  	_ =	task [dreg:s7], $0x5FFFF  }
0xac: {  	[dreg:$0x1] =	wrdreg $0xFFFFFFFF  }
0xad: {  	[dreg:$0x0] =	wrdreg $0x60  }
0xae: {  	[dreg:$0x2] =	wrdreg s2  }
0xaf: {  	[dreg:$0x3] =	wrdreg s24  }
0xb0: {  	[dreg:$0x4] =	wrdreg $0x0  }
0xb1: {  	[dreg:$0x5] =	wrdreg $0x9  }
0xb2: {  	_ =	task.clear_ibuf [dreg:s7], $0x6FFFF;
	_ =	strace $0x90000046  }
0xb3: {  	s29 =	simm.s32 $0x9;
	_ =	strace $0x80000048  }
0xb4: {  	_ =	swait.ge [sflag:s29], $0x1  }
0xb5: {  	[sflag:s29] =	ssyncadd.s32 $0xFFFFFFFF  }
0xb6: {  	_ =	strace $0x90000048  }
0xb7: {  	_ =	sfence  }
0xb8: {  	s30 =	sld [smem:$0x0];
	_ =	sdelay $0x2  }
0xb9: {  	s31 =	sshll.u32 s1, $0xD;
	s1 =	sshrl.u32 s1, $0x2  }
0xba: {  	s3 =	sand.u32 $0x4000, s31;
	s1 =	sadd.s32 s1, s30  }
0xbb: {  	s0 =	sor.u32 s3, s0;
	s1 =	sshll.u32 s1, $0x11  }
0xbc: {  	s0 =	sor.u32 s1, s0  }
0xbd: {  	s0 =	sadd.s32 $0x8F2B, s0  }
0xbe: {  	[sflag:s0] =	ssyncadd.remote.s32 $0x1  }
0xbf: {  	_ =	sfence.sel $0xFFFF  }
0xc0: {  	[dreg:$0x0] =	wrdreg $0xFFFFFFFF;
	(pc) =	sbr.abs _section_cstart, $3  }
0xc1: {  	[dreg:$0x1] =	wrdreg $0xFFFFFFFF  }
0xc2: {  	_ =	task.clear_ibuf [dreg:s7], $0x2FFFF;
	_ =	strace $0x9FFFFFFF  }
0xc3: {  	(tm) =	ssettm $0x7FFFFFFF  }
tec
execute0_lowered:
.L_overlay_start_1:
0x0: {  	(tag) =	ssettag $0x1  }
0x1: {  	s1 =	rddreg [dreg:$0x0]  }
0x2: {  	s2 =	srdreg.scid;
	s12 =	stileid.u32  }
0x3: {  	s0 =	rddreg [dreg:$0x1];
	s2 =	sand.u32 $0x1, s2;
	s8 =	smul.u32 $0x4E000, s12  }
0x4: {  	s3 =	rddreg [dreg:$0x2];
	s7 =	ssub.s32 $0x2, s2  }
0x5: {  	s5 =	simm.s32 $0x0;
	s9 =	sshrl.u32 s7, $0x1;
	s15 =	sshrl.u32 s8, $0x2  }
0x6: {  	s4 =	sshll.u32 s12, $0x1;
	s9 =	ssub.s32 s7, s9;
	s7 =	sadd.s32 s15, s3  }
0x7: {  	[smem:$0x7FF] =	sst s5;
	s5 =	sadd.s32 $0xE00, s0;
	s10 =	sadd.s32 $0x800, s7  }
0x8: {  	_ =	strace $0x80000047;
	s18 =	sadd.s32 $0x1000, s7;
	[dreg:$0x6] =	wrdreg s10  }
0x9: {  	s17 =	smul.u32 $0x2700, s12;
	s19 =	sadd.s32 $0x1800, s7;
	[dreg:$0x7] =	wrdreg s18  }
0xa: {  	s4 =	sor.u32 s2, s4;
	s20 =	sadd.s32 $0x2000, s7;
	[dreg:$0x8] =	wrdreg s19  }
0xb: {  	s4 =	smul.u32 $0x5000, s4;
	s15 =	sadd.s32 $0x3000, s7;
	[dreg:$0x9] =	wrdreg s20  }
0xc: {  	p0 =	sne.s32 s12, $0xF;
	s8 =	sadd.s32 $0xA800, s7;
	[dreg:$0x13] =	wrdreg s15  }
0xd: {  	s4 =	sshrl.u32 s4, $0x3;
	s12 =	sadd.s32 $0xC800, s7;
	[smem:$0x7EB] =	sst s8  }
0xe: {  	s6 =	sadd.s32 $0x14E00, s0;
	s14 =	sadd.s32 s5, s4;
	[smem:$0x7EF] =	sst s12  }
0xf: {  	s16 =	sadd.s32 s6, s4;
	[dreg:$0x4] =	wrdreg s14  }
0x10: {  	s18 =	sadd.s32 $0x4000, s7;
	[dreg:$0x5] =	wrdreg s16  }
0x11: {  	s19 =	sadd.s32 $0x4800, s7;
	[dreg:$0x18] =	wrdreg s18  }
0x12: {  	s20 =	sadd.s32 $0x5000, s7;
	[dreg:$0x19] =	wrdreg s19  }
0x13: {  	s21 =	sadd.s32 $0x200, s4;
	s15 =	sadd.s32 $0xE000, s7;
	[dreg:$0x1a] =	wrdreg s20  }
0x14: {  	s13 =	sadd.s32 s5, s21;
	[smem:$0x7F2] =	sst s15  }
0x15: {  	s11 =	sadd.s32 $0x400, s4;
	s10 =	sadd.s32 s6, s21;
	[dreg:$0xa] =	wrdreg s13  }
0x16: {  	s22 =	sadd.s32 s5, s11;
	[dreg:$0xb] =	wrdreg s10  }
0x17: {  	s24 =	sadd.s32 $0x600, s4;
	s23 =	sadd.s32 s6, s11;
	[dreg:$0xc] =	wrdreg s22  }
0x18: {  	s4 =	sadd.s32 $0x800, s4;
	s26 =	sadd.s32 s5, s24;
	[dreg:$0xd] =	wrdreg s23  }
0x19: {  	s5 =	sadd.s32 s5, s4;
	[dreg:$0xe] =	wrdreg s26  }
0x1a: {  	s25 =	smul.u32 $0x27100, s2;
	s4 =	sadd.s32 s6, s4;
	[dreg:$0x10] =	wrdreg s5  }
0x1b: {  	s16 =	sadd.s32 $0x3800, s7;
	[dreg:$0x11] =	wrdreg s4  }
0x1c: {  	s14 =	sadd.s32 s17, s25;
	s17 =	smax.u32 s9, $0x1;
	[dreg:$0x15] =	wrdreg s16  }
0x1d: {  	s21 =	sadd.s32 $0x5800, s7;
	[dreg:$0x17] =	wrdreg s17  }
0x1e: {  	s25 =	sadd.s32 $0x7800, s7;
	[dreg:$0x1b] =	wrdreg s21  }
0x1f: {  	s9 =	sadd.s32 $0xB000, s7;
	[dreg:$0x1f] =	wrdreg s25  }
0x20: {  	s11 =	sadd.s32 $0xC000, s7;
	[smem:$0x7EC] =	sst s9  }
0x21: {  	s18 =	sadd.s32 $0xF800, s7;
	[smem:$0x7EE] =	sst s11  }
0x22: {  	s19 =	sadd.s32 $0x10000, s7;
	[smem:$0x7F5] =	sst s18  }
0x23: {  	s20 =	sadd.s32 $0x10800, s7;
	[smem:$0x7F6] =	sst s19  }
0x24: {  	s10 =	sadd.s32 s6, s24;
	[smem:$0x7F7] =	sst s20  }
0x25: {  	s0 =	sadd.s32 $0x28E00, s0;
	s13 =	sadd.s32 $0x2800, s7;
	[dreg:$0xf] =	wrdreg s10  }
0x26: {  	s4 =	sadd.s32 s0, s14;
	[dreg:$0x12] =	wrdreg s13  }
0x27: {  	s31 =	simm.s32 $0x13880;
	s22 =	sadd.s32 $0x6000, s7;
	[dreg:$0x14] =	wrdreg s4  }
0x28: {  	s2 =	smul.u32 $0x138800, s2;
	s23 =	sadd.s32 $0x6800, s7;
	[dreg:$0x1c] =	wrdreg s22  }
0x29: {  	s28 =	simm.s32 $0x14480;
	s24 =	sadd.s32 $0x7000, s7;
	[dreg:$0x1d] =	wrdreg s23  }
0x2a: {  	s2 =	sshrl.u32 s2, $0x3;
	s26 =	sadd.s32 $0x8000, s7;
	[dreg:$0x1e] =	wrdreg s24  }
0x2b: {  	s0 =	sadd.s32 s0, s2;
	s2 =	sadd.s32 $0x8800, s7;
	[smem:$0x7E6] =	sst s26  }
0x2c: {  	s29 =	simm.s32 $0x144A8;
	s5 =	sadd.s32 $0x9800, s7;
	[smem:$0x7E7] =	sst s2  }
0x2d: {  	s30 =	simm.s32 $0x15480;
	s6 =	sadd.s32 $0xA000, s7;
	[smem:$0x7E9] =	sst s5  }
0x2e: {  	s8 =	simm.s32 $0x28;
	s14 =	sadd.s32 $0xD800, s7;
	[smem:$0x7EA] =	sst s6  }
0x2f: {  	s15 =	simm.s32 $0x19480;
	s16 =	sadd.s32 $0xE800, s7;
	[smem:$0x7F1] =	sst s14  }
0x30: {  	s17 =	sadd.s32 $0xF000, s7;
	s21 =	sadd.s32 $0x11000, s7;
	[smem:$0x7F3] =	sst s16  }
0x31: {  	s25 =	sadd.s32 $0x13000, s7;
	s9 =	simm.s32 $0x15880;
	[smem:$0x7F4] =	sst s17  }
0x32: {  	s11 =	simm.s32 $0x16C80;
	s18 =	simm.s32 $0x139A8;
	[smem:$0x7F8] =	sst s21  }
0x33: {  	s19 =	simm.s32 $0x1BC80;
	s0 =	sadd.s32 $0x27000, s0;
	[smem:$0x7FC] =	sst s25  }
0x34: {  	s20 =	simm.s32 $0x50;
	s4 =	sadd.s32 $0x9000, s7;
	[dreg:$0x16] =	wrdreg s0  }
0x35: {  	s10 =	sadd.s32 $0xB800, s7;
	s13 =	sadd.s32 $0xD000, s7;
	[smem:$0x7E8] =	sst s4  }
0x36: {  	s22 =	sadd.s32 $0x11800, s7;
	s23 =	sadd.s32 $0x12000, s7;
	[smem:$0x7ED] =	sst s10  }
0x37: {  	s24 =	sadd.s32 $0x12800, s7;
	s26 =	sadd.s32 $0x138000, s3;
	[smem:$0x7F0] =	sst s13  }
0x38: {  	s2 =	simm.s32 $0x1D080;
	s5 =	simm.s32 $0x2;
	[smem:$0x7F9] =	sst s22  }
0x39: {  	s6 =	simm.s32 $0x3;
	s17 =	simm.s32 $0x1A880;
	[smem:$0x7FA] =	sst s23  }
0x3a: {  	s21 =	simm.s32 $0x4;
	s25 =	simm.s32 $0x15380;
	[smem:$0x7FB] =	sst s24  }
0x3b: {  	[smem:$0x7FD] =	sst s26;
	s4 =	simm.s32 $0x1;
	s13 =	simm.s32 $0x18080  }
0x3c: {  	s22 =	simm.s32 $0x5;
	s23 =	simm.s32 $0x6;
	s24 =	simm.s32 $0x15300  }
0x3d: {  	v0 =	vimm.f32 $0.0e+00;
	s26 =	simm.s32 $0x15400;
	s0 =	simm.s32 $0x7;
	s10 =	simm.s32 $0x0  }
.LBB2_1:
0x3e: {  	s12 =	simm.s32 $0x0;
	s14 =	simm.s32 $0x200  }
.LBB2_2:
0x3f: {  	p1 =	sne.s32 s14, $0x1E00;
	[tilespmem:s12+$0x1D0F0] =	vst v0  }
0x40: {  	[tilespmem:s12+$0x1D080] =	vst v0  }
0x41: {  	[tilespmem:s12+$0x1D090] =	vst v0  }
.Ltmp0:
0x42: {  	[tilespmem:s12+$0x1D0A0] =	vst v0;
	(pc) =	sbr.rel @p1 .LBB2_2-.Ltmp0, $4  }
0x43: {  	[tilespmem:s12+$0x1D0B0] =	vst v0  }
0x44: {  	[tilespmem:s12+$0x1D0C0] =	vst v0  }
0x45: {  	[tilespmem:s12+$0x1D0D0] =	vst v0  }
0x46: {  	[tilespmem:s12+$0x1D0E0] =	vst v0;
	s12 =	sshra.s32 s14, $0x2;
	s14 =	sadd.s32 $0x200, s14  }
0x47: {  	[tilespmem:s12+$0x1D0F0] =	vst v0  }
0x48: {  	[tilespmem:s12+$0x1D080] =	vst v0  }
0x49: {  	[tilespmem:s12+$0x1D090] =	vst v0  }
0x4a: {  	[tilespmem:s12+$0x1D0A0] =	vst v0  }
0x4b: {  	[tilespmem:s12+$0x1D0B0] =	vst v0  }
0x4c: {  	[tilespmem:s12+$0x1D0C0] =	vst v0  }
0x4d: {  	[tilespmem:s12+$0x1D0D0] =	vst v0  }
0x4e: {  	[tilespmem:s12+$0x1D0E0] =	vst v0;
	s12 =	simm.s32 $0x0;
	s14 =	rddreg [dreg:$0x4]  }
0x4f: {  	[tilespmem:s31], [sflag:$0x2] =	stream.linear.gather [hbm4b:s14+s12], $0xC80, $0x38;
	[tilespmem:$0x1D880] =	vst v63  }
0x50: {  	s16 =	simm.s32 $0x14880;
	s14 =	rddreg [dreg:$0x5]  }
0x51: {  	[tilespmem:s16], [sflag:$0x3] =	stream.linear.gather [hbm4b:s14+s12], $0xC80, $0x38;
	[tilespmem:$0x1D880] =	vst v63  }
0x52: {  	_ = 	snop  }
0x53: {  	[spmem:s7] =	stream.linear.scatter [tilespmem:s2], [sflag:$0x1], $0x800, $0x38;
	[tilespmem:$0x1D880] =	vst v63  }
0x54: {  	s14 =	rddreg [dreg:$0x6]  }
0x55: {  	[spmem:s14] =	stream.linear.scatter [tilespmem:s2], [sflag:$0x1], $0x800, $0x38;
	[tilespmem:$0x1D880] =	vst v63  }
0x56: {  	s16 =	rddreg [dreg:$0x7]  }
0x57: {  	[spmem:s16] =	stream.linear.scatter [tilespmem:s2], [sflag:$0x1], $0x800, $0x38;
	[tilespmem:$0x1D880] =	vst v63  }
0x58: {  	s14 =	rddreg [dreg:$0x8]  }
0x59: {  	[spmem:s14] =	stream.linear.scatter [tilespmem:s2], [sflag:$0x1], $0x800, $0x38;
	[tilespmem:$0x1D880] =	vst v63  }
0x5a: {  	_ =	swait.ge [sflag:s4], $0x800  }
0x5b: {  	[sflag:s4] =	ssyncset.done $0x0  }
0x5c: {  	s16 =	rddreg [dreg:$0x9];
	[sflag:s4] =	ssyncadd.s32 $0xFFFFF800  }
0x5d: {  	[spmem:s16] =	stream.linear.scatter [tilespmem:s2], [sflag:$0x1], $0x800, $0x38;
	[tilespmem:$0x1D880] =	vst v63  }
0x5e: {  	_ =	swait.ge [sflag:s4], $0x800  }
0x5f: {  	[sflag:s4] =	ssyncset.done $0x0  }
0x60: {  	s14 =	rddreg [dreg:$0x12];
	[sflag:s4] =	ssyncadd.s32 $0xFFFFF800  }
0x61: {  	[spmem:s14] =	stream.linear.scatter [tilespmem:s2], [sflag:$0x1], $0x800, $0x38;
	[tilespmem:$0x1D880] =	vst v63  }
0x62: {  	_ =	swait.ge [sflag:s4], $0x800  }
0x63: {  	[sflag:s4] =	ssyncset.done $0x0  }
0x64: {  	s16 =	rddreg [dreg:$0x13];
	[sflag:s4] =	ssyncadd.s32 $0xFFFFF800  }
0x65: {  	[spmem:s16] =	stream.linear.scatter [tilespmem:s2], [sflag:$0x1], $0x800, $0x38;
	[tilespmem:$0x1D880] =	vst v63  }
0x66: {  	_ =	swait.ge [sflag:s4], $0x800  }
0x67: {  	[sflag:s4] =	ssyncset.done $0x0  }
0x68: {  	s14 =	rddreg [dreg:$0x15];
	[sflag:s4] =	ssyncadd.s32 $0xFFFFF800  }
0x69: {  	[spmem:s14] =	stream.linear.scatter [tilespmem:s2], [sflag:$0x1], $0x800, $0x38;
	[tilespmem:$0x1D880] =	vst v63  }
0x6a: {  	_ =	swait.ge [sflag:s4], $0x800  }
0x6b: {  	[sflag:s4] =	ssyncset.done $0x0  }
0x6c: {  	s16 =	rddreg [dreg:$0x18];
	[sflag:s4] =	ssyncadd.s32 $0xFFFFF800  }
0x6d: {  	[spmem:s16] =	stream.linear.scatter [tilespmem:s2], [sflag:$0x1], $0x800, $0x38;
	[tilespmem:$0x1D880] =	vst v63  }
0x6e: {  	_ =	swait.ge [sflag:s4], $0x800  }
0x6f: {  	[sflag:s4] =	ssyncset.done $0x0  }
0x70: {  	s14 =	rddreg [dreg:$0x19];
	[sflag:s4] =	ssyncadd.s32 $0xFFFFF800  }
0x71: {  	[spmem:s14] =	stream.linear.scatter [tilespmem:s2], [sflag:$0x1], $0x800, $0x38;
	[tilespmem:$0x1D880] =	vst v63  }
0x72: {  	_ =	swait.ge [sflag:s4], $0x800  }
0x73: {  	[sflag:s4] =	ssyncset.done $0x0  }
0x74: {  	s16 =	rddreg [dreg:$0x1a];
	[sflag:s4] =	ssyncadd.s32 $0xFFFFF800  }
0x75: {  	[spmem:s16] =	stream.linear.scatter [tilespmem:s2], [sflag:$0x1], $0x800, $0x38;
	[tilespmem:$0x1D880] =	vst v63  }
0x76: {  	_ =	swait.ge [sflag:s4], $0x800  }
0x77: {  	[sflag:s4] =	ssyncset.done $0x0  }
0x78: {  	s14 =	rddreg [dreg:$0x1b];
	[sflag:s4] =	ssyncadd.s32 $0xFFFFF800  }
0x79: {  	[spmem:s14] =	stream.linear.scatter [tilespmem:s2], [sflag:$0x1], $0x800, $0x38;
	[tilespmem:$0x1D880] =	vst v63  }
0x7a: {  	_ =	swait.ge [sflag:s4], $0x800  }
0x7b: {  	[sflag:s4] =	ssyncset.done $0x0  }
0x7c: {  	s16 =	rddreg [dreg:$0x1c];
	[sflag:s4] =	ssyncadd.s32 $0xFFFFF800  }
0x7d: {  	[spmem:s16] =	stream.linear.scatter [tilespmem:s2], [sflag:$0x1], $0x800, $0x38;
	[tilespmem:$0x1D880] =	vst v63  }
0x7e: {  	_ =	swait.ge [sflag:s4], $0x800  }
0x7f: {  	[sflag:s4] =	ssyncset.done $0x0  }
0x80: {  	s14 =	rddreg [dreg:$0x1d];
	[sflag:s4] =	ssyncadd.s32 $0xFFFFF800  }
0x81: {  	[spmem:s14] =	stream.linear.scatter [tilespmem:s2], [sflag:$0x1], $0x800, $0x38;
	[tilespmem:$0x1D880] =	vst v63  }
0x82: {  	_ =	swait.ge [sflag:s4], $0x800  }
0x83: {  	[sflag:s4] =	ssyncset.done $0x0  }
0x84: {  	s16 =	rddreg [dreg:$0x1e];
	[sflag:s4] =	ssyncadd.s32 $0xFFFFF800  }
0x85: {  	[spmem:s16] =	stream.linear.scatter [tilespmem:s2], [sflag:$0x1], $0x800, $0x38;
	[tilespmem:$0x1D880] =	vst v63  }
0x86: {  	_ =	swait.ge [sflag:s4], $0x800  }
0x87: {  	[sflag:s4] =	ssyncset.done $0x0  }
0x88: {  	s14 =	rddreg [dreg:$0x1f];
	[sflag:s4] =	ssyncadd.s32 $0xFFFFF800  }
0x89: {  	[spmem:s14] =	stream.linear.scatter [tilespmem:s2], [sflag:$0x1], $0x800, $0x38;
	[tilespmem:$0x1D880] =	vst v63  }
0x8a: {  	_ =	swait.ge [sflag:s4], $0x800  }
0x8b: {  	s16 =	sld [smem:$0x7E6]  }
0x8c: {  	[sflag:s4] =	ssyncset.done $0x0  }
0x8d: {  	[sflag:s4] =	ssyncadd.s32 $0xFFFFF800  }
0x8e: {  	[spmem:s16] =	stream.linear.scatter [tilespmem:s2], [sflag:$0x1], $0x800, $0x38;
	[tilespmem:$0x1D880] =	vst v63  }
0x8f: {  	_ =	swait.ge [sflag:s4], $0x800  }
0x90: {  	s14 =	sld [smem:$0x7E7]  }
0x91: {  	[sflag:s4] =	ssyncset.done $0x0  }
0x92: {  	[sflag:s4] =	ssyncadd.s32 $0xFFFFF800  }
0x93: {  	[spmem:s14] =	stream.linear.scatter [tilespmem:s2], [sflag:$0x1], $0x800, $0x38;
	[tilespmem:$0x1D880] =	vst v63  }
0x94: {  	_ =	swait.ge [sflag:s4], $0x800  }
0x95: {  	s16 =	sld [smem:$0x7E8]  }
0x96: {  	[sflag:s4] =	ssyncset.done $0x0  }
0x97: {  	[sflag:s4] =	ssyncadd.s32 $0xFFFFF800  }
0x98: {  	[spmem:s16] =	stream.linear.scatter [tilespmem:s2], [sflag:$0x1], $0x800, $0x38;
	[tilespmem:$0x1D880] =	vst v63  }
0x99: {  	_ =	swait.ge [sflag:s4], $0x800  }
0x9a: {  	s14 =	sld [smem:$0x7E9]  }
0x9b: {  	[sflag:s4] =	ssyncset.done $0x0  }
0x9c: {  	[sflag:s4] =	ssyncadd.s32 $0xFFFFF800  }
0x9d: {  	[spmem:s14] =	stream.linear.scatter [tilespmem:s2], [sflag:$0x1], $0x800, $0x38;
	[tilespmem:$0x1D880] =	vst v63  }
0x9e: {  	_ =	swait.ge [sflag:s4], $0x800  }
0x9f: {  	s16 =	sld [smem:$0x7EA]  }
0xa0: {  	[sflag:s4] =	ssyncset.done $0x0  }
0xa1: {  	[sflag:s4] =	ssyncadd.s32 $0xFFFFF800  }
0xa2: {  	[spmem:s16] =	stream.linear.scatter [tilespmem:s2], [sflag:$0x1], $0x800, $0x38;
	[tilespmem:$0x1D880] =	vst v63  }
0xa3: {  	_ =	swait.ge [sflag:s4], $0x800  }
0xa4: {  	s14 =	sld [smem:$0x7EB]  }
0xa5: {  	[sflag:s4] =	ssyncset.done $0x0  }
0xa6: {  	[sflag:s4] =	ssyncadd.s32 $0xFFFFF800  }
0xa7: {  	[spmem:s14] =	stream.linear.scatter [tilespmem:s2], [sflag:$0x1], $0x800, $0x38;
	[tilespmem:$0x1D880] =	vst v63  }
0xa8: {  	_ =	swait.ge [sflag:s4], $0x800  }
0xa9: {  	s16 =	sld [smem:$0x7EC]  }
0xaa: {  	[sflag:s4] =	ssyncset.done $0x0  }
0xab: {  	[sflag:s4] =	ssyncadd.s32 $0xFFFFF800  }
0xac: {  	[spmem:s16] =	stream.linear.scatter [tilespmem:s2], [sflag:$0x1], $0x800, $0x38;
	[tilespmem:$0x1D880] =	vst v63  }
0xad: {  	_ =	swait.ge [sflag:s4], $0x800  }
0xae: {  	s14 =	sld [smem:$0x7ED]  }
0xaf: {  	[sflag:s4] =	ssyncset.done $0x0  }
0xb0: {  	[sflag:s4] =	ssyncadd.s32 $0xFFFFF800  }
0xb1: {  	[spmem:s14] =	stream.linear.scatter [tilespmem:s2], [sflag:$0x1], $0x800, $0x38;
	[tilespmem:$0x1D880] =	vst v63  }
0xb2: {  	_ =	swait.ge [sflag:s4], $0x800  }
0xb3: {  	s16 =	sld [smem:$0x7EE]  }
0xb4: {  	[sflag:s4] =	ssyncset.done $0x0  }
0xb5: {  	[sflag:s4] =	ssyncadd.s32 $0xFFFFF800  }
0xb6: {  	[spmem:s16] =	stream.linear.scatter [tilespmem:s2], [sflag:$0x1], $0x800, $0x38;
	[tilespmem:$0x1D880] =	vst v63  }
0xb7: {  	_ =	swait.ge [sflag:s4], $0x800  }
0xb8: {  	s14 =	sld [smem:$0x7EF]  }
0xb9: {  	[sflag:s4] =	ssyncset.done $0x0  }
0xba: {  	[sflag:s4] =	ssyncadd.s32 $0xFFFFF800  }
0xbb: {  	[spmem:s14] =	stream.linear.scatter [tilespmem:s2], [sflag:$0x1], $0x800, $0x38;
	[tilespmem:$0x1D880] =	vst v63  }
0xbc: {  	_ =	swait.ge [sflag:s4], $0x800  }
0xbd: {  	s16 =	sld [smem:$0x7F0]  }
0xbe: {  	[sflag:s4] =	ssyncset.done $0x0  }
0xbf: {  	[sflag:s4] =	ssyncadd.s32 $0xFFFFF800  }
0xc0: {  	[spmem:s16] =	stream.linear.scatter [tilespmem:s2], [sflag:$0x1], $0x800, $0x38;
	[tilespmem:$0x1D880] =	vst v63  }
0xc1: {  	_ =	swait.ge [sflag:s4], $0x800  }
0xc2: {  	s14 =	sld [smem:$0x7F1]  }
0xc3: {  	[sflag:s4] =	ssyncset.done $0x0  }
0xc4: {  	[sflag:s4] =	ssyncadd.s32 $0xFFFFF800  }
0xc5: {  	[spmem:s14] =	stream.linear.scatter [tilespmem:s2], [sflag:$0x1], $0x800, $0x38;
	[tilespmem:$0x1D880] =	vst v63  }
0xc6: {  	_ =	swait.ge [sflag:s4], $0x800  }
0xc7: {  	s16 =	sld [smem:$0x7F2]  }
0xc8: {  	[sflag:s4] =	ssyncset.done $0x0  }
0xc9: {  	[sflag:s4] =	ssyncadd.s32 $0xFFFFF800  }
0xca: {  	[spmem:s16] =	stream.linear.scatter [tilespmem:s2], [sflag:$0x1], $0x800, $0x38;
	[tilespmem:$0x1D880] =	vst v63  }
0xcb: {  	_ =	swait.ge [sflag:s4], $0x800  }
0xcc: {  	s14 =	sld [smem:$0x7F3]  }
0xcd: {  	[sflag:s4] =	ssyncset.done $0x0  }
0xce: {  	[sflag:s4] =	ssyncadd.s32 $0xFFFFF800  }
0xcf: {  	[spmem:s14] =	stream.linear.scatter [tilespmem:s2], [sflag:$0x1], $0x800, $0x38;
	[tilespmem:$0x1D880] =	vst v63  }
0xd0: {  	_ =	swait.ge [sflag:s4], $0x800  }
0xd1: {  	s16 =	sld [smem:$0x7F4]  }
0xd2: {  	[sflag:s4] =	ssyncset.done $0x0  }
0xd3: {  	[sflag:s4] =	ssyncadd.s32 $0xFFFFF800  }
0xd4: {  	[spmem:s16] =	stream.linear.scatter [tilespmem:s2], [sflag:$0x1], $0x800, $0x38;
	[tilespmem:$0x1D880] =	vst v63  }
0xd5: {  	_ =	swait.ge [sflag:s4], $0x800  }
0xd6: {  	s14 =	sld [smem:$0x7F5]  }
0xd7: {  	[sflag:s4] =	ssyncset.done $0x0  }
0xd8: {  	[sflag:s4] =	ssyncadd.s32 $0xFFFFF800  }
0xd9: {  	[spmem:s14] =	stream.linear.scatter [tilespmem:s2], [sflag:$0x1], $0x800, $0x38;
	[tilespmem:$0x1D880] =	vst v63  }
0xda: {  	_ =	swait.ge [sflag:s4], $0x800  }
0xdb: {  	s16 =	sld [smem:$0x7F6]  }
0xdc: {  	[sflag:s4] =	ssyncset.done $0x0  }
0xdd: {  	[sflag:s4] =	ssyncadd.s32 $0xFFFFF800  }
0xde: {  	[spmem:s16] =	stream.linear.scatter [tilespmem:s2], [sflag:$0x1], $0x800, $0x38;
	[tilespmem:$0x1D880] =	vst v63  }
0xdf: {  	_ =	swait.ge [sflag:s4], $0x800  }
0xe0: {  	s14 =	sld [smem:$0x7F7]  }
0xe1: {  	[sflag:s4] =	ssyncset.done $0x0  }
0xe2: {  	[sflag:s4] =	ssyncadd.s32 $0xFFFFF800  }
0xe3: {  	[spmem:s14] =	stream.linear.scatter [tilespmem:s2], [sflag:$0x1], $0x800, $0x38;
	[tilespmem:$0x1D880] =	vst v63  }
0xe4: {  	_ =	swait.ge [sflag:s4], $0x800  }
0xe5: {  	s16 =	sld [smem:$0x7F8]  }
0xe6: {  	[sflag:s4] =	ssyncset.done $0x0  }
0xe7: {  	[sflag:s4] =	ssyncadd.s32 $0xFFFFF800  }
0xe8: {  	[spmem:s16] =	stream.linear.scatter [tilespmem:s2], [sflag:$0x1], $0x800, $0x38;
	[tilespmem:$0x1D880] =	vst v63  }
0xe9: {  	_ =	swait.ge [sflag:s4], $0x800  }
0xea: {  	s14 =	sld [smem:$0x7F9]  }
0xeb: {  	[sflag:s4] =	ssyncset.done $0x0  }
0xec: {  	[sflag:s4] =	ssyncadd.s32 $0xFFFFF800  }
0xed: {  	[spmem:s14] =	stream.linear.scatter [tilespmem:s2], [sflag:$0x1], $0x800, $0x38;
	[tilespmem:$0x1D880] =	vst v63  }
0xee: {  	_ =	swait.ge [sflag:s4], $0x800  }
0xef: {  	s16 =	sld [smem:$0x7FA]  }
0xf0: {  	[sflag:s4] =	ssyncset.done $0x0  }
0xf1: {  	[sflag:s4] =	ssyncadd.s32 $0xFFFFF800  }
0xf2: {  	[spmem:s16] =	stream.linear.scatter [tilespmem:s2], [sflag:$0x1], $0x800, $0x38;
	[tilespmem:$0x1D880] =	vst v63  }
0xf3: {  	_ =	swait.ge [sflag:s4], $0x800  }
0xf4: {  	s14 =	sld [smem:$0x7FB]  }
0xf5: {  	[sflag:s4] =	ssyncset.done $0x0  }
0xf6: {  	[sflag:s4] =	ssyncadd.s32 $0xFFFFF800  }
0xf7: {  	[spmem:s14] =	stream.linear.scatter [tilespmem:s2], [sflag:$0x1], $0x800, $0x38;
	[tilespmem:$0x1D880] =	vst v63  }
0xf8: {  	_ =	swait.ge [sflag:s4], $0x800  }
0xf9: {  	s16 =	sld [smem:$0x7FC]  }
0xfa: {  	[sflag:s4] =	ssyncset.done $0x0  }
0xfb: {  	[sflag:s4] =	ssyncadd.s32 $0xFFFFF800  }
0xfc: {  	[spmem:s16] =	stream.linear.scatter [tilespmem:s2], [sflag:$0x1], $0x800, $0x38;
	[tilespmem:$0x1D880] =	vst v63  }
0xfd: {  	_ =	swait.ge [sflag:s4], $0x800  }
0xfe: {  	[sflag:s4] =	ssyncset.done $0x0  }
0xff: {  	[sflag:s4] =	ssyncadd.s32 $0xFFFFF800  }
0x100: {  	_ =	swait.ge [sflag:s4], $0x800  }
0x101: {  	[sflag:s4] =	ssyncset.done $0x0  }
0x102: {  	[sflag:s4] =	ssyncadd.s32 $0xFFFFF800  }
0x103: {  	_ =	swait.ge [sflag:s4], $0x800  }
0x104: {  	[sflag:s4] =	ssyncset.done $0x0  }
0x105: {  	[sflag:s4] =	ssyncadd.s32 $0xFFFFF800  }
0x106: {  	_ =	swait.ge [sflag:s4], $0x800  }
0x107: {  	s14 =	sld [smem:$0x7FD]  }
0x108: {  	[sflag:s4] =	ssyncset.done $0x0  }
0x109: {  	s12 =	simm.s32 @!p0 $0x1D080;
	[sflag:s4] =	ssyncadd.s32 $0xFFFFF800  }
0x10a: {  	[spmem:s14] =	stream.linear.scatter @!p0 [tilespmem:s12], [sflag:$0x7], $0x800, $0x38;
	[tilespmem:$0x1D880] =	vst v63  }
0x10b: {  	s12 =	simm.s32 @!p0 $0x7  }
0x10c: {  	_ =	swait.ge @!p0 [sflag:s12], $0x800  }
0x10d: {  	[sflag:s12] =	ssyncset.done @!p0 $0x0  }
0x10e: {  	[sflag:s12] =	ssyncadd.s32 @!p0 $0xFFFFF800  }
0x10f: {  	_ =	swait.ge [sflag:s5], $0xC80  }
0x110: {  	[sflag:s5] =	ssyncset.done $0x0  }
0x111: {  	[sflag:s5] =	ssyncadd.s32 $0xFFFFF380  }
0x112: {  	_ =	swait.ge [sflag:s6], $0xC80  }
0x113: {  	[sflag:s6] =	ssyncset.done $0x0  }
0x114: {  	[sflag:s6] =	ssyncadd.s32 $0xFFFFF380  }
0x115: {  	[tilespmem:s9], [sflag:$0x1] =	stream.indirect.gather [hbm4b:s1+s8], $0x80, s31, s8, $0xb8;
	[tilespmem:$0x1D880] =	vst v63  }
0x116: {  	s14 =	simm.s32 $0x138A8  }
0x117: {  	[tilespmem:s11], [sflag:$0x1] =	stream.indirect.gather [hbm4b:s1+s8], $0x80, s14, s8, $0xb8;
	[tilespmem:$0x1D880] =	vst v63  }
0x118: {  	s16 =	simm.s32 $0x13900  }
0x119: {  	[tilespmem:s13], [sflag:$0x2] =	stream.indirect.gather [hbm4b:s1+s8], $0x80, s16, s8, $0xb8;
	[tilespmem:$0x1D880] =	vst v63  }
0x11a: {  	s14 =	simm.s32 $0x13928  }
0x11b: {  	[tilespmem:s15], [sflag:$0x2] =	stream.indirect.gather [hbm4b:s1+s8], $0x80, s14, s8, $0xb8;
	[tilespmem:$0x1D880] =	vst v63  }
0x11c: {  	s16 =	simm.s32 $0x13980  }
0x11d: {  	[tilespmem:s17], [sflag:$0x3] =	stream.indirect.gather [hbm4b:s1+s8], $0x80, s16, s8, $0xb8;
	[tilespmem:$0x1D880] =	vst v63  }
0x11e: {  	_ = 	snop  }
0x11f: {  	[tilespmem:s19], [sflag:$0x3] =	stream.indirect.gather [hbm4b:s1+s8], $0x80, s18, s8, $0xb8;
	[tilespmem:$0x1D880] =	vst v63  }
0x120: {  	[bflag:$0x0] =	sbarrier.arrive $0xFFFF  }
0x121: {  	_ =	swait.ge [sflag:s4], $0x2800  }
0x122: {  	[sflag:s4] =	ssyncset.done $0x0  }
0x123: {  	s14 =	simm.s32 $0x14880;
	[sflag:s4] =	ssyncadd.s32 $0xFFFFD800  }
0x124: {  	[spmem:s3] =	stream.indirect.scatter.add.f32 [tilespmem:s9], [sflag:$0x4], $0x80, s14, s20, $0xb8;
	[tilespmem:$0x1D880] =	vst v63  }
0x125: {  	_ =	swait.ge [sflag:s5], $0x2800  }
0x126: {  	[sflag:s5] =	ssyncset.done $0x0  }
0x127: {  	s16 =	simm.s32 $0x14900;
	[sflag:s5] =	ssyncadd.s32 $0xFFFFD800  }
0x128: {  	[spmem:s3] =	stream.indirect.scatter.add.f32 [tilespmem:s13], [sflag:$0x5], $0x80, s16, s20, $0xb8;
	[tilespmem:$0x1D880] =	vst v63  }
0x129: {  	_ =	swait.ge [sflag:s6], $0x2800  }
0x12a: {  	[sflag:s6] =	ssyncset.done $0x0  }
0x12b: {  	s14 =	simm.s32 $0x14980;
	[sflag:s6] =	ssyncadd.s32 $0xFFFFD800  }
0x12c: {  	[spmem:s3] =	stream.indirect.scatter.add.f32 [tilespmem:s17], [sflag:$0x6], $0x80, s14, s20, $0xb8;
	[tilespmem:$0x1D880] =	vst v63  }
0x12d: {  	_ =	swait.ge [sflag:s21], $0x2800  }
0x12e: {  	[sflag:s21] =	ssyncset.done $0x0  }
0x12f: {  	s16 =	simm.s32 $0x13A00;
	[sflag:s21] =	ssyncadd.s32 $0xFFFFD800  }
0x130: {  	[tilespmem:s9], [sflag:$0x1] =	stream.indirect.gather [hbm4b:s1+s8], $0x80, s16, s8, $0xb8;
	[tilespmem:$0x1D880] =	vst v63  }
0x131: {  	s14 =	simm.s32 $0x13A28  }
0x132: {  	[tilespmem:s11], [sflag:$0x1] =	stream.indirect.gather [hbm4b:s1+s8], $0x80, s14, s8, $0xb8;
	[tilespmem:$0x1D880] =	vst v63  }
0x133: {  	_ =	swait.ge [sflag:s22], $0x2800  }
0x134: {  	[sflag:s22] =	ssyncset.done $0x0  }
0x135: {  	s16 =	simm.s32 $0x13A80;
	[sflag:s22] =	ssyncadd.s32 $0xFFFFD800  }
0x136: {  	[tilespmem:s13], [sflag:$0x2] =	stream.indirect.gather [hbm4b:s1+s8], $0x80, s16, s8, $0xb8;
	[tilespmem:$0x1D880] =	vst v63  }
0x137: {  	s14 =	simm.s32 $0x13AA8  }
0x138: {  	[tilespmem:s15], [sflag:$0x2] =	stream.indirect.gather [hbm4b:s1+s8], $0x80, s14, s8, $0xb8;
	[tilespmem:$0x1D880] =	vst v63  }
0x139: {  	_ =	swait.ge [sflag:s23], $0x2800  }
0x13a: {  	s12 =	simm.s32 $0x600;
	[sflag:s23] =	ssyncset.done $0x0  }
0x13b: {  	s16 =	simm.s32 $0x13B00;
	s14 =	simm.s32 $0x13B28;
	[sflag:s23] =	ssyncadd.s32 $0xFFFFD800  }
0x13c: {  	[tilespmem:s17], [sflag:$0x3] =	stream.indirect.gather [hbm4b:s1+s8], $0x80, s16, s8, $0xb8;
	[tilespmem:$0x1D880] =	vst v63  }
.LBB2_4:
0x13d: {  	[tilespmem:s19], [sflag:$0x3] =	stream.indirect.gather [hbm4b:s1+s8], $0x80, s14, s8, $0xb8;
	[tilespmem:$0x1D880] =	vst v63  }
0x13e: {  	s14 =	smov.u32 s12  }
0x13f: {  	p1 =	sne.s32 s12, $0x2400;
	s12 =	sadd.s32 $0x600, s12;
	_ =	swait.ge [sflag:s4], $0x2800  }
0x140: {  	s14 =	sshra.s32 s14, $0x2;
	[sflag:s4] =	ssyncset.done $0x0  }
0x141: {  	s16 =	sadd.s32 $0x14880, s14;
	[sflag:s4] =	ssyncadd.s32 $0xFFFFD800  }
0x142: {  	[spmem:s3] =	stream.indirect.scatter.add.f32 [tilespmem:s9], [sflag:$0x4], $0x80, s16, s20, $0xb8;
	[tilespmem:$0x1D880] =	vst v63  }
0x143: {  	_ =	swait.ge [sflag:s5], $0x2800  }
0x144: {  	[sflag:s5] =	ssyncset.done $0x0  }
0x145: {  	s16 =	sadd.s32 $0x14900, s14;
	[sflag:s5] =	ssyncadd.s32 $0xFFFFD800  }
0x146: {  	[spmem:s3] =	stream.indirect.scatter.add.f32 [tilespmem:s13], [sflag:$0x5], $0x80, s16, s20, $0xb8;
	[tilespmem:$0x1D880] =	vst v63  }
0x147: {  	_ =	swait.ge [sflag:s6], $0x2800  }
0x148: {  	[sflag:s6] =	ssyncset.done $0x0  }
0x149: {  	s16 =	sadd.s32 $0x14980, s14;
	[sflag:s6] =	ssyncadd.s32 $0xFFFFD800  }
0x14a: {  	[spmem:s3] =	stream.indirect.scatter.add.f32 [tilespmem:s17], [sflag:$0x6], $0x80, s16, s20, $0xb8;
	[tilespmem:$0x1D880] =	vst v63  }
0x14b: {  	_ =	swait.ge [sflag:s21], $0x2800  }
0x14c: {  	[sflag:s21] =	ssyncset.done $0x0  }
0x14d: {  	s16 =	sadd.s32 $0x13A00, s14;
	[sflag:s21] =	ssyncadd.s32 $0xFFFFD800  }
0x14e: {  	[tilespmem:s9], [sflag:$0x1] =	stream.indirect.gather [hbm4b:s1+s8], $0x80, s16, s8, $0xb8;
	[tilespmem:$0x1D880] =	vst v63  }
0x14f: {  	s16 =	sadd.s32 $0x13A28, s14  }
0x150: {  	[tilespmem:s11], [sflag:$0x1] =	stream.indirect.gather [hbm4b:s1+s8], $0x80, s16, s8, $0xb8;
	[tilespmem:$0x1D880] =	vst v63  }
0x151: {  	_ =	swait.ge [sflag:s22], $0x2800  }
0x152: {  	[sflag:s22] =	ssyncset.done $0x0  }
0x153: {  	s16 =	sadd.s32 $0x13A80, s14;
	[sflag:s22] =	ssyncadd.s32 $0xFFFFD800  }
0x154: {  	[tilespmem:s13], [sflag:$0x2] =	stream.indirect.gather [hbm4b:s1+s8], $0x80, s16, s8, $0xb8;
	[tilespmem:$0x1D880] =	vst v63  }
0x155: {  	s16 =	sadd.s32 $0x13AA8, s14  }
0x156: {  	[tilespmem:s15], [sflag:$0x2] =	stream.indirect.gather [hbm4b:s1+s8], $0x80, s16, s8, $0xb8;
	[tilespmem:$0x1D880] =	vst v63  }
.Ltmp1:
0x157: {  	_ =	swait.ge [sflag:s23], $0x2800;
	(pc) =	sbr.rel @p1 .LBB2_4-.Ltmp1, $4  }
0x158: {  	[sflag:s23] =	ssyncset.done $0x0  }
0x159: {  	s16 =	sadd.s32 $0x13B00, s14;
	[sflag:s23] =	ssyncadd.s32 $0xFFFFD800  }
0x15a: {  	[tilespmem:s17], [sflag:$0x3] =	stream.indirect.gather [hbm4b:s1+s8], $0x80, s16, s8, $0xb8;
	[tilespmem:$0x1D880] =	vst v63  }
0x15b: {  	s14 =	sadd.s32 $0x13B28, s14  }
0x15c: {  	[tilespmem:s19], [sflag:$0x3] =	stream.indirect.gather [hbm4b:s1+s8], $0x80, s14, s8, $0xb8;
	[tilespmem:$0x1D880] =	vst v63  }
0x15d: {  	_ =	swait.ge [sflag:s4], $0x2800  }
0x15e: {  	[sflag:s4] =	ssyncset.done $0x0  }
0x15f: {  	[sflag:s4] =	ssyncadd.s32 $0xFFFFD800  }
0x160: {  	[spmem:s3] =	stream.indirect.scatter.add.f32 [tilespmem:s9], [sflag:$0x4], $0x80, s24, s20, $0xb8;
	[tilespmem:$0x1D880] =	vst v63  }
0x161: {  	_ =	swait.ge [sflag:s5], $0x2800  }
0x162: {  	[sflag:s5] =	ssyncset.done $0x0  }
0x163: {  	[sflag:s5] =	ssyncadd.s32 $0xFFFFD800  }
0x164: {  	[spmem:s3] =	stream.indirect.scatter.add.f32 [tilespmem:s13], [sflag:$0x5], $0x80, s25, s20, $0xb8;
	[tilespmem:$0x1D880] =	vst v63  }
0x165: {  	_ =	swait.ge [sflag:s6], $0x2800  }
0x166: {  	[sflag:s6] =	ssyncset.done $0x0  }
0x167: {  	[sflag:s6] =	ssyncadd.s32 $0xFFFFD800  }
0x168: {  	[spmem:s3] =	stream.indirect.scatter.add.f32 [tilespmem:s17], [sflag:$0x6], $0x80, s26, s20, $0xb8;
	[tilespmem:$0x1D880] =	vst v63  }
0x169: {  	_ =	swait.ge [sflag:s21], $0x2800  }
0x16a: {  	[sflag:s21] =	ssyncset.done $0x0  }
0x16b: {  	[sflag:s21] =	ssyncadd.s32 $0xFFFFD800  }
0x16c: {  	[tilespmem:s9], [sflag:$0x1] =	stream.indirect.gather [hbm4b:s1+s8], $0x80, s28, s8, $0xb8;
	[tilespmem:$0x1D880] =	vst v63  }
0x16d: {  	_ = 	snop  }
0x16e: {  	[tilespmem:s11], [sflag:$0x1] =	stream.indirect.gather [hbm4b:s1+s8], $0x80, s29, s8, $0xb8;
	[tilespmem:$0x1D880] =	vst v63  }
0x16f: {  	_ =	swait.ge [sflag:s22], $0x2800  }
0x170: {  	[sflag:s22] =	ssyncset.done $0x0  }
0x171: {  	[sflag:s22] =	ssyncadd.s32 $0xFFFFD800  }
0x172: {  	_ =	swait.ge [sflag:s23], $0x2800  }
0x173: {  	[sflag:s23] =	ssyncset.done $0x0  }
0x174: {  	[sflag:s23] =	ssyncadd.s32 $0xFFFFD800  }
0x175: {  	_ =	swait.ge [sflag:s4], $0x2800  }
0x176: {  	[sflag:s4] =	ssyncset.done $0x0  }
0x177: {  	[sflag:s4] =	ssyncadd.s32 $0xFFFFD800  }
0x178: {  	[spmem:s3] =	stream.indirect.scatter.add.f32 [tilespmem:s9], [sflag:$0x4], $0x80, s30, s20, $0xb8;
	[tilespmem:$0x1D880] =	vst v63  }
0x179: {  	_ =	swait.ge [sflag:s21], $0x2800  }
0x17a: {  	[sflag:s21] =	ssyncset.done $0x0  }
0x17b: {  	s12 =	simm.s32 $0x0;
	s16 =	rddreg [dreg:$0xa];
	[sflag:s21] =	ssyncadd.s32 $0xFFFFD800  }
0x17c: {  	[tilespmem:s31], [sflag:$0x7] =	stream.linear.gather [hbm4b:s16+s12], $0xC80, $0x38;
	[tilespmem:$0x1D880] =	vst v63  }
0x17d: {  	_ =	swait.ge [sflag:s0], $0xC80  }
0x17e: {  	[sflag:s0] =	ssyncset.done $0x0  }
0x17f: {  	s16 =	simm.s32 $0x14880;
	s14 =	rddreg [dreg:$0xb];
	[sflag:s0] =	ssyncadd.s32 $0xFFFFF380  }
0x180: {  	[tilespmem:s16], [sflag:$0x7] =	stream.linear.gather [hbm4b:s14+s12], $0xC80, $0x38;
	[tilespmem:$0x1D880] =	vst v63  }
0x181: {  	_ =	swait.ge [sflag:s0], $0xC80  }
0x182: {  	[sflag:s0] =	ssyncset.done $0x0  }
0x183: {  	[sflag:s0] =	ssyncadd.s32 $0xFFFFF380  }
0x184: {  	[tilespmem:s9], [sflag:$0x1] =	stream.indirect.gather [hbm4b:s1+s8], $0x80, s31, s8, $0xb8;
	[tilespmem:$0x1D880] =	vst v63  }
0x185: {  	s14 =	simm.s32 $0x138A8  }
0x186: {  	[tilespmem:s11], [sflag:$0x1] =	stream.indirect.gather [hbm4b:s1+s8], $0x80, s14, s8, $0xb8;
	[tilespmem:$0x1D880] =	vst v63  }
0x187: {  	s16 =	simm.s32 $0x13900  }
0x188: {  	[tilespmem:s13], [sflag:$0x2] =	stream.indirect.gather [hbm4b:s1+s8], $0x80, s16, s8, $0xb8;
	[tilespmem:$0x1D880] =	vst v63  }
0x189: {  	s14 =	simm.s32 $0x13928  }
0x18a: {  	[tilespmem:s15], [sflag:$0x2] =	stream.indirect.gather [hbm4b:s1+s8], $0x80, s14, s8, $0xb8;
	[tilespmem:$0x1D880] =	vst v63  }
0x18b: {  	s16 =	simm.s32 $0x13980  }
0x18c: {  	[tilespmem:s17], [sflag:$0x3] =	stream.indirect.gather [hbm4b:s1+s8], $0x80, s16, s8, $0xb8;
	[tilespmem:$0x1D880] =	vst v63  }
0x18d: {  	_ = 	snop  }
0x18e: {  	[tilespmem:s19], [sflag:$0x3] =	stream.indirect.gather [hbm4b:s1+s8], $0x80, s18, s8, $0xb8;
	[tilespmem:$0x1D880] =	vst v63  }
0x18f: {  	_ =	swait.ge [sflag:s4], $0x2800  }
0x190: {  	[sflag:s4] =	ssyncset.done $0x0  }
0x191: {  	s14 =	simm.s32 $0x14880;
	[sflag:s4] =	ssyncadd.s32 $0xFFFFD800  }
0x192: {  	[spmem:s3] =	stream.indirect.scatter.add.f32 [tilespmem:s9], [sflag:$0x4], $0x80, s14, s20, $0xb8;
	[tilespmem:$0x1D880] =	vst v63  }
0x193: {  	_ =	swait.ge [sflag:s5], $0x2800  }
0x194: {  	[sflag:s5] =	ssyncset.done $0x0  }
0x195: {  	s16 =	simm.s32 $0x14900;
	[sflag:s5] =	ssyncadd.s32 $0xFFFFD800  }
0x196: {  	[spmem:s3] =	stream.indirect.scatter.add.f32 [tilespmem:s13], [sflag:$0x5], $0x80, s16, s20, $0xb8;
	[tilespmem:$0x1D880] =	vst v63  }
0x197: {  	_ =	swait.ge [sflag:s6], $0x2800  }
0x198: {  	[sflag:s6] =	ssyncset.done $0x0  }
0x199: {  	s14 =	simm.s32 $0x14980;
	[sflag:s6] =	ssyncadd.s32 $0xFFFFD800  }
0x19a: {  	[spmem:s3] =	stream.indirect.scatter.add.f32 [tilespmem:s17], [sflag:$0x6], $0x80, s14, s20, $0xb8;
	[tilespmem:$0x1D880] =	vst v63  }
0x19b: {  	_ =	swait.ge [sflag:s21], $0x2800  }
0x19c: {  	[sflag:s21] =	ssyncset.done $0x0  }
0x19d: {  	s16 =	simm.s32 $0x13A00;
	[sflag:s21] =	ssyncadd.s32 $0xFFFFD800  }
0x19e: {  	[tilespmem:s9], [sflag:$0x1] =	stream.indirect.gather [hbm4b:s1+s8], $0x80, s16, s8, $0xb8;
	[tilespmem:$0x1D880] =	vst v63  }
0x19f: {  	s14 =	simm.s32 $0x13A28  }
0x1a0: {  	[tilespmem:s11], [sflag:$0x1] =	stream.indirect.gather [hbm4b:s1+s8], $0x80, s14, s8, $0xb8;
	[tilespmem:$0x1D880] =	vst v63  }
0x1a1: {  	_ =	swait.ge [sflag:s22], $0x2800  }
0x1a2: {  	[sflag:s22] =	ssyncset.done $0x0  }
0x1a3: {  	s16 =	simm.s32 $0x13A80;
	[sflag:s22] =	ssyncadd.s32 $0xFFFFD800  }
0x1a4: {  	[tilespmem:s13], [sflag:$0x2] =	stream.indirect.gather [hbm4b:s1+s8], $0x80, s16, s8, $0xb8;
	[tilespmem:$0x1D880] =	vst v63  }
0x1a5: {  	s14 =	simm.s32 $0x13AA8  }
0x1a6: {  	[tilespmem:s15], [sflag:$0x2] =	stream.indirect.gather [hbm4b:s1+s8], $0x80, s14, s8, $0xb8;
	[tilespmem:$0x1D880] =	vst v63  }
0x1a7: {  	_ =	swait.ge [sflag:s23], $0x2800  }
0x1a8: {  	s12 =	simm.s32 $0x600;
	[sflag:s23] =	ssyncset.done $0x0  }
0x1a9: {  	s16 =	simm.s32 $0x13B00;
	s14 =	simm.s32 $0x13B28;
	[sflag:s23] =	ssyncadd.s32 $0xFFFFD800  }
0x1aa: {  	[tilespmem:s17], [sflag:$0x3] =	stream.indirect.gather [hbm4b:s1+s8], $0x80, s16, s8, $0xb8;
	[tilespmem:$0x1D880] =	vst v63  }
.LBB2_6:
0x1ab: {  	[tilespmem:s19], [sflag:$0x3] =	stream.indirect.gather [hbm4b:s1+s8], $0x80, s14, s8, $0xb8;
	[tilespmem:$0x1D880] =	vst v63  }
0x1ac: {  	s14 =	smov.u32 s12  }
0x1ad: {  	p1 =	sne.s32 s12, $0x2400;
	s12 =	sadd.s32 $0x600, s12;
	_ =	swait.ge [sflag:s4], $0x2800  }
0x1ae: {  	s14 =	sshra.s32 s14, $0x2;
	[sflag:s4] =	ssyncset.done $0x0  }
0x1af: {  	s16 =	sadd.s32 $0x14880, s14;
	[sflag:s4] =	ssyncadd.s32 $0xFFFFD800  }
0x1b0: {  	[spmem:s3] =	stream.indirect.scatter.add.f32 [tilespmem:s9], [sflag:$0x4], $0x80, s16, s20, $0xb8;
	[tilespmem:$0x1D880] =	vst v63  }
0x1b1: {  	_ =	swait.ge [sflag:s5], $0x2800  }
0x1b2: {  	[sflag:s5] =	ssyncset.done $0x0  }
0x1b3: {  	s16 =	sadd.s32 $0x14900, s14;
	[sflag:s5] =	ssyncadd.s32 $0xFFFFD800  }
0x1b4: {  	[spmem:s3] =	stream.indirect.scatter.add.f32 [tilespmem:s13], [sflag:$0x5], $0x80, s16, s20, $0xb8;
	[tilespmem:$0x1D880] =	vst v63  }
0x1b5: {  	_ =	swait.ge [sflag:s6], $0x2800  }
0x1b6: {  	[sflag:s6] =	ssyncset.done $0x0  }
0x1b7: {  	s16 =	sadd.s32 $0x14980, s14;
	[sflag:s6] =	ssyncadd.s32 $0xFFFFD800  }
0x1b8: {  	[spmem:s3] =	stream.indirect.scatter.add.f32 [tilespmem:s17], [sflag:$0x6], $0x80, s16, s20, $0xb8;
	[tilespmem:$0x1D880] =	vst v63  }
0x1b9: {  	_ =	swait.ge [sflag:s21], $0x2800  }
0x1ba: {  	[sflag:s21] =	ssyncset.done $0x0  }
0x1bb: {  	s16 =	sadd.s32 $0x13A00, s14;
	[sflag:s21] =	ssyncadd.s32 $0xFFFFD800  }
0x1bc: {  	[tilespmem:s9], [sflag:$0x1] =	stream.indirect.gather [hbm4b:s1+s8], $0x80, s16, s8, $0xb8;
	[tilespmem:$0x1D880] =	vst v63  }
0x1bd: {  	s16 =	sadd.s32 $0x13A28, s14  }
0x1be: {  	[tilespmem:s11], [sflag:$0x1] =	stream.indirect.gather [hbm4b:s1+s8], $0x80, s16, s8, $0xb8;
	[tilespmem:$0x1D880] =	vst v63  }
0x1bf: {  	_ =	swait.ge [sflag:s22], $0x2800  }
0x1c0: {  	[sflag:s22] =	ssyncset.done $0x0  }
0x1c1: {  	s16 =	sadd.s32 $0x13A80, s14;
	[sflag:s22] =	ssyncadd.s32 $0xFFFFD800  }
0x1c2: {  	[tilespmem:s13], [sflag:$0x2] =	stream.indirect.gather [hbm4b:s1+s8], $0x80, s16, s8, $0xb8;
	[tilespmem:$0x1D880] =	vst v63  }
0x1c3: {  	s16 =	sadd.s32 $0x13AA8, s14  }
0x1c4: {  	[tilespmem:s15], [sflag:$0x2] =	stream.indirect.gather [hbm4b:s1+s8], $0x80, s16, s8, $0xb8;
	[tilespmem:$0x1D880] =	vst v63  }
.Ltmp2:
0x1c5: {  	_ =	swait.ge [sflag:s23], $0x2800;
	(pc) =	sbr.rel @p1 .LBB2_6-.Ltmp2, $4  }
0x1c6: {  	[sflag:s23] =	ssyncset.done $0x0  }
0x1c7: {  	s16 =	sadd.s32 $0x13B00, s14;
	[sflag:s23] =	ssyncadd.s32 $0xFFFFD800  }
0x1c8: {  	[tilespmem:s17], [sflag:$0x3] =	stream.indirect.gather [hbm4b:s1+s8], $0x80, s16, s8, $0xb8;
	[tilespmem:$0x1D880] =	vst v63  }
0x1c9: {  	s14 =	sadd.s32 $0x13B28, s14  }
0x1ca: {  	[tilespmem:s19], [sflag:$0x3] =	stream.indirect.gather [hbm4b:s1+s8], $0x80, s14, s8, $0xb8;
	[tilespmem:$0x1D880] =	vst v63  }
0x1cb: {  	_ =	swait.ge [sflag:s4], $0x2800  }
0x1cc: {  	[sflag:s4] =	ssyncset.done $0x0  }
0x1cd: {  	[sflag:s4] =	ssyncadd.s32 $0xFFFFD800  }
0x1ce: {  	[spmem:s3] =	stream.indirect.scatter.add.f32 [tilespmem:s9], [sflag:$0x4], $0x80, s24, s20, $0xb8;
	[tilespmem:$0x1D880] =	vst v63  }
0x1cf: {  	_ =	swait.ge [sflag:s5], $0x2800  }
0x1d0: {  	[sflag:s5] =	ssyncset.done $0x0  }
0x1d1: {  	[sflag:s5] =	ssyncadd.s32 $0xFFFFD800  }
0x1d2: {  	[spmem:s3] =	stream.indirect.scatter.add.f32 [tilespmem:s13], [sflag:$0x5], $0x80, s25, s20, $0xb8;
	[tilespmem:$0x1D880] =	vst v63  }
0x1d3: {  	_ =	swait.ge [sflag:s6], $0x2800  }
0x1d4: {  	[sflag:s6] =	ssyncset.done $0x0  }
0x1d5: {  	[sflag:s6] =	ssyncadd.s32 $0xFFFFD800  }
0x1d6: {  	[spmem:s3] =	stream.indirect.scatter.add.f32 [tilespmem:s17], [sflag:$0x6], $0x80, s26, s20, $0xb8;
	[tilespmem:$0x1D880] =	vst v63  }
0x1d7: {  	_ =	swait.ge [sflag:s21], $0x2800  }
0x1d8: {  	[sflag:s21] =	ssyncset.done $0x0  }
0x1d9: {  	[sflag:s21] =	ssyncadd.s32 $0xFFFFD800  }
0x1da: {  	[tilespmem:s9], [sflag:$0x1] =	stream.indirect.gather [hbm4b:s1+s8], $0x80, s28, s8, $0xb8;
	[tilespmem:$0x1D880] =	vst v63  }
0x1db: {  	_ = 	snop  }
0x1dc: {  	[tilespmem:s11], [sflag:$0x1] =	stream.indirect.gather [hbm4b:s1+s8], $0x80, s29, s8, $0xb8;
	[tilespmem:$0x1D880] =	vst v63  }
0x1dd: {  	_ =	swait.ge [sflag:s22], $0x2800  }
0x1de: {  	[sflag:s22] =	ssyncset.done $0x0  }
0x1df: {  	[sflag:s22] =	ssyncadd.s32 $0xFFFFD800  }
0x1e0: {  	_ =	swait.ge [sflag:s23], $0x2800  }
0x1e1: {  	[sflag:s23] =	ssyncset.done $0x0  }
0x1e2: {  	[sflag:s23] =	ssyncadd.s32 $0xFFFFD800  }
0x1e3: {  	_ =	swait.ge [sflag:s4], $0x2800  }
0x1e4: {  	[sflag:s4] =	ssyncset.done $0x0  }
0x1e5: {  	[sflag:s4] =	ssyncadd.s32 $0xFFFFD800  }
0x1e6: {  	[spmem:s3] =	stream.indirect.scatter.add.f32 [tilespmem:s9], [sflag:$0x4], $0x80, s30, s20, $0xb8;
	[tilespmem:$0x1D880] =	vst v63  }
0x1e7: {  	_ =	swait.ge [sflag:s21], $0x2800  }
0x1e8: {  	[sflag:s21] =	ssyncset.done $0x0  }
0x1e9: {  	s12 =	simm.s32 $0x0;
	s16 =	rddreg [dreg:$0xc];
	[sflag:s21] =	ssyncadd.s32 $0xFFFFD800  }
0x1ea: {  	[tilespmem:s31], [sflag:$0x7] =	stream.linear.gather [hbm4b:s16+s12], $0xC80, $0x38;
	[tilespmem:$0x1D880] =	vst v63  }
0x1eb: {  	_ =	swait.ge [sflag:s0], $0xC80  }
0x1ec: {  	[sflag:s0] =	ssyncset.done $0x0  }
0x1ed: {  	s16 =	simm.s32 $0x14880;
	s14 =	rddreg [dreg:$0xd];
	[sflag:s0] =	ssyncadd.s32 $0xFFFFF380  }
0x1ee: {  	[tilespmem:s16], [sflag:$0x7] =	stream.linear.gather [hbm4b:s14+s12], $0xC80, $0x38;
	[tilespmem:$0x1D880] =	vst v63  }
0x1ef: {  	_ =	swait.ge [sflag:s0], $0xC80  }
0x1f0: {  	[sflag:s0] =	ssyncset.done $0x0  }
0x1f1: {  	[sflag:s0] =	ssyncadd.s32 $0xFFFFF380  }
0x1f2: {  	[tilespmem:s9], [sflag:$0x1] =	stream.indirect.gather [hbm4b:s1+s8], $0x80, s31, s8, $0xb8;
	[tilespmem:$0x1D880] =	vst v63  }
0x1f3: {  	s14 =	simm.s32 $0x138A8  }
0x1f4: {  	[tilespmem:s11], [sflag:$0x1] =	stream.indirect.gather [hbm4b:s1+s8], $0x80, s14, s8, $0xb8;
	[tilespmem:$0x1D880] =	vst v63  }
0x1f5: {  	s16 =	simm.s32 $0x13900  }
0x1f6: {  	[tilespmem:s13], [sflag:$0x2] =	stream.indirect.gather [hbm4b:s1+s8], $0x80, s16, s8, $0xb8;
	[tilespmem:$0x1D880] =	vst v63  }
0x1f7: {  	s14 =	simm.s32 $0x13928  }
0x1f8: {  	[tilespmem:s15], [sflag:$0x2] =	stream.indirect.gather [hbm4b:s1+s8], $0x80, s14, s8, $0xb8;
	[tilespmem:$0x1D880] =	vst v63  }
0x1f9: {  	s16 =	simm.s32 $0x13980  }
0x1fa: {  	[tilespmem:s17], [sflag:$0x3] =	stream.indirect.gather [hbm4b:s1+s8], $0x80, s16, s8, $0xb8;
	[tilespmem:$0x1D880] =	vst v63  }
0x1fb: {  	_ = 	snop  }
0x1fc: {  	[tilespmem:s19], [sflag:$0x3] =	stream.indirect.gather [hbm4b:s1+s8], $0x80, s18, s8, $0xb8;
	[tilespmem:$0x1D880] =	vst v63  }
0x1fd: {  	_ =	swait.ge [sflag:s4], $0x2800  }
0x1fe: {  	[sflag:s4] =	ssyncset.done $0x0  }
0x1ff: {  	s14 =	simm.s32 $0x14880;
	[sflag:s4] =	ssyncadd.s32 $0xFFFFD800  }
0x200: {  	[spmem:s3] =	stream.indirect.scatter.add.f32 [tilespmem:s9], [sflag:$0x4], $0x80, s14, s20, $0xb8;
	[tilespmem:$0x1D880] =	vst v63  }
0x201: {  	_ =	swait.ge [sflag:s5], $0x2800  }
0x202: {  	[sflag:s5] =	ssyncset.done $0x0  }
0x203: {  	s16 =	simm.s32 $0x14900;
	[sflag:s5] =	ssyncadd.s32 $0xFFFFD800  }
0x204: {  	[spmem:s3] =	stream.indirect.scatter.add.f32 [tilespmem:s13], [sflag:$0x5], $0x80, s16, s20, $0xb8;
	[tilespmem:$0x1D880] =	vst v63  }
0x205: {  	_ =	swait.ge [sflag:s6], $0x2800  }
0x206: {  	[sflag:s6] =	ssyncset.done $0x0  }
0x207: {  	s14 =	simm.s32 $0x14980;
	[sflag:s6] =	ssyncadd.s32 $0xFFFFD800  }
0x208: {  	[spmem:s3] =	stream.indirect.scatter.add.f32 [tilespmem:s17], [sflag:$0x6], $0x80, s14, s20, $0xb8;
	[tilespmem:$0x1D880] =	vst v63  }
0x209: {  	_ =	swait.ge [sflag:s21], $0x2800  }
0x20a: {  	[sflag:s21] =	ssyncset.done $0x0  }
0x20b: {  	s16 =	simm.s32 $0x13A00;
	[sflag:s21] =	ssyncadd.s32 $0xFFFFD800  }
0x20c: {  	[tilespmem:s9], [sflag:$0x1] =	stream.indirect.gather [hbm4b:s1+s8], $0x80, s16, s8, $0xb8;
	[tilespmem:$0x1D880] =	vst v63  }
0x20d: {  	s14 =	simm.s32 $0x13A28  }
0x20e: {  	[tilespmem:s11], [sflag:$0x1] =	stream.indirect.gather [hbm4b:s1+s8], $0x80, s14, s8, $0xb8;
	[tilespmem:$0x1D880] =	vst v63  }
0x20f: {  	_ =	swait.ge [sflag:s22], $0x2800  }
0x210: {  	[sflag:s22] =	ssyncset.done $0x0  }
0x211: {  	s16 =	simm.s32 $0x13A80;
	[sflag:s22] =	ssyncadd.s32 $0xFFFFD800  }
0x212: {  	[tilespmem:s13], [sflag:$0x2] =	stream.indirect.gather [hbm4b:s1+s8], $0x80, s16, s8, $0xb8;
	[tilespmem:$0x1D880] =	vst v63  }
0x213: {  	s14 =	simm.s32 $0x13AA8  }
0x214: {  	[tilespmem:s15], [sflag:$0x2] =	stream.indirect.gather [hbm4b:s1+s8], $0x80, s14, s8, $0xb8;
	[tilespmem:$0x1D880] =	vst v63  }
0x215: {  	_ =	swait.ge [sflag:s23], $0x2800  }
0x216: {  	s12 =	simm.s32 $0x600;
	[sflag:s23] =	ssyncset.done $0x0  }
0x217: {  	s16 =	simm.s32 $0x13B00;
	s14 =	simm.s32 $0x13B28;
	[sflag:s23] =	ssyncadd.s32 $0xFFFFD800  }
0x218: {  	[tilespmem:s17], [sflag:$0x3] =	stream.indirect.gather [hbm4b:s1+s8], $0x80, s16, s8, $0xb8;
	[tilespmem:$0x1D880] =	vst v63  }
.LBB2_8:
0x219: {  	[tilespmem:s19], [sflag:$0x3] =	stream.indirect.gather [hbm4b:s1+s8], $0x80, s14, s8, $0xb8;
	[tilespmem:$0x1D880] =	vst v63  }
0x21a: {  	s14 =	smov.u32 s12  }
0x21b: {  	p1 =	sne.s32 s12, $0x2400;
	s12 =	sadd.s32 $0x600, s12;
	_ =	swait.ge [sflag:s4], $0x2800  }
0x21c: {  	s14 =	sshra.s32 s14, $0x2;
	[sflag:s4] =	ssyncset.done $0x0  }
0x21d: {  	s16 =	sadd.s32 $0x14880, s14;
	[sflag:s4] =	ssyncadd.s32 $0xFFFFD800  }
0x21e: {  	[spmem:s3] =	stream.indirect.scatter.add.f32 [tilespmem:s9], [sflag:$0x4], $0x80, s16, s20, $0xb8;
	[tilespmem:$0x1D880] =	vst v63  }
0x21f: {  	_ =	swait.ge [sflag:s5], $0x2800  }
0x220: {  	[sflag:s5] =	ssyncset.done $0x0  }
0x221: {  	s16 =	sadd.s32 $0x14900, s14;
	[sflag:s5] =	ssyncadd.s32 $0xFFFFD800  }
0x222: {  	[spmem:s3] =	stream.indirect.scatter.add.f32 [tilespmem:s13], [sflag:$0x5], $0x80, s16, s20, $0xb8;
	[tilespmem:$0x1D880] =	vst v63  }
0x223: {  	_ =	swait.ge [sflag:s6], $0x2800  }
0x224: {  	[sflag:s6] =	ssyncset.done $0x0  }
0x225: {  	s16 =	sadd.s32 $0x14980, s14;
	[sflag:s6] =	ssyncadd.s32 $0xFFFFD800  }
0x226: {  	[spmem:s3] =	stream.indirect.scatter.add.f32 [tilespmem:s17], [sflag:$0x6], $0x80, s16, s20, $0xb8;
	[tilespmem:$0x1D880] =	vst v63  }
0x227: {  	_ =	swait.ge [sflag:s21], $0x2800  }
0x228: {  	[sflag:s21] =	ssyncset.done $0x0  }
0x229: {  	s16 =	sadd.s32 $0x13A00, s14;
	[sflag:s21] =	ssyncadd.s32 $0xFFFFD800  }
0x22a: {  	[tilespmem:s9], [sflag:$0x1] =	stream.indirect.gather [hbm4b:s1+s8], $0x80, s16, s8, $0xb8;
	[tilespmem:$0x1D880] =	vst v63  }
0x22b: {  	s16 =	sadd.s32 $0x13A28, s14  }
0x22c: {  	[tilespmem:s11], [sflag:$0x1] =	stream.indirect.gather [hbm4b:s1+s8], $0x80, s16, s8, $0xb8;
	[tilespmem:$0x1D880] =	vst v63  }
0x22d: {  	_ =	swait.ge [sflag:s22], $0x2800  }
0x22e: {  	[sflag:s22] =	ssyncset.done $0x0  }
0x22f: {  	s16 =	sadd.s32 $0x13A80, s14;
	[sflag:s22] =	ssyncadd.s32 $0xFFFFD800  }
0x230: {  	[tilespmem:s13], [sflag:$0x2] =	stream.indirect.gather [hbm4b:s1+s8], $0x80, s16, s8, $0xb8;
	[tilespmem:$0x1D880] =	vst v63  }
0x231: {  	s16 =	sadd.s32 $0x13AA8, s14  }
0x232: {  	[tilespmem:s15], [sflag:$0x2] =	stream.indirect.gather [hbm4b:s1+s8], $0x80, s16, s8, $0xb8;
	[tilespmem:$0x1D880] =	vst v63  }
.Ltmp3:
0x233: {  	_ =	swait.ge [sflag:s23], $0x2800;
	(pc) =	sbr.rel @p1 .LBB2_8-.Ltmp3, $4  }
0x234: {  	[sflag:s23] =	ssyncset.done $0x0  }
0x235: {  	s16 =	sadd.s32 $0x13B00, s14;
	[sflag:s23] =	ssyncadd.s32 $0xFFFFD800  }
0x236: {  	[tilespmem:s17], [sflag:$0x3] =	stream.indirect.gather [hbm4b:s1+s8], $0x80, s16, s8, $0xb8;
	[tilespmem:$0x1D880] =	vst v63  }
0x237: {  	s14 =	sadd.s32 $0x13B28, s14  }
0x238: {  	[tilespmem:s19], [sflag:$0x3] =	stream.indirect.gather [hbm4b:s1+s8], $0x80, s14, s8, $0xb8;
	[tilespmem:$0x1D880] =	vst v63  }
0x239: {  	_ =	swait.ge [sflag:s4], $0x2800  }
0x23a: {  	[sflag:s4] =	ssyncset.done $0x0  }
0x23b: {  	[sflag:s4] =	ssyncadd.s32 $0xFFFFD800  }
0x23c: {  	[spmem:s3] =	stream.indirect.scatter.add.f32 [tilespmem:s9], [sflag:$0x4], $0x80, s24, s20, $0xb8;
	[tilespmem:$0x1D880] =	vst v63  }
0x23d: {  	_ =	swait.ge [sflag:s5], $0x2800  }
0x23e: {  	[sflag:s5] =	ssyncset.done $0x0  }
0x23f: {  	[sflag:s5] =	ssyncadd.s32 $0xFFFFD800  }
0x240: {  	[spmem:s3] =	stream.indirect.scatter.add.f32 [tilespmem:s13], [sflag:$0x5], $0x80, s25, s20, $0xb8;
	[tilespmem:$0x1D880] =	vst v63  }
0x241: {  	_ =	swait.ge [sflag:s6], $0x2800  }
0x242: {  	[sflag:s6] =	ssyncset.done $0x0  }
0x243: {  	[sflag:s6] =	ssyncadd.s32 $0xFFFFD800  }
0x244: {  	[spmem:s3] =	stream.indirect.scatter.add.f32 [tilespmem:s17], [sflag:$0x6], $0x80, s26, s20, $0xb8;
	[tilespmem:$0x1D880] =	vst v63  }
0x245: {  	_ =	swait.ge [sflag:s21], $0x2800  }
0x246: {  	[sflag:s21] =	ssyncset.done $0x0  }
0x247: {  	[sflag:s21] =	ssyncadd.s32 $0xFFFFD800  }
0x248: {  	[tilespmem:s9], [sflag:$0x1] =	stream.indirect.gather [hbm4b:s1+s8], $0x80, s28, s8, $0xb8;
	[tilespmem:$0x1D880] =	vst v63  }
0x249: {  	_ = 	snop  }
0x24a: {  	[tilespmem:s11], [sflag:$0x1] =	stream.indirect.gather [hbm4b:s1+s8], $0x80, s29, s8, $0xb8;
	[tilespmem:$0x1D880] =	vst v63  }
0x24b: {  	_ =	swait.ge [sflag:s22], $0x2800  }
0x24c: {  	[sflag:s22] =	ssyncset.done $0x0  }
0x24d: {  	[sflag:s22] =	ssyncadd.s32 $0xFFFFD800  }
0x24e: {  	_ =	swait.ge [sflag:s23], $0x2800  }
0x24f: {  	[sflag:s23] =	ssyncset.done $0x0  }
0x250: {  	[sflag:s23] =	ssyncadd.s32 $0xFFFFD800  }
0x251: {  	_ =	swait.ge [sflag:s4], $0x2800  }
0x252: {  	[sflag:s4] =	ssyncset.done $0x0  }
0x253: {  	[sflag:s4] =	ssyncadd.s32 $0xFFFFD800  }
0x254: {  	[spmem:s3] =	stream.indirect.scatter.add.f32 [tilespmem:s9], [sflag:$0x4], $0x80, s30, s20, $0xb8;
	[tilespmem:$0x1D880] =	vst v63  }
0x255: {  	_ =	swait.ge [sflag:s21], $0x2800  }
0x256: {  	[sflag:s21] =	ssyncset.done $0x0  }
0x257: {  	s12 =	simm.s32 $0x0;
	s16 =	rddreg [dreg:$0xe];
	[sflag:s21] =	ssyncadd.s32 $0xFFFFD800  }
0x258: {  	[tilespmem:s31], [sflag:$0x7] =	stream.linear.gather [hbm4b:s16+s12], $0xC80, $0x38;
	[tilespmem:$0x1D880] =	vst v63  }
0x259: {  	_ =	swait.ge [sflag:s0], $0xC80  }
0x25a: {  	[sflag:s0] =	ssyncset.done $0x0  }
0x25b: {  	s16 =	simm.s32 $0x14880;
	s14 =	rddreg [dreg:$0xf];
	[sflag:s0] =	ssyncadd.s32 $0xFFFFF380  }
0x25c: {  	[tilespmem:s16], [sflag:$0x7] =	stream.linear.gather [hbm4b:s14+s12], $0xC80, $0x38;
	[tilespmem:$0x1D880] =	vst v63  }
0x25d: {  	_ =	swait.ge [sflag:s0], $0xC80  }
0x25e: {  	[sflag:s0] =	ssyncset.done $0x0  }
0x25f: {  	[sflag:s0] =	ssyncadd.s32 $0xFFFFF380  }
0x260: {  	[tilespmem:s9], [sflag:$0x1] =	stream.indirect.gather [hbm4b:s1+s8], $0x80, s31, s8, $0xb8;
	[tilespmem:$0x1D880] =	vst v63  }
0x261: {  	s14 =	simm.s32 $0x138A8  }
0x262: {  	[tilespmem:s11], [sflag:$0x1] =	stream.indirect.gather [hbm4b:s1+s8], $0x80, s14, s8, $0xb8;
	[tilespmem:$0x1D880] =	vst v63  }
0x263: {  	s16 =	simm.s32 $0x13900  }
0x264: {  	[tilespmem:s13], [sflag:$0x2] =	stream.indirect.gather [hbm4b:s1+s8], $0x80, s16, s8, $0xb8;
	[tilespmem:$0x1D880] =	vst v63  }
0x265: {  	s14 =	simm.s32 $0x13928  }
0x266: {  	[tilespmem:s15], [sflag:$0x2] =	stream.indirect.gather [hbm4b:s1+s8], $0x80, s14, s8, $0xb8;
	[tilespmem:$0x1D880] =	vst v63  }
0x267: {  	s16 =	simm.s32 $0x13980  }
0x268: {  	[tilespmem:s17], [sflag:$0x3] =	stream.indirect.gather [hbm4b:s1+s8], $0x80, s16, s8, $0xb8;
	[tilespmem:$0x1D880] =	vst v63  }
0x269: {  	_ = 	snop  }
0x26a: {  	[tilespmem:s19], [sflag:$0x3] =	stream.indirect.gather [hbm4b:s1+s8], $0x80, s18, s8, $0xb8;
	[tilespmem:$0x1D880] =	vst v63  }
0x26b: {  	_ =	swait.ge [sflag:s4], $0x2800  }
0x26c: {  	[sflag:s4] =	ssyncset.done $0x0  }
0x26d: {  	s14 =	simm.s32 $0x14880;
	[sflag:s4] =	ssyncadd.s32 $0xFFFFD800  }
0x26e: {  	[spmem:s3] =	stream.indirect.scatter.add.f32 [tilespmem:s9], [sflag:$0x4], $0x80, s14, s20, $0xb8;
	[tilespmem:$0x1D880] =	vst v63  }
0x26f: {  	_ =	swait.ge [sflag:s5], $0x2800  }
0x270: {  	[sflag:s5] =	ssyncset.done $0x0  }
0x271: {  	s16 =	simm.s32 $0x14900;
	[sflag:s5] =	ssyncadd.s32 $0xFFFFD800  }
0x272: {  	[spmem:s3] =	stream.indirect.scatter.add.f32 [tilespmem:s13], [sflag:$0x5], $0x80, s16, s20, $0xb8;
	[tilespmem:$0x1D880] =	vst v63  }
0x273: {  	_ =	swait.ge [sflag:s6], $0x2800  }
0x274: {  	[sflag:s6] =	ssyncset.done $0x0  }
0x275: {  	s14 =	simm.s32 $0x14980;
	[sflag:s6] =	ssyncadd.s32 $0xFFFFD800  }
0x276: {  	[spmem:s3] =	stream.indirect.scatter.add.f32 [tilespmem:s17], [sflag:$0x6], $0x80, s14, s20, $0xb8;
	[tilespmem:$0x1D880] =	vst v63  }
0x277: {  	_ =	swait.ge [sflag:s21], $0x2800  }
0x278: {  	[sflag:s21] =	ssyncset.done $0x0  }
0x279: {  	s16 =	simm.s32 $0x13A00;
	[sflag:s21] =	ssyncadd.s32 $0xFFFFD800  }
0x27a: {  	[tilespmem:s9], [sflag:$0x1] =	stream.indirect.gather [hbm4b:s1+s8], $0x80, s16, s8, $0xb8;
	[tilespmem:$0x1D880] =	vst v63  }
0x27b: {  	s14 =	simm.s32 $0x13A28  }
0x27c: {  	[tilespmem:s11], [sflag:$0x1] =	stream.indirect.gather [hbm4b:s1+s8], $0x80, s14, s8, $0xb8;
	[tilespmem:$0x1D880] =	vst v63  }
0x27d: {  	_ =	swait.ge [sflag:s22], $0x2800  }
0x27e: {  	[sflag:s22] =	ssyncset.done $0x0  }
0x27f: {  	s16 =	simm.s32 $0x13A80;
	[sflag:s22] =	ssyncadd.s32 $0xFFFFD800  }
0x280: {  	[tilespmem:s13], [sflag:$0x2] =	stream.indirect.gather [hbm4b:s1+s8], $0x80, s16, s8, $0xb8;
	[tilespmem:$0x1D880] =	vst v63  }
0x281: {  	s14 =	simm.s32 $0x13AA8  }
0x282: {  	[tilespmem:s15], [sflag:$0x2] =	stream.indirect.gather [hbm4b:s1+s8], $0x80, s14, s8, $0xb8;
	[tilespmem:$0x1D880] =	vst v63  }
0x283: {  	_ =	swait.ge [sflag:s23], $0x2800  }
0x284: {  	s12 =	simm.s32 $0x600;
	[sflag:s23] =	ssyncset.done $0x0  }
0x285: {  	s16 =	simm.s32 $0x13B00;
	s14 =	simm.s32 $0x13B28;
	[sflag:s23] =	ssyncadd.s32 $0xFFFFD800  }
0x286: {  	[tilespmem:s17], [sflag:$0x3] =	stream.indirect.gather [hbm4b:s1+s8], $0x80, s16, s8, $0xb8;
	[tilespmem:$0x1D880] =	vst v63  }
.LBB2_10:
0x287: {  	[tilespmem:s19], [sflag:$0x3] =	stream.indirect.gather [hbm4b:s1+s8], $0x80, s14, s8, $0xb8;
	[tilespmem:$0x1D880] =	vst v63  }
0x288: {  	s14 =	smov.u32 s12  }
0x289: {  	p1 =	sne.s32 s12, $0x2400;
	s12 =	sadd.s32 $0x600, s12;
	_ =	swait.ge [sflag:s4], $0x2800  }
0x28a: {  	s14 =	sshra.s32 s14, $0x2;
	[sflag:s4] =	ssyncset.done $0x0  }
0x28b: {  	s16 =	sadd.s32 $0x14880, s14;
	[sflag:s4] =	ssyncadd.s32 $0xFFFFD800  }
0x28c: {  	[spmem:s3] =	stream.indirect.scatter.add.f32 [tilespmem:s9], [sflag:$0x4], $0x80, s16, s20, $0xb8;
	[tilespmem:$0x1D880] =	vst v63  }
0x28d: {  	_ =	swait.ge [sflag:s5], $0x2800  }
0x28e: {  	[sflag:s5] =	ssyncset.done $0x0  }
0x28f: {  	s16 =	sadd.s32 $0x14900, s14;
	[sflag:s5] =	ssyncadd.s32 $0xFFFFD800  }
0x290: {  	[spmem:s3] =	stream.indirect.scatter.add.f32 [tilespmem:s13], [sflag:$0x5], $0x80, s16, s20, $0xb8;
	[tilespmem:$0x1D880] =	vst v63  }
0x291: {  	_ =	swait.ge [sflag:s6], $0x2800  }
0x292: {  	[sflag:s6] =	ssyncset.done $0x0  }
0x293: {  	s16 =	sadd.s32 $0x14980, s14;
	[sflag:s6] =	ssyncadd.s32 $0xFFFFD800  }
0x294: {  	[spmem:s3] =	stream.indirect.scatter.add.f32 [tilespmem:s17], [sflag:$0x6], $0x80, s16, s20, $0xb8;
	[tilespmem:$0x1D880] =	vst v63  }
0x295: {  	_ =	swait.ge [sflag:s21], $0x2800  }
0x296: {  	[sflag:s21] =	ssyncset.done $0x0  }
0x297: {  	s16 =	sadd.s32 $0x13A00, s14;
	[sflag:s21] =	ssyncadd.s32 $0xFFFFD800  }
0x298: {  	[tilespmem:s9], [sflag:$0x1] =	stream.indirect.gather [hbm4b:s1+s8], $0x80, s16, s8, $0xb8;
	[tilespmem:$0x1D880] =	vst v63  }
0x299: {  	s16 =	sadd.s32 $0x13A28, s14  }
0x29a: {  	[tilespmem:s11], [sflag:$0x1] =	stream.indirect.gather [hbm4b:s1+s8], $0x80, s16, s8, $0xb8;
	[tilespmem:$0x1D880] =	vst v63  }
0x29b: {  	_ =	swait.ge [sflag:s22], $0x2800  }
0x29c: {  	[sflag:s22] =	ssyncset.done $0x0  }
0x29d: {  	s16 =	sadd.s32 $0x13A80, s14;
	[sflag:s22] =	ssyncadd.s32 $0xFFFFD800  }
0x29e: {  	[tilespmem:s13], [sflag:$0x2] =	stream.indirect.gather [hbm4b:s1+s8], $0x80, s16, s8, $0xb8;
	[tilespmem:$0x1D880] =	vst v63  }
0x29f: {  	s16 =	sadd.s32 $0x13AA8, s14  }
0x2a0: {  	[tilespmem:s15], [sflag:$0x2] =	stream.indirect.gather [hbm4b:s1+s8], $0x80, s16, s8, $0xb8;
	[tilespmem:$0x1D880] =	vst v63  }
.Ltmp4:
0x2a1: {  	_ =	swait.ge [sflag:s23], $0x2800;
	(pc) =	sbr.rel @p1 .LBB2_10-.Ltmp4, $4  }
0x2a2: {  	[sflag:s23] =	ssyncset.done $0x0  }
0x2a3: {  	s16 =	sadd.s32 $0x13B00, s14;
	[sflag:s23] =	ssyncadd.s32 $0xFFFFD800  }
0x2a4: {  	[tilespmem:s17], [sflag:$0x3] =	stream.indirect.gather [hbm4b:s1+s8], $0x80, s16, s8, $0xb8;
	[tilespmem:$0x1D880] =	vst v63  }
0x2a5: {  	s14 =	sadd.s32 $0x13B28, s14  }
0x2a6: {  	[tilespmem:s19], [sflag:$0x3] =	stream.indirect.gather [hbm4b:s1+s8], $0x80, s14, s8, $0xb8;
	[tilespmem:$0x1D880] =	vst v63  }
0x2a7: {  	_ =	swait.ge [sflag:s4], $0x2800  }
0x2a8: {  	[sflag:s4] =	ssyncset.done $0x0  }
0x2a9: {  	[sflag:s4] =	ssyncadd.s32 $0xFFFFD800  }
0x2aa: {  	[spmem:s3] =	stream.indirect.scatter.add.f32 [tilespmem:s9], [sflag:$0x4], $0x80, s24, s20, $0xb8;
	[tilespmem:$0x1D880] =	vst v63  }
0x2ab: {  	_ =	swait.ge [sflag:s5], $0x2800  }
0x2ac: {  	[sflag:s5] =	ssyncset.done $0x0  }
0x2ad: {  	[sflag:s5] =	ssyncadd.s32 $0xFFFFD800  }
0x2ae: {  	[spmem:s3] =	stream.indirect.scatter.add.f32 [tilespmem:s13], [sflag:$0x5], $0x80, s25, s20, $0xb8;
	[tilespmem:$0x1D880] =	vst v63  }
0x2af: {  	_ =	swait.ge [sflag:s6], $0x2800  }
0x2b0: {  	[sflag:s6] =	ssyncset.done $0x0  }
0x2b1: {  	[sflag:s6] =	ssyncadd.s32 $0xFFFFD800  }
0x2b2: {  	[spmem:s3] =	stream.indirect.scatter.add.f32 [tilespmem:s17], [sflag:$0x6], $0x80, s26, s20, $0xb8;
	[tilespmem:$0x1D880] =	vst v63  }
0x2b3: {  	_ =	swait.ge [sflag:s21], $0x2800  }
0x2b4: {  	[sflag:s21] =	ssyncset.done $0x0  }
0x2b5: {  	[sflag:s21] =	ssyncadd.s32 $0xFFFFD800  }
0x2b6: {  	[tilespmem:s9], [sflag:$0x1] =	stream.indirect.gather [hbm4b:s1+s8], $0x80, s28, s8, $0xb8;
	[tilespmem:$0x1D880] =	vst v63  }
0x2b7: {  	_ = 	snop  }
0x2b8: {  	[tilespmem:s11], [sflag:$0x1] =	stream.indirect.gather [hbm4b:s1+s8], $0x80, s29, s8, $0xb8;
	[tilespmem:$0x1D880] =	vst v63  }
0x2b9: {  	_ =	swait.ge [sflag:s22], $0x2800  }
0x2ba: {  	[sflag:s22] =	ssyncset.done $0x0  }
0x2bb: {  	[sflag:s22] =	ssyncadd.s32 $0xFFFFD800  }
0x2bc: {  	_ =	swait.ge [sflag:s23], $0x2800  }
0x2bd: {  	[sflag:s23] =	ssyncset.done $0x0  }
0x2be: {  	[sflag:s23] =	ssyncadd.s32 $0xFFFFD800  }
0x2bf: {  	_ =	swait.ge [sflag:s4], $0x2800  }
0x2c0: {  	[sflag:s4] =	ssyncset.done $0x0  }
0x2c1: {  	[sflag:s4] =	ssyncadd.s32 $0xFFFFD800  }
0x2c2: {  	[spmem:s3] =	stream.indirect.scatter.add.f32 [tilespmem:s9], [sflag:$0x4], $0x80, s30, s20, $0xb8;
	[tilespmem:$0x1D880] =	vst v63  }
0x2c3: {  	_ =	swait.ge [sflag:s21], $0x2800  }
0x2c4: {  	[sflag:s21] =	ssyncset.done $0x0  }
0x2c5: {  	s12 =	simm.s32 $0x0;
	s16 =	rddreg [dreg:$0x10];
	[sflag:s21] =	ssyncadd.s32 $0xFFFFD800  }
0x2c6: {  	[tilespmem:s31], [sflag:$0x7] =	stream.linear.gather [hbm4b:s16+s12], $0xC80, $0x38;
	[tilespmem:$0x1D880] =	vst v63  }
0x2c7: {  	_ =	swait.ge [sflag:s0], $0xC80  }
0x2c8: {  	[sflag:s0] =	ssyncset.done $0x0  }
0x2c9: {  	s16 =	simm.s32 $0x14880;
	s14 =	rddreg [dreg:$0x11];
	[sflag:s0] =	ssyncadd.s32 $0xFFFFF380  }
0x2ca: {  	[tilespmem:s16], [sflag:$0x7] =	stream.linear.gather [hbm4b:s14+s12], $0xC80, $0x38;
	[tilespmem:$0x1D880] =	vst v63  }
0x2cb: {  	_ =	swait.ge [sflag:s0], $0xC80  }
0x2cc: {  	[sflag:s0] =	ssyncset.done $0x0  }
0x2cd: {  	[sflag:s0] =	ssyncadd.s32 $0xFFFFF380  }
0x2ce: {  	[tilespmem:s9], [sflag:$0x1] =	stream.indirect.gather [hbm4b:s1+s8], $0x80, s31, s8, $0xb8;
	[tilespmem:$0x1D880] =	vst v63  }
0x2cf: {  	s14 =	simm.s32 $0x138A8  }
0x2d0: {  	[tilespmem:s11], [sflag:$0x1] =	stream.indirect.gather [hbm4b:s1+s8], $0x80, s14, s8, $0xb8;
	[tilespmem:$0x1D880] =	vst v63  }
0x2d1: {  	s16 =	simm.s32 $0x13900  }
0x2d2: {  	[tilespmem:s13], [sflag:$0x2] =	stream.indirect.gather [hbm4b:s1+s8], $0x80, s16, s8, $0xb8;
	[tilespmem:$0x1D880] =	vst v63  }
0x2d3: {  	s14 =	simm.s32 $0x13928  }
0x2d4: {  	[tilespmem:s15], [sflag:$0x2] =	stream.indirect.gather [hbm4b:s1+s8], $0x80, s14, s8, $0xb8;
	[tilespmem:$0x1D880] =	vst v63  }
0x2d5: {  	s16 =	simm.s32 $0x13980  }
0x2d6: {  	[tilespmem:s17], [sflag:$0x3] =	stream.indirect.gather [hbm4b:s1+s8], $0x80, s16, s8, $0xb8;
	[tilespmem:$0x1D880] =	vst v63  }
0x2d7: {  	_ = 	snop  }
0x2d8: {  	[tilespmem:s19], [sflag:$0x3] =	stream.indirect.gather [hbm4b:s1+s8], $0x80, s18, s8, $0xb8;
	[tilespmem:$0x1D880] =	vst v63  }
0x2d9: {  	_ =	swait.ge [sflag:s4], $0x2800  }
0x2da: {  	[sflag:s4] =	ssyncset.done $0x0  }
0x2db: {  	s14 =	simm.s32 $0x14880;
	[sflag:s4] =	ssyncadd.s32 $0xFFFFD800  }
0x2dc: {  	[spmem:s3] =	stream.indirect.scatter.add.f32 [tilespmem:s9], [sflag:$0x4], $0x80, s14, s20, $0xb8;
	[tilespmem:$0x1D880] =	vst v63  }
0x2dd: {  	_ =	swait.ge [sflag:s5], $0x2800  }
0x2de: {  	[sflag:s5] =	ssyncset.done $0x0  }
0x2df: {  	s16 =	simm.s32 $0x14900;
	[sflag:s5] =	ssyncadd.s32 $0xFFFFD800  }
0x2e0: {  	[spmem:s3] =	stream.indirect.scatter.add.f32 [tilespmem:s13], [sflag:$0x5], $0x80, s16, s20, $0xb8;
	[tilespmem:$0x1D880] =	vst v63  }
0x2e1: {  	_ =	swait.ge [sflag:s6], $0x2800  }
0x2e2: {  	[sflag:s6] =	ssyncset.done $0x0  }
0x2e3: {  	s14 =	simm.s32 $0x14980;
	[sflag:s6] =	ssyncadd.s32 $0xFFFFD800  }
0x2e4: {  	[spmem:s3] =	stream.indirect.scatter.add.f32 [tilespmem:s17], [sflag:$0x6], $0x80, s14, s20, $0xb8;
	[tilespmem:$0x1D880] =	vst v63  }
0x2e5: {  	_ =	swait.ge [sflag:s21], $0x2800  }
0x2e6: {  	[sflag:s21] =	ssyncset.done $0x0  }
0x2e7: {  	s16 =	simm.s32 $0x13A00;
	[sflag:s21] =	ssyncadd.s32 $0xFFFFD800  }
0x2e8: {  	[tilespmem:s9], [sflag:$0x1] =	stream.indirect.gather [hbm4b:s1+s8], $0x80, s16, s8, $0xb8;
	[tilespmem:$0x1D880] =	vst v63  }
0x2e9: {  	s14 =	simm.s32 $0x13A28  }
0x2ea: {  	[tilespmem:s11], [sflag:$0x1] =	stream.indirect.gather [hbm4b:s1+s8], $0x80, s14, s8, $0xb8;
	[tilespmem:$0x1D880] =	vst v63  }
0x2eb: {  	_ =	swait.ge [sflag:s22], $0x2800  }
0x2ec: {  	[sflag:s22] =	ssyncset.done $0x0  }
0x2ed: {  	s16 =	simm.s32 $0x13A80;
	[sflag:s22] =	ssyncadd.s32 $0xFFFFD800  }
0x2ee: {  	[tilespmem:s13], [sflag:$0x2] =	stream.indirect.gather [hbm4b:s1+s8], $0x80, s16, s8, $0xb8;
	[tilespmem:$0x1D880] =	vst v63  }
0x2ef: {  	s14 =	simm.s32 $0x13AA8  }
0x2f0: {  	[tilespmem:s15], [sflag:$0x2] =	stream.indirect.gather [hbm4b:s1+s8], $0x80, s14, s8, $0xb8;
	[tilespmem:$0x1D880] =	vst v63  }
0x2f1: {  	_ =	swait.ge [sflag:s23], $0x2800  }
0x2f2: {  	s12 =	simm.s32 $0x600;
	[sflag:s23] =	ssyncset.done $0x0  }
0x2f3: {  	s16 =	simm.s32 $0x13B00;
	s14 =	simm.s32 $0x13B28;
	[sflag:s23] =	ssyncadd.s32 $0xFFFFD800  }
0x2f4: {  	[tilespmem:s17], [sflag:$0x3] =	stream.indirect.gather [hbm4b:s1+s8], $0x80, s16, s8, $0xb8;
	[tilespmem:$0x1D880] =	vst v63  }
.LBB2_12:
0x2f5: {  	[tilespmem:s19], [sflag:$0x3] =	stream.indirect.gather [hbm4b:s1+s8], $0x80, s14, s8, $0xb8;
	[tilespmem:$0x1D880] =	vst v63  }
0x2f6: {  	s14 =	smov.u32 s12  }
0x2f7: {  	p1 =	sne.s32 s12, $0x2400;
	s12 =	sadd.s32 $0x600, s12;
	_ =	swait.ge [sflag:s4], $0x2800  }
0x2f8: {  	s14 =	sshra.s32 s14, $0x2;
	[sflag:s4] =	ssyncset.done $0x0  }
0x2f9: {  	s16 =	sadd.s32 $0x14880, s14;
	[sflag:s4] =	ssyncadd.s32 $0xFFFFD800  }
0x2fa: {  	[spmem:s3] =	stream.indirect.scatter.add.f32 [tilespmem:s9], [sflag:$0x4], $0x80, s16, s20, $0xb8;
	[tilespmem:$0x1D880] =	vst v63  }
0x2fb: {  	_ =	swait.ge [sflag:s5], $0x2800  }
0x2fc: {  	[sflag:s5] =	ssyncset.done $0x0  }
0x2fd: {  	s16 =	sadd.s32 $0x14900, s14;
	[sflag:s5] =	ssyncadd.s32 $0xFFFFD800  }
0x2fe: {  	[spmem:s3] =	stream.indirect.scatter.add.f32 [tilespmem:s13], [sflag:$0x5], $0x80, s16, s20, $0xb8;
	[tilespmem:$0x1D880] =	vst v63  }
0x2ff: {  	_ =	swait.ge [sflag:s6], $0x2800  }
0x300: {  	[sflag:s6] =	ssyncset.done $0x0  }
0x301: {  	s16 =	sadd.s32 $0x14980, s14;
	[sflag:s6] =	ssyncadd.s32 $0xFFFFD800  }
0x302: {  	[spmem:s3] =	stream.indirect.scatter.add.f32 [tilespmem:s17], [sflag:$0x6], $0x80, s16, s20, $0xb8;
	[tilespmem:$0x1D880] =	vst v63  }
0x303: {  	_ =	swait.ge [sflag:s21], $0x2800  }
0x304: {  	[sflag:s21] =	ssyncset.done $0x0  }
0x305: {  	s16 =	sadd.s32 $0x13A00, s14;
	[sflag:s21] =	ssyncadd.s32 $0xFFFFD800  }
0x306: {  	[tilespmem:s9], [sflag:$0x1] =	stream.indirect.gather [hbm4b:s1+s8], $0x80, s16, s8, $0xb8;
	[tilespmem:$0x1D880] =	vst v63  }
0x307: {  	s16 =	sadd.s32 $0x13A28, s14  }
0x308: {  	[tilespmem:s11], [sflag:$0x1] =	stream.indirect.gather [hbm4b:s1+s8], $0x80, s16, s8, $0xb8;
	[tilespmem:$0x1D880] =	vst v63  }
0x309: {  	_ =	swait.ge [sflag:s22], $0x2800  }
0x30a: {  	[sflag:s22] =	ssyncset.done $0x0  }
0x30b: {  	s16 =	sadd.s32 $0x13A80, s14;
	[sflag:s22] =	ssyncadd.s32 $0xFFFFD800  }
0x30c: {  	[tilespmem:s13], [sflag:$0x2] =	stream.indirect.gather [hbm4b:s1+s8], $0x80, s16, s8, $0xb8;
	[tilespmem:$0x1D880] =	vst v63  }
0x30d: {  	s16 =	sadd.s32 $0x13AA8, s14  }
0x30e: {  	[tilespmem:s15], [sflag:$0x2] =	stream.indirect.gather [hbm4b:s1+s8], $0x80, s16, s8, $0xb8;
	[tilespmem:$0x1D880] =	vst v63  }
.Ltmp5:
0x30f: {  	_ =	swait.ge [sflag:s23], $0x2800;
	(pc) =	sbr.rel @p1 .LBB2_12-.Ltmp5, $4  }
0x310: {  	[sflag:s23] =	ssyncset.done $0x0  }
0x311: {  	s16 =	sadd.s32 $0x13B00, s14;
	[sflag:s23] =	ssyncadd.s32 $0xFFFFD800  }
0x312: {  	[tilespmem:s17], [sflag:$0x3] =	stream.indirect.gather [hbm4b:s1+s8], $0x80, s16, s8, $0xb8;
	[tilespmem:$0x1D880] =	vst v63  }
0x313: {  	s14 =	sadd.s32 $0x13B28, s14  }
0x314: {  	[tilespmem:s19], [sflag:$0x3] =	stream.indirect.gather [hbm4b:s1+s8], $0x80, s14, s8, $0xb8;
	[tilespmem:$0x1D880] =	vst v63  }
0x315: {  	_ =	swait.ge [sflag:s4], $0x2800  }
0x316: {  	[sflag:s4] =	ssyncset.done $0x0  }
0x317: {  	[sflag:s4] =	ssyncadd.s32 $0xFFFFD800  }
0x318: {  	[spmem:s3] =	stream.indirect.scatter.add.f32 [tilespmem:s9], [sflag:$0x4], $0x80, s24, s20, $0xb8;
	[tilespmem:$0x1D880] =	vst v63  }
0x319: {  	_ =	swait.ge [sflag:s5], $0x2800  }
0x31a: {  	[sflag:s5] =	ssyncset.done $0x0  }
0x31b: {  	[sflag:s5] =	ssyncadd.s32 $0xFFFFD800  }
0x31c: {  	[spmem:s3] =	stream.indirect.scatter.add.f32 [tilespmem:s13], [sflag:$0x5], $0x80, s25, s20, $0xb8;
	[tilespmem:$0x1D880] =	vst v63  }
0x31d: {  	_ =	swait.ge [sflag:s6], $0x2800  }
0x31e: {  	[sflag:s6] =	ssyncset.done $0x0  }
0x31f: {  	[sflag:s6] =	ssyncadd.s32 $0xFFFFD800  }
0x320: {  	[spmem:s3] =	stream.indirect.scatter.add.f32 [tilespmem:s17], [sflag:$0x6], $0x80, s26, s20, $0xb8;
	[tilespmem:$0x1D880] =	vst v63  }
0x321: {  	_ =	swait.ge [sflag:s21], $0x2800  }
0x322: {  	[sflag:s21] =	ssyncset.done $0x0  }
0x323: {  	[sflag:s21] =	ssyncadd.s32 $0xFFFFD800  }
0x324: {  	[tilespmem:s9], [sflag:$0x1] =	stream.indirect.gather [hbm4b:s1+s8], $0x80, s28, s8, $0xb8;
	[tilespmem:$0x1D880] =	vst v63  }
0x325: {  	_ = 	snop  }
0x326: {  	[tilespmem:s11], [sflag:$0x1] =	stream.indirect.gather [hbm4b:s1+s8], $0x80, s29, s8, $0xb8;
	[tilespmem:$0x1D880] =	vst v63  }
0x327: {  	_ =	swait.ge [sflag:s22], $0x2800  }
0x328: {  	[sflag:s22] =	ssyncset.done $0x0  }
0x329: {  	[sflag:s22] =	ssyncadd.s32 $0xFFFFD800  }
0x32a: {  	_ =	swait.ge [sflag:s23], $0x2800  }
0x32b: {  	[sflag:s23] =	ssyncset.done $0x0  }
0x32c: {  	[sflag:s23] =	ssyncadd.s32 $0xFFFFD800  }
0x32d: {  	_ =	swait.ge [sflag:s4], $0x2800  }
0x32e: {  	[sflag:s4] =	ssyncset.done $0x0  }
0x32f: {  	[sflag:s4] =	ssyncadd.s32 $0xFFFFD800  }
0x330: {  	[spmem:s3] =	stream.indirect.scatter.add.f32 [tilespmem:s9], [sflag:$0x4], $0x80, s30, s20, $0xb8;
	[tilespmem:$0x1D880] =	vst v63  }
0x331: {  	_ =	swait.ge [sflag:s21], $0x2800  }
0x332: {  	[sflag:s21] =	ssyncset.done $0x0  }
0x333: {  	s12 =	stileid.u32;
	[sflag:s21] =	ssyncadd.s32 $0xFFFFD800  }
0x334: {  	s12 =	sshll.u32 s12, $0x6;
	[bflag:$0x0] =	sbarrier.arrive $0xFFFF  }
0x335: {  	s14 =	sshrl.u32 s7, $0x3;
	s12 =	sor.u32 $0x1C07, s12;
	s16 =	rddreg [dreg:$0x14]  }
0x336: {  	[hbm:s16], [sflag:s12] =	dma.local [spmem:s14], $0x2700  }
0x337: {  	_ =	swait.ge [sflag:s0], $0x2700  }
0x338: {  	s14 =	sld [smem:$0x7FD];
	_ =	sdelay $0x1  }
0x339: {  	[sflag:s0] =	ssyncset.done $0x0  }
0x33a: {  	s16 =	rddreg [dreg:$0x16];
	[sflag:s0] =	ssyncadd.s32 $0xFFFFD900;
	s14 =	sshrl.u32 @!p0 s14, $0x3  }
0x33b: {  	[hbm:s16], [sflag:s12] =	dma.local @!p0 [spmem:s14], $0x100  }
0x33c: {  	s12 =	simm.s32 @!p0 $0x7  }
0x33d: {  	_ =	swait.ge @!p0 [sflag:s12], $0x100  }
0x33e: {  	s10 =	sadd.s32 $0x1, s10;
	s16 =	rddreg [dreg:$0x17]  }
0x33f: {  	p1 =	sne.s32 s10, s16  }
.Ltmp6:
0x340: {  	_ = 	snop;
	(pc) =	sbr.rel @p1 .LBB2_1-.Ltmp6, $3  }
0x341: {  	_ =	sdelay $0x1  }
0x342: {  	[sflag:s12] =	ssyncset.done @!p0 $0x0  }
0x343: {  	[sflag:s12] =	ssyncadd.s32 @!p0 $0xFFFFFF00  }
0x344: {  	_ =	sfence.sel $0x180000  }
0x345: {  	[bflag:$0x0] =	sbarrier.arrive $0xFFFF  }
0x346: {  	_ =	strace $0x90000047  }
0x347: {  	s0 =	stileid.u32;
	[bflag:$0x2] =	sbarrier.arrive $0xFFFF  }
0x348: {  	p0 =	sne.s32 s0, $0x0;
	s0 =	rddreg [dreg:$0x3]  }
0x349: {  	s0 =	sadd.s32 @!p0 $0x100000, s0  }
0x34a: {  	[sflag:s0] =	ssyncadd.tile.s32 @!p0 $0x1;
	_ =	shalt  }
.Lfunc_end2:
_tile_overlayer_lowered:
.L_overlay_start_2:
0x34b: {  	(tag) =	ssettag $0x2  }
0x34c: {  	s0 =	rddreg [dreg:$0x0];
	s2 =	stileid.u32  }
0x34d: {  	s1 =	rddreg [dreg:$0x1];
	p0 =	sne.s32 s2, $0x0  }
0x34e: {  	s3 =	rddreg [dreg:$0x2];
	[bflag:$0x3] =	sbarrier.arrive $0xFFFF;
	s2 =	simm.s32 @!p0 $0x1C07  }
0x34f: {  	[timem:s3], [sflag:s2] =	dma.local @!p0 [hbm:s0], s1  }
0x350: {  	s0 =	simm.s32 @!p0 $0x7  }
0x351: {  	_ =	swait.ge @!p0 [sflag:s0], s1  }
0x352: {  	s1 =	ssub.s32 @!p0 $0x0, s1;
	[sflag:s0] =	ssyncset.done @!p0 $0x0  }
0x353: {  	[sflag:s0] =	ssyncadd.s32 @!p0 s1  }
0x354: {  	[bflag:$0x3] =	sbarrier.arrive $0xFFFF  }
0x355: {  	_ =	shalt  }

</sc_bundles>
